<compile_context>
chip_gen: v7x
topology: tpu7x:2x2x1
jax: 0.10.2.dev20260603
libtpu: 0.0.44.dev20260713+nightly
codegen_flags: <defaults>
</compile_context>

<pallas_src>
import functools

import jax
import jax.numpy as jnp
from jax import lax
from jax.experimental import pallas as pl
from jax.experimental.pallas import tpu as pltpu
from jax.experimental.pallas import tpu_sc as plsc

N = 10000
E = 320000
D_IN = 128
D_HID = 32
D_OUT = 128

NPAD = 10240
ROWS_PER_TILE = NPAD // 16
NP4 = NPAD // 4
NV4 = N // 4

NC = 2
NS = 16
NW = NC * NS
CH = 128
NCH = E // CH
BCPT = NCH // NW
XTRA = NCH - BCPT * NW
GK = 6
NG = BCPT // GK

_sc_mesh = plsc.VectorSubcoreMesh(core_axis_name="c", subcore_axis_name="s",
                                  num_cores=NC, num_subcores=NS)



def _slab_load(e3_hbm, idxb, w):
    lo = w * BCPT + jnp.minimum(w, XTRA)
    pltpu.sync_copy(e3_hbm.at[pl.ds(lo, BCPT)], idxb.at[pl.ds(0, BCPT)])

    @pl.when(w < XTRA)
    def _():
        pltpu.sync_copy(e3_hbm.at[pl.ds(lo + BCPT, 1)],
                        idxb.at[pl.ds(BCPT, 1)])


def _deg_body(e3_hbm, zeros1_hbm, degp_hbm, idxb, ones_v, sem, acc):
    c = lax.axis_index("c")
    s = lax.axis_index("s")
    w = c * NS + s
    for k in range(8):
        ones_v[pl.ds(k * 16, 16)] = jnp.ones((16,), jnp.float32)
    pltpu.sync_copy(zeros1_hbm.at[pl.ds(s * ROWS_PER_TILE, ROWS_PER_TILE)],
                    acc.at[pl.ds(s * ROWS_PER_TILE, ROWS_PER_TILE)])
    _slab_load(e3_hbm, idxb, w)
    plsc.subcore_barrier()

    def step(g, carry):
        ds = [pltpu.async_copy(ones_v, acc.at[idxb.at[g * GK + b, 1]], sem,
                               add=True) for b in range(GK)]
        for d in ds:
            d.wait()
        return carry

    lax.fori_loop(0, NG, step, 0)

    @pl.when(w < XTRA)
    def _():
        pltpu.async_copy(ones_v, acc.at[idxb.at[BCPT, 1]], sem,
                         add=True).wait()

    plsc.subcore_barrier()
    pltpu.sync_copy(acc.at[pl.ds(s * ROWS_PER_TILE, ROWS_PER_TILE)],
                    degp_hbm.at[c, pl.ds(s * ROWS_PER_TILE, ROWS_PER_TILE)])


_deg_kernel = functools.partial(
    pl.kernel,
    out_type=jax.ShapeDtypeStruct((NC, NPAD), jnp.float32),
    mesh=_sc_mesh,
    compiler_params=pltpu.CompilerParams(use_tc_tiling_on_sc=False),
    scratch_types=[
        pltpu.VMEM((BCPT + 1, 2, CH), jnp.int32),
        pltpu.VMEM((CH,), jnp.float32),
        pltpu.SemaphoreType.DMA,
        pltpu.VMEM_SHARED((NPAD,), jnp.float32),
    ],
)(_deg_body)


def _scatter_body(vals_hbm, e3_hbm, zeros2_hbm, out_hbm,
                  idxb, rows_v, gsem, ssem, acc):
    c = lax.axis_index("c")
    s = lax.axis_index("s")
    w = c * NS + s
    pltpu.sync_copy(zeros2_hbm.at[pl.ds(s * ROWS_PER_TILE, ROWS_PER_TILE)],
                    acc.at[pl.ds(s * ROWS_PER_TILE, ROWS_PER_TILE)])
    _slab_load(e3_hbm, idxb, w)
    plsc.subcore_barrier()

    def wait_g(bank, b):
        pltpu.make_async_copy(vals_hbm.at[idxb.at[0, 0]],
                              rows_v.at[bank, b], gsem).wait()

    def wait_s(bank, b):
        pltpu.make_async_copy(rows_v.at[bank, b],
                              acc.at[idxb.at[0, 1]], ssem).wait()

    for b in range(GK):
        pltpu.async_copy(vals_hbm.at[idxb.at[b, 0]], rows_v.at[0, b], gsem)

    def step(g, carry):
        p = lax.rem(g, 2)
        po = 1 - p

        @pl.when(g > 0)
        def _():
            for b in range(GK):
                wait_s(po, b)

        @pl.when(g < NG - 1)
        def _():
            for b in range(GK):
                pltpu.async_copy(vals_hbm.at[idxb.at[(g + 1) * GK + b, 0]],
                                 rows_v.at[po, b], gsem)

        for b in range(GK):
            wait_g(p, b)
            pltpu.async_copy(rows_v.at[p, b],
                             acc.at[idxb.at[g * GK + b, 1]],
                             ssem, add=True)
        return carry

    lax.fori_loop(0, NG, step, 0)
    for b in range(GK):
        wait_s((NG - 1) % 2, b)

    @pl.when(w < XTRA)
    def _():
        pltpu.async_copy(vals_hbm.at[idxb.at[BCPT, 0]],
                         rows_v.at[0, 0], gsem).wait()
        pltpu.async_copy(rows_v.at[0, 0], acc.at[idxb.at[BCPT, 1]],
                         ssem, add=True).wait()

    plsc.subcore_barrier()
    pltpu.sync_copy(acc.at[pl.ds(s * ROWS_PER_TILE, ROWS_PER_TILE)],
                    out_hbm.at[c, pl.ds(s * ROWS_PER_TILE, ROWS_PER_TILE)])


_scatter_kernel = functools.partial(
    pl.kernel,
    out_type=jax.ShapeDtypeStruct((NC, NPAD, D_HID), jnp.float32),
    mesh=_sc_mesh,
    compiler_params=pltpu.CompilerParams(use_tc_tiling_on_sc=False),
    scratch_types=[
        pltpu.VMEM((BCPT + 1, 2, CH), jnp.int32),
        pltpu.VMEM((2, GK, CH, D_HID), jnp.float32),
        pltpu.SemaphoreType.DMA,
        pltpu.SemaphoreType.DMA,
        pltpu.VMEM_SHARED((NPAD, D_HID), jnp.float32),
    ],
)(_scatter_body)



NQ = N // 4


def _dinv4(deg4):
    return lax.rsqrt(deg4 + 1.0)


def _tc1_body(x4_ref, w1_ref, deg4_ref, y1p_ref):
    dinv = _dinv4(deg4_ref[0][:NQ] + deg4_ref[1][:NQ])
    cols = []
    for a in range(4):
        xw = jnp.dot(x4_ref[:, 128 * a:128 * (a + 1)], w1_ref[...],
                     preferred_element_type=jnp.float32)
        cols.append(xw * jnp.broadcast_to(dinv[:, a:a + 1], (NQ, D_HID)))
    y1p_ref[...] = jnp.concatenate(cols, axis=1)


def _tc1(x4, W1, deg4):
    return pl.pallas_call(
        _tc1_body,
        out_shape=jax.ShapeDtypeStruct((NQ, 128), jnp.float32),
    )(x4, W1, deg4)


def _tc2_body(y1p_ref, s1p_ref, deg4_ref, b1_ref, g_ref, bt_ref, y2p_ref):
    dinv = _dinv4(deg4_ref[0][:NQ] + deg4_ref[1][:NQ])
    dinvp = jnp.concatenate(
        [jnp.broadcast_to(dinv[:, a:a + 1], (NQ, D_HID)) for a in range(4)],
        axis=1)
    sp = s1p_ref[0][:NQ] + s1p_ref[1][:NQ] + y1p_ref[...]
    h_pre = dinvp * sp + b1_ref[...]
    s4 = jnp.sum(h_pre, axis=0, keepdims=True)
    mean = (s4[:, 0:32] + s4[:, 32:64] + s4[:, 64:96] + s4[:, 96:128]) / N
    meanp = jnp.concatenate([mean] * 4, axis=1)
    d = h_pre - meanp
    v4 = jnp.sum(d * d, axis=0, keepdims=True)
    var = (v4[:, 0:32] + v4[:, 32:64] + v4[:, 64:96] + v4[:, 96:128]) / N
    varp = jnp.concatenate([var] * 4, axis=1)
    hn = d * lax.rsqrt(varp + 1e-5) * g_ref[...] + bt_ref[...]
    y2p_ref[...] = jnp.maximum(hn, 0.0) * dinvp


def _tc2(y1p, S1p, deg4, b1, gamma, beta):
    t = lambda v: jnp.tile(v, 4).reshape(1, 128)
    return pl.pallas_call(
        _tc2_body,
        out_shape=jax.ShapeDtypeStruct((NQ, 128), jnp.float32),
    )(y1p, S1p, deg4, t(b1), t(gamma), t(beta))


def _tc3_body(y2p_ref, s2p_ref, deg4_ref, w2_ref, b2_ref, out4_ref):
    dinv = _dinv4(deg4_ref[0][:NQ] + deg4_ref[1][:NQ])
    cols = []
    for a in range(4):
        sl = slice(32 * a, 32 * (a + 1))
        agg = y2p_ref[:, sl] + s2p_ref[0][:NQ, sl] + s2p_ref[1][:NQ, sl]
        agg = agg * jnp.broadcast_to(dinv[:, a:a + 1], (NQ, D_HID))
        cols.append(jnp.dot(agg, w2_ref[...],
                            preferred_element_type=jnp.float32)
                    + b2_ref[...])
    out4_ref[...] = jnp.concatenate(cols, axis=1)


def _tc3(y2p, S2p, deg4, W2, b2):
    return pl.pallas_call(
        _tc3_body,
        out_shape=jax.ShapeDtypeStruct((NQ, 4 * D_OUT), jnp.float32),
    )(y2p, S2p, deg4, W2, b2.reshape(1, D_OUT))



def kernel(x, edge_index, W1, b1, gamma, beta, W2, b2):
    e3 = edge_index.reshape(2, NCH, CH).transpose(1, 0, 2)
    x4 = x.reshape(NQ, 4 * D_IN)
    zeros1 = jnp.zeros((NPAD,), jnp.float32)
    zeros2 = jnp.zeros((NPAD, D_HID), jnp.float32)

    degp = _deg_kernel(e3, zeros1)
    deg4 = degp.reshape(NC, NP4, 4)
    y1p = _tc1(x4, W1, deg4)
    y1 = y1p.reshape(N, D_HID)
    S1 = _scatter_kernel(y1, e3, zeros2)
    S1p = S1.reshape(NC, NP4, 128)
    y2p = _tc2(y1p, S1p, deg4, b1, gamma, beta)
    y2 = y2p.reshape(N, D_HID)
    S2 = _scatter_kernel(y2, e3, zeros2)
    S2p = S2.reshape(NC, NP4, 128)
    out4 = _tc3(y2p, S2p, deg4, W2, b2)
    return out4.reshape(N, D_OUT)

# --- scband reference (transcript-rebuilt; emitter-appended) ---
"""Pipeline reference for scband-gcn-19756849562064 (READ-ONLY COPY).

The authoritative reference and input builder live on the scoring server;
editing this copy changes nothing except your own understanding.
"""

import jax, jax.numpy as jnp
import numpy as np

N_NODES = 10000
N_EDGES = 320000
D_IN = 128
D_HID = 32
D_OUT = 128


def setup_inputs(seed: int = 0) -> dict:
    key = jax.random.key(seed)
    ks = jax.random.split(key, 6)
    x = jax.random.normal(ks[0], (N_NODES, D_IN), dtype=jnp.float32)
    edge_index = jax.random.randint(ks[1], (2, N_EDGES), 0, N_NODES, dtype=jnp.int32)
    W1 = jax.random.normal(ks[2], (D_IN, D_HID), dtype=jnp.float32) * (1.0 / np.sqrt(D_IN))
    b1 = jnp.zeros((D_HID,), dtype=jnp.float32)
    gamma = jnp.ones((D_HID,), dtype=jnp.float32)
    beta = jnp.zeros((D_HID,), dtype=jnp.float32)
    W2 = jax.random.normal(ks[3], (D_HID, D_OUT), dtype=jnp.float32) * (1.0 / np.sqrt(D_HID))
    b2 = jnp.zeros((D_OUT,), dtype=jnp.float32)
    return {"x": x, "edge_index": edge_index, "W1": W1, "b1": b1, "gamma": gamma, "beta": beta, "W2": W2, "b2": b2}


def _gcn_conv(x, edge_index, W, b):
    # GCNConv: out = D^{-1/2} (A + I) D^{-1/2} X W + b
    n = x.shape[0]
    loop = jnp.arange(n, dtype=edge_index.dtype)
    src = jnp.concatenate([edge_index[0], loop])
    dst = jnp.concatenate([edge_index[1], loop])
    deg = jnp.zeros((n,), dtype=x.dtype).at[dst].add(1.0)
    deg_inv_sqrt = jnp.where(deg > 0, 1.0 / jnp.sqrt(deg), 0.0)
    norm = deg_inv_sqrt[src] * deg_inv_sqrt[dst]
    xw = x @ W
    msg = xw[src] * norm[:, None]
    out = jax.ops.segment_sum(msg, dst, num_segments=n)
    return out + b


def reference(x, edge_index, W1, b1, gamma, beta, W2, b2):
    h = _gcn_conv(x, edge_index, W1, b1)
    # BatchNorm1d over node (batch) dimension, batch statistics
    mean = jnp.mean(h, axis=0)
    var = jnp.var(h, axis=0)
    h = (h - mean) / jnp.sqrt(var + 1e-5) * gamma + beta
    h = jax.nn.relu(h)
    # dropout is identity in eval mode
    out = _gcn_conv(h, edge_index, W2, b2)
    return out

if __name__ == "__main__":
    import jax
    _d = setup_inputs()
    print(jax.jit(kernel)(*tuple(_d.values())))

</pallas_src>

<mosaic_0001>
#map = affine_map<(d0, d1) -> (0, 0, 0)>
#map1 = affine_map<(d0, d1) -> (0)>
#map2 = affine_map<(d0, d1) -> (0, 0)>
module attributes {stable_mosaic.version = 14 : i64} {
  func.func @_deg_body(%arg0: i32, %arg1: i32, %arg2: memref<2500x2x128xi32, #tpu.memory_space<hbm>>, %arg3: memref<10240xf32, #tpu.memory_space<hbm>>, %arg4: memref<2x10240xf32, #tpu.memory_space<hbm>>, %arg5: memref<79x2x128xi32, #tpu.memory_space<vmem>>, %arg6: memref<128xf32, #tpu.memory_space<vmem>>, %arg7: memref<!tpu.dma_semaphore, #tpu.memory_space<semaphore_mem>>, %arg8: memref<10240xf32, #tpu.memory_space<vmem_shared>>) attributes {dimension_semantics = [#tpu.dimension_semantics<core_parallel>, #tpu.dimension_semantics<subcore_parallel>], iteration_bounds = array<i64: 2, 16>, scalar_prefetch = 0 : i64, scratch_operands = 4 : i64, tpu.core_type = #tpu.core_type<sc_vector_subcore>, window_params = [{transform_indices = #map}, {transform_indices = #map1}, {transform_indices = #map2}]} {
    %mul3A = arith.constant 16 : i32
    %mul3A_0 = arith.muli %arg0, %mul3A : i32
    %add3A = arith.addi %mul3A_0, %arg1 : i32
    %broadcast_in_dim3A = arith.constant 1.000000e+00 : f32
    %broadcast_in_dim3A_1 = vector.broadcast %broadcast_in_dim3A : f32 to vector<16xf32>
    %swap3A = arith.constant 0 : index
    %swap3A_2 = tpu.vector_load %arg6[%swap3A] {strides = array<i32>} : memref<128xf32, #tpu.memory_space<vmem>>, vector<16xf32>,
    %swap3A_3 = vector.shape_cast %swap3A_2 : vector<16xf32> to vector<16xf32>
    %swap3A_4 = vector.shape_cast %broadcast_in_dim3A_1 : vector<16xf32> to vector<16xf32>
    tpu.vector_store %arg6[%swap3A], %swap3A_4 {strides = array<i32>} : memref<128xf32, #tpu.memory_space<vmem>>, vector<16xf32>,
    %broadcast_in_dim3A_5 = arith.constant 1.000000e+00 : f32
    %broadcast_in_dim3A_6 = vector.broadcast %broadcast_in_dim3A_5 : f32 to vector<16xf32>
    %swap3A_7 = arith.constant 16 : index
    %swap3A_8 = tpu.vector_load %arg6[%swap3A_7] {strides = array<i32>} : memref<128xf32, #tpu.memory_space<vmem>>, vector<16xf32>,
    %swap3A_9 = vector.shape_cast %swap3A_8 : vector<16xf32> to vector<16xf32>
    %swap3A_10 = vector.shape_cast %broadcast_in_dim3A_6 : vector<16xf32> to vector<16xf32>
    tpu.vector_store %arg6[%swap3A_7], %swap3A_10 {strides = array<i32>} : memref<128xf32, #tpu.memory_space<vmem>>, vector<16xf32>,
    %broadcast_in_dim3A_11 = arith.constant 1.000000e+00 : f32
    %broadcast_in_dim3A_12 = vector.broadcast %broadcast_in_dim3A_11 : f32 to vector<16xf32>
    %swap3A_13 = arith.constant 32 : index
    %swap3A_14 = tpu.vector_load %arg6[%swap3A_13] {strides = array<i32>} : memref<128xf32, #tpu.memory_space<vmem>>, vector<16xf32>,
    %swap3A_15 = vector.shape_cast %swap3A_14 : vector<16xf32> to vector<16xf32>
    %swap3A_16 = vector.shape_cast %broadcast_in_dim3A_12 : vector<16xf32> to vector<16xf32>
    tpu.vector_store %arg6[%swap3A_13], %swap3A_16 {strides = array<i32>} : memref<128xf32, #tpu.memory_space<vmem>>, vector<16xf32>,
    %broadcast_in_dim3A_17 = arith.constant 1.000000e+00 : f32
    %broadcast_in_dim3A_18 = vector.broadcast %broadcast_in_dim3A_17 : f32 to vector<16xf32>
    %swap3A_19 = arith.constant 48 : index
    %swap3A_20 = tpu.vector_load %arg6[%swap3A_19] {strides = array<i32>} : memref<128xf32, #tpu.memory_space<vmem>>, vector<16xf32>,
    %swap3A_21 = vector.shape_cast %swap3A_20 : vector<16xf32> to vector<16xf32>
    %swap3A_22 = vector.shape_cast %broadcast_in_dim3A_18 : vector<16xf32> to vector<16xf32>
    tpu.vector_store %arg6[%swap3A_19], %swap3A_22 {strides = array<i32>} : memref<128xf32, #tpu.memory_space<vmem>>, vector<16xf32>,
    %broadcast_in_dim3A_23 = arith.constant 1.000000e+00 : f32
    %broadcast_in_dim3A_24 = vector.broadcast %broadcast_in_dim3A_23 : f32 to vector<16xf32>
    %swap3A_25 = arith.constant 64 : index
    %swap3A_26 = tpu.vector_load %arg6[%swap3A_25] {strides = array<i32>} : memref<128xf32, #tpu.memory_space<vmem>>, vector<16xf32>,
    %swap3A_27 = vector.shape_cast %swap3A_26 : vector<16xf32> to vector<16xf32>
    %swap3A_28 = vector.shape_cast %broadcast_in_dim3A_24 : vector<16xf32> to vector<16xf32>
    tpu.vector_store %arg6[%swap3A_25], %swap3A_28 {strides = array<i32>} : memref<128xf32, #tpu.memory_space<vmem>>, vector<16xf32>,
    %broadcast_in_dim3A_29 = arith.constant 1.000000e+00 : f32
    %broadcast_in_dim3A_30 = vector.broadcast %broadcast_in_dim3A_29 : f32 to vector<16xf32>
    %swap3A_31 = arith.constant 80 : index
    %swap3A_32 = tpu.vector_load %arg6[%swap3A_31] {strides = array<i32>} : memref<128xf32, #tpu.memory_space<vmem>>, vector<16xf32>,
    %swap3A_33 = vector.shape_cast %swap3A_32 : vector<16xf32> to vector<16xf32>
    %swap3A_34 = vector.shape_cast %broadcast_in_dim3A_30 : vector<16xf32> to vector<16xf32>
    tpu.vector_store %arg6[%swap3A_31], %swap3A_34 {strides = array<i32>} : memref<128xf32, #tpu.memory_space<vmem>>, vector<16xf32>,
    %broadcast_in_dim3A_35 = arith.constant 1.000000e+00 : f32
    %broadcast_in_dim3A_36 = vector.broadcast %broadcast_in_dim3A_35 : f32 to vector<16xf32>
    %swap3A_37 = arith.constant 96 : index
    %swap3A_38 = tpu.vector_load %arg6[%swap3A_37] {strides = array<i32>} : memref<128xf32, #tpu.memory_space<vmem>>, vector<16xf32>,
    %swap3A_39 = vector.shape_cast %swap3A_38 : vector<16xf32> to vector<16xf32>
    %swap3A_40 = vector.shape_cast %broadcast_in_dim3A_36 : vector<16xf32> to vector<16xf32>
    tpu.vector_store %arg6[%swap3A_37], %swap3A_40 {strides = array<i32>} : memref<128xf32, #tpu.memory_space<vmem>>, vector<16xf32>,
    %broadcast_in_dim3A_41 = arith.constant 1.000000e+00 : f32
    %broadcast_in_dim3A_42 = vector.broadcast %broadcast_in_dim3A_41 : f32 to vector<16xf32>
    %swap3A_43 = arith.constant 112 : index
    %swap3A_44 = tpu.vector_load %arg6[%swap3A_43] {strides = array<i32>} : memref<128xf32, #tpu.memory_space<vmem>>, vector<16xf32>,
    %swap3A_45 = vector.shape_cast %swap3A_44 : vector<16xf32> to vector<16xf32>
    %swap3A_46 = vector.shape_cast %broadcast_in_dim3A_42 : vector<16xf32> to vector<16xf32>
    tpu.vector_store %arg6[%swap3A_43], %swap3A_46 {strides = array<i32>} : memref<128xf32, #tpu.memory_space<vmem>>, vector<16xf32>,
    %mul3A_47 = arith.constant 640 : i32
    %mul3A_48 = arith.muli %arg1, %mul3A_47 : i32
    %mul3A_49 = arith.constant 640 : i32
    %mul3A_50 = arith.muli %arg1, %mul3A_49 : i32
    "tpu.region"() ({
      %run_scoped3A = tpu.sem_alloc : memref<!tpu.dma_semaphore, #tpu.memory_space<semaphore_mem>>
      %dma_start3A = tpu.memref_slice %arg8[%mul3A_50] : memref<10240xf32, #tpu.memory_space<vmem_shared>> -> memref<640xf32, #tpu.memory_space<vmem_shared>>
      %dma_start3A_72 = tpu.memref_slice %arg3[%mul3A_48] : memref<10240xf32, #tpu.memory_space<hbm>> -> memref<640xf32, #tpu.memory_space<hbm>>
      tpu.enqueue_dma source(%dma_start3A_72 : memref<640xf32, #tpu.memory_space<hbm>>) target(%dma_start3A : memref<640xf32, #tpu.memory_space<vmem_shared>>) target_semaphore(%run_scoped3A : memref<!tpu.dma_semaphore, #tpu.memory_space<semaphore_mem>>)
      %dma_wait3A = tpu.memref_slice %arg8[%mul3A_50] : memref<10240xf32, #tpu.memory_space<vmem_shared>> -> memref<640xf32, #tpu.memory_space<vmem_shared>>
      %dma_wait3A_73 = tpu.memref_slice %arg3[%mul3A_48] : memref<10240xf32, #tpu.memory_space<hbm>> -> memref<640xf32, #tpu.memory_space<hbm>>
      tpu.wait_dma2 semaphore(%run_scoped3A : memref<!tpu.dma_semaphore, #tpu.memory_space<semaphore_mem>>) src(%dma_wait3A_73 : memref<640xf32, #tpu.memory_space<hbm>>) dst(%dma_wait3A : memref<640xf32, #tpu.memory_space<vmem_shared>>)
      tpu.yield
    }) : () -> ()
    %mul3A_51 = arith.constant 78 : i32
    %mul3A_52 = arith.muli %add3A, %mul3A_51 : i32
    %min3A = arith.constant 4 : i32
    %min3A_53 = arith.minsi %add3A, %min3A : i32
    %add3A_54 = arith.addi %mul3A_52, %min3A_53 : i32
    "tpu.region"() ({
      %run_scoped3A = tpu.sem_alloc : memref<!tpu.dma_semaphore, #tpu.memory_space<semaphore_mem>>
      %dma_start3A = arith.constant 0 : i32
      %dma_start3A_72 = arith.constant 0 : i32
      %dma_start3A_73 = arith.constant 0 : i32
      %dma_start3A_74 = tpu.memref_slice %arg5[%dma_start3A, %dma_start3A_72, %dma_start3A_73] : memref<79x2x128xi32, #tpu.memory_space<vmem>> -> memref<78x2x128xi32, #tpu.memory_space<vmem>>
      %dma_start3A_75 = arith.constant 0 : i32
      %dma_start3A_76 = arith.constant 0 : i32
      %dma_start3A_77 = tpu.memref_slice %arg2[%add3A_54, %dma_start3A_75, %dma_start3A_76] : memref<2500x2x128xi32, #tpu.memory_space<hbm>> -> memref<78x2x128xi32, #tpu.memory_space<hbm>>
      %dma_start3A_78 = arith.constant 0 : i32
      %dma_start3A_79 = arith.constant 0 : i32
      %dma_start3A_80 = arith.constant 0 : i32
      %dma_start3A_81 = tpu.memref_slice %arg5[%dma_start3A_78, %dma_start3A_79, %dma_start3A_80] : memref<79x2x128xi32, #tpu.memory_space<vmem>> -> memref<78x2x128xi32, #tpu.memory_space<vmem>>
      %dma_start3A_82 = arith.constant 0 : i32
      %dma_start3A_83 = arith.constant 0 : i32
      %dma_start3A_84 = tpu.memref_slice %arg2[%add3A_54, %dma_start3A_82, %dma_start3A_83] : memref<2500x2x128xi32, #tpu.memory_space<hbm>> -> memref<78x2x128xi32, #tpu.memory_space<hbm>>
      tpu.enqueue_dma source(%dma_start3A_84 : memref<78x2x128xi32, #tpu.memory_space<hbm>>) target(%dma_start3A_81 : memref<78x2x128xi32, #tpu.memory_space<vmem>>) target_semaphore(%run_scoped3A : memref<!tpu.dma_semaphore, #tpu.memory_space<semaphore_mem>>)
      %dma_wait3A = arith.constant 0 : i32
      %dma_wait3A_85 = arith.constant 0 : i32
      %dma_wait3A_86 = arith.constant 0 : i32
      %dma_wait3A_87 = tpu.memref_slice %arg5[%dma_wait3A, %dma_wait3A_85, %dma_wait3A_86] : memref<79x2x128xi32, #tpu.memory_space<vmem>> -> memref<78x2x128xi32, #tpu.memory_space<vmem>>
      %dma_wait3A_88 = arith.constant 0 : i32
      %dma_wait3A_89 = arith.constant 0 : i32
      %dma_wait3A_90 = tpu.memref_slice %arg2[%add3A_54, %dma_wait3A_88, %dma_wait3A_89] : memref<2500x2x128xi32, #tpu.memory_space<hbm>> -> memref<78x2x128xi32, #tpu.memory_space<hbm>>
      %dma_wait3A_91 = arith.constant 0 : i32
      %dma_wait3A_92 = arith.constant 0 : i32
      %dma_wait3A_93 = arith.constant 0 : i32
      %dma_wait3A_94 = tpu.memref_slice %arg5[%dma_wait3A_91, %dma_wait3A_92, %dma_wait3A_93] : memref<79x2x128xi32, #tpu.memory_space<vmem>> -> memref<78x2x128xi32, #tpu.memory_space<vmem>>
      %dma_wait3A_95 = arith.constant 0 : i32
      %dma_wait3A_96 = arith.constant 0 : i32
      %dma_wait3A_97 = tpu.memref_slice %arg2[%add3A_54, %dma_wait3A_95, %dma_wait3A_96] : memref<2500x2x128xi32, #tpu.memory_space<hbm>> -> memref<78x2x128xi32, #tpu.memory_space<hbm>>
      tpu.wait_dma2 semaphore(%run_scoped3A : memref<!tpu.dma_semaphore, #tpu.memory_space<semaphore_mem>>) src(%dma_wait3A_97 : memref<78x2x128xi32, #tpu.memory_space<hbm>>) dst(%dma_wait3A_94 : memref<78x2x128xi32, #tpu.memory_space<vmem>>)
      tpu.yield
    }) : () -> ()
    %lt3A = arith.constant 4 : i32
    %lt3A_55 = arith.cmpi slt, %add3A, %lt3A : i32
    %convert_element_type3A = arith.extui %lt3A_55 : i1 to i32
    %cond3A = arith.constant 0 : i32
    %cond3A_56 = arith.cmpi ne, %convert_element_type3A, %cond3A : i32
    scf.if %cond3A_56 {
      %add3A_72 = arith.constant 78 : i32
      %add3A_73 = arith.addi %add3A_54, %add3A_72 : i32
      "tpu.region"() ({
        %run_scoped3A = tpu.sem_alloc : memref<!tpu.dma_semaphore, #tpu.memory_space<semaphore_mem>>
        %dma_start3A = arith.constant 78 : i32
        %dma_start3A_74 = arith.constant 0 : i32
        %dma_start3A_75 = arith.constant 0 : i32
        %dma_start3A_76 = tpu.memref_slice %arg5[%dma_start3A, %dma_start3A_74, %dma_start3A_75] : memref<79x2x128xi32, #tpu.memory_space<vmem>> -> memref<1x2x128xi32, #tpu.memory_space<vmem>>
        %dma_start3A_77 = arith.constant 0 : i32
        %dma_start3A_78 = arith.constant 0 : i32
        %dma_start3A_79 = tpu.memref_slice %arg2[%add3A_73, %dma_start3A_77, %dma_start3A_78] : memref<2500x2x128xi32, #tpu.memory_space<hbm>> -> memref<1x2x128xi32, #tpu.memory_space<hbm>>
        %dma_start3A_80 = arith.constant 78 : i32
        %dma_start3A_81 = arith.constant 0 : i32
        %dma_start3A_82 = arith.constant 0 : i32
        %dma_start3A_83 = tpu.memref_slice %arg5[%dma_start3A_80, %dma_start3A_81, %dma_start3A_82] : memref<79x2x128xi32, #tpu.memory_space<vmem>> -> memref<1x2x128xi32, #tpu.memory_space<vmem>>
        %dma_start3A_84 = arith.constant 0 : i32
        %dma_start3A_85 = arith.constant 0 : i32
        %dma_start3A_86 = tpu.memref_slice %arg2[%add3A_73, %dma_start3A_84, %dma_start3A_85] : memref<2500x2x128xi32, #tpu.memory_space<hbm>> -> memref<1x2x128xi32, #tpu.memory_space<hbm>>
        tpu.enqueue_dma source(%dma_start3A_86 : memref<1x2x128xi32, #tpu.memory_space<hbm>>) target(%dma_start3A_83 : memref<1x2x128xi32, #tpu.memory_space<vmem>>) target_semaphore(%run_scoped3A : memref<!tpu.dma_semaphore, #tpu.memory_space<semaphore_mem>>)
        %dma_wait3A = arith.constant 78 : i32
        %dma_wait3A_87 = arith.constant 0 : i32
        %dma_wait3A_88 = arith.constant 0 : i32
        %dma_wait3A_89 = tpu.memref_slice %arg5[%dma_wait3A, %dma_wait3A_87, %dma_wait3A_88] : memref<79x2x128xi32, #tpu.memory_space<vmem>> -> memref<1x2x128xi32, #tpu.memory_space<vmem>>
        %dma_wait3A_90 = arith.constant 0 : i32
        %dma_wait3A_91 = arith.constant 0 : i32
        %dma_wait3A_92 = tpu.memref_slice %arg2[%add3A_73, %dma_wait3A_90, %dma_wait3A_91] : memref<2500x2x128xi32, #tpu.memory_space<hbm>> -> memref<1x2x128xi32, #tpu.memory_space<hbm>>
        %dma_wait3A_93 = arith.constant 78 : i32
        %dma_wait3A_94 = arith.constant 0 : i32
        %dma_wait3A_95 = arith.constant 0 : i32
        %dma_wait3A_96 = tpu.memref_slice %arg5[%dma_wait3A_93, %dma_wait3A_94, %dma_wait3A_95] : memref<79x2x128xi32, #tpu.memory_space<vmem>> -> memref<1x2x128xi32, #tpu.memory_space<vmem>>
        %dma_wait3A_97 = arith.constant 0 : i32
        %dma_wait3A_98 = arith.constant 0 : i32
        %dma_wait3A_99 = tpu.memref_slice %arg2[%add3A_73, %dma_wait3A_97, %dma_wait3A_98] : memref<2500x2x128xi32, #tpu.memory_space<hbm>> -> memref<1x2x128xi32, #tpu.memory_space<hbm>>
        tpu.wait_dma2 semaphore(%run_scoped3A : memref<!tpu.dma_semaphore, #tpu.memory_space<semaphore_mem>>) src(%dma_wait3A_99 : memref<1x2x128xi32, #tpu.memory_space<hbm>>) dst(%dma_wait3A_96 : memref<1x2x128xi32, #tpu.memory_space<vmem>>)
        tpu.yield
      }) : () -> ()
    } else {
    }
    %barrier3A = arith.constant 0 : index
    tpu.barrier barrier_id(%barrier3A)
    %scan3A = arith.constant 0 : i32
    %scan3A_57 = arith.constant 0 : i32
    %scan3A_58 = arith.constant 13 : i32
    %scan3A_59 = arith.addi %scan3A_57, %scan3A_58 : i32
    %scan3A_60 = arith.constant 1 : i32
    scf.for %scan3A_72 = %scan3A_57 to %scan3A_59 step %scan3A_60  : i32 {
      %mul3A_73 = arith.constant 6 : i32
      %mul3A_74 = arith.muli %scan3A_72, %mul3A_73 : i32
      %add3A_75 = arith.constant 0 : i32
      %add3A_76 = arith.addi %mul3A_74, %add3A_75 : i32
      %dma_start3A = arith.constant 1 : i32
      %dma_start3A_77 = arith.constant 0 : i32
      %dma_start3A_78 = tpu.memref_slice %arg5[%add3A_76, %dma_start3A, %dma_start3A_77] : memref<79x2x128xi32, #tpu.memory_space<vmem>> -> memref<1x1x128xi32, #tpu.memory_space<vmem>>
      %dma_start3A_79 = tpu.memref_squeeze %dma_start3A_78 : memref<1x1x128xi32, #tpu.memory_space<vmem>> -> memref<128xi32, #tpu.memory_space<vmem>>
      %dma_start3A_80 = arith.constant 0 : i32
      %dma_start3A_81 = tpu.memref_slice %arg8[%dma_start3A_80] : memref<10240xf32, #tpu.memory_space<vmem_shared>> -> memref<10240xf32, #tpu.memory_space<vmem_shared>>
      tpu.enqueue_indirect_dma source(%arg6 : memref<128xf32, #tpu.memory_space<vmem>>) target(%dma_start3A_81 : memref<10240xf32, #tpu.memory_space<vmem_shared>>) offsets(%dma_start3A_79 : memref<128xi32, #tpu.memory_space<vmem>>) semaphore(%arg7 : memref<!tpu.dma_semaphore, #tpu.memory_space<semaphore_mem>>) {add = true}
      %mul3A_82 = arith.constant 6 : i32
      %mul3A_83 = arith.muli %scan3A_72, %mul3A_82 : i32
      %add3A_84 = arith.constant 1 : i32
      %add3A_85 = arith.addi %mul3A_83, %add3A_84 : i32
      %dma_start3A_86 = arith.constant 1 : i32
      %dma_start3A_87 = arith.constant 0 : i32
      %dma_start3A_88 = tpu.memref_slice %arg5[%add3A_85, %dma_start3A_86, %dma_start3A_87] : memref<79x2x128xi32, #tpu.memory_space<vmem>> -> memref<1x1x128xi32, #tpu.memory_space<vmem>>
      %dma_start3A_89 = tpu.memref_squeeze %dma_start3A_88 : memref<1x1x128xi32, #tpu.memory_space<vmem>> -> memref<128xi32, #tpu.memory_space<vmem>>
      %dma_start3A_90 = arith.constant 0 : i32
      %dma_start3A_91 = tpu.memref_slice %arg8[%dma_start3A_90] : memref<10240xf32, #tpu.memory_space<vmem_shared>> -> memref<10240xf32, #tpu.memory_space<vmem_shared>>
      tpu.enqueue_indirect_dma source(%arg6 : memref<128xf32, #tpu.memory_space<vmem>>) target(%dma_start3A_91 : memref<10240xf32, #tpu.memory_space<vmem_shared>>) offsets(%dma_start3A_89 : memref<128xi32, #tpu.memory_space<vmem>>) semaphore(%arg7 : memref<!tpu.dma_semaphore, #tpu.memory_space<semaphore_mem>>) {add = true}
      %mul3A_92 = arith.constant 6 : i32
      %mul3A_93 = arith.muli %scan3A_72, %mul3A_92 : i32
      %add3A_94 = arith.constant 2 : i32
      %add3A_95 = arith.addi %mul3A_93, %add3A_94 : i32
      %dma_start3A_96 = arith.constant 1 : i32
      %dma_start3A_97 = arith.constant 0 : i32
      %dma_start3A_98 = tpu.memref_slice %arg5[%add3A_95, %dma_start3A_96, %dma_start3A_97] : memref<79x2x128xi32, #tpu.memory_space<vmem>> -> memref<1x1x128xi32, #tpu.memory_space<vmem>>
      %dma_start3A_99 = tpu.memref_squeeze %dma_start3A_98 : memref<1x1x128xi32, #tpu.memory_space<vmem>> -> memref<128xi32, #tpu.memory_space<vmem>>
      %dma_start3A_100 = arith.constant 0 : i32
      %dma_start3A_101 = tpu.memref_slice %arg8[%dma_start3A_100] : memref<10240xf32, #tpu.memory_space<vmem_shared>> -> memref<10240xf32, #tpu.memory_space<vmem_shared>>
      tpu.enqueue_indirect_dma source(%arg6 : memref<128xf32, #tpu.memory_space<vmem>>) target(%dma_start3A_101 : memref<10240xf32, #tpu.memory_space<vmem_shared>>) offsets(%dma_start3A_99 : memref<128xi32, #tpu.memory_space<vmem>>) semaphore(%arg7 : memref<!tpu.dma_semaphore, #tpu.memory_space<semaphore_mem>>) {add = true}
      %mul3A_102 = arith.constant 6 : i32
      %mul3A_103 = arith.muli %scan3A_72, %mul3A_102 : i32
      %add3A_104 = arith.constant 3 : i32
      %add3A_105 = arith.addi %mul3A_103, %add3A_104 : i32
      %dma_start3A_106 = arith.constant 1 : i32
      %dma_start3A_107 = arith.constant 0 : i32
      %dma_start3A_108 = tpu.memref_slice %arg5[%add3A_105, %dma_start3A_106, %dma_start3A_107] : memref<79x2x128xi32, #tpu.memory_space<vmem>> -> memref<1x1x128xi32, #tpu.memory_space<vmem>>
      %dma_start3A_109 = tpu.memref_squeeze %dma_start3A_108 : memref<1x1x128xi32, #tpu.memory_space<vmem>> -> memref<128xi32, #tpu.memory_space<vmem>>
      %dma_start3A_110 = arith.constant 0 : i32
      %dma_start3A_111 = tpu.memref_slice %arg8[%dma_start3A_110] : memref<10240xf32, #tpu.memory_space<vmem_shared>> -> memref<10240xf32, #tpu.memory_space<vmem_shared>>
      tpu.enqueue_indirect_dma source(%arg6 : memref<128xf32, #tpu.memory_space<vmem>>) target(%dma_start3A_111 : memref<10240xf32, #tpu.memory_space<vmem_shared>>) offsets(%dma_start3A_109 : memref<128xi32, #tpu.memory_space<vmem>>) semaphore(%arg7 : memref<!tpu.dma_semaphore, #tpu.memory_space<semaphore_mem>>) {add = true}
      %mul3A_112 = arith.constant 6 : i32
      %mul3A_113 = arith.muli %scan3A_72, %mul3A_112 : i32
      %add3A_114 = arith.constant 4 : i32
      %add3A_115 = arith.addi %mul3A_113, %add3A_114 : i32
      %dma_start3A_116 = arith.constant 1 : i32
      %dma_start3A_117 = arith.constant 0 : i32
      %dma_start3A_118 = tpu.memref_slice %arg5[%add3A_115, %dma_start3A_116, %dma_start3A_117] : memref<79x2x128xi32, #tpu.memory_space<vmem>> -> memref<1x1x128xi32, #tpu.memory_space<vmem>>
      %dma_start3A_119 = tpu.memref_squeeze %dma_start3A_118 : memref<1x1x128xi32, #tpu.memory_space<vmem>> -> memref<128xi32, #tpu.memory_space<vmem>>
      %dma_start3A_120 = arith.constant 0 : i32
      %dma_start3A_121 = tpu.memref_slice %arg8[%dma_start3A_120] : memref<10240xf32, #tpu.memory_space<vmem_shared>> -> memref<10240xf32, #tpu.memory_space<vmem_shared>>
      tpu.enqueue_indirect_dma source(%arg6 : memref<128xf32, #tpu.memory_space<vmem>>) target(%dma_start3A_121 : memref<10240xf32, #tpu.memory_space<vmem_shared>>) offsets(%dma_start3A_119 : memref<128xi32, #tpu.memory_space<vmem>>) semaphore(%arg7 : memref<!tpu.dma_semaphore, #tpu.memory_space<semaphore_mem>>) {add = true}
      %mul3A_122 = arith.constant 6 : i32
      %mul3A_123 = arith.muli %scan3A_72, %mul3A_122 : i32
      %add3A_124 = arith.constant 5 : i32
      %add3A_125 = arith.addi %mul3A_123, %add3A_124 : i32
      %dma_start3A_126 = arith.constant 1 : i32
      %dma_start3A_127 = arith.constant 0 : i32
      %dma_start3A_128 = tpu.memref_slice %arg5[%add3A_125, %dma_start3A_126, %dma_start3A_127] : memref<79x2x128xi32, #tpu.memory_space<vmem>> -> memref<1x1x128xi32, #tpu.memory_space<vmem>>
      %dma_start3A_129 = tpu.memref_squeeze %dma_start3A_128 : memref<1x1x128xi32, #tpu.memory_space<vmem>> -> memref<128xi32, #tpu.memory_space<vmem>>
      %dma_start3A_130 = arith.constant 0 : i32
      %dma_start3A_131 = tpu.memref_slice %arg8[%dma_start3A_130] : memref<10240xf32, #tpu.memory_space<vmem_shared>> -> memref<10240xf32, #tpu.memory_space<vmem_shared>>
      tpu.enqueue_indirect_dma source(%arg6 : memref<128xf32, #tpu.memory_space<vmem>>) target(%dma_start3A_131 : memref<10240xf32, #tpu.memory_space<vmem_shared>>) offsets(%dma_start3A_129 : memref<128xi32, #tpu.memory_space<vmem>>) semaphore(%arg7 : memref<!tpu.dma_semaphore, #tpu.memory_space<semaphore_mem>>) {add = true}
      %dma_wait3A = arith.constant 1 : i32
      %dma_wait3A_132 = arith.constant 0 : i32
      %dma_wait3A_133 = tpu.memref_slice %arg5[%add3A_76, %dma_wait3A, %dma_wait3A_132] : memref<79x2x128xi32, #tpu.memory_space<vmem>> -> memref<1x1x128xi32, #tpu.memory_space<vmem>>
      %dma_wait3A_134 = tpu.memref_squeeze %dma_wait3A_133 : memref<1x1x128xi32, #tpu.memory_space<vmem>> -> memref<128xi32, #tpu.memory_space<vmem>>
      %dma_wait3A_135 = arith.constant 0 : i32
      %dma_wait3A_136 = tpu.memref_slice %arg8[%dma_wait3A_135] : memref<10240xf32, #tpu.memory_space<vmem_shared>> -> memref<10240xf32, #tpu.memory_space<vmem_shared>>
      tpu.wait_indirect_dma semaphore(%arg7 : memref<!tpu.dma_semaphore, #tpu.memory_space<semaphore_mem>>) src(%arg6 : memref<128xf32, #tpu.memory_space<vmem>>) dst(%dma_wait3A_136 : memref<10240xf32, #tpu.memory_space<vmem_shared>>)
      %dma_wait3A_137 = arith.constant 1 : i32
      %dma_wait3A_138 = arith.constant 0 : i32
      %dma_wait3A_139 = tpu.memref_slice %arg5[%add3A_85, %dma_wait3A_137, %dma_wait3A_138] : memref<79x2x128xi32, #tpu.memory_space<vmem>> -> memref<1x1x128xi32, #tpu.memory_space<vmem>>
      %dma_wait3A_140 = tpu.memref_squeeze %dma_wait3A_139 : memref<1x1x128xi32, #tpu.memory_space<vmem>> -> memref<128xi32, #tpu.memory_space<vmem>>
      %dma_wait3A_141 = arith.constant 0 : i32
      %dma_wait3A_142 = tpu.memref_slice %arg8[%dma_wait3A_141] : memref<10240xf32, #tpu.memory_space<vmem_shared>> -> memref<10240xf32, #tpu.memory_space<vmem_shared>>
      tpu.wait_indirect_dma semaphore(%arg7 : memref<!tpu.dma_semaphore, #tpu.memory_space<semaphore_mem>>) src(%arg6 : memref<128xf32, #tpu.memory_space<vmem>>) dst(%dma_wait3A_142 : memref<10240xf32, #tpu.memory_space<vmem_shared>>)
      %dma_wait3A_143 = arith.constant 1 : i32
      %dma_wait3A_144 = arith.constant 0 : i32
      %dma_wait3A_145 = tpu.memref_slice %arg5[%add3A_95, %dma_wait3A_143, %dma_wait3A_144] : memref<79x2x128xi32, #tpu.memory_space<vmem>> -> memref<1x1x128xi32, #tpu.memory_space<vmem>>
      %dma_wait3A_146 = tpu.memref_squeeze %dma_wait3A_145 : memref<1x1x128xi32, #tpu.memory_space<vmem>> -> memref<128xi32, #tpu.memory_space<vmem>>
      %dma_wait3A_147 = arith.constant 0 : i32
      %dma_wait3A_148 = tpu.memref_slice %arg8[%dma_wait3A_147] : memref<10240xf32, #tpu.memory_space<vmem_shared>> -> memref<10240xf32, #tpu.memory_space<vmem_shared>>
      tpu.wait_indirect_dma semaphore(%arg7 : memref<!tpu.dma_semaphore, #tpu.memory_space<semaphore_mem>>) src(%arg6 : memref<128xf32, #tpu.memory_space<vmem>>) dst(%dma_wait3A_148 : memref<10240xf32, #tpu.memory_space<vmem_shared>>)
      %dma_wait3A_149 = arith.constant 1 : i32
      %dma_wait3A_150 = arith.constant 0 : i32
      %dma_wait3A_151 = tpu.memref_slice %arg5[%add3A_105, %dma_wait3A_149, %dma_wait3A_150] : memref<79x2x128xi32, #tpu.memory_space<vmem>> -> memref<1x1x128xi32, #tpu.memory_space<vmem>>
      %dma_wait3A_152 = tpu.memref_squeeze %dma_wait3A_151 : memref<1x1x128xi32, #tpu.memory_space<vmem>> -> memref<128xi32, #tpu.memory_space<vmem>>
      %dma_wait3A_153 = arith.constant 0 : i32
      %dma_wait3A_154 = tpu.memref_slice %arg8[%dma_wait3A_153] : memref<10240xf32, #tpu.memory_space<vmem_shared>> -> memref<10240xf32, #tpu.memory_space<vmem_shared>>
      tpu.wait_indirect_dma semaphore(%arg7 : memref<!tpu.dma_semaphore, #tpu.memory_space<semaphore_mem>>) src(%arg6 : memref<128xf32, #tpu.memory_space<vmem>>) dst(%dma_wait3A_154 : memref<10240xf32, #tpu.memory_space<vmem_shared>>)
      %dma_wait3A_155 = arith.constant 1 : i32
      %dma_wait3A_156 = arith.constant 0 : i32
      %dma_wait3A_157 = tpu.memref_slice %arg5[%add3A_115, %dma_wait3A_155, %dma_wait3A_156] : memref<79x2x128xi32, #tpu.memory_space<vmem>> -> memref<1x1x128xi32, #tpu.memory_space<vmem>>
      %dma_wait3A_158 = tpu.memref_squeeze %dma_wait3A_157 : memref<1x1x128xi32, #tpu.memory_space<vmem>> -> memref<128xi32, #tpu.memory_space<vmem>>
      %dma_wait3A_159 = arith.constant 0 : i32
      %dma_wait3A_160 = tpu.memref_slice %arg8[%dma_wait3A_159] : memref<10240xf32, #tpu.memory_space<vmem_shared>> -> memref<10240xf32, #tpu.memory_space<vmem_shared>>
      tpu.wait_indirect_dma semaphore(%arg7 : memref<!tpu.dma_semaphore, #tpu.memory_space<semaphore_mem>>) src(%arg6 : memref<128xf32, #tpu.memory_space<vmem>>) dst(%dma_wait3A_160 : memref<10240xf32, #tpu.memory_space<vmem_shared>>)
      %dma_wait3A_161 = arith.constant 1 : i32
      %dma_wait3A_162 = arith.constant 0 : i32
      %dma_wait3A_163 = tpu.memref_slice %arg5[%add3A_125, %dma_wait3A_161, %dma_wait3A_162] : memref<79x2x128xi32, #tpu.memory_space<vmem>> -> memref<1x1x128xi32, #tpu.memory_space<vmem>>
      %dma_wait3A_164 = tpu.memref_squeeze %dma_wait3A_163 : memref<1x1x128xi32, #tpu.memory_space<vmem>> -> memref<128xi32, #tpu.memory_space<vmem>>
      %dma_wait3A_165 = arith.constant 0 : i32
      %dma_wait3A_166 = tpu.memref_slice %arg8[%dma_wait3A_165] : memref<10240xf32, #tpu.memory_space<vmem_shared>> -> memref<10240xf32, #tpu.memory_space<vmem_shared>>
      tpu.wait_indirect_dma semaphore(%arg7 : memref<!tpu.dma_semaphore, #tpu.memory_space<semaphore_mem>>) src(%arg6 : memref<128xf32, #tpu.memory_space<vmem>>) dst(%dma_wait3A_166 : memref<10240xf32, #tpu.memory_space<vmem_shared>>)
    }
    %scan3A_61 = arith.constant 13 : i32
    %lt3A_62 = arith.constant 4 : i32
    %lt3A_63 = arith.cmpi slt, %add3A, %lt3A_62 : i32
    %convert_element_type3A_64 = arith.extui %lt3A_63 : i1 to i32
    %cond3A_65 = arith.constant 0 : i32
    %cond3A_66 = arith.cmpi ne, %convert_element_type3A_64, %cond3A_65 : i32
    scf.if %cond3A_66 {
      %dma_start3A = arith.constant 78 : i32
      %dma_start3A_72 = arith.constant 1 : i32
      %dma_start3A_73 = arith.constant 0 : i32
      %dma_start3A_74 = tpu.memref_slice %arg5[%dma_start3A, %dma_start3A_72, %dma_start3A_73] : memref<79x2x128xi32, #tpu.memory_space<vmem>> -> memref<1x1x128xi32, #tpu.memory_space<vmem>>
      %dma_start3A_75 = tpu.memref_squeeze %dma_start3A_74 : memref<1x1x128xi32, #tpu.memory_space<vmem>> -> memref<128xi32, #tpu.memory_space<vmem>>
      %dma_start3A_76 = arith.constant 0 : i32
      %dma_start3A_77 = tpu.memref_slice %arg8[%dma_start3A_76] : memref<10240xf32, #tpu.memory_space<vmem_shared>> -> memref<10240xf32, #tpu.memory_space<vmem_shared>>
      tpu.enqueue_indirect_dma source(%arg6 : memref<128xf32, #tpu.memory_space<vmem>>) target(%dma_start3A_77 : memref<10240xf32, #tpu.memory_space<vmem_shared>>) offsets(%dma_start3A_75 : memref<128xi32, #tpu.memory_space<vmem>>) semaphore(%arg7 : memref<!tpu.dma_semaphore, #tpu.memory_space<semaphore_mem>>) {add = true}
      %dma_wait3A = arith.constant 78 : i32
      %dma_wait3A_78 = arith.constant 1 : i32
      %dma_wait3A_79 = arith.constant 0 : i32
      %dma_wait3A_80 = tpu.memref_slice %arg5[%dma_wait3A, %dma_wait3A_78, %dma_wait3A_79] : memref<79x2x128xi32, #tpu.memory_space<vmem>> -> memref<1x1x128xi32, #tpu.memory_space<vmem>>
      %dma_wait3A_81 = tpu.memref_squeeze %dma_wait3A_80 : memref<1x1x128xi32, #tpu.memory_space<vmem>> -> memref<128xi32, #tpu.memory_space<vmem>>
      %dma_wait3A_82 = arith.constant 0 : i32
      %dma_wait3A_83 = tpu.memref_slice %arg8[%dma_wait3A_82] : memref<10240xf32, #tpu.memory_space<vmem_shared>> -> memref<10240xf32, #tpu.memory_space<vmem_shared>>
      tpu.wait_indirect_dma semaphore(%arg7 : memref<!tpu.dma_semaphore, #tpu.memory_space<semaphore_mem>>) src(%arg6 : memref<128xf32, #tpu.memory_space<vmem>>) dst(%dma_wait3A_83 : memref<10240xf32, #tpu.memory_space<vmem_shared>>)
    } else {
    }
    %barrier3A_67 = arith.constant 0 : index
    tpu.barrier barrier_id(%barrier3A_67)
    %mul3A_68 = arith.constant 640 : i32
    %mul3A_69 = arith.muli %arg1, %mul3A_68 : i32
    %mul3A_70 = arith.constant 640 : i32
    %mul3A_71 = arith.muli %arg1, %mul3A_70 : i32
    "tpu.region"() ({
      %run_scoped3A = tpu.sem_alloc : memref<!tpu.dma_semaphore, #tpu.memory_space<semaphore_mem>>
      %dma_start3A = tpu.memref_slice %arg4[%arg0, %mul3A_71] : memref<2x10240xf32, #tpu.memory_space<hbm>> -> memref<1x640xf32, #tpu.memory_space<hbm>>
      %dma_start3A_72 = tpu.memref_squeeze %dma_start3A : memref<1x640xf32, #tpu.memory_space<hbm>> -> memref<640xf32, #tpu.memory_space<hbm>>
      %dma_start3A_73 = tpu.memref_slice %arg8[%mul3A_69] : memref<10240xf32, #tpu.memory_space<vmem_shared>> -> memref<640xf32, #tpu.memory_space<vmem_shared>>
      tpu.enqueue_dma source(%dma_start3A_73 : memref<640xf32, #tpu.memory_space<vmem_shared>>) target(%dma_start3A_72 : memref<640xf32, #tpu.memory_space<hbm>>) target_semaphore(%run_scoped3A : memref<!tpu.dma_semaphore, #tpu.memory_space<semaphore_mem>>)
      %dma_wait3A = tpu.memref_slice %arg4[%arg0, %mul3A_71] : memref<2x10240xf32, #tpu.memory_space<hbm>> -> memref<1x640xf32, #tpu.memory_space<hbm>>
      %dma_wait3A_74 = tpu.memref_squeeze %dma_wait3A : memref<1x640xf32, #tpu.memory_space<hbm>> -> memref<640xf32, #tpu.memory_space<hbm>>
      %dma_wait3A_75 = tpu.memref_slice %arg8[%mul3A_69] : memref<10240xf32, #tpu.memory_space<vmem_shared>> -> memref<640xf32, #tpu.memory_space<vmem_shared>>
      tpu.wait_dma2 semaphore(%run_scoped3A : memref<!tpu.dma_semaphore, #tpu.memory_space<semaphore_mem>>) src(%dma_wait3A_75 : memref<640xf32, #tpu.memory_space<vmem_shared>>) dst(%dma_wait3A_74 : memref<640xf32, #tpu.memory_space<hbm>>)
      tpu.yield
    }) : () -> ()
    return
  }
}

#map = affine_map<(d0, d1) -> (0, 0)>
#map1 = affine_map<(d0, d1) -> (0, 0, 0)>
module attributes {stable_mosaic.version = 14 : i64} {
  func.func @_scatter_body(%arg0: i32, %arg1: i32, %arg2: memref<10000x32xf32, #tpu.memory_space<hbm>>, %arg3: memref<2500x2x128xi32, #tpu.memory_space<hbm>>, %arg4: memref<10240x32xf32, #tpu.memory_space<hbm>>, %arg5: memref<2x10240x32xf32, #tpu.memory_space<hbm>>, %arg6: memref<79x2x128xi32, #tpu.memory_space<vmem>>, %arg7: memref<2x6x128x32xf32, #tpu.memory_space<vmem>>, %arg8: memref<!tpu.dma_semaphore, #tpu.memory_space<semaphore_mem>>, %arg9: memref<!tpu.dma_semaphore, #tpu.memory_space<semaphore_mem>>, %arg10: memref<10240x32xf32, #tpu.memory_space<vmem_shared>>) attributes {dimension_semantics = [#tpu.dimension_semantics<core_parallel>, #tpu.dimension_semantics<subcore_parallel>], iteration_bounds = array<i64: 2, 16>, scalar_prefetch = 0 : i64, scratch_operands = 5 : i64, tpu.core_type = #tpu.core_type<sc_vector_subcore>, window_params = [{transform_indices = #map}, {transform_indices = #map1}, {transform_indices = #map}, {transform_indices = #map1}]} {
    %mul3A = arith.constant 16 : i32
    %mul3A_0 = arith.muli %arg0, %mul3A : i32
    %add3A = arith.addi %mul3A_0, %arg1 : i32
    %mul3A_1 = arith.constant 640 : i32
    %mul3A_2 = arith.muli %arg1, %mul3A_1 : i32
    %mul3A_3 = arith.constant 640 : i32
    %mul3A_4 = arith.muli %arg1, %mul3A_3 : i32
    "tpu.region"() ({
      %run_scoped3A = tpu.sem_alloc : memref<!tpu.dma_semaphore, #tpu.memory_space<semaphore_mem>>
      %dma_start3A_192 = arith.constant 0 : i32
      %dma_start3A_193 = tpu.memref_slice %arg10[%mul3A_4, %dma_start3A_192] : memref<10240x32xf32, #tpu.memory_space<vmem_shared>> -> memref<640x32xf32, #tpu.memory_space<vmem_shared>>
      %dma_start3A_194 = arith.constant 0 : i32
      %dma_start3A_195 = tpu.memref_slice %arg4[%mul3A_2, %dma_start3A_194] : memref<10240x32xf32, #tpu.memory_space<hbm>> -> memref<640x32xf32, #tpu.memory_space<hbm>>
      tpu.enqueue_dma source(%dma_start3A_195 : memref<640x32xf32, #tpu.memory_space<hbm>>) target(%dma_start3A_193 : memref<640x32xf32, #tpu.memory_space<vmem_shared>>) target_semaphore(%run_scoped3A : memref<!tpu.dma_semaphore, #tpu.memory_space<semaphore_mem>>)
      %dma_wait3A_196 = arith.constant 0 : i32
      %dma_wait3A_197 = tpu.memref_slice %arg10[%mul3A_4, %dma_wait3A_196] : memref<10240x32xf32, #tpu.memory_space<vmem_shared>> -> memref<640x32xf32, #tpu.memory_space<vmem_shared>>
      %dma_wait3A_198 = arith.constant 0 : i32
      %dma_wait3A_199 = tpu.memref_slice %arg4[%mul3A_2, %dma_wait3A_198] : memref<10240x32xf32, #tpu.memory_space<hbm>> -> memref<640x32xf32, #tpu.memory_space<hbm>>
      tpu.wait_dma2 semaphore(%run_scoped3A : memref<!tpu.dma_semaphore, #tpu.memory_space<semaphore_mem>>) src(%dma_wait3A_199 : memref<640x32xf32, #tpu.memory_space<hbm>>) dst(%dma_wait3A_197 : memref<640x32xf32, #tpu.memory_space<vmem_shared>>)
      tpu.yield
    }) : () -> ()
    %mul3A_5 = arith.constant 78 : i32
    %mul3A_6 = arith.muli %add3A, %mul3A_5 : i32
    %min3A = arith.constant 4 : i32
    %min3A_7 = arith.minsi %add3A, %min3A : i32
    %add3A_8 = arith.addi %mul3A_6, %min3A_7 : i32
    "tpu.region"() ({
      %run_scoped3A = tpu.sem_alloc : memref<!tpu.dma_semaphore, #tpu.memory_space<semaphore_mem>>
      %dma_start3A_192 = arith.constant 0 : i32
      %dma_start3A_193 = arith.constant 0 : i32
      %dma_start3A_194 = arith.constant 0 : i32
      %dma_start3A_195 = tpu.memref_slice %arg6[%dma_start3A_192, %dma_start3A_193, %dma_start3A_194] : memref<79x2x128xi32, #tpu.memory_space<vmem>> -> memref<78x2x128xi32, #tpu.memory_space<vmem>>
      %dma_start3A_196 = arith.constant 0 : i32
      %dma_start3A_197 = arith.constant 0 : i32
      %dma_start3A_198 = tpu.memref_slice %arg3[%add3A_8, %dma_start3A_196, %dma_start3A_197] : memref<2500x2x128xi32, #tpu.memory_space<hbm>> -> memref<78x2x128xi32, #tpu.memory_space<hbm>>
      %dma_start3A_199 = arith.constant 0 : i32
      %dma_start3A_200 = arith.constant 0 : i32
      %dma_start3A_201 = arith.constant 0 : i32
      %dma_start3A_202 = tpu.memref_slice %arg6[%dma_start3A_199, %dma_start3A_200, %dma_start3A_201] : memref<79x2x128xi32, #tpu.memory_space<vmem>> -> memref<78x2x128xi32, #tpu.memory_space<vmem>>
      %dma_start3A_203 = arith.constant 0 : i32
      %dma_start3A_204 = arith.constant 0 : i32
      %dma_start3A_205 = tpu.memref_slice %arg3[%add3A_8, %dma_start3A_203, %dma_start3A_204] : memref<2500x2x128xi32, #tpu.memory_space<hbm>> -> memref<78x2x128xi32, #tpu.memory_space<hbm>>
      tpu.enqueue_dma source(%dma_start3A_205 : memref<78x2x128xi32, #tpu.memory_space<hbm>>) target(%dma_start3A_202 : memref<78x2x128xi32, #tpu.memory_space<vmem>>) target_semaphore(%run_scoped3A : memref<!tpu.dma_semaphore, #tpu.memory_space<semaphore_mem>>)
      %dma_wait3A_206 = arith.constant 0 : i32
      %dma_wait3A_207 = arith.constant 0 : i32
      %dma_wait3A_208 = arith.constant 0 : i32
      %dma_wait3A_209 = tpu.memref_slice %arg6[%dma_wait3A_206, %dma_wait3A_207, %dma_wait3A_208] : memref<79x2x128xi32, #tpu.memory_space<vmem>> -> memref<78x2x128xi32, #tpu.memory_space<vmem>>
      %dma_wait3A_210 = arith.constant 0 : i32
      %dma_wait3A_211 = arith.constant 0 : i32
      %dma_wait3A_212 = tpu.memref_slice %arg3[%add3A_8, %dma_wait3A_210, %dma_wait3A_211] : memref<2500x2x128xi32, #tpu.memory_space<hbm>> -> memref<78x2x128xi32, #tpu.memory_space<hbm>>
      %dma_wait3A_213 = arith.constant 0 : i32
      %dma_wait3A_214 = arith.constant 0 : i32
      %dma_wait3A_215 = arith.constant 0 : i32
      %dma_wait3A_216 = tpu.memref_slice %arg6[%dma_wait3A_213, %dma_wait3A_214, %dma_wait3A_215] : memref<79x2x128xi32, #tpu.memory_space<vmem>> -> memref<78x2x128xi32, #tpu.memory_space<vmem>>
      %dma_wait3A_217 = arith.constant 0 : i32
      %dma_wait3A_218 = arith.constant 0 : i32
      %dma_wait3A_219 = tpu.memref_slice %arg3[%add3A_8, %dma_wait3A_217, %dma_wait3A_218] : memref<2500x2x128xi32, #tpu.memory_space<hbm>> -> memref<78x2x128xi32, #tpu.memory_space<hbm>>
      tpu.wait_dma2 semaphore(%run_scoped3A : memref<!tpu.dma_semaphore, #tpu.memory_space<semaphore_mem>>) src(%dma_wait3A_219 : memref<78x2x128xi32, #tpu.memory_space<hbm>>) dst(%dma_wait3A_216 : memref<78x2x128xi32, #tpu.memory_space<vmem>>)
      tpu.yield
    }) : () -> ()
    %lt3A = arith.constant 4 : i32
    %lt3A_9 = arith.cmpi slt, %add3A, %lt3A : i32
    %convert_element_type3A = arith.extui %lt3A_9 : i1 to i32
    %cond3A = arith.constant 0 : i32
    %cond3A_10 = arith.cmpi ne, %convert_element_type3A, %cond3A : i32
    scf.if %cond3A_10 {
      %add3A_192 = arith.constant 78 : i32
      %add3A_193 = arith.addi %add3A_8, %add3A_192 : i32
      "tpu.region"() ({
        %run_scoped3A = tpu.sem_alloc : memref<!tpu.dma_semaphore, #tpu.memory_space<semaphore_mem>>
        %dma_start3A_194 = arith.constant 78 : i32
        %dma_start3A_195 = arith.constant 0 : i32
        %dma_start3A_196 = arith.constant 0 : i32
        %dma_start3A_197 = tpu.memref_slice %arg6[%dma_start3A_194, %dma_start3A_195, %dma_start3A_196] : memref<79x2x128xi32, #tpu.memory_space<vmem>> -> memref<1x2x128xi32, #tpu.memory_space<vmem>>
        %dma_start3A_198 = arith.constant 0 : i32
        %dma_start3A_199 = arith.constant 0 : i32
        %dma_start3A_200 = tpu.memref_slice %arg3[%add3A_193, %dma_start3A_198, %dma_start3A_199] : memref<2500x2x128xi32, #tpu.memory_space<hbm>> -> memref<1x2x128xi32, #tpu.memory_space<hbm>>
        %dma_start3A_201 = arith.constant 78 : i32
        %dma_start3A_202 = arith.constant 0 : i32
        %dma_start3A_203 = arith.constant 0 : i32
        %dma_start3A_204 = tpu.memref_slice %arg6[%dma_start3A_201, %dma_start3A_202, %dma_start3A_203] : memref<79x2x128xi32, #tpu.memory_space<vmem>> -> memref<1x2x128xi32, #tpu.memory_space<vmem>>
        %dma_start3A_205 = arith.constant 0 : i32
        %dma_start3A_206 = arith.constant 0 : i32
        %dma_start3A_207 = tpu.memref_slice %arg3[%add3A_193, %dma_start3A_205, %dma_start3A_206] : memref<2500x2x128xi32, #tpu.memory_space<hbm>> -> memref<1x2x128xi32, #tpu.memory_space<hbm>>
        tpu.enqueue_dma source(%dma_start3A_207 : memref<1x2x128xi32, #tpu.memory_space<hbm>>) target(%dma_start3A_204 : memref<1x2x128xi32, #tpu.memory_space<vmem>>) target_semaphore(%run_scoped3A : memref<!tpu.dma_semaphore, #tpu.memory_space<semaphore_mem>>)
        %dma_wait3A_208 = arith.constant 78 : i32
        %dma_wait3A_209 = arith.constant 0 : i32
        %dma_wait3A_210 = arith.constant 0 : i32
        %dma_wait3A_211 = tpu.memref_slice %arg6[%dma_wait3A_208, %dma_wait3A_209, %dma_wait3A_210] : memref<79x2x128xi32, #tpu.memory_space<vmem>> -> memref<1x2x128xi32, #tpu.memory_space<vmem>>
        %dma_wait3A_212 = arith.constant 0 : i32
        %dma_wait3A_213 = arith.constant 0 : i32
        %dma_wait3A_214 = tpu.memref_slice %arg3[%add3A_193, %dma_wait3A_212, %dma_wait3A_213] : memref<2500x2x128xi32, #tpu.memory_space<hbm>> -> memref<1x2x128xi32, #tpu.memory_space<hbm>>
        %dma_wait3A_215 = arith.constant 78 : i32
        %dma_wait3A_216 = arith.constant 0 : i32
        %dma_wait3A_217 = arith.constant 0 : i32
        %dma_wait3A_218 = tpu.memref_slice %arg6[%dma_wait3A_215, %dma_wait3A_216, %dma_wait3A_217] : memref<79x2x128xi32, #tpu.memory_space<vmem>> -> memref<1x2x128xi32, #tpu.memory_space<vmem>>
        %dma_wait3A_219 = arith.constant 0 : i32
        %dma_wait3A_220 = arith.constant 0 : i32
        %dma_wait3A_221 = tpu.memref_slice %arg3[%add3A_193, %dma_wait3A_219, %dma_wait3A_220] : memref<2500x2x128xi32, #tpu.memory_space<hbm>> -> memref<1x2x128xi32, #tpu.memory_space<hbm>>
        tpu.wait_dma2 semaphore(%run_scoped3A : memref<!tpu.dma_semaphore, #tpu.memory_space<semaphore_mem>>) src(%dma_wait3A_221 : memref<1x2x128xi32, #tpu.memory_space<hbm>>) dst(%dma_wait3A_218 : memref<1x2x128xi32, #tpu.memory_space<vmem>>)
        tpu.yield
      }) : () -> ()
    } else {
    }
    %barrier3A = arith.constant 0 : index
    tpu.barrier barrier_id(%barrier3A)
    %dma_start3A = arith.constant 0 : i32
    %dma_start3A_11 = arith.constant 0 : i32
    %dma_start3A_12 = arith.constant 0 : i32
    %dma_start3A_13 = arith.constant 0 : i32
    %dma_start3A_14 = arith.constant 0 : i32
    %dma_start3A_15 = arith.constant 0 : i32
    %dma_start3A_16 = tpu.memref_slice %arg7[%dma_start3A_12, %dma_start3A_13, %dma_start3A_14, %dma_start3A_15] : memref<2x6x128x32xf32, #tpu.memory_space<vmem>> -> memref<1x1x128x32xf32, #tpu.memory_space<vmem>>
    %dma_start3A_17 = tpu.memref_squeeze %dma_start3A_16 : memref<1x1x128x32xf32, #tpu.memory_space<vmem>> -> memref<128x32xf32, #tpu.memory_space<vmem>>
    %dma_start3A_18 = arith.constant 0 : i32
    %dma_start3A_19 = tpu.memref_slice %arg6[%dma_start3A, %dma_start3A_11, %dma_start3A_18] : memref<79x2x128xi32, #tpu.memory_space<vmem>> -> memref<1x1x128xi32, #tpu.memory_space<vmem>>
    %dma_start3A_20 = tpu.memref_squeeze %dma_start3A_19 : memref<1x1x128xi32, #tpu.memory_space<vmem>> -> memref<128xi32, #tpu.memory_space<vmem>>
    %dma_start3A_21 = arith.constant 0 : i32
    %dma_start3A_22 = arith.constant 0 : i32
    %dma_start3A_23 = tpu.memref_slice %arg2[%dma_start3A_21, %dma_start3A_22] : memref<10000x32xf32, #tpu.memory_space<hbm>> -> memref<10000x32xf32, #tpu.memory_space<hbm>>
    tpu.enqueue_indirect_dma source(%dma_start3A_23 : memref<10000x32xf32, #tpu.memory_space<hbm>>) target(%dma_start3A_17 : memref<128x32xf32, #tpu.memory_space<vmem>>) offsets(%dma_start3A_20 : memref<128xi32, #tpu.memory_space<vmem>>) semaphore(%arg8 : memref<!tpu.dma_semaphore, #tpu.memory_space<semaphore_mem>>)
    %dma_start3A_24 = arith.constant 1 : i32
    %dma_start3A_25 = arith.constant 0 : i32
    %dma_start3A_26 = arith.constant 0 : i32
    %dma_start3A_27 = arith.constant 1 : i32
    %dma_start3A_28 = arith.constant 0 : i32
    %dma_start3A_29 = arith.constant 0 : i32
    %dma_start3A_30 = tpu.memref_slice %arg7[%dma_start3A_26, %dma_start3A_27, %dma_start3A_28, %dma_start3A_29] : memref<2x6x128x32xf32, #tpu.memory_space<vmem>> -> memref<1x1x128x32xf32, #tpu.memory_space<vmem>>
    %dma_start3A_31 = tpu.memref_squeeze %dma_start3A_30 : memref<1x1x128x32xf32, #tpu.memory_space<vmem>> -> memref<128x32xf32, #tpu.memory_space<vmem>>
    %dma_start3A_32 = arith.constant 0 : i32
    %dma_start3A_33 = tpu.memref_slice %arg6[%dma_start3A_24, %dma_start3A_25, %dma_start3A_32] : memref<79x2x128xi32, #tpu.memory_space<vmem>> -> memref<1x1x128xi32, #tpu.memory_space<vmem>>
    %dma_start3A_34 = tpu.memref_squeeze %dma_start3A_33 : memref<1x1x128xi32, #tpu.memory_space<vmem>> -> memref<128xi32, #tpu.memory_space<vmem>>
    %dma_start3A_35 = arith.constant 0 : i32
    %dma_start3A_36 = arith.constant 0 : i32
    %dma_start3A_37 = tpu.memref_slice %arg2[%dma_start3A_35, %dma_start3A_36] : memref<10000x32xf32, #tpu.memory_space<hbm>> -> memref<10000x32xf32, #tpu.memory_space<hbm>>
    tpu.enqueue_indirect_dma source(%dma_start3A_37 : memref<10000x32xf32, #tpu.memory_space<hbm>>) target(%dma_start3A_31 : memref<128x32xf32, #tpu.memory_space<vmem>>) offsets(%dma_start3A_34 : memref<128xi32, #tpu.memory_space<vmem>>) semaphore(%arg8 : memref<!tpu.dma_semaphore, #tpu.memory_space<semaphore_mem>>)
    %dma_start3A_38 = arith.constant 2 : i32
    %dma_start3A_39 = arith.constant 0 : i32
    %dma_start3A_40 = arith.constant 0 : i32
    %dma_start3A_41 = arith.constant 2 : i32
    %dma_start3A_42 = arith.constant 0 : i32
    %dma_start3A_43 = arith.constant 0 : i32
    %dma_start3A_44 = tpu.memref_slice %arg7[%dma_start3A_40, %dma_start3A_41, %dma_start3A_42, %dma_start3A_43] : memref<2x6x128x32xf32, #tpu.memory_space<vmem>> -> memref<1x1x128x32xf32, #tpu.memory_space<vmem>>
    %dma_start3A_45 = tpu.memref_squeeze %dma_start3A_44 : memref<1x1x128x32xf32, #tpu.memory_space<vmem>> -> memref<128x32xf32, #tpu.memory_space<vmem>>
    %dma_start3A_46 = arith.constant 0 : i32
    %dma_start3A_47 = tpu.memref_slice %arg6[%dma_start3A_38, %dma_start3A_39, %dma_start3A_46] : memref<79x2x128xi32, #tpu.memory_space<vmem>> -> memref<1x1x128xi32, #tpu.memory_space<vmem>>
    %dma_start3A_48 = tpu.memref_squeeze %dma_start3A_47 : memref<1x1x128xi32, #tpu.memory_space<vmem>> -> memref<128xi32, #tpu.memory_space<vmem>>
    %dma_start3A_49 = arith.constant 0 : i32
    %dma_start3A_50 = arith.constant 0 : i32
    %dma_start3A_51 = tpu.memref_slice %arg2[%dma_start3A_49, %dma_start3A_50] : memref<10000x32xf32, #tpu.memory_space<hbm>> -> memref<10000x32xf32, #tpu.memory_space<hbm>>
    tpu.enqueue_indirect_dma source(%dma_start3A_51 : memref<10000x32xf32, #tpu.memory_space<hbm>>) target(%dma_start3A_45 : memref<128x32xf32, #tpu.memory_space<vmem>>) offsets(%dma_start3A_48 : memref<128xi32, #tpu.memory_space<vmem>>) semaphore(%arg8 : memref<!tpu.dma_semaphore, #tpu.memory_space<semaphore_mem>>)
    %dma_start3A_52 = arith.constant 3 : i32
    %dma_start3A_53 = arith.constant 0 : i32
    %dma_start3A_54 = arith.constant 0 : i32
    %dma_start3A_55 = arith.constant 3 : i32
    %dma_start3A_56 = arith.constant 0 : i32
    %dma_start3A_57 = arith.constant 0 : i32
    %dma_start3A_58 = tpu.memref_slice %arg7[%dma_start3A_54, %dma_start3A_55, %dma_start3A_56, %dma_start3A_57] : memref<2x6x128x32xf32, #tpu.memory_space<vmem>> -> memref<1x1x128x32xf32, #tpu.memory_space<vmem>>
    %dma_start3A_59 = tpu.memref_squeeze %dma_start3A_58 : memref<1x1x128x32xf32, #tpu.memory_space<vmem>> -> memref<128x32xf32, #tpu.memory_space<vmem>>
    %dma_start3A_60 = arith.constant 0 : i32
    %dma_start3A_61 = tpu.memref_slice %arg6[%dma_start3A_52, %dma_start3A_53, %dma_start3A_60] : memref<79x2x128xi32, #tpu.memory_space<vmem>> -> memref<1x1x128xi32, #tpu.memory_space<vmem>>
    %dma_start3A_62 = tpu.memref_squeeze %dma_start3A_61 : memref<1x1x128xi32, #tpu.memory_space<vmem>> -> memref<128xi32, #tpu.memory_space<vmem>>
    %dma_start3A_63 = arith.constant 0 : i32
    %dma_start3A_64 = arith.constant 0 : i32
    %dma_start3A_65 = tpu.memref_slice %arg2[%dma_start3A_63, %dma_start3A_64] : memref<10000x32xf32, #tpu.memory_space<hbm>> -> memref<10000x32xf32, #tpu.memory_space<hbm>>
    tpu.enqueue_indirect_dma source(%dma_start3A_65 : memref<10000x32xf32, #tpu.memory_space<hbm>>) target(%dma_start3A_59 : memref<128x32xf32, #tpu.memory_space<vmem>>) offsets(%dma_start3A_62 : memref<128xi32, #tpu.memory_space<vmem>>) semaphore(%arg8 : memref<!tpu.dma_semaphore, #tpu.memory_space<semaphore_mem>>)
    %dma_start3A_66 = arith.constant 4 : i32
    %dma_start3A_67 = arith.constant 0 : i32
    %dma_start3A_68 = arith.constant 0 : i32
    %dma_start3A_69 = arith.constant 4 : i32
    %dma_start3A_70 = arith.constant 0 : i32
    %dma_start3A_71 = arith.constant 0 : i32
    %dma_start3A_72 = tpu.memref_slice %arg7[%dma_start3A_68, %dma_start3A_69, %dma_start3A_70, %dma_start3A_71] : memref<2x6x128x32xf32, #tpu.memory_space<vmem>> -> memref<1x1x128x32xf32, #tpu.memory_space<vmem>>
    %dma_start3A_73 = tpu.memref_squeeze %dma_start3A_72 : memref<1x1x128x32xf32, #tpu.memory_space<vmem>> -> memref<128x32xf32, #tpu.memory_space<vmem>>
    %dma_start3A_74 = arith.constant 0 : i32
    %dma_start3A_75 = tpu.memref_slice %arg6[%dma_start3A_66, %dma_start3A_67, %dma_start3A_74] : memref<79x2x128xi32, #tpu.memory_space<vmem>> -> memref<1x1x128xi32, #tpu.memory_space<vmem>>
    %dma_start3A_76 = tpu.memref_squeeze %dma_start3A_75 : memref<1x1x128xi32, #tpu.memory_space<vmem>> -> memref<128xi32, #tpu.memory_space<vmem>>
    %dma_start3A_77 = arith.constant 0 : i32
    %dma_start3A_78 = arith.constant 0 : i32
    %dma_start3A_79 = tpu.memref_slice %arg2[%dma_start3A_77, %dma_start3A_78] : memref<10000x32xf32, #tpu.memory_space<hbm>> -> memref<10000x32xf32, #tpu.memory_space<hbm>>
    tpu.enqueue_indirect_dma source(%dma_start3A_79 : memref<10000x32xf32, #tpu.memory_space<hbm>>) target(%dma_start3A_73 : memref<128x32xf32, #tpu.memory_space<vmem>>) offsets(%dma_start3A_76 : memref<128xi32, #tpu.memory_space<vmem>>) semaphore(%arg8 : memref<!tpu.dma_semaphore, #tpu.memory_space<semaphore_mem>>)
    %dma_start3A_80 = arith.constant 5 : i32
    %dma_start3A_81 = arith.constant 0 : i32
    %dma_start3A_82 = arith.constant 0 : i32
    %dma_start3A_83 = arith.constant 5 : i32
    %dma_start3A_84 = arith.constant 0 : i32
    %dma_start3A_85 = arith.constant 0 : i32
    %dma_start3A_86 = tpu.memref_slice %arg7[%dma_start3A_82, %dma_start3A_83, %dma_start3A_84, %dma_start3A_85] : memref<2x6x128x32xf32, #tpu.memory_space<vmem>> -> memref<1x1x128x32xf32, #tpu.memory_space<vmem>>
    %dma_start3A_87 = tpu.memref_squeeze %dma_start3A_86 : memref<1x1x128x32xf32, #tpu.memory_space<vmem>> -> memref<128x32xf32, #tpu.memory_space<vmem>>
    %dma_start3A_88 = arith.constant 0 : i32
    %dma_start3A_89 = tpu.memref_slice %arg6[%dma_start3A_80, %dma_start3A_81, %dma_start3A_88] : memref<79x2x128xi32, #tpu.memory_space<vmem>> -> memref<1x1x128xi32, #tpu.memory_space<vmem>>
    %dma_start3A_90 = tpu.memref_squeeze %dma_start3A_89 : memref<1x1x128xi32, #tpu.memory_space<vmem>> -> memref<128xi32, #tpu.memory_space<vmem>>
    %dma_start3A_91 = arith.constant 0 : i32
    %dma_start3A_92 = arith.constant 0 : i32
    %dma_start3A_93 = tpu.memref_slice %arg2[%dma_start3A_91, %dma_start3A_92] : memref<10000x32xf32, #tpu.memory_space<hbm>> -> memref<10000x32xf32, #tpu.memory_space<hbm>>
    tpu.enqueue_indirect_dma source(%dma_start3A_93 : memref<10000x32xf32, #tpu.memory_space<hbm>>) target(%dma_start3A_87 : memref<128x32xf32, #tpu.memory_space<vmem>>) offsets(%dma_start3A_90 : memref<128xi32, #tpu.memory_space<vmem>>) semaphore(%arg8 : memref<!tpu.dma_semaphore, #tpu.memory_space<semaphore_mem>>)
    %scan3A = arith.constant 0 : i32
    %scan3A_94 = arith.constant 0 : i32
    %scan3A_95 = arith.constant 13 : i32
    %scan3A_96 = arith.addi %scan3A_94, %scan3A_95 : i32
    %scan3A_97 = arith.constant 1 : i32
    scf.for %scan3A_192 = %scan3A_94 to %scan3A_96 step %scan3A_97  : i32 {
      %rem3A = arith.constant 2 : i32
      %rem3A_193 = arith.remsi %scan3A_192, %rem3A : i32
      %sub3A = arith.constant 1 : i32
      %sub3A_194 = arith.subi %sub3A, %rem3A_193 : i32
      %gt3A = arith.constant 0 : i32
      %gt3A_195 = arith.cmpi sgt, %scan3A_192, %gt3A : i32
      %convert_element_type3A_196 = arith.extui %gt3A_195 : i1 to i32
      %cond3A_197 = arith.constant 0 : i32
      %cond3A_198 = arith.cmpi ne, %convert_element_type3A_196, %cond3A_197 : i32
      scf.if %cond3A_198 {
        %dma_wait3A_378 = arith.constant 0 : i32
        %dma_wait3A_379 = arith.constant 0 : i32
        %dma_wait3A_380 = arith.constant 1 : i32
        %dma_wait3A_381 = arith.constant 0 : i32
        %dma_wait3A_382 = arith.constant 0 : i32
        %dma_wait3A_383 = tpu.memref_slice %arg7[%sub3A_194, %dma_wait3A_378, %dma_wait3A_381, %dma_wait3A_382] : memref<2x6x128x32xf32, #tpu.memory_space<vmem>> -> memref<1x1x128x32xf32, #tpu.memory_space<vmem>>
        %dma_wait3A_384 = tpu.memref_squeeze %dma_wait3A_383 : memref<1x1x128x32xf32, #tpu.memory_space<vmem>> -> memref<128x32xf32, #tpu.memory_space<vmem>>
        %dma_wait3A_385 = arith.constant 0 : i32
        %dma_wait3A_386 = tpu.memref_slice %arg6[%dma_wait3A_379, %dma_wait3A_380, %dma_wait3A_385] : memref<79x2x128xi32, #tpu.memory_space<vmem>> -> memref<1x1x128xi32, #tpu.memory_space<vmem>>
        %dma_wait3A_387 = tpu.memref_squeeze %dma_wait3A_386 : memref<1x1x128xi32, #tpu.memory_space<vmem>> -> memref<128xi32, #tpu.memory_space<vmem>>
        %dma_wait3A_388 = arith.constant 0 : i32
        %dma_wait3A_389 = arith.constant 0 : i32
        %dma_wait3A_390 = tpu.memref_slice %arg10[%dma_wait3A_388, %dma_wait3A_389] : memref<10240x32xf32, #tpu.memory_space<vmem_shared>> -> memref<10240x32xf32, #tpu.memory_space<vmem_shared>>
        tpu.wait_indirect_dma semaphore(%arg9 : memref<!tpu.dma_semaphore, #tpu.memory_space<semaphore_mem>>) src(%dma_wait3A_384 : memref<128x32xf32, #tpu.memory_space<vmem>>) dst(%dma_wait3A_390 : memref<10240x32xf32, #tpu.memory_space<vmem_shared>>)
        %dma_wait3A_391 = arith.constant 1 : i32
        %dma_wait3A_392 = arith.constant 0 : i32
        %dma_wait3A_393 = arith.constant 1 : i32
        %dma_wait3A_394 = arith.constant 0 : i32
        %dma_wait3A_395 = arith.constant 0 : i32
        %dma_wait3A_396 = tpu.memref_slice %arg7[%sub3A_194, %dma_wait3A_391, %dma_wait3A_394, %dma_wait3A_395] : memref<2x6x128x32xf32, #tpu.memory_space<vmem>> -> memref<1x1x128x32xf32, #tpu.memory_space<vmem>>
        %dma_wait3A_397 = tpu.memref_squeeze %dma_wait3A_396 : memref<1x1x128x32xf32, #tpu.memory_space<vmem>> -> memref<128x32xf32, #tpu.memory_space<vmem>>
        %dma_wait3A_398 = arith.constant 0 : i32
        %dma_wait3A_399 = tpu.memref_slice %arg6[%dma_wait3A_392, %dma_wait3A_393, %dma_wait3A_398] : memref<79x2x128xi32, #tpu.memory_space<vmem>> -> memref<1x1x128xi32, #tpu.memory_space<vmem>>
        %dma_wait3A_400 = tpu.memref_squeeze %dma_wait3A_399 : memref<1x1x128xi32, #tpu.memory_space<vmem>> -> memref<128xi32, #tpu.memory_space<vmem>>
        %dma_wait3A_401 = arith.constant 0 : i32
        %dma_wait3A_402 = arith.constant 0 : i32
        %dma_wait3A_403 = tpu.memref_slice %arg10[%dma_wait3A_401, %dma_wait3A_402] : memref<10240x32xf32, #tpu.memory_space<vmem_shared>> -> memref<10240x32xf32, #tpu.memory_space<vmem_shared>>
        tpu.wait_indirect_dma semaphore(%arg9 : memref<!tpu.dma_semaphore, #tpu.memory_space<semaphore_mem>>) src(%dma_wait3A_397 : memref<128x32xf32, #tpu.memory_space<vmem>>) dst(%dma_wait3A_403 : memref<10240x32xf32, #tpu.memory_space<vmem_shared>>)
        %dma_wait3A_404 = arith.constant 2 : i32
        %dma_wait3A_405 = arith.constant 0 : i32
        %dma_wait3A_406 = arith.constant 1 : i32
        %dma_wait3A_407 = arith.constant 0 : i32
        %dma_wait3A_408 = arith.constant 0 : i32
        %dma_wait3A_409 = tpu.memref_slice %arg7[%sub3A_194, %dma_wait3A_404, %dma_wait3A_407, %dma_wait3A_408] : memref<2x6x128x32xf32, #tpu.memory_space<vmem>> -> memref<1x1x128x32xf32, #tpu.memory_space<vmem>>
        %dma_wait3A_410 = tpu.memref_squeeze %dma_wait3A_409 : memref<1x1x128x32xf32, #tpu.memory_space<vmem>> -> memref<128x32xf32, #tpu.memory_space<vmem>>
        %dma_wait3A_411 = arith.constant 0 : i32
        %dma_wait3A_412 = tpu.memref_slice %arg6[%dma_wait3A_405, %dma_wait3A_406, %dma_wait3A_411] : memref<79x2x128xi32, #tpu.memory_space<vmem>> -> memref<1x1x128xi32, #tpu.memory_space<vmem>>
        %dma_wait3A_413 = tpu.memref_squeeze %dma_wait3A_412 : memref<1x1x128xi32, #tpu.memory_space<vmem>> -> memref<128xi32, #tpu.memory_space<vmem>>
        %dma_wait3A_414 = arith.constant 0 : i32
        %dma_wait3A_415 = arith.constant 0 : i32
        %dma_wait3A_416 = tpu.memref_slice %arg10[%dma_wait3A_414, %dma_wait3A_415] : memref<10240x32xf32, #tpu.memory_space<vmem_shared>> -> memref<10240x32xf32, #tpu.memory_space<vmem_shared>>
        tpu.wait_indirect_dma semaphore(%arg9 : memref<!tpu.dma_semaphore, #tpu.memory_space<semaphore_mem>>) src(%dma_wait3A_410 : memref<128x32xf32, #tpu.memory_space<vmem>>) dst(%dma_wait3A_416 : memref<10240x32xf32, #tpu.memory_space<vmem_shared>>)
        %dma_wait3A_417 = arith.constant 3 : i32
        %dma_wait3A_418 = arith.constant 0 : i32
        %dma_wait3A_419 = arith.constant 1 : i32
        %dma_wait3A_420 = arith.constant 0 : i32
        %dma_wait3A_421 = arith.constant 0 : i32
        %dma_wait3A_422 = tpu.memref_slice %arg7[%sub3A_194, %dma_wait3A_417, %dma_wait3A_420, %dma_wait3A_421] : memref<2x6x128x32xf32, #tpu.memory_space<vmem>> -> memref<1x1x128x32xf32, #tpu.memory_space<vmem>>
        %dma_wait3A_423 = tpu.memref_squeeze %dma_wait3A_422 : memref<1x1x128x32xf32, #tpu.memory_space<vmem>> -> memref<128x32xf32, #tpu.memory_space<vmem>>
        %dma_wait3A_424 = arith.constant 0 : i32
        %dma_wait3A_425 = tpu.memref_slice %arg6[%dma_wait3A_418, %dma_wait3A_419, %dma_wait3A_424] : memref<79x2x128xi32, #tpu.memory_space<vmem>> -> memref<1x1x128xi32, #tpu.memory_space<vmem>>
        %dma_wait3A_426 = tpu.memref_squeeze %dma_wait3A_425 : memref<1x1x128xi32, #tpu.memory_space<vmem>> -> memref<128xi32, #tpu.memory_space<vmem>>
        %dma_wait3A_427 = arith.constant 0 : i32
        %dma_wait3A_428 = arith.constant 0 : i32
        %dma_wait3A_429 = tpu.memref_slice %arg10[%dma_wait3A_427, %dma_wait3A_428] : memref<10240x32xf32, #tpu.memory_space<vmem_shared>> -> memref<10240x32xf32, #tpu.memory_space<vmem_shared>>
        tpu.wait_indirect_dma semaphore(%arg9 : memref<!tpu.dma_semaphore, #tpu.memory_space<semaphore_mem>>) src(%dma_wait3A_423 : memref<128x32xf32, #tpu.memory_space<vmem>>) dst(%dma_wait3A_429 : memref<10240x32xf32, #tpu.memory_space<vmem_shared>>)
        %dma_wait3A_430 = arith.constant 4 : i32
        %dma_wait3A_431 = arith.constant 0 : i32
        %dma_wait3A_432 = arith.constant 1 : i32
        %dma_wait3A_433 = arith.constant 0 : i32
        %dma_wait3A_434 = arith.constant 0 : i32
        %dma_wait3A_435 = tpu.memref_slice %arg7[%sub3A_194, %dma_wait3A_430, %dma_wait3A_433, %dma_wait3A_434] : memref<2x6x128x32xf32, #tpu.memory_space<vmem>> -> memref<1x1x128x32xf32, #tpu.memory_space<vmem>>
        %dma_wait3A_436 = tpu.memref_squeeze %dma_wait3A_435 : memref<1x1x128x32xf32, #tpu.memory_space<vmem>> -> memref<128x32xf32, #tpu.memory_space<vmem>>
        %dma_wait3A_437 = arith.constant 0 : i32
        %dma_wait3A_438 = tpu.memref_slice %arg6[%dma_wait3A_431, %dma_wait3A_432, %dma_wait3A_437] : memref<79x2x128xi32, #tpu.memory_space<vmem>> -> memref<1x1x128xi32, #tpu.memory_space<vmem>>
        %dma_wait3A_439 = tpu.memref_squeeze %dma_wait3A_438 : memref<1x1x128xi32, #tpu.memory_space<vmem>> -> memref<128xi32, #tpu.memory_space<vmem>>
        %dma_wait3A_440 = arith.constant 0 : i32
        %dma_wait3A_441 = arith.constant 0 : i32
        %dma_wait3A_442 = tpu.memref_slice %arg10[%dma_wait3A_440, %dma_wait3A_441] : memref<10240x32xf32, #tpu.memory_space<vmem_shared>> -> memref<10240x32xf32, #tpu.memory_space<vmem_shared>>
        tpu.wait_indirect_dma semaphore(%arg9 : memref<!tpu.dma_semaphore, #tpu.memory_space<semaphore_mem>>) src(%dma_wait3A_436 : memref<128x32xf32, #tpu.memory_space<vmem>>) dst(%dma_wait3A_442 : memref<10240x32xf32, #tpu.memory_space<vmem_shared>>)
        %dma_wait3A_443 = arith.constant 5 : i32
        %dma_wait3A_444 = arith.constant 0 : i32
        %dma_wait3A_445 = arith.constant 1 : i32
        %dma_wait3A_446 = arith.constant 0 : i32
        %dma_wait3A_447 = arith.constant 0 : i32
        %dma_wait3A_448 = tpu.memref_slice %arg7[%sub3A_194, %dma_wait3A_443, %dma_wait3A_446, %dma_wait3A_447] : memref<2x6x128x32xf32, #tpu.memory_space<vmem>> -> memref<1x1x128x32xf32, #tpu.memory_space<vmem>>
        %dma_wait3A_449 = tpu.memref_squeeze %dma_wait3A_448 : memref<1x1x128x32xf32, #tpu.memory_space<vmem>> -> memref<128x32xf32, #tpu.memory_space<vmem>>
        %dma_wait3A_450 = arith.constant 0 : i32
        %dma_wait3A_451 = tpu.memref_slice %arg6[%dma_wait3A_444, %dma_wait3A_445, %dma_wait3A_450] : memref<79x2x128xi32, #tpu.memory_space<vmem>> -> memref<1x1x128xi32, #tpu.memory_space<vmem>>
        %dma_wait3A_452 = tpu.memref_squeeze %dma_wait3A_451 : memref<1x1x128xi32, #tpu.memory_space<vmem>> -> memref<128xi32, #tpu.memory_space<vmem>>
        %dma_wait3A_453 = arith.constant 0 : i32
        %dma_wait3A_454 = arith.constant 0 : i32
        %dma_wait3A_455 = tpu.memref_slice %arg10[%dma_wait3A_453, %dma_wait3A_454] : memref<10240x32xf32, #tpu.memory_space<vmem_shared>> -> memref<10240x32xf32, #tpu.memory_space<vmem_shared>>
        tpu.wait_indirect_dma semaphore(%arg9 : memref<!tpu.dma_semaphore, #tpu.memory_space<semaphore_mem>>) src(%dma_wait3A_449 : memref<128x32xf32, #tpu.memory_space<vmem>>) dst(%dma_wait3A_455 : memref<10240x32xf32, #tpu.memory_space<vmem_shared>>)
      } else {
      }
      %lt3A_199 = arith.constant 12 : i32
      %lt3A_200 = arith.cmpi slt, %scan3A_192, %lt3A_199 : i32
      %convert_element_type3A_201 = arith.extui %lt3A_200 : i1 to i32
      %cond3A_202 = arith.constant 0 : i32
      %cond3A_203 = arith.cmpi ne, %convert_element_type3A_201, %cond3A_202 : i32
      scf.if %cond3A_203 {
        %add3A_378 = arith.constant 1 : i32
        %add3A_379 = arith.addi %scan3A_192, %add3A_378 : i32
        %mul3A_380 = arith.constant 6 : i32
        %mul3A_381 = arith.muli %add3A_379, %mul3A_380 : i32
        %add3A_382 = arith.constant 0 : i32
        %add3A_383 = arith.addi %mul3A_381, %add3A_382 : i32
        %dma_start3A_384 = arith.constant 0 : i32
        %dma_start3A_385 = arith.constant 0 : i32
        %dma_start3A_386 = arith.constant 0 : i32
        %dma_start3A_387 = arith.constant 0 : i32
        %dma_start3A_388 = tpu.memref_slice %arg7[%sub3A_194, %dma_start3A_385, %dma_start3A_386, %dma_start3A_387] : memref<2x6x128x32xf32, #tpu.memory_space<vmem>> -> memref<1x1x128x32xf32, #tpu.memory_space<vmem>>
        %dma_start3A_389 = tpu.memref_squeeze %dma_start3A_388 : memref<1x1x128x32xf32, #tpu.memory_space<vmem>> -> memref<128x32xf32, #tpu.memory_space<vmem>>
        %dma_start3A_390 = arith.constant 0 : i32
        %dma_start3A_391 = tpu.memref_slice %arg6[%add3A_383, %dma_start3A_384, %dma_start3A_390] : memref<79x2x128xi32, #tpu.memory_space<vmem>> -> memref<1x1x128xi32, #tpu.memory_space<vmem>>
        %dma_start3A_392 = tpu.memref_squeeze %dma_start3A_391 : memref<1x1x128xi32, #tpu.memory_space<vmem>> -> memref<128xi32, #tpu.memory_space<vmem>>
        %dma_start3A_393 = arith.constant 0 : i32
        %dma_start3A_394 = arith.constant 0 : i32
        %dma_start3A_395 = tpu.memref_slice %arg2[%dma_start3A_393, %dma_start3A_394] : memref<10000x32xf32, #tpu.memory_space<hbm>> -> memref<10000x32xf32, #tpu.memory_space<hbm>>
        tpu.enqueue_indirect_dma source(%dma_start3A_395 : memref<10000x32xf32, #tpu.memory_space<hbm>>) target(%dma_start3A_389 : memref<128x32xf32, #tpu.memory_space<vmem>>) offsets(%dma_start3A_392 : memref<128xi32, #tpu.memory_space<vmem>>) semaphore(%arg8 : memref<!tpu.dma_semaphore, #tpu.memory_space<semaphore_mem>>)
        %add3A_396 = arith.constant 1 : i32
        %add3A_397 = arith.addi %scan3A_192, %add3A_396 : i32
        %mul3A_398 = arith.constant 6 : i32
        %mul3A_399 = arith.muli %add3A_397, %mul3A_398 : i32
        %add3A_400 = arith.constant 1 : i32
        %add3A_401 = arith.addi %mul3A_399, %add3A_400 : i32
        %dma_start3A_402 = arith.constant 0 : i32
        %dma_start3A_403 = arith.constant 1 : i32
        %dma_start3A_404 = arith.constant 0 : i32
        %dma_start3A_405 = arith.constant 0 : i32
        %dma_start3A_406 = tpu.memref_slice %arg7[%sub3A_194, %dma_start3A_403, %dma_start3A_404, %dma_start3A_405] : memref<2x6x128x32xf32, #tpu.memory_space<vmem>> -> memref<1x1x128x32xf32, #tpu.memory_space<vmem>>
        %dma_start3A_407 = tpu.memref_squeeze %dma_start3A_406 : memref<1x1x128x32xf32, #tpu.memory_space<vmem>> -> memref<128x32xf32, #tpu.memory_space<vmem>>
        %dma_start3A_408 = arith.constant 0 : i32
        %dma_start3A_409 = tpu.memref_slice %arg6[%add3A_401, %dma_start3A_402, %dma_start3A_408] : memref<79x2x128xi32, #tpu.memory_space<vmem>> -> memref<1x1x128xi32, #tpu.memory_space<vmem>>
        %dma_start3A_410 = tpu.memref_squeeze %dma_start3A_409 : memref<1x1x128xi32, #tpu.memory_space<vmem>> -> memref<128xi32, #tpu.memory_space<vmem>>
        %dma_start3A_411 = arith.constant 0 : i32
        %dma_start3A_412 = arith.constant 0 : i32
        %dma_start3A_413 = tpu.memref_slice %arg2[%dma_start3A_411, %dma_start3A_412] : memref<10000x32xf32, #tpu.memory_space<hbm>> -> memref<10000x32xf32, #tpu.memory_space<hbm>>
        tpu.enqueue_indirect_dma source(%dma_start3A_413 : memref<10000x32xf32, #tpu.memory_space<hbm>>) target(%dma_start3A_407 : memref<128x32xf32, #tpu.memory_space<vmem>>) offsets(%dma_start3A_410 : memref<128xi32, #tpu.memory_space<vmem>>) semaphore(%arg8 : memref<!tpu.dma_semaphore, #tpu.memory_space<semaphore_mem>>)
        %add3A_414 = arith.constant 1 : i32
        %add3A_415 = arith.addi %scan3A_192, %add3A_414 : i32
        %mul3A_416 = arith.constant 6 : i32
        %mul3A_417 = arith.muli %add3A_415, %mul3A_416 : i32
        %add3A_418 = arith.constant 2 : i32
        %add3A_419 = arith.addi %mul3A_417, %add3A_418 : i32
        %dma_start3A_420 = arith.constant 0 : i32
        %dma_start3A_421 = arith.constant 2 : i32
        %dma_start3A_422 = arith.constant 0 : i32
        %dma_start3A_423 = arith.constant 0 : i32
        %dma_start3A_424 = tpu.memref_slice %arg7[%sub3A_194, %dma_start3A_421, %dma_start3A_422, %dma_start3A_423] : memref<2x6x128x32xf32, #tpu.memory_space<vmem>> -> memref<1x1x128x32xf32, #tpu.memory_space<vmem>>
        %dma_start3A_425 = tpu.memref_squeeze %dma_start3A_424 : memref<1x1x128x32xf32, #tpu.memory_space<vmem>> -> memref<128x32xf32, #tpu.memory_space<vmem>>
        %dma_start3A_426 = arith.constant 0 : i32
        %dma_start3A_427 = tpu.memref_slice %arg6[%add3A_419, %dma_start3A_420, %dma_start3A_426] : memref<79x2x128xi32, #tpu.memory_space<vmem>> -> memref<1x1x128xi32, #tpu.memory_space<vmem>>
        %dma_start3A_428 = tpu.memref_squeeze %dma_start3A_427 : memref<1x1x128xi32, #tpu.memory_space<vmem>> -> memref<128xi32, #tpu.memory_space<vmem>>
        %dma_start3A_429 = arith.constant 0 : i32
        %dma_start3A_430 = arith.constant 0 : i32
        %dma_start3A_431 = tpu.memref_slice %arg2[%dma_start3A_429, %dma_start3A_430] : memref<10000x32xf32, #tpu.memory_space<hbm>> -> memref<10000x32xf32, #tpu.memory_space<hbm>>
        tpu.enqueue_indirect_dma source(%dma_start3A_431 : memref<10000x32xf32, #tpu.memory_space<hbm>>) target(%dma_start3A_425 : memref<128x32xf32, #tpu.memory_space<vmem>>) offsets(%dma_start3A_428 : memref<128xi32, #tpu.memory_space<vmem>>) semaphore(%arg8 : memref<!tpu.dma_semaphore, #tpu.memory_space<semaphore_mem>>)
        %add3A_432 = arith.constant 1 : i32
        %add3A_433 = arith.addi %scan3A_192, %add3A_432 : i32
        %mul3A_434 = arith.constant 6 : i32
        %mul3A_435 = arith.muli %add3A_433, %mul3A_434 : i32
        %add3A_436 = arith.constant 3 : i32
        %add3A_437 = arith.addi %mul3A_435, %add3A_436 : i32
        %dma_start3A_438 = arith.constant 0 : i32
        %dma_start3A_439 = arith.constant 3 : i32
        %dma_start3A_440 = arith.constant 0 : i32
        %dma_start3A_441 = arith.constant 0 : i32
        %dma_start3A_442 = tpu.memref_slice %arg7[%sub3A_194, %dma_start3A_439, %dma_start3A_440, %dma_start3A_441] : memref<2x6x128x32xf32, #tpu.memory_space<vmem>> -> memref<1x1x128x32xf32, #tpu.memory_space<vmem>>
        %dma_start3A_443 = tpu.memref_squeeze %dma_start3A_442 : memref<1x1x128x32xf32, #tpu.memory_space<vmem>> -> memref<128x32xf32, #tpu.memory_space<vmem>>
        %dma_start3A_444 = arith.constant 0 : i32
        %dma_start3A_445 = tpu.memref_slice %arg6[%add3A_437, %dma_start3A_438, %dma_start3A_444] : memref<79x2x128xi32, #tpu.memory_space<vmem>> -> memref<1x1x128xi32, #tpu.memory_space<vmem>>
        %dma_start3A_446 = tpu.memref_squeeze %dma_start3A_445 : memref<1x1x128xi32, #tpu.memory_space<vmem>> -> memref<128xi32, #tpu.memory_space<vmem>>
        %dma_start3A_447 = arith.constant 0 : i32
        %dma_start3A_448 = arith.constant 0 : i32
        %dma_start3A_449 = tpu.memref_slice %arg2[%dma_start3A_447, %dma_start3A_448] : memref<10000x32xf32, #tpu.memory_space<hbm>> -> memref<10000x32xf32, #tpu.memory_space<hbm>>
        tpu.enqueue_indirect_dma source(%dma_start3A_449 : memref<10000x32xf32, #tpu.memory_space<hbm>>) target(%dma_start3A_443 : memref<128x32xf32, #tpu.memory_space<vmem>>) offsets(%dma_start3A_446 : memref<128xi32, #tpu.memory_space<vmem>>) semaphore(%arg8 : memref<!tpu.dma_semaphore, #tpu.memory_space<semaphore_mem>>)
        %add3A_450 = arith.constant 1 : i32
        %add3A_451 = arith.addi %scan3A_192, %add3A_450 : i32
        %mul3A_452 = arith.constant 6 : i32
        %mul3A_453 = arith.muli %add3A_451, %mul3A_452 : i32
        %add3A_454 = arith.constant 4 : i32
        %add3A_455 = arith.addi %mul3A_453, %add3A_454 : i32
        %dma_start3A_456 = arith.constant 0 : i32
        %dma_start3A_457 = arith.constant 4 : i32
        %dma_start3A_458 = arith.constant 0 : i32
        %dma_start3A_459 = arith.constant 0 : i32
        %dma_start3A_460 = tpu.memref_slice %arg7[%sub3A_194, %dma_start3A_457, %dma_start3A_458, %dma_start3A_459] : memref<2x6x128x32xf32, #tpu.memory_space<vmem>> -> memref<1x1x128x32xf32, #tpu.memory_space<vmem>>
        %dma_start3A_461 = tpu.memref_squeeze %dma_start3A_460 : memref<1x1x128x32xf32, #tpu.memory_space<vmem>> -> memref<128x32xf32, #tpu.memory_space<vmem>>
        %dma_start3A_462 = arith.constant 0 : i32
        %dma_start3A_463 = tpu.memref_slice %arg6[%add3A_455, %dma_start3A_456, %dma_start3A_462] : memref<79x2x128xi32, #tpu.memory_space<vmem>> -> memref<1x1x128xi32, #tpu.memory_space<vmem>>
        %dma_start3A_464 = tpu.memref_squeeze %dma_start3A_463 : memref<1x1x128xi32, #tpu.memory_space<vmem>> -> memref<128xi32, #tpu.memory_space<vmem>>
        %dma_start3A_465 = arith.constant 0 : i32
        %dma_start3A_466 = arith.constant 0 : i32
        %dma_start3A_467 = tpu.memref_slice %arg2[%dma_start3A_465, %dma_start3A_466] : memref<10000x32xf32, #tpu.memory_space<hbm>> -> memref<10000x32xf32, #tpu.memory_space<hbm>>
        tpu.enqueue_indirect_dma source(%dma_start3A_467 : memref<10000x32xf32, #tpu.memory_space<hbm>>) target(%dma_start3A_461 : memref<128x32xf32, #tpu.memory_space<vmem>>) offsets(%dma_start3A_464 : memref<128xi32, #tpu.memory_space<vmem>>) semaphore(%arg8 : memref<!tpu.dma_semaphore, #tpu.memory_space<semaphore_mem>>)
        %add3A_468 = arith.constant 1 : i32
        %add3A_469 = arith.addi %scan3A_192, %add3A_468 : i32
        %mul3A_470 = arith.constant 6 : i32
        %mul3A_471 = arith.muli %add3A_469, %mul3A_470 : i32
        %add3A_472 = arith.constant 5 : i32
        %add3A_473 = arith.addi %mul3A_471, %add3A_472 : i32
        %dma_start3A_474 = arith.constant 0 : i32
        %dma_start3A_475 = arith.constant 5 : i32
        %dma_start3A_476 = arith.constant 0 : i32
        %dma_start3A_477 = arith.constant 0 : i32
        %dma_start3A_478 = tpu.memref_slice %arg7[%sub3A_194, %dma_start3A_475, %dma_start3A_476, %dma_start3A_477] : memref<2x6x128x32xf32, #tpu.memory_space<vmem>> -> memref<1x1x128x32xf32, #tpu.memory_space<vmem>>
        %dma_start3A_479 = tpu.memref_squeeze %dma_start3A_478 : memref<1x1x128x32xf32, #tpu.memory_space<vmem>> -> memref<128x32xf32, #tpu.memory_space<vmem>>
        %dma_start3A_480 = arith.constant 0 : i32
        %dma_start3A_481 = tpu.memref_slice %arg6[%add3A_473, %dma_start3A_474, %dma_start3A_480] : memref<79x2x128xi32, #tpu.memory_space<vmem>> -> memref<1x1x128xi32, #tpu.memory_space<vmem>>
        %dma_start3A_482 = tpu.memref_squeeze %dma_start3A_481 : memref<1x1x128xi32, #tpu.memory_space<vmem>> -> memref<128xi32, #tpu.memory_space<vmem>>
        %dma_start3A_483 = arith.constant 0 : i32
        %dma_start3A_484 = arith.constant 0 : i32
        %dma_start3A_485 = tpu.memref_slice %arg2[%dma_start3A_483, %dma_start3A_484] : memref<10000x32xf32, #tpu.memory_space<hbm>> -> memref<10000x32xf32, #tpu.memory_space<hbm>>
        tpu.enqueue_indirect_dma source(%dma_start3A_485 : memref<10000x32xf32, #tpu.memory_space<hbm>>) target(%dma_start3A_479 : memref<128x32xf32, #tpu.memory_space<vmem>>) offsets(%dma_start3A_482 : memref<128xi32, #tpu.memory_space<vmem>>) semaphore(%arg8 : memref<!tpu.dma_semaphore, #tpu.memory_space<semaphore_mem>>)
      } else {
      }
      %dma_wait3A_204 = arith.constant 0 : i32
      %dma_wait3A_205 = arith.constant 0 : i32
      %dma_wait3A_206 = arith.constant 0 : i32
      %dma_wait3A_207 = arith.constant 0 : i32
      %dma_wait3A_208 = arith.constant 0 : i32
      %dma_wait3A_209 = tpu.memref_slice %arg7[%rem3A_193, %dma_wait3A_206, %dma_wait3A_207, %dma_wait3A_208] : memref<2x6x128x32xf32, #tpu.memory_space<vmem>> -> memref<1x1x128x32xf32, #tpu.memory_space<vmem>>
      %dma_wait3A_210 = tpu.memref_squeeze %dma_wait3A_209 : memref<1x1x128x32xf32, #tpu.memory_space<vmem>> -> memref<128x32xf32, #tpu.memory_space<vmem>>
      %dma_wait3A_211 = arith.constant 0 : i32
      %dma_wait3A_212 = tpu.memref_slice %arg6[%dma_wait3A_204, %dma_wait3A_205, %dma_wait3A_211] : memref<79x2x128xi32, #tpu.memory_space<vmem>> -> memref<1x1x128xi32, #tpu.memory_space<vmem>>
      %dma_wait3A_213 = tpu.memref_squeeze %dma_wait3A_212 : memref<1x1x128xi32, #tpu.memory_space<vmem>> -> memref<128xi32, #tpu.memory_space<vmem>>
      %dma_wait3A_214 = arith.constant 0 : i32
      %dma_wait3A_215 = arith.constant 0 : i32
      %dma_wait3A_216 = tpu.memref_slice %arg2[%dma_wait3A_214, %dma_wait3A_215] : memref<10000x32xf32, #tpu.memory_space<hbm>> -> memref<10000x32xf32, #tpu.memory_space<hbm>>
      tpu.wait_indirect_dma semaphore(%arg8 : memref<!tpu.dma_semaphore, #tpu.memory_space<semaphore_mem>>) src(%dma_wait3A_216 : memref<10000x32xf32, #tpu.memory_space<hbm>>) dst(%dma_wait3A_210 : memref<128x32xf32, #tpu.memory_space<vmem>>)
      %mul3A_217 = arith.constant 6 : i32
      %mul3A_218 = arith.muli %scan3A_192, %mul3A_217 : i32
      %add3A_219 = arith.constant 0 : i32
      %add3A_220 = arith.addi %mul3A_218, %add3A_219 : i32
      %dma_start3A_221 = arith.constant 0 : i32
      %dma_start3A_222 = arith.constant 1 : i32
      %dma_start3A_223 = arith.constant 0 : i32
      %dma_start3A_224 = arith.constant 0 : i32
      %dma_start3A_225 = tpu.memref_slice %arg7[%rem3A_193, %dma_start3A_221, %dma_start3A_223, %dma_start3A_224] : memref<2x6x128x32xf32, #tpu.memory_space<vmem>> -> memref<1x1x128x32xf32, #tpu.memory_space<vmem>>
      %dma_start3A_226 = tpu.memref_squeeze %dma_start3A_225 : memref<1x1x128x32xf32, #tpu.memory_space<vmem>> -> memref<128x32xf32, #tpu.memory_space<vmem>>
      %dma_start3A_227 = arith.constant 0 : i32
      %dma_start3A_228 = tpu.memref_slice %arg6[%add3A_220, %dma_start3A_222, %dma_start3A_227] : memref<79x2x128xi32, #tpu.memory_space<vmem>> -> memref<1x1x128xi32, #tpu.memory_space<vmem>>
      %dma_start3A_229 = tpu.memref_squeeze %dma_start3A_228 : memref<1x1x128xi32, #tpu.memory_space<vmem>> -> memref<128xi32, #tpu.memory_space<vmem>>
      %dma_start3A_230 = arith.constant 0 : i32
      %dma_start3A_231 = arith.constant 0 : i32
      %dma_start3A_232 = tpu.memref_slice %arg10[%dma_start3A_230, %dma_start3A_231] : memref<10240x32xf32, #tpu.memory_space<vmem_shared>> -> memref<10240x32xf32, #tpu.memory_space<vmem_shared>>
      tpu.enqueue_indirect_dma source(%dma_start3A_226 : memref<128x32xf32, #tpu.memory_space<vmem>>) target(%dma_start3A_232 : memref<10240x32xf32, #tpu.memory_space<vmem_shared>>) offsets(%dma_start3A_229 : memref<128xi32, #tpu.memory_space<vmem>>) semaphore(%arg9 : memref<!tpu.dma_semaphore, #tpu.memory_space<semaphore_mem>>) {add = true}
      %dma_wait3A_233 = arith.constant 0 : i32
      %dma_wait3A_234 = arith.constant 0 : i32
      %dma_wait3A_235 = arith.constant 1 : i32
      %dma_wait3A_236 = arith.constant 0 : i32
      %dma_wait3A_237 = arith.constant 0 : i32
      %dma_wait3A_238 = tpu.memref_slice %arg7[%rem3A_193, %dma_wait3A_235, %dma_wait3A_236, %dma_wait3A_237] : memref<2x6x128x32xf32, #tpu.memory_space<vmem>> -> memref<1x1x128x32xf32, #tpu.memory_space<vmem>>
      %dma_wait3A_239 = tpu.memref_squeeze %dma_wait3A_238 : memref<1x1x128x32xf32, #tpu.memory_space<vmem>> -> memref<128x32xf32, #tpu.memory_space<vmem>>
      %dma_wait3A_240 = arith.constant 0 : i32
      %dma_wait3A_241 = tpu.memref_slice %arg6[%dma_wait3A_233, %dma_wait3A_234, %dma_wait3A_240] : memref<79x2x128xi32, #tpu.memory_space<vmem>> -> memref<1x1x128xi32, #tpu.memory_space<vmem>>
      %dma_wait3A_242 = tpu.memref_squeeze %dma_wait3A_241 : memref<1x1x128xi32, #tpu.memory_space<vmem>> -> memref<128xi32, #tpu.memory_space<vmem>>
      %dma_wait3A_243 = arith.constant 0 : i32
      %dma_wait3A_244 = arith.constant 0 : i32
      %dma_wait3A_245 = tpu.memref_slice %arg2[%dma_wait3A_243, %dma_wait3A_244] : memref<10000x32xf32, #tpu.memory_space<hbm>> -> memref<10000x32xf32, #tpu.memory_space<hbm>>
      tpu.wait_indirect_dma semaphore(%arg8 : memref<!tpu.dma_semaphore, #tpu.memory_space<semaphore_mem>>) src(%dma_wait3A_245 : memref<10000x32xf32, #tpu.memory_space<hbm>>) dst(%dma_wait3A_239 : memref<128x32xf32, #tpu.memory_space<vmem>>)
      %mul3A_246 = arith.constant 6 : i32
      %mul3A_247 = arith.muli %scan3A_192, %mul3A_246 : i32
      %add3A_248 = arith.constant 1 : i32
      %add3A_249 = arith.addi %mul3A_247, %add3A_248 : i32
      %dma_start3A_250 = arith.constant 1 : i32
      %dma_start3A_251 = arith.constant 1 : i32
      %dma_start3A_252 = arith.constant 0 : i32
      %dma_start3A_253 = arith.constant 0 : i32
      %dma_start3A_254 = tpu.memref_slice %arg7[%rem3A_193, %dma_start3A_250, %dma_start3A_252, %dma_start3A_253] : memref<2x6x128x32xf32, #tpu.memory_space<vmem>> -> memref<1x1x128x32xf32, #tpu.memory_space<vmem>>
      %dma_start3A_255 = tpu.memref_squeeze %dma_start3A_254 : memref<1x1x128x32xf32, #tpu.memory_space<vmem>> -> memref<128x32xf32, #tpu.memory_space<vmem>>
      %dma_start3A_256 = arith.constant 0 : i32
      %dma_start3A_257 = tpu.memref_slice %arg6[%add3A_249, %dma_start3A_251, %dma_start3A_256] : memref<79x2x128xi32, #tpu.memory_space<vmem>> -> memref<1x1x128xi32, #tpu.memory_space<vmem>>
      %dma_start3A_258 = tpu.memref_squeeze %dma_start3A_257 : memref<1x1x128xi32, #tpu.memory_space<vmem>> -> memref<128xi32, #tpu.memory_space<vmem>>
      %dma_start3A_259 = arith.constant 0 : i32
      %dma_start3A_260 = arith.constant 0 : i32
      %dma_start3A_261 = tpu.memref_slice %arg10[%dma_start3A_259, %dma_start3A_260] : memref<10240x32xf32, #tpu.memory_space<vmem_shared>> -> memref<10240x32xf32, #tpu.memory_space<vmem_shared>>
      tpu.enqueue_indirect_dma source(%dma_start3A_255 : memref<128x32xf32, #tpu.memory_space<vmem>>) target(%dma_start3A_261 : memref<10240x32xf32, #tpu.memory_space<vmem_shared>>) offsets(%dma_start3A_258 : memref<128xi32, #tpu.memory_space<vmem>>) semaphore(%arg9 : memref<!tpu.dma_semaphore, #tpu.memory_space<semaphore_mem>>) {add = true}
      %dma_wait3A_262 = arith.constant 0 : i32
      %dma_wait3A_263 = arith.constant 0 : i32
      %dma_wait3A_264 = arith.constant 2 : i32
      %dma_wait3A_265 = arith.constant 0 : i32
      %dma_wait3A_266 = arith.constant 0 : i32
      %dma_wait3A_267 = tpu.memref_slice %arg7[%rem3A_193, %dma_wait3A_264, %dma_wait3A_265, %dma_wait3A_266] : memref<2x6x128x32xf32, #tpu.memory_space<vmem>> -> memref<1x1x128x32xf32, #tpu.memory_space<vmem>>
      %dma_wait3A_268 = tpu.memref_squeeze %dma_wait3A_267 : memref<1x1x128x32xf32, #tpu.memory_space<vmem>> -> memref<128x32xf32, #tpu.memory_space<vmem>>
      %dma_wait3A_269 = arith.constant 0 : i32
      %dma_wait3A_270 = tpu.memref_slice %arg6[%dma_wait3A_262, %dma_wait3A_263, %dma_wait3A_269] : memref<79x2x128xi32, #tpu.memory_space<vmem>> -> memref<1x1x128xi32, #tpu.memory_space<vmem>>
      %dma_wait3A_271 = tpu.memref_squeeze %dma_wait3A_270 : memref<1x1x128xi32, #tpu.memory_space<vmem>> -> memref<128xi32, #tpu.memory_space<vmem>>
      %dma_wait3A_272 = arith.constant 0 : i32
      %dma_wait3A_273 = arith.constant 0 : i32
      %dma_wait3A_274 = tpu.memref_slice %arg2[%dma_wait3A_272, %dma_wait3A_273] : memref<10000x32xf32, #tpu.memory_space<hbm>> -> memref<10000x32xf32, #tpu.memory_space<hbm>>
      tpu.wait_indirect_dma semaphore(%arg8 : memref<!tpu.dma_semaphore, #tpu.memory_space<semaphore_mem>>) src(%dma_wait3A_274 : memref<10000x32xf32, #tpu.memory_space<hbm>>) dst(%dma_wait3A_268 : memref<128x32xf32, #tpu.memory_space<vmem>>)
      %mul3A_275 = arith.constant 6 : i32
      %mul3A_276 = arith.muli %scan3A_192, %mul3A_275 : i32
      %add3A_277 = arith.constant 2 : i32
      %add3A_278 = arith.addi %mul3A_276, %add3A_277 : i32
      %dma_start3A_279 = arith.constant 2 : i32
      %dma_start3A_280 = arith.constant 1 : i32
      %dma_start3A_281 = arith.constant 0 : i32
      %dma_start3A_282 = arith.constant 0 : i32
      %dma_start3A_283 = tpu.memref_slice %arg7[%rem3A_193, %dma_start3A_279, %dma_start3A_281, %dma_start3A_282] : memref<2x6x128x32xf32, #tpu.memory_space<vmem>> -> memref<1x1x128x32xf32, #tpu.memory_space<vmem>>
      %dma_start3A_284 = tpu.memref_squeeze %dma_start3A_283 : memref<1x1x128x32xf32, #tpu.memory_space<vmem>> -> memref<128x32xf32, #tpu.memory_space<vmem>>
      %dma_start3A_285 = arith.constant 0 : i32
      %dma_start3A_286 = tpu.memref_slice %arg6[%add3A_278, %dma_start3A_280, %dma_start3A_285] : memref<79x2x128xi32, #tpu.memory_space<vmem>> -> memref<1x1x128xi32, #tpu.memory_space<vmem>>
      %dma_start3A_287 = tpu.memref_squeeze %dma_start3A_286 : memref<1x1x128xi32, #tpu.memory_space<vmem>> -> memref<128xi32, #tpu.memory_space<vmem>>
      %dma_start3A_288 = arith.constant 0 : i32
      %dma_start3A_289 = arith.constant 0 : i32
      %dma_start3A_290 = tpu.memref_slice %arg10[%dma_start3A_288, %dma_start3A_289] : memref<10240x32xf32, #tpu.memory_space<vmem_shared>> -> memref<10240x32xf32, #tpu.memory_space<vmem_shared>>
      tpu.enqueue_indirect_dma source(%dma_start3A_284 : memref<128x32xf32, #tpu.memory_space<vmem>>) target(%dma_start3A_290 : memref<10240x32xf32, #tpu.memory_space<vmem_shared>>) offsets(%dma_start3A_287 : memref<128xi32, #tpu.memory_space<vmem>>) semaphore(%arg9 : memref<!tpu.dma_semaphore, #tpu.memory_space<semaphore_mem>>) {add = true}
      %dma_wait3A_291 = arith.constant 0 : i32
      %dma_wait3A_292 = arith.constant 0 : i32
      %dma_wait3A_293 = arith.constant 3 : i32
      %dma_wait3A_294 = arith.constant 0 : i32
      %dma_wait3A_295 = arith.constant 0 : i32
      %dma_wait3A_296 = tpu.memref_slice %arg7[%rem3A_193, %dma_wait3A_293, %dma_wait3A_294, %dma_wait3A_295] : memref<2x6x128x32xf32, #tpu.memory_space<vmem>> -> memref<1x1x128x32xf32, #tpu.memory_space<vmem>>
      %dma_wait3A_297 = tpu.memref_squeeze %dma_wait3A_296 : memref<1x1x128x32xf32, #tpu.memory_space<vmem>> -> memref<128x32xf32, #tpu.memory_space<vmem>>
      %dma_wait3A_298 = arith.constant 0 : i32
      %dma_wait3A_299 = tpu.memref_slice %arg6[%dma_wait3A_291, %dma_wait3A_292, %dma_wait3A_298] : memref<79x2x128xi32, #tpu.memory_space<vmem>> -> memref<1x1x128xi32, #tpu.memory_space<vmem>>
      %dma_wait3A_300 = tpu.memref_squeeze %dma_wait3A_299 : memref<1x1x128xi32, #tpu.memory_space<vmem>> -> memref<128xi32, #tpu.memory_space<vmem>>
      %dma_wait3A_301 = arith.constant 0 : i32
      %dma_wait3A_302 = arith.constant 0 : i32
      %dma_wait3A_303 = tpu.memref_slice %arg2[%dma_wait3A_301, %dma_wait3A_302] : memref<10000x32xf32, #tpu.memory_space<hbm>> -> memref<10000x32xf32, #tpu.memory_space<hbm>>
      tpu.wait_indirect_dma semaphore(%arg8 : memref<!tpu.dma_semaphore, #tpu.memory_space<semaphore_mem>>) src(%dma_wait3A_303 : memref<10000x32xf32, #tpu.memory_space<hbm>>) dst(%dma_wait3A_297 : memref<128x32xf32, #tpu.memory_space<vmem>>)
      %mul3A_304 = arith.constant 6 : i32
      %mul3A_305 = arith.muli %scan3A_192, %mul3A_304 : i32
      %add3A_306 = arith.constant 3 : i32
      %add3A_307 = arith.addi %mul3A_305, %add3A_306 : i32
      %dma_start3A_308 = arith.constant 3 : i32
      %dma_start3A_309 = arith.constant 1 : i32
      %dma_start3A_310 = arith.constant 0 : i32
      %dma_start3A_311 = arith.constant 0 : i32
      %dma_start3A_312 = tpu.memref_slice %arg7[%rem3A_193, %dma_start3A_308, %dma_start3A_310, %dma_start3A_311] : memref<2x6x128x32xf32, #tpu.memory_space<vmem>> -> memref<1x1x128x32xf32, #tpu.memory_space<vmem>>
      %dma_start3A_313 = tpu.memref_squeeze %dma_start3A_312 : memref<1x1x128x32xf32, #tpu.memory_space<vmem>> -> memref<128x32xf32, #tpu.memory_space<vmem>>
      %dma_start3A_314 = arith.constant 0 : i32
      %dma_start3A_315 = tpu.memref_slice %arg6[%add3A_307, %dma_start3A_309, %dma_start3A_314] : memref<79x2x128xi32, #tpu.memory_space<vmem>> -> memref<1x1x128xi32, #tpu.memory_space<vmem>>
      %dma_start3A_316 = tpu.memref_squeeze %dma_start3A_315 : memref<1x1x128xi32, #tpu.memory_space<vmem>> -> memref<128xi32, #tpu.memory_space<vmem>>
      %dma_start3A_317 = arith.constant 0 : i32
      %dma_start3A_318 = arith.constant 0 : i32
      %dma_start3A_319 = tpu.memref_slice %arg10[%dma_start3A_317, %dma_start3A_318] : memref<10240x32xf32, #tpu.memory_space<vmem_shared>> -> memref<10240x32xf32, #tpu.memory_space<vmem_shared>>
      tpu.enqueue_indirect_dma source(%dma_start3A_313 : memref<128x32xf32, #tpu.memory_space<vmem>>) target(%dma_start3A_319 : memref<10240x32xf32, #tpu.memory_space<vmem_shared>>) offsets(%dma_start3A_316 : memref<128xi32, #tpu.memory_space<vmem>>) semaphore(%arg9 : memref<!tpu.dma_semaphore, #tpu.memory_space<semaphore_mem>>) {add = true}
      %dma_wait3A_320 = arith.constant 0 : i32
      %dma_wait3A_321 = arith.constant 0 : i32
      %dma_wait3A_322 = arith.constant 4 : i32
      %dma_wait3A_323 = arith.constant 0 : i32
      %dma_wait3A_324 = arith.constant 0 : i32
      %dma_wait3A_325 = tpu.memref_slice %arg7[%rem3A_193, %dma_wait3A_322, %dma_wait3A_323, %dma_wait3A_324] : memref<2x6x128x32xf32, #tpu.memory_space<vmem>> -> memref<1x1x128x32xf32, #tpu.memory_space<vmem>>
      %dma_wait3A_326 = tpu.memref_squeeze %dma_wait3A_325 : memref<1x1x128x32xf32, #tpu.memory_space<vmem>> -> memref<128x32xf32, #tpu.memory_space<vmem>>
      %dma_wait3A_327 = arith.constant 0 : i32
      %dma_wait3A_328 = tpu.memref_slice %arg6[%dma_wait3A_320, %dma_wait3A_321, %dma_wait3A_327] : memref<79x2x128xi32, #tpu.memory_space<vmem>> -> memref<1x1x128xi32, #tpu.memory_space<vmem>>
      %dma_wait3A_329 = tpu.memref_squeeze %dma_wait3A_328 : memref<1x1x128xi32, #tpu.memory_space<vmem>> -> memref<128xi32, #tpu.memory_space<vmem>>
      %dma_wait3A_330 = arith.constant 0 : i32
      %dma_wait3A_331 = arith.constant 0 : i32
      %dma_wait3A_332 = tpu.memref_slice %arg2[%dma_wait3A_330, %dma_wait3A_331] : memref<10000x32xf32, #tpu.memory_space<hbm>> -> memref<10000x32xf32, #tpu.memory_space<hbm>>
      tpu.wait_indirect_dma semaphore(%arg8 : memref<!tpu.dma_semaphore, #tpu.memory_space<semaphore_mem>>) src(%dma_wait3A_332 : memref<10000x32xf32, #tpu.memory_space<hbm>>) dst(%dma_wait3A_326 : memref<128x32xf32, #tpu.memory_space<vmem>>)
      %mul3A_333 = arith.constant 6 : i32
      %mul3A_334 = arith.muli %scan3A_192, %mul3A_333 : i32
      %add3A_335 = arith.constant 4 : i32
      %add3A_336 = arith.addi %mul3A_334, %add3A_335 : i32
      %dma_start3A_337 = arith.constant 4 : i32
      %dma_start3A_338 = arith.constant 1 : i32
      %dma_start3A_339 = arith.constant 0 : i32
      %dma_start3A_340 = arith.constant 0 : i32
      %dma_start3A_341 = tpu.memref_slice %arg7[%rem3A_193, %dma_start3A_337, %dma_start3A_339, %dma_start3A_340] : memref<2x6x128x32xf32, #tpu.memory_space<vmem>> -> memref<1x1x128x32xf32, #tpu.memory_space<vmem>>
      %dma_start3A_342 = tpu.memref_squeeze %dma_start3A_341 : memref<1x1x128x32xf32, #tpu.memory_space<vmem>> -> memref<128x32xf32, #tpu.memory_space<vmem>>
      %dma_start3A_343 = arith.constant 0 : i32
      %dma_start3A_344 = tpu.memref_slice %arg6[%add3A_336, %dma_start3A_338, %dma_start3A_343] : memref<79x2x128xi32, #tpu.memory_space<vmem>> -> memref<1x1x128xi32, #tpu.memory_space<vmem>>
      %dma_start3A_345 = tpu.memref_squeeze %dma_start3A_344 : memref<1x1x128xi32, #tpu.memory_space<vmem>> -> memref<128xi32, #tpu.memory_space<vmem>>
      %dma_start3A_346 = arith.constant 0 : i32
      %dma_start3A_347 = arith.constant 0 : i32
      %dma_start3A_348 = tpu.memref_slice %arg10[%dma_start3A_346, %dma_start3A_347] : memref<10240x32xf32, #tpu.memory_space<vmem_shared>> -> memref<10240x32xf32, #tpu.memory_space<vmem_shared>>
      tpu.enqueue_indirect_dma source(%dma_start3A_342 : memref<128x32xf32, #tpu.memory_space<vmem>>) target(%dma_start3A_348 : memref<10240x32xf32, #tpu.memory_space<vmem_shared>>) offsets(%dma_start3A_345 : memref<128xi32, #tpu.memory_space<vmem>>) semaphore(%arg9 : memref<!tpu.dma_semaphore, #tpu.memory_space<semaphore_mem>>) {add = true}
      %dma_wait3A_349 = arith.constant 0 : i32
      %dma_wait3A_350 = arith.constant 0 : i32
      %dma_wait3A_351 = arith.constant 5 : i32
      %dma_wait3A_352 = arith.constant 0 : i32
      %dma_wait3A_353 = arith.constant 0 : i32
      %dma_wait3A_354 = tpu.memref_slice %arg7[%rem3A_193, %dma_wait3A_351, %dma_wait3A_352, %dma_wait3A_353] : memref<2x6x128x32xf32, #tpu.memory_space<vmem>> -> memref<1x1x128x32xf32, #tpu.memory_space<vmem>>
      %dma_wait3A_355 = tpu.memref_squeeze %dma_wait3A_354 : memref<1x1x128x32xf32, #tpu.memory_space<vmem>> -> memref<128x32xf32, #tpu.memory_space<vmem>>
      %dma_wait3A_356 = arith.constant 0 : i32
      %dma_wait3A_357 = tpu.memref_slice %arg6[%dma_wait3A_349, %dma_wait3A_350, %dma_wait3A_356] : memref<79x2x128xi32, #tpu.memory_space<vmem>> -> memref<1x1x128xi32, #tpu.memory_space<vmem>>
      %dma_wait3A_358 = tpu.memref_squeeze %dma_wait3A_357 : memref<1x1x128xi32, #tpu.memory_space<vmem>> -> memref<128xi32, #tpu.memory_space<vmem>>
      %dma_wait3A_359 = arith.constant 0 : i32
      %dma_wait3A_360 = arith.constant 0 : i32
      %dma_wait3A_361 = tpu.memref_slice %arg2[%dma_wait3A_359, %dma_wait3A_360] : memref<10000x32xf32, #tpu.memory_space<hbm>> -> memref<10000x32xf32, #tpu.memory_space<hbm>>
      tpu.wait_indirect_dma semaphore(%arg8 : memref<!tpu.dma_semaphore, #tpu.memory_space<semaphore_mem>>) src(%dma_wait3A_361 : memref<10000x32xf32, #tpu.memory_space<hbm>>) dst(%dma_wait3A_355 : memref<128x32xf32, #tpu.memory_space<vmem>>)
      %mul3A_362 = arith.constant 6 : i32
      %mul3A_363 = arith.muli %scan3A_192, %mul3A_362 : i32
      %add3A_364 = arith.constant 5 : i32
      %add3A_365 = arith.addi %mul3A_363, %add3A_364 : i32
      %dma_start3A_366 = arith.constant 5 : i32
      %dma_start3A_367 = arith.constant 1 : i32
      %dma_start3A_368 = arith.constant 0 : i32
      %dma_start3A_369 = arith.constant 0 : i32
      %dma_start3A_370 = tpu.memref_slice %arg7[%rem3A_193, %dma_start3A_366, %dma_start3A_368, %dma_start3A_369] : memref<2x6x128x32xf32, #tpu.memory_space<vmem>> -> memref<1x1x128x32xf32, #tpu.memory_space<vmem>>
      %dma_start3A_371 = tpu.memref_squeeze %dma_start3A_370 : memref<1x1x128x32xf32, #tpu.memory_space<vmem>> -> memref<128x32xf32, #tpu.memory_space<vmem>>
      %dma_start3A_372 = arith.constant 0 : i32
      %dma_start3A_373 = tpu.memref_slice %arg6[%add3A_365, %dma_start3A_367, %dma_start3A_372] : memref<79x2x128xi32, #tpu.memory_space<vmem>> -> memref<1x1x128xi32, #tpu.memory_space<vmem>>
      %dma_start3A_374 = tpu.memref_squeeze %dma_start3A_373 : memref<1x1x128xi32, #tpu.memory_space<vmem>> -> memref<128xi32, #tpu.memory_space<vmem>>
      %dma_start3A_375 = arith.constant 0 : i32
      %dma_start3A_376 = arith.constant 0 : i32
      %dma_start3A_377 = tpu.memref_slice %arg10[%dma_start3A_375, %dma_start3A_376] : memref<10240x32xf32, #tpu.memory_space<vmem_shared>> -> memref<10240x32xf32, #tpu.memory_space<vmem_shared>>
      tpu.enqueue_indirect_dma source(%dma_start3A_371 : memref<128x32xf32, #tpu.memory_space<vmem>>) target(%dma_start3A_377 : memref<10240x32xf32, #tpu.memory_space<vmem_shared>>) offsets(%dma_start3A_374 : memref<128xi32, #tpu.memory_space<vmem>>) semaphore(%arg9 : memref<!tpu.dma_semaphore, #tpu.memory_space<semaphore_mem>>) {add = true}
    }
    %scan3A_98 = arith.constant 13 : i32
    %dma_wait3A = arith.constant 0 : i32
    %dma_wait3A_99 = arith.constant 0 : i32
    %dma_wait3A_100 = arith.constant 0 : i32
    %dma_wait3A_101 = arith.constant 1 : i32
    %dma_wait3A_102 = arith.constant 0 : i32
    %dma_wait3A_103 = arith.constant 0 : i32
    %dma_wait3A_104 = tpu.memref_slice %arg7[%dma_wait3A, %dma_wait3A_99, %dma_wait3A_102, %dma_wait3A_103] : memref<2x6x128x32xf32, #tpu.memory_space<vmem>> -> memref<1x1x128x32xf32, #tpu.memory_space<vmem>>
    %dma_wait3A_105 = tpu.memref_squeeze %dma_wait3A_104 : memref<1x1x128x32xf32, #tpu.memory_space<vmem>> -> memref<128x32xf32, #tpu.memory_space<vmem>>
    %dma_wait3A_106 = arith.constant 0 : i32
    %dma_wait3A_107 = tpu.memref_slice %arg6[%dma_wait3A_100, %dma_wait3A_101, %dma_wait3A_106] : memref<79x2x128xi32, #tpu.memory_space<vmem>> -> memref<1x1x128xi32, #tpu.memory_space<vmem>>
    %dma_wait3A_108 = tpu.memref_squeeze %dma_wait3A_107 : memref<1x1x128xi32, #tpu.memory_space<vmem>> -> memref<128xi32, #tpu.memory_space<vmem>>
    %dma_wait3A_109 = arith.constant 0 : i32
    %dma_wait3A_110 = arith.constant 0 : i32
    %dma_wait3A_111 = tpu.memref_slice %arg10[%dma_wait3A_109, %dma_wait3A_110] : memref<10240x32xf32, #tpu.memory_space<vmem_shared>> -> memref<10240x32xf32, #tpu.memory_space<vmem_shared>>
    tpu.wait_indirect_dma semaphore(%arg9 : memref<!tpu.dma_semaphore, #tpu.memory_space<semaphore_mem>>) src(%dma_wait3A_105 : memref<128x32xf32, #tpu.memory_space<vmem>>) dst(%dma_wait3A_111 : memref<10240x32xf32, #tpu.memory_space<vmem_shared>>)
    %dma_wait3A_112 = arith.constant 0 : i32
    %dma_wait3A_113 = arith.constant 1 : i32
    %dma_wait3A_114 = arith.constant 0 : i32
    %dma_wait3A_115 = arith.constant 1 : i32
    %dma_wait3A_116 = arith.constant 0 : i32
    %dma_wait3A_117 = arith.constant 0 : i32
    %dma_wait3A_118 = tpu.memref_slice %arg7[%dma_wait3A_112, %dma_wait3A_113, %dma_wait3A_116, %dma_wait3A_117] : memref<2x6x128x32xf32, #tpu.memory_space<vmem>> -> memref<1x1x128x32xf32, #tpu.memory_space<vmem>>
    %dma_wait3A_119 = tpu.memref_squeeze %dma_wait3A_118 : memref<1x1x128x32xf32, #tpu.memory_space<vmem>> -> memref<128x32xf32, #tpu.memory_space<vmem>>
    %dma_wait3A_120 = arith.constant 0 : i32
    %dma_wait3A_121 = tpu.memref_slice %arg6[%dma_wait3A_114, %dma_wait3A_115, %dma_wait3A_120] : memref<79x2x128xi32, #tpu.memory_space<vmem>> -> memref<1x1x128xi32, #tpu.memory_space<vmem>>
    %dma_wait3A_122 = tpu.memref_squeeze %dma_wait3A_121 : memref<1x1x128xi32, #tpu.memory_space<vmem>> -> memref<128xi32, #tpu.memory_space<vmem>>
    %dma_wait3A_123 = arith.constant 0 : i32
    %dma_wait3A_124 = arith.constant 0 : i32
    %dma_wait3A_125 = tpu.memref_slice %arg10[%dma_wait3A_123, %dma_wait3A_124] : memref<10240x32xf32, #tpu.memory_space<vmem_shared>> -> memref<10240x32xf32, #tpu.memory_space<vmem_shared>>
    tpu.wait_indirect_dma semaphore(%arg9 : memref<!tpu.dma_semaphore, #tpu.memory_space<semaphore_mem>>) src(%dma_wait3A_119 : memref<128x32xf32, #tpu.memory_space<vmem>>) dst(%dma_wait3A_125 : memref<10240x32xf32, #tpu.memory_space<vmem_shared>>)
    %dma_wait3A_126 = arith.constant 0 : i32
    %dma_wait3A_127 = arith.constant 2 : i32
    %dma_wait3A_128 = arith.constant 0 : i32
    %dma_wait3A_129 = arith.constant 1 : i32
    %dma_wait3A_130 = arith.constant 0 : i32
    %dma_wait3A_131 = arith.constant 0 : i32
    %dma_wait3A_132 = tpu.memref_slice %arg7[%dma_wait3A_126, %dma_wait3A_127, %dma_wait3A_130, %dma_wait3A_131] : memref<2x6x128x32xf32, #tpu.memory_space<vmem>> -> memref<1x1x128x32xf32, #tpu.memory_space<vmem>>
    %dma_wait3A_133 = tpu.memref_squeeze %dma_wait3A_132 : memref<1x1x128x32xf32, #tpu.memory_space<vmem>> -> memref<128x32xf32, #tpu.memory_space<vmem>>
    %dma_wait3A_134 = arith.constant 0 : i32
    %dma_wait3A_135 = tpu.memref_slice %arg6[%dma_wait3A_128, %dma_wait3A_129, %dma_wait3A_134] : memref<79x2x128xi32, #tpu.memory_space<vmem>> -> memref<1x1x128xi32, #tpu.memory_space<vmem>>
    %dma_wait3A_136 = tpu.memref_squeeze %dma_wait3A_135 : memref<1x1x128xi32, #tpu.memory_space<vmem>> -> memref<128xi32, #tpu.memory_space<vmem>>
    %dma_wait3A_137 = arith.constant 0 : i32
    %dma_wait3A_138 = arith.constant 0 : i32
    %dma_wait3A_139 = tpu.memref_slice %arg10[%dma_wait3A_137, %dma_wait3A_138] : memref<10240x32xf32, #tpu.memory_space<vmem_shared>> -> memref<10240x32xf32, #tpu.memory_space<vmem_shared>>
    tpu.wait_indirect_dma semaphore(%arg9 : memref<!tpu.dma_semaphore, #tpu.memory_space<semaphore_mem>>) src(%dma_wait3A_133 : memref<128x32xf32, #tpu.memory_space<vmem>>) dst(%dma_wait3A_139 : memref<10240x32xf32, #tpu.memory_space<vmem_shared>>)
    %dma_wait3A_140 = arith.constant 0 : i32
    %dma_wait3A_141 = arith.constant 3 : i32
    %dma_wait3A_142 = arith.constant 0 : i32
    %dma_wait3A_143 = arith.constant 1 : i32
    %dma_wait3A_144 = arith.constant 0 : i32
    %dma_wait3A_145 = arith.constant 0 : i32
    %dma_wait3A_146 = tpu.memref_slice %arg7[%dma_wait3A_140, %dma_wait3A_141, %dma_wait3A_144, %dma_wait3A_145] : memref<2x6x128x32xf32, #tpu.memory_space<vmem>> -> memref<1x1x128x32xf32, #tpu.memory_space<vmem>>
    %dma_wait3A_147 = tpu.memref_squeeze %dma_wait3A_146 : memref<1x1x128x32xf32, #tpu.memory_space<vmem>> -> memref<128x32xf32, #tpu.memory_space<vmem>>
    %dma_wait3A_148 = arith.constant 0 : i32
    %dma_wait3A_149 = tpu.memref_slice %arg6[%dma_wait3A_142, %dma_wait3A_143, %dma_wait3A_148] : memref<79x2x128xi32, #tpu.memory_space<vmem>> -> memref<1x1x128xi32, #tpu.memory_space<vmem>>
    %dma_wait3A_150 = tpu.memref_squeeze %dma_wait3A_149 : memref<1x1x128xi32, #tpu.memory_space<vmem>> -> memref<128xi32, #tpu.memory_space<vmem>>
    %dma_wait3A_151 = arith.constant 0 : i32
    %dma_wait3A_152 = arith.constant 0 : i32
    %dma_wait3A_153 = tpu.memref_slice %arg10[%dma_wait3A_151, %dma_wait3A_152] : memref<10240x32xf32, #tpu.memory_space<vmem_shared>> -> memref<10240x32xf32, #tpu.memory_space<vmem_shared>>
    tpu.wait_indirect_dma semaphore(%arg9 : memref<!tpu.dma_semaphore, #tpu.memory_space<semaphore_mem>>) src(%dma_wait3A_147 : memref<128x32xf32, #tpu.memory_space<vmem>>) dst(%dma_wait3A_153 : memref<10240x32xf32, #tpu.memory_space<vmem_shared>>)
    %dma_wait3A_154 = arith.constant 0 : i32
    %dma_wait3A_155 = arith.constant 4 : i32
    %dma_wait3A_156 = arith.constant 0 : i32
    %dma_wait3A_157 = arith.constant 1 : i32
    %dma_wait3A_158 = arith.constant 0 : i32
    %dma_wait3A_159 = arith.constant 0 : i32
    %dma_wait3A_160 = tpu.memref_slice %arg7[%dma_wait3A_154, %dma_wait3A_155, %dma_wait3A_158, %dma_wait3A_159] : memref<2x6x128x32xf32, #tpu.memory_space<vmem>> -> memref<1x1x128x32xf32, #tpu.memory_space<vmem>>
    %dma_wait3A_161 = tpu.memref_squeeze %dma_wait3A_160 : memref<1x1x128x32xf32, #tpu.memory_space<vmem>> -> memref<128x32xf32, #tpu.memory_space<vmem>>
    %dma_wait3A_162 = arith.constant 0 : i32
    %dma_wait3A_163 = tpu.memref_slice %arg6[%dma_wait3A_156, %dma_wait3A_157, %dma_wait3A_162] : memref<79x2x128xi32, #tpu.memory_space<vmem>> -> memref<1x1x128xi32, #tpu.memory_space<vmem>>
    %dma_wait3A_164 = tpu.memref_squeeze %dma_wait3A_163 : memref<1x1x128xi32, #tpu.memory_space<vmem>> -> memref<128xi32, #tpu.memory_space<vmem>>
    %dma_wait3A_165 = arith.constant 0 : i32
    %dma_wait3A_166 = arith.constant 0 : i32
    %dma_wait3A_167 = tpu.memref_slice %arg10[%dma_wait3A_165, %dma_wait3A_166] : memref<10240x32xf32, #tpu.memory_space<vmem_shared>> -> memref<10240x32xf32, #tpu.memory_space<vmem_shared>>
    tpu.wait_indirect_dma semaphore(%arg9 : memref<!tpu.dma_semaphore, #tpu.memory_space<semaphore_mem>>) src(%dma_wait3A_161 : memref<128x32xf32, #tpu.memory_space<vmem>>) dst(%dma_wait3A_167 : memref<10240x32xf32, #tpu.memory_space<vmem_shared>>)
    %dma_wait3A_168 = arith.constant 0 : i32
    %dma_wait3A_169 = arith.constant 5 : i32
    %dma_wait3A_170 = arith.constant 0 : i32
    %dma_wait3A_171 = arith.constant 1 : i32
    %dma_wait3A_172 = arith.constant 0 : i32
    %dma_wait3A_173 = arith.constant 0 : i32
    %dma_wait3A_174 = tpu.memref_slice %arg7[%dma_wait3A_168, %dma_wait3A_169, %dma_wait3A_172, %dma_wait3A_173] : memref<2x6x128x32xf32, #tpu.memory_space<vmem>> -> memref<1x1x128x32xf32, #tpu.memory_space<vmem>>
    %dma_wait3A_175 = tpu.memref_squeeze %dma_wait3A_174 : memref<1x1x128x32xf32, #tpu.memory_space<vmem>> -> memref<128x32xf32, #tpu.memory_space<vmem>>
    %dma_wait3A_176 = arith.constant 0 : i32
    %dma_wait3A_177 = tpu.memref_slice %arg6[%dma_wait3A_170, %dma_wait3A_171, %dma_wait3A_176] : memref<79x2x128xi32, #tpu.memory_space<vmem>> -> memref<1x1x128xi32, #tpu.memory_space<vmem>>
    %dma_wait3A_178 = tpu.memref_squeeze %dma_wait3A_177 : memref<1x1x128xi32, #tpu.memory_space<vmem>> -> memref<128xi32, #tpu.memory_space<vmem>>
    %dma_wait3A_179 = arith.constant 0 : i32
    %dma_wait3A_180 = arith.constant 0 : i32
    %dma_wait3A_181 = tpu.memref_slice %arg10[%dma_wait3A_179, %dma_wait3A_180] : memref<10240x32xf32, #tpu.memory_space<vmem_shared>> -> memref<10240x32xf32, #tpu.memory_space<vmem_shared>>
    tpu.wait_indirect_dma semaphore(%arg9 : memref<!tpu.dma_semaphore, #tpu.memory_space<semaphore_mem>>) src(%dma_wait3A_175 : memref<128x32xf32, #tpu.memory_space<vmem>>) dst(%dma_wait3A_181 : memref<10240x32xf32, #tpu.memory_space<vmem_shared>>)
    %lt3A_182 = arith.constant 4 : i32
    %lt3A_183 = arith.cmpi slt, %add3A, %lt3A_182 : i32
    %convert_element_type3A_184 = arith.extui %lt3A_183 : i1 to i32
    %cond3A_185 = arith.constant 0 : i32
    %cond3A_186 = arith.cmpi ne, %convert_element_type3A_184, %cond3A_185 : i32
    scf.if %cond3A_186 {
      %dma_start3A_192 = arith.constant 78 : i32
      %dma_start3A_193 = arith.constant 0 : i32
      %dma_start3A_194 = arith.constant 0 : i32
      %dma_start3A_195 = arith.constant 0 : i32
      %dma_start3A_196 = arith.constant 0 : i32
      %dma_start3A_197 = arith.constant 0 : i32
      %dma_start3A_198 = tpu.memref_slice %arg7[%dma_start3A_194, %dma_start3A_195, %dma_start3A_196, %dma_start3A_197] : memref<2x6x128x32xf32, #tpu.memory_space<vmem>> -> memref<1x1x128x32xf32, #tpu.memory_space<vmem>>
      %dma_start3A_199 = tpu.memref_squeeze %dma_start3A_198 : memref<1x1x128x32xf32, #tpu.memory_space<vmem>> -> memref<128x32xf32, #tpu.memory_space<vmem>>
      %dma_start3A_200 = arith.constant 0 : i32
      %dma_start3A_201 = tpu.memref_slice %arg6[%dma_start3A_192, %dma_start3A_193, %dma_start3A_200] : memref<79x2x128xi32, #tpu.memory_space<vmem>> -> memref<1x1x128xi32, #tpu.memory_space<vmem>>
      %dma_start3A_202 = tpu.memref_squeeze %dma_start3A_201 : memref<1x1x128xi32, #tpu.memory_space<vmem>> -> memref<128xi32, #tpu.memory_space<vmem>>
      %dma_start3A_203 = arith.constant 0 : i32
      %dma_start3A_204 = arith.constant 0 : i32
      %dma_start3A_205 = tpu.memref_slice %arg2[%dma_start3A_203, %dma_start3A_204] : memref<10000x32xf32, #tpu.memory_space<hbm>> -> memref<10000x32xf32, #tpu.memory_space<hbm>>
      tpu.enqueue_indirect_dma source(%dma_start3A_205 : memref<10000x32xf32, #tpu.memory_space<hbm>>) target(%dma_start3A_199 : memref<128x32xf32, #tpu.memory_space<vmem>>) offsets(%dma_start3A_202 : memref<128xi32, #tpu.memory_space<vmem>>) semaphore(%arg8 : memref<!tpu.dma_semaphore, #tpu.memory_space<semaphore_mem>>)
      %dma_wait3A_206 = arith.constant 78 : i32
      %dma_wait3A_207 = arith.constant 0 : i32
      %dma_wait3A_208 = arith.constant 0 : i32
      %dma_wait3A_209 = arith.constant 0 : i32
      %dma_wait3A_210 = arith.constant 0 : i32
      %dma_wait3A_211 = arith.constant 0 : i32
      %dma_wait3A_212 = tpu.memref_slice %arg7[%dma_wait3A_208, %dma_wait3A_209, %dma_wait3A_210, %dma_wait3A_211] : memref<2x6x128x32xf32, #tpu.memory_space<vmem>> -> memref<1x1x128x32xf32, #tpu.memory_space<vmem>>
      %dma_wait3A_213 = tpu.memref_squeeze %dma_wait3A_212 : memref<1x1x128x32xf32, #tpu.memory_space<vmem>> -> memref<128x32xf32, #tpu.memory_space<vmem>>
      %dma_wait3A_214 = arith.constant 0 : i32
      %dma_wait3A_215 = tpu.memref_slice %arg6[%dma_wait3A_206, %dma_wait3A_207, %dma_wait3A_214] : memref<79x2x128xi32, #tpu.memory_space<vmem>> -> memref<1x1x128xi32, #tpu.memory_space<vmem>>
      %dma_wait3A_216 = tpu.memref_squeeze %dma_wait3A_215 : memref<1x1x128xi32, #tpu.memory_space<vmem>> -> memref<128xi32, #tpu.memory_space<vmem>>
      %dma_wait3A_217 = arith.constant 0 : i32
      %dma_wait3A_218 = arith.constant 0 : i32
      %dma_wait3A_219 = tpu.memref_slice %arg2[%dma_wait3A_217, %dma_wait3A_218] : memref<10000x32xf32, #tpu.memory_space<hbm>> -> memref<10000x32xf32, #tpu.memory_space<hbm>>
      tpu.wait_indirect_dma semaphore(%arg8 : memref<!tpu.dma_semaphore, #tpu.memory_space<semaphore_mem>>) src(%dma_wait3A_219 : memref<10000x32xf32, #tpu.memory_space<hbm>>) dst(%dma_wait3A_213 : memref<128x32xf32, #tpu.memory_space<vmem>>)
      %dma_start3A_220 = arith.constant 0 : i32
      %dma_start3A_221 = arith.constant 0 : i32
      %dma_start3A_222 = arith.constant 78 : i32
      %dma_start3A_223 = arith.constant 1 : i32
      %dma_start3A_224 = arith.constant 0 : i32
      %dma_start3A_225 = arith.constant 0 : i32
      %dma_start3A_226 = tpu.memref_slice %arg7[%dma_start3A_220, %dma_start3A_221, %dma_start3A_224, %dma_start3A_225] : memref<2x6x128x32xf32, #tpu.memory_space<vmem>> -> memref<1x1x128x32xf32, #tpu.memory_space<vmem>>
      %dma_start3A_227 = tpu.memref_squeeze %dma_start3A_226 : memref<1x1x128x32xf32, #tpu.memory_space<vmem>> -> memref<128x32xf32, #tpu.memory_space<vmem>>
      %dma_start3A_228 = arith.constant 0 : i32
      %dma_start3A_229 = tpu.memref_slice %arg6[%dma_start3A_222, %dma_start3A_223, %dma_start3A_228] : memref<79x2x128xi32, #tpu.memory_space<vmem>> -> memref<1x1x128xi32, #tpu.memory_space<vmem>>
      %dma_start3A_230 = tpu.memref_squeeze %dma_start3A_229 : memref<1x1x128xi32, #tpu.memory_space<vmem>> -> memref<128xi32, #tpu.memory_space<vmem>>
      %dma_start3A_231 = arith.constant 0 : i32
      %dma_start3A_232 = arith.constant 0 : i32
      %dma_start3A_233 = tpu.memref_slice %arg10[%dma_start3A_231, %dma_start3A_232] : memref<10240x32xf32, #tpu.memory_space<vmem_shared>> -> memref<10240x32xf32, #tpu.memory_space<vmem_shared>>
      tpu.enqueue_indirect_dma source(%dma_start3A_227 : memref<128x32xf32, #tpu.memory_space<vmem>>) target(%dma_start3A_233 : memref<10240x32xf32, #tpu.memory_space<vmem_shared>>) offsets(%dma_start3A_230 : memref<128xi32, #tpu.memory_space<vmem>>) semaphore(%arg9 : memref<!tpu.dma_semaphore, #tpu.memory_space<semaphore_mem>>) {add = true}
      %dma_wait3A_234 = arith.constant 0 : i32
      %dma_wait3A_235 = arith.constant 0 : i32
      %dma_wait3A_236 = arith.constant 78 : i32
      %dma_wait3A_237 = arith.constant 1 : i32
      %dma_wait3A_238 = arith.constant 0 : i32
      %dma_wait3A_239 = arith.constant 0 : i32
      %dma_wait3A_240 = tpu.memref_slice %arg7[%dma_wait3A_234, %dma_wait3A_235, %dma_wait3A_238, %dma_wait3A_239] : memref<2x6x128x32xf32, #tpu.memory_space<vmem>> -> memref<1x1x128x32xf32, #tpu.memory_space<vmem>>
      %dma_wait3A_241 = tpu.memref_squeeze %dma_wait3A_240 : memref<1x1x128x32xf32, #tpu.memory_space<vmem>> -> memref<128x32xf32, #tpu.memory_space<vmem>>
      %dma_wait3A_242 = arith.constant 0 : i32
      %dma_wait3A_243 = tpu.memref_slice %arg6[%dma_wait3A_236, %dma_wait3A_237, %dma_wait3A_242] : memref<79x2x128xi32, #tpu.memory_space<vmem>> -> memref<1x1x128xi32, #tpu.memory_space<vmem>>
      %dma_wait3A_244 = tpu.memref_squeeze %dma_wait3A_243 : memref<1x1x128xi32, #tpu.memory_space<vmem>> -> memref<128xi32, #tpu.memory_space<vmem>>
      %dma_wait3A_245 = arith.constant 0 : i32
      %dma_wait3A_246 = arith.constant 0 : i32
      %dma_wait3A_247 = tpu.memref_slice %arg10[%dma_wait3A_245, %dma_wait3A_246] : memref<10240x32xf32, #tpu.memory_space<vmem_shared>> -> memref<10240x32xf32, #tpu.memory_space<vmem_shared>>
      tpu.wait_indirect_dma semaphore(%arg9 : memref<!tpu.dma_semaphore, #tpu.memory_space<semaphore_mem>>) src(%dma_wait3A_241 : memref<128x32xf32, #tpu.memory_space<vmem>>) dst(%dma_wait3A_247 : memref<10240x32xf32, #tpu.memory_space<vmem_shared>>)
    } else {
    }
    %barrier3A_187 = arith.constant 0 : index
    tpu.barrier barrier_id(%barrier3A_187)
    %mul3A_188 = arith.constant 640 : i32
    %mul3A_189 = arith.muli %arg1, %mul3A_188 : i32
    %mul3A_190 = arith.constant 640 : i32
    %mul3A_191 = arith.muli %arg1, %mul3A_190 : i32
    "tpu.region"() ({
      %run_scoped3A = tpu.sem_alloc : memref<!tpu.dma_semaphore, #tpu.memory_space<semaphore_mem>>
      %dma_start3A_192 = arith.constant 0 : i32
      %dma_start3A_193 = tpu.memref_slice %arg5[%arg0, %mul3A_191, %dma_start3A_192] : memref<2x10240x32xf32, #tpu.memory_space<hbm>> -> memref<1x640x32xf32, #tpu.memory_space<hbm>>
      %dma_start3A_194 = tpu.memref_squeeze %dma_start3A_193 : memref<1x640x32xf32, #tpu.memory_space<hbm>> -> memref<640x32xf32, #tpu.memory_space<hbm>>
      %dma_start3A_195 = arith.constant 0 : i32
      %dma_start3A_196 = tpu.memref_slice %arg10[%mul3A_189, %dma_start3A_195] : memref<10240x32xf32, #tpu.memory_space<vmem_shared>> -> memref<640x32xf32, #tpu.memory_space<vmem_shared>>
      tpu.enqueue_dma source(%dma_start3A_196 : memref<640x32xf32, #tpu.memory_space<vmem_shared>>) target(%dma_start3A_194 : memref<640x32xf32, #tpu.memory_space<hbm>>) target_semaphore(%run_scoped3A : memref<!tpu.dma_semaphore, #tpu.memory_space<semaphore_mem>>)
      %dma_wait3A_197 = arith.constant 0 : i32
      %dma_wait3A_198 = tpu.memref_slice %arg5[%arg0, %mul3A_191, %dma_wait3A_197] : memref<2x10240x32xf32, #tpu.memory_space<hbm>> -> memref<1x640x32xf32, #tpu.memory_space<hbm>>
      %dma_wait3A_199 = tpu.memref_squeeze %dma_wait3A_198 : memref<1x640x32xf32, #tpu.memory_space<hbm>> -> memref<640x32xf32, #tpu.memory_space<hbm>>
      %dma_wait3A_200 = arith.constant 0 : i32
      %dma_wait3A_201 = tpu.memref_slice %arg10[%mul3A_189, %dma_wait3A_200] : memref<10240x32xf32, #tpu.memory_space<vmem_shared>> -> memref<640x32xf32, #tpu.memory_space<vmem_shared>>
      tpu.wait_dma2 semaphore(%run_scoped3A : memref<!tpu.dma_semaphore, #tpu.memory_space<semaphore_mem>>) src(%dma_wait3A_201 : memref<640x32xf32, #tpu.memory_space<vmem_shared>>) dst(%dma_wait3A_199 : memref<640x32xf32, #tpu.memory_space<hbm>>)
      tpu.yield
    }) : () -> ()
    return
  }
}

#map = affine_map<(d0, d1) -> (0, 0)>
#map1 = affine_map<(d0, d1) -> (0, 0, 0)>
module attributes {stable_mosaic.version = 14 : i64} {
  func.func @_scatter_body(%arg0: i32, %arg1: i32, %arg2: memref<10000x32xf32, #tpu.memory_space<hbm>>, %arg3: memref<2500x2x128xi32, #tpu.memory_space<hbm>>, %arg4: memref<10240x32xf32, #tpu.memory_space<hbm>>, %arg5: memref<2x10240x32xf32, #tpu.memory_space<hbm>>, %arg6: memref<79x2x128xi32, #tpu.memory_space<vmem>>, %arg7: memref<2x6x128x32xf32, #tpu.memory_space<vmem>>, %arg8: memref<!tpu.dma_semaphore, #tpu.memory_space<semaphore_mem>>, %arg9: memref<!tpu.dma_semaphore, #tpu.memory_space<semaphore_mem>>, %arg10: memref<10240x32xf32, #tpu.memory_space<vmem_shared>>) attributes {dimension_semantics = [#tpu.dimension_semantics<core_parallel>, #tpu.dimension_semantics<subcore_parallel>], iteration_bounds = array<i64: 2, 16>, scalar_prefetch = 0 : i64, scratch_operands = 5 : i64, tpu.core_type = #tpu.core_type<sc_vector_subcore>, window_params = [{transform_indices = #map}, {transform_indices = #map1}, {transform_indices = #map}, {transform_indices = #map1}]} {
    %mul3A = arith.constant 16 : i32
    %mul3A_0 = arith.muli %arg0, %mul3A : i32
    %add3A = arith.addi %mul3A_0, %arg1 : i32
    %mul3A_1 = arith.constant 640 : i32
    %mul3A_2 = arith.muli %arg1, %mul3A_1 : i32
    %mul3A_3 = arith.constant 640 : i32
    %mul3A_4 = arith.muli %arg1, %mul3A_3 : i32
    "tpu.region"() ({
      %run_scoped3A = tpu.sem_alloc : memref<!tpu.dma_semaphore, #tpu.memory_space<semaphore_mem>>
      %dma_start3A_192 = arith.constant 0 : i32
      %dma_start3A_193 = tpu.memref_slice %arg10[%mul3A_4, %dma_start3A_192] : memref<10240x32xf32, #tpu.memory_space<vmem_shared>> -> memref<640x32xf32, #tpu.memory_space<vmem_shared>>
      %dma_start3A_194 = arith.constant 0 : i32
      %dma_start3A_195 = tpu.memref_slice %arg4[%mul3A_2, %dma_start3A_194] : memref<10240x32xf32, #tpu.memory_space<hbm>> -> memref<640x32xf32, #tpu.memory_space<hbm>>
      tpu.enqueue_dma source(%dma_start3A_195 : memref<640x32xf32, #tpu.memory_space<hbm>>) target(%dma_start3A_193 : memref<640x32xf32, #tpu.memory_space<vmem_shared>>) target_semaphore(%run_scoped3A : memref<!tpu.dma_semaphore, #tpu.memory_space<semaphore_mem>>)
      %dma_wait3A_196 = arith.constant 0 : i32
      %dma_wait3A_197 = tpu.memref_slice %arg10[%mul3A_4, %dma_wait3A_196] : memref<10240x32xf32, #tpu.memory_space<vmem_shared>> -> memref<640x32xf32, #tpu.memory_space<vmem_shared>>
      %dma_wait3A_198 = arith.constant 0 : i32
      %dma_wait3A_199 = tpu.memref_slice %arg4[%mul3A_2, %dma_wait3A_198] : memref<10240x32xf32, #tpu.memory_space<hbm>> -> memref<640x32xf32, #tpu.memory_space<hbm>>
      tpu.wait_dma2 semaphore(%run_scoped3A : memref<!tpu.dma_semaphore, #tpu.memory_space<semaphore_mem>>) src(%dma_wait3A_199 : memref<640x32xf32, #tpu.memory_space<hbm>>) dst(%dma_wait3A_197 : memref<640x32xf32, #tpu.memory_space<vmem_shared>>)
      tpu.yield
    }) : () -> ()
    %mul3A_5 = arith.constant 78 : i32
    %mul3A_6 = arith.muli %add3A, %mul3A_5 : i32
    %min3A = arith.constant 4 : i32
    %min3A_7 = arith.minsi %add3A, %min3A : i32
    %add3A_8 = arith.addi %mul3A_6, %min3A_7 : i32
    "tpu.region"() ({
      %run_scoped3A = tpu.sem_alloc : memref<!tpu.dma_semaphore, #tpu.memory_space<semaphore_mem>>
      %dma_start3A_192 = arith.constant 0 : i32
      %dma_start3A_193 = arith.constant 0 : i32
      %dma_start3A_194 = arith.constant 0 : i32
      %dma_start3A_195 = tpu.memref_slice %arg6[%dma_start3A_192, %dma_start3A_193, %dma_start3A_194] : memref<79x2x128xi32, #tpu.memory_space<vmem>> -> memref<78x2x128xi32, #tpu.memory_space<vmem>>
      %dma_start3A_196 = arith.constant 0 : i32
      %dma_start3A_197 = arith.constant 0 : i32
      %dma_start3A_198 = tpu.memref_slice %arg3[%add3A_8, %dma_start3A_196, %dma_start3A_197] : memref<2500x2x128xi32, #tpu.memory_space<hbm>> -> memref<78x2x128xi32, #tpu.memory_space<hbm>>
      %dma_start3A_199 = arith.constant 0 : i32
      %dma_start3A_200 = arith.constant 0 : i32
      %dma_start3A_201 = arith.constant 0 : i32
      %dma_start3A_202 = tpu.memref_slice %arg6[%dma_start3A_199, %dma_start3A_200, %dma_start3A_201] : memref<79x2x128xi32, #tpu.memory_space<vmem>> -> memref<78x2x128xi32, #tpu.memory_space<vmem>>
      %dma_start3A_203 = arith.constant 0 : i32
      %dma_start3A_204 = arith.constant 0 : i32
      %dma_start3A_205 = tpu.memref_slice %arg3[%add3A_8, %dma_start3A_203, %dma_start3A_204] : memref<2500x2x128xi32, #tpu.memory_space<hbm>> -> memref<78x2x128xi32, #tpu.memory_space<hbm>>
      tpu.enqueue_dma source(%dma_start3A_205 : memref<78x2x128xi32, #tpu.memory_space<hbm>>) target(%dma_start3A_202 : memref<78x2x128xi32, #tpu.memory_space<vmem>>) target_semaphore(%run_scoped3A : memref<!tpu.dma_semaphore, #tpu.memory_space<semaphore_mem>>)
      %dma_wait3A_206 = arith.constant 0 : i32
      %dma_wait3A_207 = arith.constant 0 : i32
      %dma_wait3A_208 = arith.constant 0 : i32
      %dma_wait3A_209 = tpu.memref_slice %arg6[%dma_wait3A_206, %dma_wait3A_207, %dma_wait3A_208] : memref<79x2x128xi32, #tpu.memory_space<vmem>> -> memref<78x2x128xi32, #tpu.memory_space<vmem>>
      %dma_wait3A_210 = arith.constant 0 : i32
      %dma_wait3A_211 = arith.constant 0 : i32
      %dma_wait3A_212 = tpu.memref_slice %arg3[%add3A_8, %dma_wait3A_210, %dma_wait3A_211] : memref<2500x2x128xi32, #tpu.memory_space<hbm>> -> memref<78x2x128xi32, #tpu.memory_space<hbm>>
      %dma_wait3A_213 = arith.constant 0 : i32
      %dma_wait3A_214 = arith.constant 0 : i32
      %dma_wait3A_215 = arith.constant 0 : i32
      %dma_wait3A_216 = tpu.memref_slice %arg6[%dma_wait3A_213, %dma_wait3A_214, %dma_wait3A_215] : memref<79x2x128xi32, #tpu.memory_space<vmem>> -> memref<78x2x128xi32, #tpu.memory_space<vmem>>
      %dma_wait3A_217 = arith.constant 0 : i32
      %dma_wait3A_218 = arith.constant 0 : i32
      %dma_wait3A_219 = tpu.memref_slice %arg3[%add3A_8, %dma_wait3A_217, %dma_wait3A_218] : memref<2500x2x128xi32, #tpu.memory_space<hbm>> -> memref<78x2x128xi32, #tpu.memory_space<hbm>>
      tpu.wait_dma2 semaphore(%run_scoped3A : memref<!tpu.dma_semaphore, #tpu.memory_space<semaphore_mem>>) src(%dma_wait3A_219 : memref<78x2x128xi32, #tpu.memory_space<hbm>>) dst(%dma_wait3A_216 : memref<78x2x128xi32, #tpu.memory_space<vmem>>)
      tpu.yield
    }) : () -> ()
    %lt3A = arith.constant 4 : i32
    %lt3A_9 = arith.cmpi slt, %add3A, %lt3A : i32
    %convert_element_type3A = arith.extui %lt3A_9 : i1 to i32
    %cond3A = arith.constant 0 : i32
    %cond3A_10 = arith.cmpi ne, %convert_element_type3A, %cond3A : i32
    scf.if %cond3A_10 {
      %add3A_192 = arith.constant 78 : i32
      %add3A_193 = arith.addi %add3A_8, %add3A_192 : i32
      "tpu.region"() ({
        %run_scoped3A = tpu.sem_alloc : memref<!tpu.dma_semaphore, #tpu.memory_space<semaphore_mem>>
        %dma_start3A_194 = arith.constant 78 : i32
        %dma_start3A_195 = arith.constant 0 : i32
        %dma_start3A_196 = arith.constant 0 : i32
        %dma_start3A_197 = tpu.memref_slice %arg6[%dma_start3A_194, %dma_start3A_195, %dma_start3A_196] : memref<79x2x128xi32, #tpu.memory_space<vmem>> -> memref<1x2x128xi32, #tpu.memory_space<vmem>>
        %dma_start3A_198 = arith.constant 0 : i32
        %dma_start3A_199 = arith.constant 0 : i32
        %dma_start3A_200 = tpu.memref_slice %arg3[%add3A_193, %dma_start3A_198, %dma_start3A_199] : memref<2500x2x128xi32, #tpu.memory_space<hbm>> -> memref<1x2x128xi32, #tpu.memory_space<hbm>>
        %dma_start3A_201 = arith.constant 78 : i32
        %dma_start3A_202 = arith.constant 0 : i32
        %dma_start3A_203 = arith.constant 0 : i32
        %dma_start3A_204 = tpu.memref_slice %arg6[%dma_start3A_201, %dma_start3A_202, %dma_start3A_203] : memref<79x2x128xi32, #tpu.memory_space<vmem>> -> memref<1x2x128xi32, #tpu.memory_space<vmem>>
        %dma_start3A_205 = arith.constant 0 : i32
        %dma_start3A_206 = arith.constant 0 : i32
        %dma_start3A_207 = tpu.memref_slice %arg3[%add3A_193, %dma_start3A_205, %dma_start3A_206] : memref<2500x2x128xi32, #tpu.memory_space<hbm>> -> memref<1x2x128xi32, #tpu.memory_space<hbm>>
        tpu.enqueue_dma source(%dma_start3A_207 : memref<1x2x128xi32, #tpu.memory_space<hbm>>) target(%dma_start3A_204 : memref<1x2x128xi32, #tpu.memory_space<vmem>>) target_semaphore(%run_scoped3A : memref<!tpu.dma_semaphore, #tpu.memory_space<semaphore_mem>>)
        %dma_wait3A_208 = arith.constant 78 : i32
        %dma_wait3A_209 = arith.constant 0 : i32
        %dma_wait3A_210 = arith.constant 0 : i32
        %dma_wait3A_211 = tpu.memref_slice %arg6[%dma_wait3A_208, %dma_wait3A_209, %dma_wait3A_210] : memref<79x2x128xi32, #tpu.memory_space<vmem>> -> memref<1x2x128xi32, #tpu.memory_space<vmem>>
        %dma_wait3A_212 = arith.constant 0 : i32
        %dma_wait3A_213 = arith.constant 0 : i32
        %dma_wait3A_214 = tpu.memref_slice %arg3[%add3A_193, %dma_wait3A_212, %dma_wait3A_213] : memref<2500x2x128xi32, #tpu.memory_space<hbm>> -> memref<1x2x128xi32, #tpu.memory_space<hbm>>
        %dma_wait3A_215 = arith.constant 78 : i32
        %dma_wait3A_216 = arith.constant 0 : i32
        %dma_wait3A_217 = arith.constant 0 : i32
        %dma_wait3A_218 = tpu.memref_slice %arg6[%dma_wait3A_215, %dma_wait3A_216, %dma_wait3A_217] : memref<79x2x128xi32, #tpu.memory_space<vmem>> -> memref<1x2x128xi32, #tpu.memory_space<vmem>>
        %dma_wait3A_219 = arith.constant 0 : i32
        %dma_wait3A_220 = arith.constant 0 : i32
        %dma_wait3A_221 = tpu.memref_slice %arg3[%add3A_193, %dma_wait3A_219, %dma_wait3A_220] : memref<2500x2x128xi32, #tpu.memory_space<hbm>> -> memref<1x2x128xi32, #tpu.memory_space<hbm>>
        tpu.wait_dma2 semaphore(%run_scoped3A : memref<!tpu.dma_semaphore, #tpu.memory_space<semaphore_mem>>) src(%dma_wait3A_221 : memref<1x2x128xi32, #tpu.memory_space<hbm>>) dst(%dma_wait3A_218 : memref<1x2x128xi32, #tpu.memory_space<vmem>>)
        tpu.yield
      }) : () -> ()
    } else {
    }
    %barrier3A = arith.constant 0 : index
    tpu.barrier barrier_id(%barrier3A)
    %dma_start3A = arith.constant 0 : i32
    %dma_start3A_11 = arith.constant 0 : i32
    %dma_start3A_12 = arith.constant 0 : i32
    %dma_start3A_13 = arith.constant 0 : i32
    %dma_start3A_14 = arith.constant 0 : i32
    %dma_start3A_15 = arith.constant 0 : i32
    %dma_start3A_16 = tpu.memref_slice %arg7[%dma_start3A_12, %dma_start3A_13, %dma_start3A_14, %dma_start3A_15] : memref<2x6x128x32xf32, #tpu.memory_space<vmem>> -> memref<1x1x128x32xf32, #tpu.memory_space<vmem>>
    %dma_start3A_17 = tpu.memref_squeeze %dma_start3A_16 : memref<1x1x128x32xf32, #tpu.memory_space<vmem>> -> memref<128x32xf32, #tpu.memory_space<vmem>>
    %dma_start3A_18 = arith.constant 0 : i32
    %dma_start3A_19 = tpu.memref_slice %arg6[%dma_start3A, %dma_start3A_11, %dma_start3A_18] : memref<79x2x128xi32, #tpu.memory_space<vmem>> -> memref<1x1x128xi32, #tpu.memory_space<vmem>>
    %dma_start3A_20 = tpu.memref_squeeze %dma_start3A_19 : memref<1x1x128xi32, #tpu.memory_space<vmem>> -> memref<128xi32, #tpu.memory_space<vmem>>
    %dma_start3A_21 = arith.constant 0 : i32
    %dma_start3A_22 = arith.constant 0 : i32
    %dma_start3A_23 = tpu.memref_slice %arg2[%dma_start3A_21, %dma_start3A_22] : memref<10000x32xf32, #tpu.memory_space<hbm>> -> memref<10000x32xf32, #tpu.memory_space<hbm>>
    tpu.enqueue_indirect_dma source(%dma_start3A_23 : memref<10000x32xf32, #tpu.memory_space<hbm>>) target(%dma_start3A_17 : memref<128x32xf32, #tpu.memory_space<vmem>>) offsets(%dma_start3A_20 : memref<128xi32, #tpu.memory_space<vmem>>) semaphore(%arg8 : memref<!tpu.dma_semaphore, #tpu.memory_space<semaphore_mem>>)
    %dma_start3A_24 = arith.constant 1 : i32
    %dma_start3A_25 = arith.constant 0 : i32
    %dma_start3A_26 = arith.constant 0 : i32
    %dma_start3A_27 = arith.constant 1 : i32
    %dma_start3A_28 = arith.constant 0 : i32
    %dma_start3A_29 = arith.constant 0 : i32
    %dma_start3A_30 = tpu.memref_slice %arg7[%dma_start3A_26, %dma_start3A_27, %dma_start3A_28, %dma_start3A_29] : memref<2x6x128x32xf32, #tpu.memory_space<vmem>> -> memref<1x1x128x32xf32, #tpu.memory_space<vmem>>
    %dma_start3A_31 = tpu.memref_squeeze %dma_start3A_30 : memref<1x1x128x32xf32, #tpu.memory_space<vmem>> -> memref<128x32xf32, #tpu.memory_space<vmem>>
    %dma_start3A_32 = arith.constant 0 : i32
    %dma_start3A_33 = tpu.memref_slice %arg6[%dma_start3A_24, %dma_start3A_25, %dma_start3A_32] : memref<79x2x128xi32, #tpu.memory_space<vmem>> -> memref<1x1x128xi32, #tpu.memory_space<vmem>>
    %dma_start3A_34 = tpu.memref_squeeze %dma_start3A_33 : memref<1x1x128xi32, #tpu.memory_space<vmem>> -> memref<128xi32, #tpu.memory_space<vmem>>
    %dma_start3A_35 = arith.constant 0 : i32
    %dma_start3A_36 = arith.constant 0 : i32
    %dma_start3A_37 = tpu.memref_slice %arg2[%dma_start3A_35, %dma_start3A_36] : memref<10000x32xf32, #tpu.memory_space<hbm>> -> memref<10000x32xf32, #tpu.memory_space<hbm>>
    tpu.enqueue_indirect_dma source(%dma_start3A_37 : memref<10000x32xf32, #tpu.memory_space<hbm>>) target(%dma_start3A_31 : memref<128x32xf32, #tpu.memory_space<vmem>>) offsets(%dma_start3A_34 : memref<128xi32, #tpu.memory_space<vmem>>) semaphore(%arg8 : memref<!tpu.dma_semaphore, #tpu.memory_space<semaphore_mem>>)
    %dma_start3A_38 = arith.constant 2 : i32
    %dma_start3A_39 = arith.constant 0 : i32
    %dma_start3A_40 = arith.constant 0 : i32
    %dma_start3A_41 = arith.constant 2 : i32
    %dma_start3A_42 = arith.constant 0 : i32
    %dma_start3A_43 = arith.constant 0 : i32
    %dma_start3A_44 = tpu.memref_slice %arg7[%dma_start3A_40, %dma_start3A_41, %dma_start3A_42, %dma_start3A_43] : memref<2x6x128x32xf32, #tpu.memory_space<vmem>> -> memref<1x1x128x32xf32, #tpu.memory_space<vmem>>
    %dma_start3A_45 = tpu.memref_squeeze %dma_start3A_44 : memref<1x1x128x32xf32, #tpu.memory_space<vmem>> -> memref<128x32xf32, #tpu.memory_space<vmem>>
    %dma_start3A_46 = arith.constant 0 : i32
    %dma_start3A_47 = tpu.memref_slice %arg6[%dma_start3A_38, %dma_start3A_39, %dma_start3A_46] : memref<79x2x128xi32, #tpu.memory_space<vmem>> -> memref<1x1x128xi32, #tpu.memory_space<vmem>>
    %dma_start3A_48 = tpu.memref_squeeze %dma_start3A_47 : memref<1x1x128xi32, #tpu.memory_space<vmem>> -> memref<128xi32, #tpu.memory_space<vmem>>
    %dma_start3A_49 = arith.constant 0 : i32
    %dma_start3A_50 = arith.constant 0 : i32
    %dma_start3A_51 = tpu.memref_slice %arg2[%dma_start3A_49, %dma_start3A_50] : memref<10000x32xf32, #tpu.memory_space<hbm>> -> memref<10000x32xf32, #tpu.memory_space<hbm>>
    tpu.enqueue_indirect_dma source(%dma_start3A_51 : memref<10000x32xf32, #tpu.memory_space<hbm>>) target(%dma_start3A_45 : memref<128x32xf32, #tpu.memory_space<vmem>>) offsets(%dma_start3A_48 : memref<128xi32, #tpu.memory_space<vmem>>) semaphore(%arg8 : memref<!tpu.dma_semaphore, #tpu.memory_space<semaphore_mem>>)
    %dma_start3A_52 = arith.constant 3 : i32
    %dma_start3A_53 = arith.constant 0 : i32
    %dma_start3A_54 = arith.constant 0 : i32
    %dma_start3A_55 = arith.constant 3 : i32
    %dma_start3A_56 = arith.constant 0 : i32
    %dma_start3A_57 = arith.constant 0 : i32
    %dma_start3A_58 = tpu.memref_slice %arg7[%dma_start3A_54, %dma_start3A_55, %dma_start3A_56, %dma_start3A_57] : memref<2x6x128x32xf32, #tpu.memory_space<vmem>> -> memref<1x1x128x32xf32, #tpu.memory_space<vmem>>
    %dma_start3A_59 = tpu.memref_squeeze %dma_start3A_58 : memref<1x1x128x32xf32, #tpu.memory_space<vmem>> -> memref<128x32xf32, #tpu.memory_space<vmem>>
    %dma_start3A_60 = arith.constant 0 : i32
    %dma_start3A_61 = tpu.memref_slice %arg6[%dma_start3A_52, %dma_start3A_53, %dma_start3A_60] : memref<79x2x128xi32, #tpu.memory_space<vmem>> -> memref<1x1x128xi32, #tpu.memory_space<vmem>>
    %dma_start3A_62 = tpu.memref_squeeze %dma_start3A_61 : memref<1x1x128xi32, #tpu.memory_space<vmem>> -> memref<128xi32, #tpu.memory_space<vmem>>
    %dma_start3A_63 = arith.constant 0 : i32
    %dma_start3A_64 = arith.constant 0 : i32
    %dma_start3A_65 = tpu.memref_slice %arg2[%dma_start3A_63, %dma_start3A_64] : memref<10000x32xf32, #tpu.memory_space<hbm>> -> memref<10000x32xf32, #tpu.memory_space<hbm>>
    tpu.enqueue_indirect_dma source(%dma_start3A_65 : memref<10000x32xf32, #tpu.memory_space<hbm>>) target(%dma_start3A_59 : memref<128x32xf32, #tpu.memory_space<vmem>>) offsets(%dma_start3A_62 : memref<128xi32, #tpu.memory_space<vmem>>) semaphore(%arg8 : memref<!tpu.dma_semaphore, #tpu.memory_space<semaphore_mem>>)
    %dma_start3A_66 = arith.constant 4 : i32
    %dma_start3A_67 = arith.constant 0 : i32
    %dma_start3A_68 = arith.constant 0 : i32
    %dma_start3A_69 = arith.constant 4 : i32
    %dma_start3A_70 = arith.constant 0 : i32
    %dma_start3A_71 = arith.constant 0 : i32
    %dma_start3A_72 = tpu.memref_slice %arg7[%dma_start3A_68, %dma_start3A_69, %dma_start3A_70, %dma_start3A_71] : memref<2x6x128x32xf32, #tpu.memory_space<vmem>> -> memref<1x1x128x32xf32, #tpu.memory_space<vmem>>
    %dma_start3A_73 = tpu.memref_squeeze %dma_start3A_72 : memref<1x1x128x32xf32, #tpu.memory_space<vmem>> -> memref<128x32xf32, #tpu.memory_space<vmem>>
    %dma_start3A_74 = arith.constant 0 : i32
    %dma_start3A_75 = tpu.memref_slice %arg6[%dma_start3A_66, %dma_start3A_67, %dma_start3A_74] : memref<79x2x128xi32, #tpu.memory_space<vmem>> -> memref<1x1x128xi32, #tpu.memory_space<vmem>>
    %dma_start3A_76 = tpu.memref_squeeze %dma_start3A_75 : memref<1x1x128xi32, #tpu.memory_space<vmem>> -> memref<128xi32, #tpu.memory_space<vmem>>
    %dma_start3A_77 = arith.constant 0 : i32
    %dma_start3A_78 = arith.constant 0 : i32
    %dma_start3A_79 = tpu.memref_slice %arg2[%dma_start3A_77, %dma_start3A_78] : memref<10000x32xf32, #tpu.memory_space<hbm>> -> memref<10000x32xf32, #tpu.memory_space<hbm>>
    tpu.enqueue_indirect_dma source(%dma_start3A_79 : memref<10000x32xf32, #tpu.memory_space<hbm>>) target(%dma_start3A_73 : memref<128x32xf32, #tpu.memory_space<vmem>>) offsets(%dma_start3A_76 : memref<128xi32, #tpu.memory_space<vmem>>) semaphore(%arg8 : memref<!tpu.dma_semaphore, #tpu.memory_space<semaphore_mem>>)
    %dma_start3A_80 = arith.constant 5 : i32
    %dma_start3A_81 = arith.constant 0 : i32
    %dma_start3A_82 = arith.constant 0 : i32
    %dma_start3A_83 = arith.constant 5 : i32
    %dma_start3A_84 = arith.constant 0 : i32
    %dma_start3A_85 = arith.constant 0 : i32
    %dma_start3A_86 = tpu.memref_slice %arg7[%dma_start3A_82, %dma_start3A_83, %dma_start3A_84, %dma_start3A_85] : memref<2x6x128x32xf32, #tpu.memory_space<vmem>> -> memref<1x1x128x32xf32, #tpu.memory_space<vmem>>
    %dma_start3A_87 = tpu.memref_squeeze %dma_start3A_86 : memref<1x1x128x32xf32, #tpu.memory_space<vmem>> -> memref<128x32xf32, #tpu.memory_space<vmem>>
    %dma_start3A_88 = arith.constant 0 : i32
    %dma_start3A_89 = tpu.memref_slice %arg6[%dma_start3A_80, %dma_start3A_81, %dma_start3A_88] : memref<79x2x128xi32, #tpu.memory_space<vmem>> -> memref<1x1x128xi32, #tpu.memory_space<vmem>>
    %dma_start3A_90 = tpu.memref_squeeze %dma_start3A_89 : memref<1x1x128xi32, #tpu.memory_space<vmem>> -> memref<128xi32, #tpu.memory_space<vmem>>
    %dma_start3A_91 = arith.constant 0 : i32
    %dma_start3A_92 = arith.constant 0 : i32
    %dma_start3A_93 = tpu.memref_slice %arg2[%dma_start3A_91, %dma_start3A_92] : memref<10000x32xf32, #tpu.memory_space<hbm>> -> memref<10000x32xf32, #tpu.memory_space<hbm>>
    tpu.enqueue_indirect_dma source(%dma_start3A_93 : memref<10000x32xf32, #tpu.memory_space<hbm>>) target(%dma_start3A_87 : memref<128x32xf32, #tpu.memory_space<vmem>>) offsets(%dma_start3A_90 : memref<128xi32, #tpu.memory_space<vmem>>) semaphore(%arg8 : memref<!tpu.dma_semaphore, #tpu.memory_space<semaphore_mem>>)
    %scan3A = arith.constant 0 : i32
    %scan3A_94 = arith.constant 0 : i32
    %scan3A_95 = arith.constant 13 : i32
    %scan3A_96 = arith.addi %scan3A_94, %scan3A_95 : i32
    %scan3A_97 = arith.constant 1 : i32
    scf.for %scan3A_192 = %scan3A_94 to %scan3A_96 step %scan3A_97  : i32 {
      %rem3A = arith.constant 2 : i32
      %rem3A_193 = arith.remsi %scan3A_192, %rem3A : i32
      %sub3A = arith.constant 1 : i32
      %sub3A_194 = arith.subi %sub3A, %rem3A_193 : i32
      %gt3A = arith.constant 0 : i32
      %gt3A_195 = arith.cmpi sgt, %scan3A_192, %gt3A : i32
      %convert_element_type3A_196 = arith.extui %gt3A_195 : i1 to i32
      %cond3A_197 = arith.constant 0 : i32
      %cond3A_198 = arith.cmpi ne, %convert_element_type3A_196, %cond3A_197 : i32
      scf.if %cond3A_198 {
        %dma_wait3A_378 = arith.constant 0 : i32
        %dma_wait3A_379 = arith.constant 0 : i32
        %dma_wait3A_380 = arith.constant 1 : i32
        %dma_wait3A_381 = arith.constant 0 : i32
        %dma_wait3A_382 = arith.constant 0 : i32
        %dma_wait3A_383 = tpu.memref_slice %arg7[%sub3A_194, %dma_wait3A_378, %dma_wait3A_381, %dma_wait3A_382] : memref<2x6x128x32xf32, #tpu.memory_space<vmem>> -> memref<1x1x128x32xf32, #tpu.memory_space<vmem>>
        %dma_wait3A_384 = tpu.memref_squeeze %dma_wait3A_383 : memref<1x1x128x32xf32, #tpu.memory_space<vmem>> -> memref<128x32xf32, #tpu.memory_space<vmem>>
        %dma_wait3A_385 = arith.constant 0 : i32
        %dma_wait3A_386 = tpu.memref_slice %arg6[%dma_wait3A_379, %dma_wait3A_380, %dma_wait3A_385] : memref<79x2x128xi32, #tpu.memory_space<vmem>> -> memref<1x1x128xi32, #tpu.memory_space<vmem>>
        %dma_wait3A_387 = tpu.memref_squeeze %dma_wait3A_386 : memref<1x1x128xi32, #tpu.memory_space<vmem>> -> memref<128xi32, #tpu.memory_space<vmem>>
        %dma_wait3A_388 = arith.constant 0 : i32
        %dma_wait3A_389 = arith.constant 0 : i32
        %dma_wait3A_390 = tpu.memref_slice %arg10[%dma_wait3A_388, %dma_wait3A_389] : memref<10240x32xf32, #tpu.memory_space<vmem_shared>> -> memref<10240x32xf32, #tpu.memory_space<vmem_shared>>
        tpu.wait_indirect_dma semaphore(%arg9 : memref<!tpu.dma_semaphore, #tpu.memory_space<semaphore_mem>>) src(%dma_wait3A_384 : memref<128x32xf32, #tpu.memory_space<vmem>>) dst(%dma_wait3A_390 : memref<10240x32xf32, #tpu.memory_space<vmem_shared>>)
        %dma_wait3A_391 = arith.constant 1 : i32
        %dma_wait3A_392 = arith.constant 0 : i32
        %dma_wait3A_393 = arith.constant 1 : i32
        %dma_wait3A_394 = arith.constant 0 : i32
        %dma_wait3A_395 = arith.constant 0 : i32
        %dma_wait3A_396 = tpu.memref_slice %arg7[%sub3A_194, %dma_wait3A_391, %dma_wait3A_394, %dma_wait3A_395] : memref<2x6x128x32xf32, #tpu.memory_space<vmem>> -> memref<1x1x128x32xf32, #tpu.memory_space<vmem>>
        %dma_wait3A_397 = tpu.memref_squeeze %dma_wait3A_396 : memref<1x1x128x32xf32, #tpu.memory_space<vmem>> -> memref<128x32xf32, #tpu.memory_space<vmem>>
        %dma_wait3A_398 = arith.constant 0 : i32
        %dma_wait3A_399 = tpu.memref_slice %arg6[%dma_wait3A_392, %dma_wait3A_393, %dma_wait3A_398] : memref<79x2x128xi32, #tpu.memory_space<vmem>> -> memref<1x1x128xi32, #tpu.memory_space<vmem>>
        %dma_wait3A_400 = tpu.memref_squeeze %dma_wait3A_399 : memref<1x1x128xi32, #tpu.memory_space<vmem>> -> memref<128xi32, #tpu.memory_space<vmem>>
        %dma_wait3A_401 = arith.constant 0 : i32
        %dma_wait3A_402 = arith.constant 0 : i32
        %dma_wait3A_403 = tpu.memref_slice %arg10[%dma_wait3A_401, %dma_wait3A_402] : memref<10240x32xf32, #tpu.memory_space<vmem_shared>> -> memref<10240x32xf32, #tpu.memory_space<vmem_shared>>
        tpu.wait_indirect_dma semaphore(%arg9 : memref<!tpu.dma_semaphore, #tpu.memory_space<semaphore_mem>>) src(%dma_wait3A_397 : memref<128x32xf32, #tpu.memory_space<vmem>>) dst(%dma_wait3A_403 : memref<10240x32xf32, #tpu.memory_space<vmem_shared>>)
        %dma_wait3A_404 = arith.constant 2 : i32
        %dma_wait3A_405 = arith.constant 0 : i32
        %dma_wait3A_406 = arith.constant 1 : i32
        %dma_wait3A_407 = arith.constant 0 : i32
        %dma_wait3A_408 = arith.constant 0 : i32
        %dma_wait3A_409 = tpu.memref_slice %arg7[%sub3A_194, %dma_wait3A_404, %dma_wait3A_407, %dma_wait3A_408] : memref<2x6x128x32xf32, #tpu.memory_space<vmem>> -> memref<1x1x128x32xf32, #tpu.memory_space<vmem>>
        %dma_wait3A_410 = tpu.memref_squeeze %dma_wait3A_409 : memref<1x1x128x32xf32, #tpu.memory_space<vmem>> -> memref<128x32xf32, #tpu.memory_space<vmem>>
        %dma_wait3A_411 = arith.constant 0 : i32
        %dma_wait3A_412 = tpu.memref_slice %arg6[%dma_wait3A_405, %dma_wait3A_406, %dma_wait3A_411] : memref<79x2x128xi32, #tpu.memory_space<vmem>> -> memref<1x1x128xi32, #tpu.memory_space<vmem>>
        %dma_wait3A_413 = tpu.memref_squeeze %dma_wait3A_412 : memref<1x1x128xi32, #tpu.memory_space<vmem>> -> memref<128xi32, #tpu.memory_space<vmem>>
        %dma_wait3A_414 = arith.constant 0 : i32
        %dma_wait3A_415 = arith.constant 0 : i32
        %dma_wait3A_416 = tpu.memref_slice %arg10[%dma_wait3A_414, %dma_wait3A_415] : memref<10240x32xf32, #tpu.memory_space<vmem_shared>> -> memref<10240x32xf32, #tpu.memory_space<vmem_shared>>
        tpu.wait_indirect_dma semaphore(%arg9 : memref<!tpu.dma_semaphore, #tpu.memory_space<semaphore_mem>>) src(%dma_wait3A_410 : memref<128x32xf32, #tpu.memory_space<vmem>>) dst(%dma_wait3A_416 : memref<10240x32xf32, #tpu.memory_space<vmem_shared>>)
        %dma_wait3A_417 = arith.constant 3 : i32
        %dma_wait3A_418 = arith.constant 0 : i32
        %dma_wait3A_419 = arith.constant 1 : i32
        %dma_wait3A_420 = arith.constant 0 : i32
        %dma_wait3A_421 = arith.constant 0 : i32
        %dma_wait3A_422 = tpu.memref_slice %arg7[%sub3A_194, %dma_wait3A_417, %dma_wait3A_420, %dma_wait3A_421] : memref<2x6x128x32xf32, #tpu.memory_space<vmem>> -> memref<1x1x128x32xf32, #tpu.memory_space<vmem>>
        %dma_wait3A_423 = tpu.memref_squeeze %dma_wait3A_422 : memref<1x1x128x32xf32, #tpu.memory_space<vmem>> -> memref<128x32xf32, #tpu.memory_space<vmem>>
        %dma_wait3A_424 = arith.constant 0 : i32
        %dma_wait3A_425 = tpu.memref_slice %arg6[%dma_wait3A_418, %dma_wait3A_419, %dma_wait3A_424] : memref<79x2x128xi32, #tpu.memory_space<vmem>> -> memref<1x1x128xi32, #tpu.memory_space<vmem>>
        %dma_wait3A_426 = tpu.memref_squeeze %dma_wait3A_425 : memref<1x1x128xi32, #tpu.memory_space<vmem>> -> memref<128xi32, #tpu.memory_space<vmem>>
        %dma_wait3A_427 = arith.constant 0 : i32
        %dma_wait3A_428 = arith.constant 0 : i32
        %dma_wait3A_429 = tpu.memref_slice %arg10[%dma_wait3A_427, %dma_wait3A_428] : memref<10240x32xf32, #tpu.memory_space<vmem_shared>> -> memref<10240x32xf32, #tpu.memory_space<vmem_shared>>
        tpu.wait_indirect_dma semaphore(%arg9 : memref<!tpu.dma_semaphore, #tpu.memory_space<semaphore_mem>>) src(%dma_wait3A_423 : memref<128x32xf32, #tpu.memory_space<vmem>>) dst(%dma_wait3A_429 : memref<10240x32xf32, #tpu.memory_space<vmem_shared>>)
        %dma_wait3A_430 = arith.constant 4 : i32
        %dma_wait3A_431 = arith.constant 0 : i32
        %dma_wait3A_432 = arith.constant 1 : i32
        %dma_wait3A_433 = arith.constant 0 : i32
        %dma_wait3A_434 = arith.constant 0 : i32
        %dma_wait3A_435 = tpu.memref_slice %arg7[%sub3A_194, %dma_wait3A_430, %dma_wait3A_433, %dma_wait3A_434] : memref<2x6x128x32xf32, #tpu.memory_space<vmem>> -> memref<1x1x128x32xf32, #tpu.memory_space<vmem>>
        %dma_wait3A_436 = tpu.memref_squeeze %dma_wait3A_435 : memref<1x1x128x32xf32, #tpu.memory_space<vmem>> -> memref<128x32xf32, #tpu.memory_space<vmem>>
        %dma_wait3A_437 = arith.constant 0 : i32
        %dma_wait3A_438 = tpu.memref_slice %arg6[%dma_wait3A_431, %dma_wait3A_432, %dma_wait3A_437] : memref<79x2x128xi32, #tpu.memory_space<vmem>> -> memref<1x1x128xi32, #tpu.memory_space<vmem>>
        %dma_wait3A_439 = tpu.memref_squeeze %dma_wait3A_438 : memref<1x1x128xi32, #tpu.memory_space<vmem>> -> memref<128xi32, #tpu.memory_space<vmem>>
        %dma_wait3A_440 = arith.constant 0 : i32
        %dma_wait3A_441 = arith.constant 0 : i32
        %dma_wait3A_442 = tpu.memref_slice %arg10[%dma_wait3A_440, %dma_wait3A_441] : memref<10240x32xf32, #tpu.memory_space<vmem_shared>> -> memref<10240x32xf32, #tpu.memory_space<vmem_shared>>
        tpu.wait_indirect_dma semaphore(%arg9 : memref<!tpu.dma_semaphore, #tpu.memory_space<semaphore_mem>>) src(%dma_wait3A_436 : memref<128x32xf32, #tpu.memory_space<vmem>>) dst(%dma_wait3A_442 : memref<10240x32xf32, #tpu.memory_space<vmem_shared>>)
        %dma_wait3A_443 = arith.constant 5 : i32
        %dma_wait3A_444 = arith.constant 0 : i32
        %dma_wait3A_445 = arith.constant 1 : i32
        %dma_wait3A_446 = arith.constant 0 : i32
        %dma_wait3A_447 = arith.constant 0 : i32
        %dma_wait3A_448 = tpu.memref_slice %arg7[%sub3A_194, %dma_wait3A_443, %dma_wait3A_446, %dma_wait3A_447] : memref<2x6x128x32xf32, #tpu.memory_space<vmem>> -> memref<1x1x128x32xf32, #tpu.memory_space<vmem>>
        %dma_wait3A_449 = tpu.memref_squeeze %dma_wait3A_448 : memref<1x1x128x32xf32, #tpu.memory_space<vmem>> -> memref<128x32xf32, #tpu.memory_space<vmem>>
        %dma_wait3A_450 = arith.constant 0 : i32
        %dma_wait3A_451 = tpu.memref_slice %arg6[%dma_wait3A_444, %dma_wait3A_445, %dma_wait3A_450] : memref<79x2x128xi32, #tpu.memory_space<vmem>> -> memref<1x1x128xi32, #tpu.memory_space<vmem>>
        %dma_wait3A_452 = tpu.memref_squeeze %dma_wait3A_451 : memref<1x1x128xi32, #tpu.memory_space<vmem>> -> memref<128xi32, #tpu.memory_space<vmem>>
        %dma_wait3A_453 = arith.constant 0 : i32
        %dma_wait3A_454 = arith.constant 0 : i32
        %dma_wait3A_455 = tpu.memref_slice %arg10[%dma_wait3A_453, %dma_wait3A_454] : memref<10240x32xf32, #tpu.memory_space<vmem_shared>> -> memref<10240x32xf32, #tpu.memory_space<vmem_shared>>
        tpu.wait_indirect_dma semaphore(%arg9 : memref<!tpu.dma_semaphore, #tpu.memory_space<semaphore_mem>>) src(%dma_wait3A_449 : memref<128x32xf32, #tpu.memory_space<vmem>>) dst(%dma_wait3A_455 : memref<10240x32xf32, #tpu.memory_space<vmem_shared>>)
      } else {
      }
      %lt3A_199 = arith.constant 12 : i32
      %lt3A_200 = arith.cmpi slt, %scan3A_192, %lt3A_199 : i32
      %convert_element_type3A_201 = arith.extui %lt3A_200 : i1 to i32
      %cond3A_202 = arith.constant 0 : i32
      %cond3A_203 = arith.cmpi ne, %convert_element_type3A_201, %cond3A_202 : i32
      scf.if %cond3A_203 {
        %add3A_378 = arith.constant 1 : i32
        %add3A_379 = arith.addi %scan3A_192, %add3A_378 : i32
        %mul3A_380 = arith.constant 6 : i32
        %mul3A_381 = arith.muli %add3A_379, %mul3A_380 : i32
        %add3A_382 = arith.constant 0 : i32
        %add3A_383 = arith.addi %mul3A_381, %add3A_382 : i32
        %dma_start3A_384 = arith.constant 0 : i32
        %dma_start3A_385 = arith.constant 0 : i32
        %dma_start3A_386 = arith.constant 0 : i32
        %dma_start3A_387 = arith.constant 0 : i32
        %dma_start3A_388 = tpu.memref_slice %arg7[%sub3A_194, %dma_start3A_385, %dma_start3A_386, %dma_start3A_387] : memref<2x6x128x32xf32, #tpu.memory_space<vmem>> -> memref<1x1x128x32xf32, #tpu.memory_space<vmem>>
        %dma_start3A_389 = tpu.memref_squeeze %dma_start3A_388 : memref<1x1x128x32xf32, #tpu.memory_space<vmem>> -> memref<128x32xf32, #tpu.memory_space<vmem>>
        %dma_start3A_390 = arith.constant 0 : i32
        %dma_start3A_391 = tpu.memref_slice %arg6[%add3A_383, %dma_start3A_384, %dma_start3A_390] : memref<79x2x128xi32, #tpu.memory_space<vmem>> -> memref<1x1x128xi32, #tpu.memory_space<vmem>>
        %dma_start3A_392 = tpu.memref_squeeze %dma_start3A_391 : memref<1x1x128xi32, #tpu.memory_space<vmem>> -> memref<128xi32, #tpu.memory_space<vmem>>
        %dma_start3A_393 = arith.constant 0 : i32
        %dma_start3A_394 = arith.constant 0 : i32
        %dma_start3A_395 = tpu.memref_slice %arg2[%dma_start3A_393, %dma_start3A_394] : memref<10000x32xf32, #tpu.memory_space<hbm>> -> memref<10000x32xf32, #tpu.memory_space<hbm>>
        tpu.enqueue_indirect_dma source(%dma_start3A_395 : memref<10000x32xf32, #tpu.memory_space<hbm>>) target(%dma_start3A_389 : memref<128x32xf32, #tpu.memory_space<vmem>>) offsets(%dma_start3A_392 : memref<128xi32, #tpu.memory_space<vmem>>) semaphore(%arg8 : memref<!tpu.dma_semaphore, #tpu.memory_space<semaphore_mem>>)
        %add3A_396 = arith.constant 1 : i32
        %add3A_397 = arith.addi %scan3A_192, %add3A_396 : i32
        %mul3A_398 = arith.constant 6 : i32
        %mul3A_399 = arith.muli %add3A_397, %mul3A_398 : i32
        %add3A_400 = arith.constant 1 : i32
        %add3A_401 = arith.addi %mul3A_399, %add3A_400 : i32
        %dma_start3A_402 = arith.constant 0 : i32
        %dma_start3A_403 = arith.constant 1 : i32
        %dma_start3A_404 = arith.constant 0 : i32
        %dma_start3A_405 = arith.constant 0 : i32
        %dma_start3A_406 = tpu.memref_slice %arg7[%sub3A_194, %dma_start3A_403, %dma_start3A_404, %dma_start3A_405] : memref<2x6x128x32xf32, #tpu.memory_space<vmem>> -> memref<1x1x128x32xf32, #tpu.memory_space<vmem>>
        %dma_start3A_407 = tpu.memref_squeeze %dma_start3A_406 : memref<1x1x128x32xf32, #tpu.memory_space<vmem>> -> memref<128x32xf32, #tpu.memory_space<vmem>>
        %dma_start3A_408 = arith.constant 0 : i32
        %dma_start3A_409 = tpu.memref_slice %arg6[%add3A_401, %dma_start3A_402, %dma_start3A_408] : memref<79x2x128xi32, #tpu.memory_space<vmem>> -> memref<1x1x128xi32, #tpu.memory_space<vmem>>
        %dma_start3A_410 = tpu.memref_squeeze %dma_start3A_409 : memref<1x1x128xi32, #tpu.memory_space<vmem>> -> memref<128xi32, #tpu.memory_space<vmem>>
        %dma_start3A_411 = arith.constant 0 : i32
        %dma_start3A_412 = arith.constant 0 : i32
        %dma_start3A_413 = tpu.memref_slice %arg2[%dma_start3A_411, %dma_start3A_412] : memref<10000x32xf32, #tpu.memory_space<hbm>> -> memref<10000x32xf32, #tpu.memory_space<hbm>>
        tpu.enqueue_indirect_dma source(%dma_start3A_413 : memref<10000x32xf32, #tpu.memory_space<hbm>>) target(%dma_start3A_407 : memref<128x32xf32, #tpu.memory_space<vmem>>) offsets(%dma_start3A_410 : memref<128xi32, #tpu.memory_space<vmem>>) semaphore(%arg8 : memref<!tpu.dma_semaphore, #tpu.memory_space<semaphore_mem>>)
        %add3A_414 = arith.constant 1 : i32
        %add3A_415 = arith.addi %scan3A_192, %add3A_414 : i32
        %mul3A_416 = arith.constant 6 : i32
        %mul3A_417 = arith.muli %add3A_415, %mul3A_416 : i32
        %add3A_418 = arith.constant 2 : i32
        %add3A_419 = arith.addi %mul3A_417, %add3A_418 : i32
        %dma_start3A_420 = arith.constant 0 : i32
        %dma_start3A_421 = arith.constant 2 : i32
        %dma_start3A_422 = arith.constant 0 : i32
        %dma_start3A_423 = arith.constant 0 : i32
        %dma_start3A_424 = tpu.memref_slice %arg7[%sub3A_194, %dma_start3A_421, %dma_start3A_422, %dma_start3A_423] : memref<2x6x128x32xf32, #tpu.memory_space<vmem>> -> memref<1x1x128x32xf32, #tpu.memory_space<vmem>>
        %dma_start3A_425 = tpu.memref_squeeze %dma_start3A_424 : memref<1x1x128x32xf32, #tpu.memory_space<vmem>> -> memref<128x32xf32, #tpu.memory_space<vmem>>
        %dma_start3A_426 = arith.constant 0 : i32
        %dma_start3A_427 = tpu.memref_slice %arg6[%add3A_419, %dma_start3A_420, %dma_start3A_426] : memref<79x2x128xi32, #tpu.memory_space<vmem>> -> memref<1x1x128xi32, #tpu.memory_space<vmem>>
        %dma_start3A_428 = tpu.memref_squeeze %dma_start3A_427 : memref<1x1x128xi32, #tpu.memory_space<vmem>> -> memref<128xi32, #tpu.memory_space<vmem>>
        %dma_start3A_429 = arith.constant 0 : i32
        %dma_start3A_430 = arith.constant 0 : i32
        %dma_start3A_431 = tpu.memref_slice %arg2[%dma_start3A_429, %dma_start3A_430] : memref<10000x32xf32, #tpu.memory_space<hbm>> -> memref<10000x32xf32, #tpu.memory_space<hbm>>
        tpu.enqueue_indirect_dma source(%dma_start3A_431 : memref<10000x32xf32, #tpu.memory_space<hbm>>) target(%dma_start3A_425 : memref<128x32xf32, #tpu.memory_space<vmem>>) offsets(%dma_start3A_428 : memref<128xi32, #tpu.memory_space<vmem>>) semaphore(%arg8 : memref<!tpu.dma_semaphore, #tpu.memory_space<semaphore_mem>>)
        %add3A_432 = arith.constant 1 : i32
        %add3A_433 = arith.addi %scan3A_192, %add3A_432 : i32
        %mul3A_434 = arith.constant 6 : i32
        %mul3A_435 = arith.muli %add3A_433, %mul3A_434 : i32
        %add3A_436 = arith.constant 3 : i32
        %add3A_437 = arith.addi %mul3A_435, %add3A_436 : i32
        %dma_start3A_438 = arith.constant 0 : i32
        %dma_start3A_439 = arith.constant 3 : i32
        %dma_start3A_440 = arith.constant 0 : i32
        %dma_start3A_441 = arith.constant 0 : i32
        %dma_start3A_442 = tpu.memref_slice %arg7[%sub3A_194, %dma_start3A_439, %dma_start3A_440, %dma_start3A_441] : memref<2x6x128x32xf32, #tpu.memory_space<vmem>> -> memref<1x1x128x32xf32, #tpu.memory_space<vmem>>
        %dma_start3A_443 = tpu.memref_squeeze %dma_start3A_442 : memref<1x1x128x32xf32, #tpu.memory_space<vmem>> -> memref<128x32xf32, #tpu.memory_space<vmem>>
        %dma_start3A_444 = arith.constant 0 : i32
        %dma_start3A_445 = tpu.memref_slice %arg6[%add3A_437, %dma_start3A_438, %dma_start3A_444] : memref<79x2x128xi32, #tpu.memory_space<vmem>> -> memref<1x1x128xi32, #tpu.memory_space<vmem>>
        %dma_start3A_446 = tpu.memref_squeeze %dma_start3A_445 : memref<1x1x128xi32, #tpu.memory_space<vmem>> -> memref<128xi32, #tpu.memory_space<vmem>>
        %dma_start3A_447 = arith.constant 0 : i32
        %dma_start3A_448 = arith.constant 0 : i32
        %dma_start3A_449 = tpu.memref_slice %arg2[%dma_start3A_447, %dma_start3A_448] : memref<10000x32xf32, #tpu.memory_space<hbm>> -> memref<10000x32xf32, #tpu.memory_space<hbm>>
        tpu.enqueue_indirect_dma source(%dma_start3A_449 : memref<10000x32xf32, #tpu.memory_space<hbm>>) target(%dma_start3A_443 : memref<128x32xf32, #tpu.memory_space<vmem>>) offsets(%dma_start3A_446 : memref<128xi32, #tpu.memory_space<vmem>>) semaphore(%arg8 : memref<!tpu.dma_semaphore, #tpu.memory_space<semaphore_mem>>)
        %add3A_450 = arith.constant 1 : i32
        %add3A_451 = arith.addi %scan3A_192, %add3A_450 : i32
        %mul3A_452 = arith.constant 6 : i32
        %mul3A_453 = arith.muli %add3A_451, %mul3A_452 : i32
        %add3A_454 = arith.constant 4 : i32
        %add3A_455 = arith.addi %mul3A_453, %add3A_454 : i32
        %dma_start3A_456 = arith.constant 0 : i32
        %dma_start3A_457 = arith.constant 4 : i32
        %dma_start3A_458 = arith.constant 0 : i32
        %dma_start3A_459 = arith.constant 0 : i32
        %dma_start3A_460 = tpu.memref_slice %arg7[%sub3A_194, %dma_start3A_457, %dma_start3A_458, %dma_start3A_459] : memref<2x6x128x32xf32, #tpu.memory_space<vmem>> -> memref<1x1x128x32xf32, #tpu.memory_space<vmem>>
        %dma_start3A_461 = tpu.memref_squeeze %dma_start3A_460 : memref<1x1x128x32xf32, #tpu.memory_space<vmem>> -> memref<128x32xf32, #tpu.memory_space<vmem>>
        %dma_start3A_462 = arith.constant 0 : i32
        %dma_start3A_463 = tpu.memref_slice %arg6[%add3A_455, %dma_start3A_456, %dma_start3A_462] : memref<79x2x128xi32, #tpu.memory_space<vmem>> -> memref<1x1x128xi32, #tpu.memory_space<vmem>>
        %dma_start3A_464 = tpu.memref_squeeze %dma_start3A_463 : memref<1x1x128xi32, #tpu.memory_space<vmem>> -> memref<128xi32, #tpu.memory_space<vmem>>
        %dma_start3A_465 = arith.constant 0 : i32
        %dma_start3A_466 = arith.constant 0 : i32
        %dma_start3A_467 = tpu.memref_slice %arg2[%dma_start3A_465, %dma_start3A_466] : memref<10000x32xf32, #tpu.memory_space<hbm>> -> memref<10000x32xf32, #tpu.memory_space<hbm>>
        tpu.enqueue_indirect_dma source(%dma_start3A_467 : memref<10000x32xf32, #tpu.memory_space<hbm>>) target(%dma_start3A_461 : memref<128x32xf32, #tpu.memory_space<vmem>>) offsets(%dma_start3A_464 : memref<128xi32, #tpu.memory_space<vmem>>) semaphore(%arg8 : memref<!tpu.dma_semaphore, #tpu.memory_space<semaphore_mem>>)
        %add3A_468 = arith.constant 1 : i32
        %add3A_469 = arith.addi %scan3A_192, %add3A_468 : i32
        %mul3A_470 = arith.constant 6 : i32
        %mul3A_471 = arith.muli %add3A_469, %mul3A_470 : i32
        %add3A_472 = arith.constant 5 : i32
        %add3A_473 = arith.addi %mul3A_471, %add3A_472 : i32
        %dma_start3A_474 = arith.constant 0 : i32
        %dma_start3A_475 = arith.constant 5 : i32
        %dma_start3A_476 = arith.constant 0 : i32
        %dma_start3A_477 = arith.constant 0 : i32
        %dma_start3A_478 = tpu.memref_slice %arg7[%sub3A_194, %dma_start3A_475, %dma_start3A_476, %dma_start3A_477] : memref<2x6x128x32xf32, #tpu.memory_space<vmem>> -> memref<1x1x128x32xf32, #tpu.memory_space<vmem>>
        %dma_start3A_479 = tpu.memref_squeeze %dma_start3A_478 : memref<1x1x128x32xf32, #tpu.memory_space<vmem>> -> memref<128x32xf32, #tpu.memory_space<vmem>>
        %dma_start3A_480 = arith.constant 0 : i32
        %dma_start3A_481 = tpu.memref_slice %arg6[%add3A_473, %dma_start3A_474, %dma_start3A_480] : memref<79x2x128xi32, #tpu.memory_space<vmem>> -> memref<1x1x128xi32, #tpu.memory_space<vmem>>
        %dma_start3A_482 = tpu.memref_squeeze %dma_start3A_481 : memref<1x1x128xi32, #tpu.memory_space<vmem>> -> memref<128xi32, #tpu.memory_space<vmem>>
        %dma_start3A_483 = arith.constant 0 : i32
        %dma_start3A_484 = arith.constant 0 : i32
        %dma_start3A_485 = tpu.memref_slice %arg2[%dma_start3A_483, %dma_start3A_484] : memref<10000x32xf32, #tpu.memory_space<hbm>> -> memref<10000x32xf32, #tpu.memory_space<hbm>>
        tpu.enqueue_indirect_dma source(%dma_start3A_485 : memref<10000x32xf32, #tpu.memory_space<hbm>>) target(%dma_start3A_479 : memref<128x32xf32, #tpu.memory_space<vmem>>) offsets(%dma_start3A_482 : memref<128xi32, #tpu.memory_space<vmem>>) semaphore(%arg8 : memref<!tpu.dma_semaphore, #tpu.memory_space<semaphore_mem>>)
      } else {
      }
      %dma_wait3A_204 = arith.constant 0 : i32
      %dma_wait3A_205 = arith.constant 0 : i32
      %dma_wait3A_206 = arith.constant 0 : i32
      %dma_wait3A_207 = arith.constant 0 : i32
      %dma_wait3A_208 = arith.constant 0 : i32
      %dma_wait3A_209 = tpu.memref_slice %arg7[%rem3A_193, %dma_wait3A_206, %dma_wait3A_207, %dma_wait3A_208] : memref<2x6x128x32xf32, #tpu.memory_space<vmem>> -> memref<1x1x128x32xf32, #tpu.memory_space<vmem>>
      %dma_wait3A_210 = tpu.memref_squeeze %dma_wait3A_209 : memref<1x1x128x32xf32, #tpu.memory_space<vmem>> -> memref<128x32xf32, #tpu.memory_space<vmem>>
      %dma_wait3A_211 = arith.constant 0 : i32
      %dma_wait3A_212 = tpu.memref_slice %arg6[%dma_wait3A_204, %dma_wait3A_205, %dma_wait3A_211] : memref<79x2x128xi32, #tpu.memory_space<vmem>> -> memref<1x1x128xi32, #tpu.memory_space<vmem>>
      %dma_wait3A_213 = tpu.memref_squeeze %dma_wait3A_212 : memref<1x1x128xi32, #tpu.memory_space<vmem>> -> memref<128xi32, #tpu.memory_space<vmem>>
      %dma_wait3A_214 = arith.constant 0 : i32
      %dma_wait3A_215 = arith.constant 0 : i32
      %dma_wait3A_216 = tpu.memref_slice %arg2[%dma_wait3A_214, %dma_wait3A_215] : memref<10000x32xf32, #tpu.memory_space<hbm>> -> memref<10000x32xf32, #tpu.memory_space<hbm>>
      tpu.wait_indirect_dma semaphore(%arg8 : memref<!tpu.dma_semaphore, #tpu.memory_space<semaphore_mem>>) src(%dma_wait3A_216 : memref<10000x32xf32, #tpu.memory_space<hbm>>) dst(%dma_wait3A_210 : memref<128x32xf32, #tpu.memory_space<vmem>>)
      %mul3A_217 = arith.constant 6 : i32
      %mul3A_218 = arith.muli %scan3A_192, %mul3A_217 : i32
      %add3A_219 = arith.constant 0 : i32
      %add3A_220 = arith.addi %mul3A_218, %add3A_219 : i32
      %dma_start3A_221 = arith.constant 0 : i32
      %dma_start3A_222 = arith.constant 1 : i32
      %dma_start3A_223 = arith.constant 0 : i32
      %dma_start3A_224 = arith.constant 0 : i32
      %dma_start3A_225 = tpu.memref_slice %arg7[%rem3A_193, %dma_start3A_221, %dma_start3A_223, %dma_start3A_224] : memref<2x6x128x32xf32, #tpu.memory_space<vmem>> -> memref<1x1x128x32xf32, #tpu.memory_space<vmem>>
      %dma_start3A_226 = tpu.memref_squeeze %dma_start3A_225 : memref<1x1x128x32xf32, #tpu.memory_space<vmem>> -> memref<128x32xf32, #tpu.memory_space<vmem>>
      %dma_start3A_227 = arith.constant 0 : i32
      %dma_start3A_228 = tpu.memref_slice %arg6[%add3A_220, %dma_start3A_222, %dma_start3A_227] : memref<79x2x128xi32, #tpu.memory_space<vmem>> -> memref<1x1x128xi32, #tpu.memory_space<vmem>>
      %dma_start3A_229 = tpu.memref_squeeze %dma_start3A_228 : memref<1x1x128xi32, #tpu.memory_space<vmem>> -> memref<128xi32, #tpu.memory_space<vmem>>
      %dma_start3A_230 = arith.constant 0 : i32
      %dma_start3A_231 = arith.constant 0 : i32
      %dma_start3A_232 = tpu.memref_slice %arg10[%dma_start3A_230, %dma_start3A_231] : memref<10240x32xf32, #tpu.memory_space<vmem_shared>> -> memref<10240x32xf32, #tpu.memory_space<vmem_shared>>
      tpu.enqueue_indirect_dma source(%dma_start3A_226 : memref<128x32xf32, #tpu.memory_space<vmem>>) target(%dma_start3A_232 : memref<10240x32xf32, #tpu.memory_space<vmem_shared>>) offsets(%dma_start3A_229 : memref<128xi32, #tpu.memory_space<vmem>>) semaphore(%arg9 : memref<!tpu.dma_semaphore, #tpu.memory_space<semaphore_mem>>) {add = true}
      %dma_wait3A_233 = arith.constant 0 : i32
      %dma_wait3A_234 = arith.constant 0 : i32
      %dma_wait3A_235 = arith.constant 1 : i32
      %dma_wait3A_236 = arith.constant 0 : i32
      %dma_wait3A_237 = arith.constant 0 : i32
      %dma_wait3A_238 = tpu.memref_slice %arg7[%rem3A_193, %dma_wait3A_235, %dma_wait3A_236, %dma_wait3A_237] : memref<2x6x128x32xf32, #tpu.memory_space<vmem>> -> memref<1x1x128x32xf32, #tpu.memory_space<vmem>>
      %dma_wait3A_239 = tpu.memref_squeeze %dma_wait3A_238 : memref<1x1x128x32xf32, #tpu.memory_space<vmem>> -> memref<128x32xf32, #tpu.memory_space<vmem>>
      %dma_wait3A_240 = arith.constant 0 : i32
      %dma_wait3A_241 = tpu.memref_slice %arg6[%dma_wait3A_233, %dma_wait3A_234, %dma_wait3A_240] : memref<79x2x128xi32, #tpu.memory_space<vmem>> -> memref<1x1x128xi32, #tpu.memory_space<vmem>>
      %dma_wait3A_242 = tpu.memref_squeeze %dma_wait3A_241 : memref<1x1x128xi32, #tpu.memory_space<vmem>> -> memref<128xi32, #tpu.memory_space<vmem>>
      %dma_wait3A_243 = arith.constant 0 : i32
      %dma_wait3A_244 = arith.constant 0 : i32
      %dma_wait3A_245 = tpu.memref_slice %arg2[%dma_wait3A_243, %dma_wait3A_244] : memref<10000x32xf32, #tpu.memory_space<hbm>> -> memref<10000x32xf32, #tpu.memory_space<hbm>>
      tpu.wait_indirect_dma semaphore(%arg8 : memref<!tpu.dma_semaphore, #tpu.memory_space<semaphore_mem>>) src(%dma_wait3A_245 : memref<10000x32xf32, #tpu.memory_space<hbm>>) dst(%dma_wait3A_239 : memref<128x32xf32, #tpu.memory_space<vmem>>)
      %mul3A_246 = arith.constant 6 : i32
      %mul3A_247 = arith.muli %scan3A_192, %mul3A_246 : i32
      %add3A_248 = arith.constant 1 : i32
      %add3A_249 = arith.addi %mul3A_247, %add3A_248 : i32
      %dma_start3A_250 = arith.constant 1 : i32
      %dma_start3A_251 = arith.constant 1 : i32
      %dma_start3A_252 = arith.constant 0 : i32
      %dma_start3A_253 = arith.constant 0 : i32
      %dma_start3A_254 = tpu.memref_slice %arg7[%rem3A_193, %dma_start3A_250, %dma_start3A_252, %dma_start3A_253] : memref<2x6x128x32xf32, #tpu.memory_space<vmem>> -> memref<1x1x128x32xf32, #tpu.memory_space<vmem>>
      %dma_start3A_255 = tpu.memref_squeeze %dma_start3A_254 : memref<1x1x128x32xf32, #tpu.memory_space<vmem>> -> memref<128x32xf32, #tpu.memory_space<vmem>>
      %dma_start3A_256 = arith.constant 0 : i32
      %dma_start3A_257 = tpu.memref_slice %arg6[%add3A_249, %dma_start3A_251, %dma_start3A_256] : memref<79x2x128xi32, #tpu.memory_space<vmem>> -> memref<1x1x128xi32, #tpu.memory_space<vmem>>
      %dma_start3A_258 = tpu.memref_squeeze %dma_start3A_257 : memref<1x1x128xi32, #tpu.memory_space<vmem>> -> memref<128xi32, #tpu.memory_space<vmem>>
      %dma_start3A_259 = arith.constant 0 : i32
      %dma_start3A_260 = arith.constant 0 : i32
      %dma_start3A_261 = tpu.memref_slice %arg10[%dma_start3A_259, %dma_start3A_260] : memref<10240x32xf32, #tpu.memory_space<vmem_shared>> -> memref<10240x32xf32, #tpu.memory_space<vmem_shared>>
      tpu.enqueue_indirect_dma source(%dma_start3A_255 : memref<128x32xf32, #tpu.memory_space<vmem>>) target(%dma_start3A_261 : memref<10240x32xf32, #tpu.memory_space<vmem_shared>>) offsets(%dma_start3A_258 : memref<128xi32, #tpu.memory_space<vmem>>) semaphore(%arg9 : memref<!tpu.dma_semaphore, #tpu.memory_space<semaphore_mem>>) {add = true}
      %dma_wait3A_262 = arith.constant 0 : i32
      %dma_wait3A_263 = arith.constant 0 : i32
      %dma_wait3A_264 = arith.constant 2 : i32
      %dma_wait3A_265 = arith.constant 0 : i32
      %dma_wait3A_266 = arith.constant 0 : i32
      %dma_wait3A_267 = tpu.memref_slice %arg7[%rem3A_193, %dma_wait3A_264, %dma_wait3A_265, %dma_wait3A_266] : memref<2x6x128x32xf32, #tpu.memory_space<vmem>> -> memref<1x1x128x32xf32, #tpu.memory_space<vmem>>
      %dma_wait3A_268 = tpu.memref_squeeze %dma_wait3A_267 : memref<1x1x128x32xf32, #tpu.memory_space<vmem>> -> memref<128x32xf32, #tpu.memory_space<vmem>>
      %dma_wait3A_269 = arith.constant 0 : i32
      %dma_wait3A_270 = tpu.memref_slice %arg6[%dma_wait3A_262, %dma_wait3A_263, %dma_wait3A_269] : memref<79x2x128xi32, #tpu.memory_space<vmem>> -> memref<1x1x128xi32, #tpu.memory_space<vmem>>
      %dma_wait3A_271 = tpu.memref_squeeze %dma_wait3A_270 : memref<1x1x128xi32, #tpu.memory_space<vmem>> -> memref<128xi32, #tpu.memory_space<vmem>>
      %dma_wait3A_272 = arith.constant 0 : i32
      %dma_wait3A_273 = arith.constant 0 : i32
      %dma_wait3A_274 = tpu.memref_slice %arg2[%dma_wait3A_272, %dma_wait3A_273] : memref<10000x32xf32, #tpu.memory_space<hbm>> -> memref<10000x32xf32, #tpu.memory_space<hbm>>
      tpu.wait_indirect_dma semaphore(%arg8 : memref<!tpu.dma_semaphore, #tpu.memory_space<semaphore_mem>>) src(%dma_wait3A_274 : memref<10000x32xf32, #tpu.memory_space<hbm>>) dst(%dma_wait3A_268 : memref<128x32xf32, #tpu.memory_space<vmem>>)
      %mul3A_275 = arith.constant 6 : i32
      %mul3A_276 = arith.muli %scan3A_192, %mul3A_275 : i32
      %add3A_277 = arith.constant 2 : i32
      %add3A_278 = arith.addi %mul3A_276, %add3A_277 : i32
      %dma_start3A_279 = arith.constant 2 : i32
      %dma_start3A_280 = arith.constant 1 : i32
      %dma_start3A_281 = arith.constant 0 : i32
      %dma_start3A_282 = arith.constant 0 : i32
      %dma_start3A_283 = tpu.memref_slice %arg7[%rem3A_193, %dma_start3A_279, %dma_start3A_281, %dma_start3A_282] : memref<2x6x128x32xf32, #tpu.memory_space<vmem>> -> memref<1x1x128x32xf32, #tpu.memory_space<vmem>>
      %dma_start3A_284 = tpu.memref_squeeze %dma_start3A_283 : memref<1x1x128x32xf32, #tpu.memory_space<vmem>> -> memref<128x32xf32, #tpu.memory_space<vmem>>
      %dma_start3A_285 = arith.constant 0 : i32
      %dma_start3A_286 = tpu.memref_slice %arg6[%add3A_278, %dma_start3A_280, %dma_start3A_285] : memref<79x2x128xi32, #tpu.memory_space<vmem>> -> memref<1x1x128xi32, #tpu.memory_space<vmem>>
      %dma_start3A_287 = tpu.memref_squeeze %dma_start3A_286 : memref<1x1x128xi32, #tpu.memory_space<vmem>> -> memref<128xi32, #tpu.memory_space<vmem>>
      %dma_start3A_288 = arith.constant 0 : i32
      %dma_start3A_289 = arith.constant 0 : i32
      %dma_start3A_290 = tpu.memref_slice %arg10[%dma_start3A_288, %dma_start3A_289] : memref<10240x32xf32, #tpu.memory_space<vmem_shared>> -> memref<10240x32xf32, #tpu.memory_space<vmem_shared>>
      tpu.enqueue_indirect_dma source(%dma_start3A_284 : memref<128x32xf32, #tpu.memory_space<vmem>>) target(%dma_start3A_290 : memref<10240x32xf32, #tpu.memory_space<vmem_shared>>) offsets(%dma_start3A_287 : memref<128xi32, #tpu.memory_space<vmem>>) semaphore(%arg9 : memref<!tpu.dma_semaphore, #tpu.memory_space<semaphore_mem>>) {add = true}
      %dma_wait3A_291 = arith.constant 0 : i32
      %dma_wait3A_292 = arith.constant 0 : i32
      %dma_wait3A_293 = arith.constant 3 : i32
      %dma_wait3A_294 = arith.constant 0 : i32
      %dma_wait3A_295 = arith.constant 0 : i32
      %dma_wait3A_296 = tpu.memref_slice %arg7[%rem3A_193, %dma_wait3A_293, %dma_wait3A_294, %dma_wait3A_295] : memref<2x6x128x32xf32, #tpu.memory_space<vmem>> -> memref<1x1x128x32xf32, #tpu.memory_space<vmem>>
      %dma_wait3A_297 = tpu.memref_squeeze %dma_wait3A_296 : memref<1x1x128x32xf32, #tpu.memory_space<vmem>> -> memref<128x32xf32, #tpu.memory_space<vmem>>
      %dma_wait3A_298 = arith.constant 0 : i32
      %dma_wait3A_299 = tpu.memref_slice %arg6[%dma_wait3A_291, %dma_wait3A_292, %dma_wait3A_298] : memref<79x2x128xi32, #tpu.memory_space<vmem>> -> memref<1x1x128xi32, #tpu.memory_space<vmem>>
      %dma_wait3A_300 = tpu.memref_squeeze %dma_wait3A_299 : memref<1x1x128xi32, #tpu.memory_space<vmem>> -> memref<128xi32, #tpu.memory_space<vmem>>
      %dma_wait3A_301 = arith.constant 0 : i32
      %dma_wait3A_302 = arith.constant 0 : i32
      %dma_wait3A_303 = tpu.memref_slice %arg2[%dma_wait3A_301, %dma_wait3A_302] : memref<10000x32xf32, #tpu.memory_space<hbm>> -> memref<10000x32xf32, #tpu.memory_space<hbm>>
      tpu.wait_indirect_dma semaphore(%arg8 : memref<!tpu.dma_semaphore, #tpu.memory_space<semaphore_mem>>) src(%dma_wait3A_303 : memref<10000x32xf32, #tpu.memory_space<hbm>>) dst(%dma_wait3A_297 : memref<128x32xf32, #tpu.memory_space<vmem>>)
      %mul3A_304 = arith.constant 6 : i32
      %mul3A_305 = arith.muli %scan3A_192, %mul3A_304 : i32
      %add3A_306 = arith.constant 3 : i32
      %add3A_307 = arith.addi %mul3A_305, %add3A_306 : i32
      %dma_start3A_308 = arith.constant 3 : i32
      %dma_start3A_309 = arith.constant 1 : i32
      %dma_start3A_310 = arith.constant 0 : i32
      %dma_start3A_311 = arith.constant 0 : i32
      %dma_start3A_312 = tpu.memref_slice %arg7[%rem3A_193, %dma_start3A_308, %dma_start3A_310, %dma_start3A_311] : memref<2x6x128x32xf32, #tpu.memory_space<vmem>> -> memref<1x1x128x32xf32, #tpu.memory_space<vmem>>
      %dma_start3A_313 = tpu.memref_squeeze %dma_start3A_312 : memref<1x1x128x32xf32, #tpu.memory_space<vmem>> -> memref<128x32xf32, #tpu.memory_space<vmem>>
      %dma_start3A_314 = arith.constant 0 : i32
      %dma_start3A_315 = tpu.memref_slice %arg6[%add3A_307, %dma_start3A_309, %dma_start3A_314] : memref<79x2x128xi32, #tpu.memory_space<vmem>> -> memref<1x1x128xi32, #tpu.memory_space<vmem>>
      %dma_start3A_316 = tpu.memref_squeeze %dma_start3A_315 : memref<1x1x128xi32, #tpu.memory_space<vmem>> -> memref<128xi32, #tpu.memory_space<vmem>>
      %dma_start3A_317 = arith.constant 0 : i32
      %dma_start3A_318 = arith.constant 0 : i32
      %dma_start3A_319 = tpu.memref_slice %arg10[%dma_start3A_317, %dma_start3A_318] : memref<10240x32xf32, #tpu.memory_space<vmem_shared>> -> memref<10240x32xf32, #tpu.memory_space<vmem_shared>>
      tpu.enqueue_indirect_dma source(%dma_start3A_313 : memref<128x32xf32, #tpu.memory_space<vmem>>) target(%dma_start3A_319 : memref<10240x32xf32, #tpu.memory_space<vmem_shared>>) offsets(%dma_start3A_316 : memref<128xi32, #tpu.memory_space<vmem>>) semaphore(%arg9 : memref<!tpu.dma_semaphore, #tpu.memory_space<semaphore_mem>>) {add = true}
      %dma_wait3A_320 = arith.constant 0 : i32
      %dma_wait3A_321 = arith.constant 0 : i32
      %dma_wait3A_322 = arith.constant 4 : i32
      %dma_wait3A_323 = arith.constant 0 : i32
      %dma_wait3A_324 = arith.constant 0 : i32
      %dma_wait3A_325 = tpu.memref_slice %arg7[%rem3A_193, %dma_wait3A_322, %dma_wait3A_323, %dma_wait3A_324] : memref<2x6x128x32xf32, #tpu.memory_space<vmem>> -> memref<1x1x128x32xf32, #tpu.memory_space<vmem>>
      %dma_wait3A_326 = tpu.memref_squeeze %dma_wait3A_325 : memref<1x1x128x32xf32, #tpu.memory_space<vmem>> -> memref<128x32xf32, #tpu.memory_space<vmem>>
      %dma_wait3A_327 = arith.constant 0 : i32
      %dma_wait3A_328 = tpu.memref_slice %arg6[%dma_wait3A_320, %dma_wait3A_321, %dma_wait3A_327] : memref<79x2x128xi32, #tpu.memory_space<vmem>> -> memref<1x1x128xi32, #tpu.memory_space<vmem>>
      %dma_wait3A_329 = tpu.memref_squeeze %dma_wait3A_328 : memref<1x1x128xi32, #tpu.memory_space<vmem>> -> memref<128xi32, #tpu.memory_space<vmem>>
      %dma_wait3A_330 = arith.constant 0 : i32
      %dma_wait3A_331 = arith.constant 0 : i32
      %dma_wait3A_332 = tpu.memref_slice %arg2[%dma_wait3A_330, %dma_wait3A_331] : memref<10000x32xf32, #tpu.memory_space<hbm>> -> memref<10000x32xf32, #tpu.memory_space<hbm>>
      tpu.wait_indirect_dma semaphore(%arg8 : memref<!tpu.dma_semaphore, #tpu.memory_space<semaphore_mem>>) src(%dma_wait3A_332 : memref<10000x32xf32, #tpu.memory_space<hbm>>) dst(%dma_wait3A_326 : memref<128x32xf32, #tpu.memory_space<vmem>>)
      %mul3A_333 = arith.constant 6 : i32
      %mul3A_334 = arith.muli %scan3A_192, %mul3A_333 : i32
      %add3A_335 = arith.constant 4 : i32
      %add3A_336 = arith.addi %mul3A_334, %add3A_335 : i32
      %dma_start3A_337 = arith.constant 4 : i32
      %dma_start3A_338 = arith.constant 1 : i32
      %dma_start3A_339 = arith.constant 0 : i32
      %dma_start3A_340 = arith.constant 0 : i32
      %dma_start3A_341 = tpu.memref_slice %arg7[%rem3A_193, %dma_start3A_337, %dma_start3A_339, %dma_start3A_340] : memref<2x6x128x32xf32, #tpu.memory_space<vmem>> -> memref<1x1x128x32xf32, #tpu.memory_space<vmem>>
      %dma_start3A_342 = tpu.memref_squeeze %dma_start3A_341 : memref<1x1x128x32xf32, #tpu.memory_space<vmem>> -> memref<128x32xf32, #tpu.memory_space<vmem>>
      %dma_start3A_343 = arith.constant 0 : i32
      %dma_start3A_344 = tpu.memref_slice %arg6[%add3A_336, %dma_start3A_338, %dma_start3A_343] : memref<79x2x128xi32, #tpu.memory_space<vmem>> -> memref<1x1x128xi32, #tpu.memory_space<vmem>>
      %dma_start3A_345 = tpu.memref_squeeze %dma_start3A_344 : memref<1x1x128xi32, #tpu.memory_space<vmem>> -> memref<128xi32, #tpu.memory_space<vmem>>
      %dma_start3A_346 = arith.constant 0 : i32
      %dma_start3A_347 = arith.constant 0 : i32
      %dma_start3A_348 = tpu.memref_slice %arg10[%dma_start3A_346, %dma_start3A_347] : memref<10240x32xf32, #tpu.memory_space<vmem_shared>> -> memref<10240x32xf32, #tpu.memory_space<vmem_shared>>
      tpu.enqueue_indirect_dma source(%dma_start3A_342 : memref<128x32xf32, #tpu.memory_space<vmem>>) target(%dma_start3A_348 : memref<10240x32xf32, #tpu.memory_space<vmem_shared>>) offsets(%dma_start3A_345 : memref<128xi32, #tpu.memory_space<vmem>>) semaphore(%arg9 : memref<!tpu.dma_semaphore, #tpu.memory_space<semaphore_mem>>) {add = true}
      %dma_wait3A_349 = arith.constant 0 : i32
      %dma_wait3A_350 = arith.constant 0 : i32
      %dma_wait3A_351 = arith.constant 5 : i32
      %dma_wait3A_352 = arith.constant 0 : i32
      %dma_wait3A_353 = arith.constant 0 : i32
      %dma_wait3A_354 = tpu.memref_slice %arg7[%rem3A_193, %dma_wait3A_351, %dma_wait3A_352, %dma_wait3A_353] : memref<2x6x128x32xf32, #tpu.memory_space<vmem>> -> memref<1x1x128x32xf32, #tpu.memory_space<vmem>>
      %dma_wait3A_355 = tpu.memref_squeeze %dma_wait3A_354 : memref<1x1x128x32xf32, #tpu.memory_space<vmem>> -> memref<128x32xf32, #tpu.memory_space<vmem>>
      %dma_wait3A_356 = arith.constant 0 : i32
      %dma_wait3A_357 = tpu.memref_slice %arg6[%dma_wait3A_349, %dma_wait3A_350, %dma_wait3A_356] : memref<79x2x128xi32, #tpu.memory_space<vmem>> -> memref<1x1x128xi32, #tpu.memory_space<vmem>>
      %dma_wait3A_358 = tpu.memref_squeeze %dma_wait3A_357 : memref<1x1x128xi32, #tpu.memory_space<vmem>> -> memref<128xi32, #tpu.memory_space<vmem>>
      %dma_wait3A_359 = arith.constant 0 : i32
      %dma_wait3A_360 = arith.constant 0 : i32
      %dma_wait3A_361 = tpu.memref_slice %arg2[%dma_wait3A_359, %dma_wait3A_360] : memref<10000x32xf32, #tpu.memory_space<hbm>> -> memref<10000x32xf32, #tpu.memory_space<hbm>>
      tpu.wait_indirect_dma semaphore(%arg8 : memref<!tpu.dma_semaphore, #tpu.memory_space<semaphore_mem>>) src(%dma_wait3A_361 : memref<10000x32xf32, #tpu.memory_space<hbm>>) dst(%dma_wait3A_355 : memref<128x32xf32, #tpu.memory_space<vmem>>)
      %mul3A_362 = arith.constant 6 : i32
      %mul3A_363 = arith.muli %scan3A_192, %mul3A_362 : i32
      %add3A_364 = arith.constant 5 : i32
      %add3A_365 = arith.addi %mul3A_363, %add3A_364 : i32
      %dma_start3A_366 = arith.constant 5 : i32
      %dma_start3A_367 = arith.constant 1 : i32
      %dma_start3A_368 = arith.constant 0 : i32
      %dma_start3A_369 = arith.constant 0 : i32
      %dma_start3A_370 = tpu.memref_slice %arg7[%rem3A_193, %dma_start3A_366, %dma_start3A_368, %dma_start3A_369] : memref<2x6x128x32xf32, #tpu.memory_space<vmem>> -> memref<1x1x128x32xf32, #tpu.memory_space<vmem>>
      %dma_start3A_371 = tpu.memref_squeeze %dma_start3A_370 : memref<1x1x128x32xf32, #tpu.memory_space<vmem>> -> memref<128x32xf32, #tpu.memory_space<vmem>>
      %dma_start3A_372 = arith.constant 0 : i32
      %dma_start3A_373 = tpu.memref_slice %arg6[%add3A_365, %dma_start3A_367, %dma_start3A_372] : memref<79x2x128xi32, #tpu.memory_space<vmem>> -> memref<1x1x128xi32, #tpu.memory_space<vmem>>
      %dma_start3A_374 = tpu.memref_squeeze %dma_start3A_373 : memref<1x1x128xi32, #tpu.memory_space<vmem>> -> memref<128xi32, #tpu.memory_space<vmem>>
      %dma_start3A_375 = arith.constant 0 : i32
      %dma_start3A_376 = arith.constant 0 : i32
      %dma_start3A_377 = tpu.memref_slice %arg10[%dma_start3A_375, %dma_start3A_376] : memref<10240x32xf32, #tpu.memory_space<vmem_shared>> -> memref<10240x32xf32, #tpu.memory_space<vmem_shared>>
      tpu.enqueue_indirect_dma source(%dma_start3A_371 : memref<128x32xf32, #tpu.memory_space<vmem>>) target(%dma_start3A_377 : memref<10240x32xf32, #tpu.memory_space<vmem_shared>>) offsets(%dma_start3A_374 : memref<128xi32, #tpu.memory_space<vmem>>) semaphore(%arg9 : memref<!tpu.dma_semaphore, #tpu.memory_space<semaphore_mem>>) {add = true}
    }
    %scan3A_98 = arith.constant 13 : i32
    %dma_wait3A = arith.constant 0 : i32
    %dma_wait3A_99 = arith.constant 0 : i32
    %dma_wait3A_100 = arith.constant 0 : i32
    %dma_wait3A_101 = arith.constant 1 : i32
    %dma_wait3A_102 = arith.constant 0 : i32
    %dma_wait3A_103 = arith.constant 0 : i32
    %dma_wait3A_104 = tpu.memref_slice %arg7[%dma_wait3A, %dma_wait3A_99, %dma_wait3A_102, %dma_wait3A_103] : memref<2x6x128x32xf32, #tpu.memory_space<vmem>> -> memref<1x1x128x32xf32, #tpu.memory_space<vmem>>
    %dma_wait3A_105 = tpu.memref_squeeze %dma_wait3A_104 : memref<1x1x128x32xf32, #tpu.memory_space<vmem>> -> memref<128x32xf32, #tpu.memory_space<vmem>>
    %dma_wait3A_106 = arith.constant 0 : i32
    %dma_wait3A_107 = tpu.memref_slice %arg6[%dma_wait3A_100, %dma_wait3A_101, %dma_wait3A_106] : memref<79x2x128xi32, #tpu.memory_space<vmem>> -> memref<1x1x128xi32, #tpu.memory_space<vmem>>
    %dma_wait3A_108 = tpu.memref_squeeze %dma_wait3A_107 : memref<1x1x128xi32, #tpu.memory_space<vmem>> -> memref<128xi32, #tpu.memory_space<vmem>>
    %dma_wait3A_109 = arith.constant 0 : i32
    %dma_wait3A_110 = arith.constant 0 : i32
    %dma_wait3A_111 = tpu.memref_slice %arg10[%dma_wait3A_109, %dma_wait3A_110] : memref<10240x32xf32, #tpu.memory_space<vmem_shared>> -> memref<10240x32xf32, #tpu.memory_space<vmem_shared>>
    tpu.wait_indirect_dma semaphore(%arg9 : memref<!tpu.dma_semaphore, #tpu.memory_space<semaphore_mem>>) src(%dma_wait3A_105 : memref<128x32xf32, #tpu.memory_space<vmem>>) dst(%dma_wait3A_111 : memref<10240x32xf32, #tpu.memory_space<vmem_shared>>)
    %dma_wait3A_112 = arith.constant 0 : i32
    %dma_wait3A_113 = arith.constant 1 : i32
    %dma_wait3A_114 = arith.constant 0 : i32
    %dma_wait3A_115 = arith.constant 1 : i32
    %dma_wait3A_116 = arith.constant 0 : i32
    %dma_wait3A_117 = arith.constant 0 : i32
    %dma_wait3A_118 = tpu.memref_slice %arg7[%dma_wait3A_112, %dma_wait3A_113, %dma_wait3A_116, %dma_wait3A_117] : memref<2x6x128x32xf32, #tpu.memory_space<vmem>> -> memref<1x1x128x32xf32, #tpu.memory_space<vmem>>
    %dma_wait3A_119 = tpu.memref_squeeze %dma_wait3A_118 : memref<1x1x128x32xf32, #tpu.memory_space<vmem>> -> memref<128x32xf32, #tpu.memory_space<vmem>>
    %dma_wait3A_120 = arith.constant 0 : i32
    %dma_wait3A_121 = tpu.memref_slice %arg6[%dma_wait3A_114, %dma_wait3A_115, %dma_wait3A_120] : memref<79x2x128xi32, #tpu.memory_space<vmem>> -> memref<1x1x128xi32, #tpu.memory_space<vmem>>
    %dma_wait3A_122 = tpu.memref_squeeze %dma_wait3A_121 : memref<1x1x128xi32, #tpu.memory_space<vmem>> -> memref<128xi32, #tpu.memory_space<vmem>>
    %dma_wait3A_123 = arith.constant 0 : i32
    %dma_wait3A_124 = arith.constant 0 : i32
    %dma_wait3A_125 = tpu.memref_slice %arg10[%dma_wait3A_123, %dma_wait3A_124] : memref<10240x32xf32, #tpu.memory_space<vmem_shared>> -> memref<10240x32xf32, #tpu.memory_space<vmem_shared>>
    tpu.wait_indirect_dma semaphore(%arg9 : memref<!tpu.dma_semaphore, #tpu.memory_space<semaphore_mem>>) src(%dma_wait3A_119 : memref<128x32xf32, #tpu.memory_space<vmem>>) dst(%dma_wait3A_125 : memref<10240x32xf32, #tpu.memory_space<vmem_shared>>)
    %dma_wait3A_126 = arith.constant 0 : i32
    %dma_wait3A_127 = arith.constant 2 : i32
    %dma_wait3A_128 = arith.constant 0 : i32
    %dma_wait3A_129 = arith.constant 1 : i32
    %dma_wait3A_130 = arith.constant 0 : i32
    %dma_wait3A_131 = arith.constant 0 : i32
    %dma_wait3A_132 = tpu.memref_slice %arg7[%dma_wait3A_126, %dma_wait3A_127, %dma_wait3A_130, %dma_wait3A_131] : memref<2x6x128x32xf32, #tpu.memory_space<vmem>> -> memref<1x1x128x32xf32, #tpu.memory_space<vmem>>
    %dma_wait3A_133 = tpu.memref_squeeze %dma_wait3A_132 : memref<1x1x128x32xf32, #tpu.memory_space<vmem>> -> memref<128x32xf32, #tpu.memory_space<vmem>>
    %dma_wait3A_134 = arith.constant 0 : i32
    %dma_wait3A_135 = tpu.memref_slice %arg6[%dma_wait3A_128, %dma_wait3A_129, %dma_wait3A_134] : memref<79x2x128xi32, #tpu.memory_space<vmem>> -> memref<1x1x128xi32, #tpu.memory_space<vmem>>
    %dma_wait3A_136 = tpu.memref_squeeze %dma_wait3A_135 : memref<1x1x128xi32, #tpu.memory_space<vmem>> -> memref<128xi32, #tpu.memory_space<vmem>>
    %dma_wait3A_137 = arith.constant 0 : i32
    %dma_wait3A_138 = arith.constant 0 : i32
    %dma_wait3A_139 = tpu.memref_slice %arg10[%dma_wait3A_137, %dma_wait3A_138] : memref<10240x32xf32, #tpu.memory_space<vmem_shared>> -> memref<10240x32xf32, #tpu.memory_space<vmem_shared>>
    tpu.wait_indirect_dma semaphore(%arg9 : memref<!tpu.dma_semaphore, #tpu.memory_space<semaphore_mem>>) src(%dma_wait3A_133 : memref<128x32xf32, #tpu.memory_space<vmem>>) dst(%dma_wait3A_139 : memref<10240x32xf32, #tpu.memory_space<vmem_shared>>)
    %dma_wait3A_140 = arith.constant 0 : i32
    %dma_wait3A_141 = arith.constant 3 : i32
    %dma_wait3A_142 = arith.constant 0 : i32
    %dma_wait3A_143 = arith.constant 1 : i32
    %dma_wait3A_144 = arith.constant 0 : i32
    %dma_wait3A_145 = arith.constant 0 : i32
    %dma_wait3A_146 = tpu.memref_slice %arg7[%dma_wait3A_140, %dma_wait3A_141, %dma_wait3A_144, %dma_wait3A_145] : memref<2x6x128x32xf32, #tpu.memory_space<vmem>> -> memref<1x1x128x32xf32, #tpu.memory_space<vmem>>
    %dma_wait3A_147 = tpu.memref_squeeze %dma_wait3A_146 : memref<1x1x128x32xf32, #tpu.memory_space<vmem>> -> memref<128x32xf32, #tpu.memory_space<vmem>>
    %dma_wait3A_148 = arith.constant 0 : i32
    %dma_wait3A_149 = tpu.memref_slice %arg6[%dma_wait3A_142, %dma_wait3A_143, %dma_wait3A_148] : memref<79x2x128xi32, #tpu.memory_space<vmem>> -> memref<1x1x128xi32, #tpu.memory_space<vmem>>
    %dma_wait3A_150 = tpu.memref_squeeze %dma_wait3A_149 : memref<1x1x128xi32, #tpu.memory_space<vmem>> -> memref<128xi32, #tpu.memory_space<vmem>>
    %dma_wait3A_151 = arith.constant 0 : i32
    %dma_wait3A_152 = arith.constant 0 : i32
    %dma_wait3A_153 = tpu.memref_slice %arg10[%dma_wait3A_151, %dma_wait3A_152] : memref<10240x32xf32, #tpu.memory_space<vmem_shared>> -> memref<10240x32xf32, #tpu.memory_space<vmem_shared>>
    tpu.wait_indirect_dma semaphore(%arg9 : memref<!tpu.dma_semaphore, #tpu.memory_space<semaphore_mem>>) src(%dma_wait3A_147 : memref<128x32xf32, #tpu.memory_space<vmem>>) dst(%dma_wait3A_153 : memref<10240x32xf32, #tpu.memory_space<vmem_shared>>)
    %dma_wait3A_154 = arith.constant 0 : i32
    %dma_wait3A_155 = arith.constant 4 : i32
    %dma_wait3A_156 = arith.constant 0 : i32
    %dma_wait3A_157 = arith.constant 1 : i32
    %dma_wait3A_158 = arith.constant 0 : i32
    %dma_wait3A_159 = arith.constant 0 : i32
    %dma_wait3A_160 = tpu.memref_slice %arg7[%dma_wait3A_154, %dma_wait3A_155, %dma_wait3A_158, %dma_wait3A_159] : memref<2x6x128x32xf32, #tpu.memory_space<vmem>> -> memref<1x1x128x32xf32, #tpu.memory_space<vmem>>
    %dma_wait3A_161 = tpu.memref_squeeze %dma_wait3A_160 : memref<1x1x128x32xf32, #tpu.memory_space<vmem>> -> memref<128x32xf32, #tpu.memory_space<vmem>>
    %dma_wait3A_162 = arith.constant 0 : i32
    %dma_wait3A_163 = tpu.memref_slice %arg6[%dma_wait3A_156, %dma_wait3A_157, %dma_wait3A_162] : memref<79x2x128xi32, #tpu.memory_space<vmem>> -> memref<1x1x128xi32, #tpu.memory_space<vmem>>
    %dma_wait3A_164 = tpu.memref_squeeze %dma_wait3A_163 : memref<1x1x128xi32, #tpu.memory_space<vmem>> -> memref<128xi32, #tpu.memory_space<vmem>>
    %dma_wait3A_165 = arith.constant 0 : i32
    %dma_wait3A_166 = arith.constant 0 : i32
    %dma_wait3A_167 = tpu.memref_slice %arg10[%dma_wait3A_165, %dma_wait3A_166] : memref<10240x32xf32, #tpu.memory_space<vmem_shared>> -> memref<10240x32xf32, #tpu.memory_space<vmem_shared>>
    tpu.wait_indirect_dma semaphore(%arg9 : memref<!tpu.dma_semaphore, #tpu.memory_space<semaphore_mem>>) src(%dma_wait3A_161 : memref<128x32xf32, #tpu.memory_space<vmem>>) dst(%dma_wait3A_167 : memref<10240x32xf32, #tpu.memory_space<vmem_shared>>)
    %dma_wait3A_168 = arith.constant 0 : i32
    %dma_wait3A_169 = arith.constant 5 : i32
    %dma_wait3A_170 = arith.constant 0 : i32
    %dma_wait3A_171 = arith.constant 1 : i32
    %dma_wait3A_172 = arith.constant 0 : i32
    %dma_wait3A_173 = arith.constant 0 : i32
    %dma_wait3A_174 = tpu.memref_slice %arg7[%dma_wait3A_168, %dma_wait3A_169, %dma_wait3A_172, %dma_wait3A_173] : memref<2x6x128x32xf32, #tpu.memory_space<vmem>> -> memref<1x1x128x32xf32, #tpu.memory_space<vmem>>
    %dma_wait3A_175 = tpu.memref_squeeze %dma_wait3A_174 : memref<1x1x128x32xf32, #tpu.memory_space<vmem>> -> memref<128x32xf32, #tpu.memory_space<vmem>>
    %dma_wait3A_176 = arith.constant 0 : i32
    %dma_wait3A_177 = tpu.memref_slice %arg6[%dma_wait3A_170, %dma_wait3A_171, %dma_wait3A_176] : memref<79x2x128xi32, #tpu.memory_space<vmem>> -> memref<1x1x128xi32, #tpu.memory_space<vmem>>
    %dma_wait3A_178 = tpu.memref_squeeze %dma_wait3A_177 : memref<1x1x128xi32, #tpu.memory_space<vmem>> -> memref<128xi32, #tpu.memory_space<vmem>>
    %dma_wait3A_179 = arith.constant 0 : i32
    %dma_wait3A_180 = arith.constant 0 : i32
    %dma_wait3A_181 = tpu.memref_slice %arg10[%dma_wait3A_179, %dma_wait3A_180] : memref<10240x32xf32, #tpu.memory_space<vmem_shared>> -> memref<10240x32xf32, #tpu.memory_space<vmem_shared>>
    tpu.wait_indirect_dma semaphore(%arg9 : memref<!tpu.dma_semaphore, #tpu.memory_space<semaphore_mem>>) src(%dma_wait3A_175 : memref<128x32xf32, #tpu.memory_space<vmem>>) dst(%dma_wait3A_181 : memref<10240x32xf32, #tpu.memory_space<vmem_shared>>)
    %lt3A_182 = arith.constant 4 : i32
    %lt3A_183 = arith.cmpi slt, %add3A, %lt3A_182 : i32
    %convert_element_type3A_184 = arith.extui %lt3A_183 : i1 to i32
    %cond3A_185 = arith.constant 0 : i32
    %cond3A_186 = arith.cmpi ne, %convert_element_type3A_184, %cond3A_185 : i32
    scf.if %cond3A_186 {
      %dma_start3A_192 = arith.constant 78 : i32
      %dma_start3A_193 = arith.constant 0 : i32
      %dma_start3A_194 = arith.constant 0 : i32
      %dma_start3A_195 = arith.constant 0 : i32
      %dma_start3A_196 = arith.constant 0 : i32
      %dma_start3A_197 = arith.constant 0 : i32
      %dma_start3A_198 = tpu.memref_slice %arg7[%dma_start3A_194, %dma_start3A_195, %dma_start3A_196, %dma_start3A_197] : memref<2x6x128x32xf32, #tpu.memory_space<vmem>> -> memref<1x1x128x32xf32, #tpu.memory_space<vmem>>
      %dma_start3A_199 = tpu.memref_squeeze %dma_start3A_198 : memref<1x1x128x32xf32, #tpu.memory_space<vmem>> -> memref<128x32xf32, #tpu.memory_space<vmem>>
      %dma_start3A_200 = arith.constant 0 : i32
      %dma_start3A_201 = tpu.memref_slice %arg6[%dma_start3A_192, %dma_start3A_193, %dma_start3A_200] : memref<79x2x128xi32, #tpu.memory_space<vmem>> -> memref<1x1x128xi32, #tpu.memory_space<vmem>>
      %dma_start3A_202 = tpu.memref_squeeze %dma_start3A_201 : memref<1x1x128xi32, #tpu.memory_space<vmem>> -> memref<128xi32, #tpu.memory_space<vmem>>
      %dma_start3A_203 = arith.constant 0 : i32
      %dma_start3A_204 = arith.constant 0 : i32
      %dma_start3A_205 = tpu.memref_slice %arg2[%dma_start3A_203, %dma_start3A_204] : memref<10000x32xf32, #tpu.memory_space<hbm>> -> memref<10000x32xf32, #tpu.memory_space<hbm>>
      tpu.enqueue_indirect_dma source(%dma_start3A_205 : memref<10000x32xf32, #tpu.memory_space<hbm>>) target(%dma_start3A_199 : memref<128x32xf32, #tpu.memory_space<vmem>>) offsets(%dma_start3A_202 : memref<128xi32, #tpu.memory_space<vmem>>) semaphore(%arg8 : memref<!tpu.dma_semaphore, #tpu.memory_space<semaphore_mem>>)
      %dma_wait3A_206 = arith.constant 78 : i32
      %dma_wait3A_207 = arith.constant 0 : i32
      %dma_wait3A_208 = arith.constant 0 : i32
      %dma_wait3A_209 = arith.constant 0 : i32
      %dma_wait3A_210 = arith.constant 0 : i32
      %dma_wait3A_211 = arith.constant 0 : i32
      %dma_wait3A_212 = tpu.memref_slice %arg7[%dma_wait3A_208, %dma_wait3A_209, %dma_wait3A_210, %dma_wait3A_211] : memref<2x6x128x32xf32, #tpu.memory_space<vmem>> -> memref<1x1x128x32xf32, #tpu.memory_space<vmem>>
      %dma_wait3A_213 = tpu.memref_squeeze %dma_wait3A_212 : memref<1x1x128x32xf32, #tpu.memory_space<vmem>> -> memref<128x32xf32, #tpu.memory_space<vmem>>
      %dma_wait3A_214 = arith.constant 0 : i32
      %dma_wait3A_215 = tpu.memref_slice %arg6[%dma_wait3A_206, %dma_wait3A_207, %dma_wait3A_214] : memref<79x2x128xi32, #tpu.memory_space<vmem>> -> memref<1x1x128xi32, #tpu.memory_space<vmem>>
      %dma_wait3A_216 = tpu.memref_squeeze %dma_wait3A_215 : memref<1x1x128xi32, #tpu.memory_space<vmem>> -> memref<128xi32, #tpu.memory_space<vmem>>
      %dma_wait3A_217 = arith.constant 0 : i32
      %dma_wait3A_218 = arith.constant 0 : i32
      %dma_wait3A_219 = tpu.memref_slice %arg2[%dma_wait3A_217, %dma_wait3A_218] : memref<10000x32xf32, #tpu.memory_space<hbm>> -> memref<10000x32xf32, #tpu.memory_space<hbm>>
      tpu.wait_indirect_dma semaphore(%arg8 : memref<!tpu.dma_semaphore, #tpu.memory_space<semaphore_mem>>) src(%dma_wait3A_219 : memref<10000x32xf32, #tpu.memory_space<hbm>>) dst(%dma_wait3A_213 : memref<128x32xf32, #tpu.memory_space<vmem>>)
      %dma_start3A_220 = arith.constant 0 : i32
      %dma_start3A_221 = arith.constant 0 : i32
      %dma_start3A_222 = arith.constant 78 : i32
      %dma_start3A_223 = arith.constant 1 : i32
      %dma_start3A_224 = arith.constant 0 : i32
      %dma_start3A_225 = arith.constant 0 : i32
      %dma_start3A_226 = tpu.memref_slice %arg7[%dma_start3A_220, %dma_start3A_221, %dma_start3A_224, %dma_start3A_225] : memref<2x6x128x32xf32, #tpu.memory_space<vmem>> -> memref<1x1x128x32xf32, #tpu.memory_space<vmem>>
      %dma_start3A_227 = tpu.memref_squeeze %dma_start3A_226 : memref<1x1x128x32xf32, #tpu.memory_space<vmem>> -> memref<128x32xf32, #tpu.memory_space<vmem>>
      %dma_start3A_228 = arith.constant 0 : i32
      %dma_start3A_229 = tpu.memref_slice %arg6[%dma_start3A_222, %dma_start3A_223, %dma_start3A_228] : memref<79x2x128xi32, #tpu.memory_space<vmem>> -> memref<1x1x128xi32, #tpu.memory_space<vmem>>
      %dma_start3A_230 = tpu.memref_squeeze %dma_start3A_229 : memref<1x1x128xi32, #tpu.memory_space<vmem>> -> memref<128xi32, #tpu.memory_space<vmem>>
      %dma_start3A_231 = arith.constant 0 : i32
      %dma_start3A_232 = arith.constant 0 : i32
      %dma_start3A_233 = tpu.memref_slice %arg10[%dma_start3A_231, %dma_start3A_232] : memref<10240x32xf32, #tpu.memory_space<vmem_shared>> -> memref<10240x32xf32, #tpu.memory_space<vmem_shared>>
      tpu.enqueue_indirect_dma source(%dma_start3A_227 : memref<128x32xf32, #tpu.memory_space<vmem>>) target(%dma_start3A_233 : memref<10240x32xf32, #tpu.memory_space<vmem_shared>>) offsets(%dma_start3A_230 : memref<128xi32, #tpu.memory_space<vmem>>) semaphore(%arg9 : memref<!tpu.dma_semaphore, #tpu.memory_space<semaphore_mem>>) {add = true}
      %dma_wait3A_234 = arith.constant 0 : i32
      %dma_wait3A_235 = arith.constant 0 : i32
      %dma_wait3A_236 = arith.constant 78 : i32
      %dma_wait3A_237 = arith.constant 1 : i32
      %dma_wait3A_238 = arith.constant 0 : i32
      %dma_wait3A_239 = arith.constant 0 : i32
      %dma_wait3A_240 = tpu.memref_slice %arg7[%dma_wait3A_234, %dma_wait3A_235, %dma_wait3A_238, %dma_wait3A_239] : memref<2x6x128x32xf32, #tpu.memory_space<vmem>> -> memref<1x1x128x32xf32, #tpu.memory_space<vmem>>
      %dma_wait3A_241 = tpu.memref_squeeze %dma_wait3A_240 : memref<1x1x128x32xf32, #tpu.memory_space<vmem>> -> memref<128x32xf32, #tpu.memory_space<vmem>>
      %dma_wait3A_242 = arith.constant 0 : i32
      %dma_wait3A_243 = tpu.memref_slice %arg6[%dma_wait3A_236, %dma_wait3A_237, %dma_wait3A_242] : memref<79x2x128xi32, #tpu.memory_space<vmem>> -> memref<1x1x128xi32, #tpu.memory_space<vmem>>
      %dma_wait3A_244 = tpu.memref_squeeze %dma_wait3A_243 : memref<1x1x128xi32, #tpu.memory_space<vmem>> -> memref<128xi32, #tpu.memory_space<vmem>>
      %dma_wait3A_245 = arith.constant 0 : i32
      %dma_wait3A_246 = arith.constant 0 : i32
      %dma_wait3A_247 = tpu.memref_slice %arg10[%dma_wait3A_245, %dma_wait3A_246] : memref<10240x32xf32, #tpu.memory_space<vmem_shared>> -> memref<10240x32xf32, #tpu.memory_space<vmem_shared>>
      tpu.wait_indirect_dma semaphore(%arg9 : memref<!tpu.dma_semaphore, #tpu.memory_space<semaphore_mem>>) src(%dma_wait3A_241 : memref<128x32xf32, #tpu.memory_space<vmem>>) dst(%dma_wait3A_247 : memref<10240x32xf32, #tpu.memory_space<vmem_shared>>)
    } else {
    }
    %barrier3A_187 = arith.constant 0 : index
    tpu.barrier barrier_id(%barrier3A_187)
    %mul3A_188 = arith.constant 640 : i32
    %mul3A_189 = arith.muli %arg1, %mul3A_188 : i32
    %mul3A_190 = arith.constant 640 : i32
    %mul3A_191 = arith.muli %arg1, %mul3A_190 : i32
    "tpu.region"() ({
      %run_scoped3A = tpu.sem_alloc : memref<!tpu.dma_semaphore, #tpu.memory_space<semaphore_mem>>
      %dma_start3A_192 = arith.constant 0 : i32
      %dma_start3A_193 = tpu.memref_slice %arg5[%arg0, %mul3A_191, %dma_start3A_192] : memref<2x10240x32xf32, #tpu.memory_space<hbm>> -> memref<1x640x32xf32, #tpu.memory_space<hbm>>
      %dma_start3A_194 = tpu.memref_squeeze %dma_start3A_193 : memref<1x640x32xf32, #tpu.memory_space<hbm>> -> memref<640x32xf32, #tpu.memory_space<hbm>>
      %dma_start3A_195 = arith.constant 0 : i32
      %dma_start3A_196 = tpu.memref_slice %arg10[%mul3A_189, %dma_start3A_195] : memref<10240x32xf32, #tpu.memory_space<vmem_shared>> -> memref<640x32xf32, #tpu.memory_space<vmem_shared>>
      tpu.enqueue_dma source(%dma_start3A_196 : memref<640x32xf32, #tpu.memory_space<vmem_shared>>) target(%dma_start3A_194 : memref<640x32xf32, #tpu.memory_space<hbm>>) target_semaphore(%run_scoped3A : memref<!tpu.dma_semaphore, #tpu.memory_space<semaphore_mem>>)
      %dma_wait3A_197 = arith.constant 0 : i32
      %dma_wait3A_198 = tpu.memref_slice %arg5[%arg0, %mul3A_191, %dma_wait3A_197] : memref<2x10240x32xf32, #tpu.memory_space<hbm>> -> memref<1x640x32xf32, #tpu.memory_space<hbm>>
      %dma_wait3A_199 = tpu.memref_squeeze %dma_wait3A_198 : memref<1x640x32xf32, #tpu.memory_space<hbm>> -> memref<640x32xf32, #tpu.memory_space<hbm>>
      %dma_wait3A_200 = arith.constant 0 : i32
      %dma_wait3A_201 = tpu.memref_slice %arg10[%mul3A_189, %dma_wait3A_200] : memref<10240x32xf32, #tpu.memory_space<vmem_shared>> -> memref<640x32xf32, #tpu.memory_space<vmem_shared>>
      tpu.wait_dma2 semaphore(%run_scoped3A : memref<!tpu.dma_semaphore, #tpu.memory_space<semaphore_mem>>) src(%dma_wait3A_201 : memref<640x32xf32, #tpu.memory_space<vmem_shared>>) dst(%dma_wait3A_199 : memref<640x32xf32, #tpu.memory_space<hbm>>)
      tpu.yield
    }) : () -> ()
    return
  }
}

module attributes {stable_mosaic.version = 14 : i64} {
  func.func @_tc1_body(%arg0: memref<2500x512xf32, #tpu.memory_space<vmem>>, %arg1: memref<128x32xf32, #tpu.memory_space<vmem>>, %arg2: memref<2x2560x4xf32, #tpu.memory_space<vmem>>, %arg3: memref<2500x128xf32, #tpu.memory_space<vmem>>) attributes {dimension_semantics = [], scalar_prefetch = 0 : i64, scratch_operands = 0 : i64, tpu.core_type = #tpu.core_type<tc>} {
    %get3A = arith.constant 0 : index
    %get3A_0 = arith.constant 0 : index
    %get3A_1 = arith.constant 0 : index
    %get3A_2 = vector.load %arg2[%get3A, %get3A_0, %get3A_1] : memref<2x2560x4xf32, #tpu.memory_space<vmem>>, vector<1x2560x4xf32>
    %get3A_3 = vector.shape_cast %get3A_2 : vector<1x2560x4xf32> to vector<2560x4xf32>
    %slice3A = vector.extract_strided_slice %get3A_3 {offsets = [0, 0], sizes = [2500, 4], strides = [1, 1]} : vector<2560x4xf32> to vector<2500x4xf32>
    %get3A_4 = arith.constant 1 : index
    %get3A_5 = arith.constant 0 : index
    %get3A_6 = arith.constant 0 : index
    %get3A_7 = vector.load %arg2[%get3A_4, %get3A_5, %get3A_6] : memref<2x2560x4xf32, #tpu.memory_space<vmem>>, vector<1x2560x4xf32>
    %get3A_8 = vector.shape_cast %get3A_7 : vector<1x2560x4xf32> to vector<2560x4xf32>
    %slice3A_9 = vector.extract_strided_slice %get3A_8 {offsets = [0, 0], sizes = [2500, 4], strides = [1, 1]} : vector<2560x4xf32> to vector<2500x4xf32>
    %add3A = arith.addf %slice3A, %slice3A_9 : vector<2500x4xf32>
    %add3A_10 = arith.constant 1.000000e+00 : f32
    %add3A_11 = vector.broadcast %add3A_10 : f32 to vector<2500x4xf32>
    %add3A_12 = arith.addf %add3A, %add3A_11 : vector<2500x4xf32>
    %rsqrt3A = math.rsqrt %add3A_12 : vector<2500x4xf32>
    %get3A_13 = arith.constant 0 : index
    %get3A_14 = arith.constant 0 : index
    %get3A_15 = vector.load %arg0[%get3A_13, %get3A_14] : memref<2500x512xf32, #tpu.memory_space<vmem>>, vector<2500x128xf32>
    %get3A_16 = arith.constant 0 : index
    %get3A_17 = arith.constant 0 : index
    %get3A_18 = vector.load %arg1[%get3A_16, %get3A_17] : memref<128x32xf32, #tpu.memory_space<vmem>>, vector<128x32xf32>
    %dot_general3A = arith.constant dense<0.000000e+00> : vector<2500x32xf32>
    %dot_general3A_19 = tpu.matmul %get3A_15, %get3A_18, %dot_general3A {dimension_numbers = #tpu.dot_dimension_numbers<[1], [0], [0], [1], [0, 0, 1, 1], [], []>, transpose_lhs_hint = false} : vector<2500x128xf32>, vector<128x32xf32>, vector<2500x32xf32> -> vector<2500x32xf32>
    %slice3A_20 = vector.extract_strided_slice %rsqrt3A {offsets = [0, 0], sizes = [2500, 1], strides = [1, 1]} : vector<2500x4xf32> to vector<2500x1xf32>
    %broadcast_in_dim3A = vector.shape_cast %slice3A_20 : vector<2500x1xf32> to vector<2500x1xf32>
    %broadcast_in_dim3A_21 = vector.broadcast %broadcast_in_dim3A : vector<2500x1xf32> to vector<2500x32xf32>
    %mul3A = arith.mulf %dot_general3A_19, %broadcast_in_dim3A_21 : vector<2500x32xf32>
    %get3A_22 = arith.constant 0 : index
    %get3A_23 = arith.constant 128 : index
    %get3A_24 = vector.load %arg0[%get3A_22, %get3A_23] : memref<2500x512xf32, #tpu.memory_space<vmem>>, vector<2500x128xf32>
    %get3A_25 = arith.constant 0 : index
    %get3A_26 = arith.constant 0 : index
    %get3A_27 = vector.load %arg1[%get3A_25, %get3A_26] : memref<128x32xf32, #tpu.memory_space<vmem>>, vector<128x32xf32>
    %dot_general3A_28 = arith.constant dense<0.000000e+00> : vector<2500x32xf32>
    %dot_general3A_29 = tpu.matmul %get3A_24, %get3A_27, %dot_general3A_28 {dimension_numbers = #tpu.dot_dimension_numbers<[1], [0], [0], [1], [0, 0, 1, 1], [], []>, transpose_lhs_hint = false} : vector<2500x128xf32>, vector<128x32xf32>, vector<2500x32xf32> -> vector<2500x32xf32>
    %slice3A_30 = vector.extract_strided_slice %rsqrt3A {offsets = [0, 1], sizes = [2500, 1], strides = [1, 1]} : vector<2500x4xf32> to vector<2500x1xf32>
    %broadcast_in_dim3A_31 = vector.shape_cast %slice3A_30 : vector<2500x1xf32> to vector<2500x1xf32>
    %broadcast_in_dim3A_32 = vector.broadcast %broadcast_in_dim3A_31 : vector<2500x1xf32> to vector<2500x32xf32>
    %mul3A_33 = arith.mulf %dot_general3A_29, %broadcast_in_dim3A_32 : vector<2500x32xf32>
    %get3A_34 = arith.constant 0 : index
    %get3A_35 = arith.constant 256 : index
    %get3A_36 = vector.load %arg0[%get3A_34, %get3A_35] : memref<2500x512xf32, #tpu.memory_space<vmem>>, vector<2500x128xf32>
    %get3A_37 = arith.constant 0 : index
    %get3A_38 = arith.constant 0 : index
    %get3A_39 = vector.load %arg1[%get3A_37, %get3A_38] : memref<128x32xf32, #tpu.memory_space<vmem>>, vector<128x32xf32>
    %dot_general3A_40 = arith.constant dense<0.000000e+00> : vector<2500x32xf32>
    %dot_general3A_41 = tpu.matmul %get3A_36, %get3A_39, %dot_general3A_40 {dimension_numbers = #tpu.dot_dimension_numbers<[1], [0], [0], [1], [0, 0, 1, 1], [], []>, transpose_lhs_hint = false} : vector<2500x128xf32>, vector<128x32xf32>, vector<2500x32xf32> -> vector<2500x32xf32>
    %slice3A_42 = vector.extract_strided_slice %rsqrt3A {offsets = [0, 2], sizes = [2500, 1], strides = [1, 1]} : vector<2500x4xf32> to vector<2500x1xf32>
    %broadcast_in_dim3A_43 = vector.shape_cast %slice3A_42 : vector<2500x1xf32> to vector<2500x1xf32>
    %broadcast_in_dim3A_44 = vector.broadcast %broadcast_in_dim3A_43 : vector<2500x1xf32> to vector<2500x32xf32>
    %mul3A_45 = arith.mulf %dot_general3A_41, %broadcast_in_dim3A_44 : vector<2500x32xf32>
    %get3A_46 = arith.constant 0 : index
    %get3A_47 = arith.constant 384 : index
    %get3A_48 = vector.load %arg0[%get3A_46, %get3A_47] : memref<2500x512xf32, #tpu.memory_space<vmem>>, vector<2500x128xf32>
    %get3A_49 = arith.constant 0 : index
    %get3A_50 = arith.constant 0 : index
    %get3A_51 = vector.load %arg1[%get3A_49, %get3A_50] : memref<128x32xf32, #tpu.memory_space<vmem>>, vector<128x32xf32>
    %dot_general3A_52 = arith.constant dense<0.000000e+00> : vector<2500x32xf32>
    %dot_general3A_53 = tpu.matmul %get3A_48, %get3A_51, %dot_general3A_52 {dimension_numbers = #tpu.dot_dimension_numbers<[1], [0], [0], [1], [0, 0, 1, 1], [], []>, transpose_lhs_hint = false} : vector<2500x128xf32>, vector<128x32xf32>, vector<2500x32xf32> -> vector<2500x32xf32>
    %slice3A_54 = vector.extract_strided_slice %rsqrt3A {offsets = [0, 3], sizes = [2500, 1], strides = [1, 1]} : vector<2500x4xf32> to vector<2500x1xf32>
    %broadcast_in_dim3A_55 = vector.shape_cast %slice3A_54 : vector<2500x1xf32> to vector<2500x1xf32>
    %broadcast_in_dim3A_56 = vector.broadcast %broadcast_in_dim3A_55 : vector<2500x1xf32> to vector<2500x32xf32>
    %mul3A_57 = arith.mulf %dot_general3A_53, %broadcast_in_dim3A_56 : vector<2500x32xf32>
    %concatenate3A = tpu.concatenate %mul3A, %mul3A_33, %mul3A_45, %mul3A_57 in 1 : vector<2500x32xf32>, vector<2500x32xf32>, vector<2500x32xf32>, vector<2500x32xf32> -> vector<2500x128xf32>
    %swap3A = arith.constant 0 : index
    %swap3A_58 = arith.constant 0 : index
    %swap3A_59 = vector.load %arg3[%swap3A, %swap3A_58] : memref<2500x128xf32, #tpu.memory_space<vmem>>, vector<2500x128xf32>
    tpu.vector_store %arg3[%swap3A, %swap3A_58], %concatenate3A {strides = array<i32>} : memref<2500x128xf32, #tpu.memory_space<vmem>>, vector<2500x128xf32>,
    return
  }
}

module attributes {stable_mosaic.version = 14 : i64} {
  func.func @_tc2_body(%arg0: memref<2500x128xf32, #tpu.memory_space<vmem>>, %arg1: memref<2x2560x128xf32, #tpu.memory_space<vmem>>, %arg2: memref<2x2560x4xf32, #tpu.memory_space<vmem>>, %arg3: memref<1x128xf32, #tpu.memory_space<vmem>>, %arg4: memref<1x128xf32, #tpu.memory_space<vmem>>, %arg5: memref<1x128xf32, #tpu.memory_space<vmem>>, %arg6: memref<2500x128xf32, #tpu.memory_space<vmem>>) attributes {dimension_semantics = [], scalar_prefetch = 0 : i64, scratch_operands = 0 : i64, tpu.core_type = #tpu.core_type<tc>} {
    %get3A = arith.constant 0 : index
    %get3A_0 = arith.constant 0 : index
    %get3A_1 = arith.constant 0 : index
    %get3A_2 = vector.load %arg2[%get3A, %get3A_0, %get3A_1] : memref<2x2560x4xf32, #tpu.memory_space<vmem>>, vector<1x2560x4xf32>
    %get3A_3 = vector.shape_cast %get3A_2 : vector<1x2560x4xf32> to vector<2560x4xf32>
    %slice3A = vector.extract_strided_slice %get3A_3 {offsets = [0, 0], sizes = [2500, 4], strides = [1, 1]} : vector<2560x4xf32> to vector<2500x4xf32>
    %get3A_4 = arith.constant 1 : index
    %get3A_5 = arith.constant 0 : index
    %get3A_6 = arith.constant 0 : index
    %get3A_7 = vector.load %arg2[%get3A_4, %get3A_5, %get3A_6] : memref<2x2560x4xf32, #tpu.memory_space<vmem>>, vector<1x2560x4xf32>
    %get3A_8 = vector.shape_cast %get3A_7 : vector<1x2560x4xf32> to vector<2560x4xf32>
    %slice3A_9 = vector.extract_strided_slice %get3A_8 {offsets = [0, 0], sizes = [2500, 4], strides = [1, 1]} : vector<2560x4xf32> to vector<2500x4xf32>
    %add3A = arith.addf %slice3A, %slice3A_9 : vector<2500x4xf32>
    %add3A_10 = arith.constant 1.000000e+00 : f32
    %add3A_11 = vector.broadcast %add3A_10 : f32 to vector<2500x4xf32>
    %add3A_12 = arith.addf %add3A, %add3A_11 : vector<2500x4xf32>
    %rsqrt3A = math.rsqrt %add3A_12 : vector<2500x4xf32>
    %slice3A_13 = vector.extract_strided_slice %rsqrt3A {offsets = [0, 0], sizes = [2500, 1], strides = [1, 1]} : vector<2500x4xf32> to vector<2500x1xf32>
    %broadcast_in_dim3A = vector.shape_cast %slice3A_13 : vector<2500x1xf32> to vector<2500x1xf32>
    %broadcast_in_dim3A_14 = vector.broadcast %broadcast_in_dim3A : vector<2500x1xf32> to vector<2500x32xf32>
    %slice3A_15 = vector.extract_strided_slice %rsqrt3A {offsets = [0, 1], sizes = [2500, 1], strides = [1, 1]} : vector<2500x4xf32> to vector<2500x1xf32>
    %broadcast_in_dim3A_16 = vector.shape_cast %slice3A_15 : vector<2500x1xf32> to vector<2500x1xf32>
    %broadcast_in_dim3A_17 = vector.broadcast %broadcast_in_dim3A_16 : vector<2500x1xf32> to vector<2500x32xf32>
    %slice3A_18 = vector.extract_strided_slice %rsqrt3A {offsets = [0, 2], sizes = [2500, 1], strides = [1, 1]} : vector<2500x4xf32> to vector<2500x1xf32>
    %broadcast_in_dim3A_19 = vector.shape_cast %slice3A_18 : vector<2500x1xf32> to vector<2500x1xf32>
    %broadcast_in_dim3A_20 = vector.broadcast %broadcast_in_dim3A_19 : vector<2500x1xf32> to vector<2500x32xf32>
    %slice3A_21 = vector.extract_strided_slice %rsqrt3A {offsets = [0, 3], sizes = [2500, 1], strides = [1, 1]} : vector<2500x4xf32> to vector<2500x1xf32>
    %broadcast_in_dim3A_22 = vector.shape_cast %slice3A_21 : vector<2500x1xf32> to vector<2500x1xf32>
    %broadcast_in_dim3A_23 = vector.broadcast %broadcast_in_dim3A_22 : vector<2500x1xf32> to vector<2500x32xf32>
    %concatenate3A = tpu.concatenate %broadcast_in_dim3A_14, %broadcast_in_dim3A_17, %broadcast_in_dim3A_20, %broadcast_in_dim3A_23 in 1 : vector<2500x32xf32>, vector<2500x32xf32>, vector<2500x32xf32>, vector<2500x32xf32> -> vector<2500x128xf32>
    %get3A_24 = arith.constant 0 : index
    %get3A_25 = arith.constant 0 : index
    %get3A_26 = arith.constant 0 : index
    %get3A_27 = vector.load %arg1[%get3A_24, %get3A_25, %get3A_26] : memref<2x2560x128xf32, #tpu.memory_space<vmem>>, vector<1x2560x128xf32>
    %get3A_28 = vector.shape_cast %get3A_27 : vector<1x2560x128xf32> to vector<2560x128xf32>
    %slice3A_29 = vector.extract_strided_slice %get3A_28 {offsets = [0, 0], sizes = [2500, 128], strides = [1, 1]} : vector<2560x128xf32> to vector<2500x128xf32>
    %get3A_30 = arith.constant 1 : index
    %get3A_31 = arith.constant 0 : index
    %get3A_32 = arith.constant 0 : index
    %get3A_33 = vector.load %arg1[%get3A_30, %get3A_31, %get3A_32] : memref<2x2560x128xf32, #tpu.memory_space<vmem>>, vector<1x2560x128xf32>
    %get3A_34 = vector.shape_cast %get3A_33 : vector<1x2560x128xf32> to vector<2560x128xf32>
    %slice3A_35 = vector.extract_strided_slice %get3A_34 {offsets = [0, 0], sizes = [2500, 128], strides = [1, 1]} : vector<2560x128xf32> to vector<2500x128xf32>
    %add3A_36 = arith.addf %slice3A_29, %slice3A_35 : vector<2500x128xf32>
    %get3A_37 = arith.constant 0 : index
    %get3A_38 = arith.constant 0 : index
    %get3A_39 = vector.load %arg0[%get3A_37, %get3A_38] : memref<2500x128xf32, #tpu.memory_space<vmem>>, vector<2500x128xf32>
    %add3A_40 = arith.addf %add3A_36, %get3A_39 : vector<2500x128xf32>
    %mul3A = arith.mulf %concatenate3A, %add3A_40 : vector<2500x128xf32>
    %get3A_41 = arith.constant 0 : index
    %get3A_42 = arith.constant 0 : index
    %get3A_43 = vector.load %arg3[%get3A_41, %get3A_42] : memref<1x128xf32, #tpu.memory_space<vmem>>, vector<1x128xf32>
    %add3A_44 = vector.broadcast %get3A_43 : vector<1x128xf32> to vector<2500x128xf32>
    %add3A_45 = arith.addf %mul3A, %add3A_44 : vector<2500x128xf32>
    %reduce_sum3A = arith.constant dense<0.000000e+00> : vector<128xf32>
    %reduce_sum3A_46 = vector.multi_reduction <add>, %add3A_45, %reduce_sum3A [0] : vector<2500x128xf32> to vector<128xf32>
    %broadcast_in_dim3A_47 = vector.shape_cast %reduce_sum3A_46 : vector<128xf32> to vector<1x128xf32>
    %slice3A_48 = vector.extract_strided_slice %broadcast_in_dim3A_47 {offsets = [0, 0], sizes = [1, 32], strides = [1, 1]} : vector<1x128xf32> to vector<1x32xf32>
    %slice3A_49 = vector.extract_strided_slice %broadcast_in_dim3A_47 {offsets = [0, 32], sizes = [1, 32], strides = [1, 1]} : vector<1x128xf32> to vector<1x32xf32>
    %add3A_50 = arith.addf %slice3A_48, %slice3A_49 : vector<1x32xf32>
    %slice3A_51 = vector.extract_strided_slice %broadcast_in_dim3A_47 {offsets = [0, 64], sizes = [1, 32], strides = [1, 1]} : vector<1x128xf32> to vector<1x32xf32>
    %add3A_52 = arith.addf %add3A_50, %slice3A_51 : vector<1x32xf32>
    %slice3A_53 = vector.extract_strided_slice %broadcast_in_dim3A_47 {offsets = [0, 96], sizes = [1, 32], strides = [1, 1]} : vector<1x128xf32> to vector<1x32xf32>
    %add3A_54 = arith.addf %add3A_52, %slice3A_53 : vector<1x32xf32>
    %div3A = arith.constant 1.000000e+04 : f32
    %div3A_55 = vector.broadcast %div3A : f32 to vector<1x32xf32>
    %div3A_56 = arith.divf %add3A_54, %div3A_55 : vector<1x32xf32>
    %concatenate3A_57 = tpu.concatenate %div3A_56, %div3A_56, %div3A_56, %div3A_56 in 1 : vector<1x32xf32>, vector<1x32xf32>, vector<1x32xf32>, vector<1x32xf32> -> vector<1x128xf32>
    %sub3A = vector.broadcast %concatenate3A_57 : vector<1x128xf32> to vector<2500x128xf32>
    %sub3A_58 = arith.subf %add3A_45, %sub3A : vector<2500x128xf32>
    %mul3A_59 = arith.mulf %sub3A_58, %sub3A_58 : vector<2500x128xf32>
    %reduce_sum3A_60 = arith.constant dense<0.000000e+00> : vector<128xf32>
    %reduce_sum3A_61 = vector.multi_reduction <add>, %mul3A_59, %reduce_sum3A_60 [0] : vector<2500x128xf32> to vector<128xf32>
    %broadcast_in_dim3A_62 = vector.shape_cast %reduce_sum3A_61 : vector<128xf32> to vector<1x128xf32>
    %slice3A_63 = vector.extract_strided_slice %broadcast_in_dim3A_62 {offsets = [0, 0], sizes = [1, 32], strides = [1, 1]} : vector<1x128xf32> to vector<1x32xf32>
    %slice3A_64 = vector.extract_strided_slice %broadcast_in_dim3A_62 {offsets = [0, 32], sizes = [1, 32], strides = [1, 1]} : vector<1x128xf32> to vector<1x32xf32>
    %add3A_65 = arith.addf %slice3A_63, %slice3A_64 : vector<1x32xf32>
    %slice3A_66 = vector.extract_strided_slice %broadcast_in_dim3A_62 {offsets = [0, 64], sizes = [1, 32], strides = [1, 1]} : vector<1x128xf32> to vector<1x32xf32>
    %add3A_67 = arith.addf %add3A_65, %slice3A_66 : vector<1x32xf32>
    %slice3A_68 = vector.extract_strided_slice %broadcast_in_dim3A_62 {offsets = [0, 96], sizes = [1, 32], strides = [1, 1]} : vector<1x128xf32> to vector<1x32xf32>
    %add3A_69 = arith.addf %add3A_67, %slice3A_68 : vector<1x32xf32>
    %div3A_70 = arith.constant 1.000000e+04 : f32
    %div3A_71 = vector.broadcast %div3A_70 : f32 to vector<1x32xf32>
    %div3A_72 = arith.divf %add3A_69, %div3A_71 : vector<1x32xf32>
    %concatenate3A_73 = tpu.concatenate %div3A_72, %div3A_72, %div3A_72, %div3A_72 in 1 : vector<1x32xf32>, vector<1x32xf32>, vector<1x32xf32>, vector<1x32xf32> -> vector<1x128xf32>
    %add3A_74 = arith.constant 9.99999974E-6 : f32
    %add3A_75 = vector.broadcast %add3A_74 : f32 to vector<1x128xf32>
    %add3A_76 = arith.addf %concatenate3A_73, %add3A_75 : vector<1x128xf32>
    %rsqrt3A_77 = math.rsqrt %add3A_76 : vector<1x128xf32>
    %mul3A_78 = vector.broadcast %rsqrt3A_77 : vector<1x128xf32> to vector<2500x128xf32>
    %mul3A_79 = arith.mulf %sub3A_58, %mul3A_78 : vector<2500x128xf32>
    %get3A_80 = arith.constant 0 : index
    %get3A_81 = arith.constant 0 : index
    %get3A_82 = vector.load %arg4[%get3A_80, %get3A_81] : memref<1x128xf32, #tpu.memory_space<vmem>>, vector<1x128xf32>
    %mul3A_83 = vector.broadcast %get3A_82 : vector<1x128xf32> to vector<2500x128xf32>
    %mul3A_84 = arith.mulf %mul3A_79, %mul3A_83 : vector<2500x128xf32>
    %get3A_85 = arith.constant 0 : index
    %get3A_86 = arith.constant 0 : index
    %get3A_87 = vector.load %arg5[%get3A_85, %get3A_86] : memref<1x128xf32, #tpu.memory_space<vmem>>, vector<1x128xf32>
    %add3A_88 = vector.broadcast %get3A_87 : vector<1x128xf32> to vector<2500x128xf32>
    %add3A_89 = arith.addf %mul3A_84, %add3A_88 : vector<2500x128xf32>
    %max3A = arith.constant 0.000000e+00 : f32
    %max3A_90 = vector.broadcast %max3A : f32 to vector<2500x128xf32>
    %max3A_91 = arith.maximumf %add3A_89, %max3A_90 : vector<2500x128xf32>
    %mul3A_92 = arith.mulf %max3A_91, %concatenate3A : vector<2500x128xf32>
    %swap3A = arith.constant 0 : index
    %swap3A_93 = arith.constant 0 : index
    %swap3A_94 = vector.load %arg6[%swap3A, %swap3A_93] : memref<2500x128xf32, #tpu.memory_space<vmem>>, vector<2500x128xf32>
    tpu.vector_store %arg6[%swap3A, %swap3A_93], %mul3A_92 {strides = array<i32>} : memref<2500x128xf32, #tpu.memory_space<vmem>>, vector<2500x128xf32>,
    return
  }
}

module attributes {stable_mosaic.version = 14 : i64} {
  func.func @_tc3_body(%arg0: memref<2500x128xf32, #tpu.memory_space<vmem>>, %arg1: memref<2x2560x128xf32, #tpu.memory_space<vmem>>, %arg2: memref<2x2560x4xf32, #tpu.memory_space<vmem>>, %arg3: memref<32x128xf32, #tpu.memory_space<vmem>>, %arg4: memref<1x128xf32, #tpu.memory_space<vmem>>, %arg5: memref<2500x512xf32, #tpu.memory_space<vmem>>) attributes {dimension_semantics = [], scalar_prefetch = 0 : i64, scratch_operands = 0 : i64, tpu.core_type = #tpu.core_type<tc>} {
    %get3A = arith.constant 0 : index
    %get3A_0 = arith.constant 0 : index
    %get3A_1 = arith.constant 0 : index
    %get3A_2 = vector.load %arg2[%get3A, %get3A_0, %get3A_1] : memref<2x2560x4xf32, #tpu.memory_space<vmem>>, vector<1x2560x4xf32>
    %get3A_3 = vector.shape_cast %get3A_2 : vector<1x2560x4xf32> to vector<2560x4xf32>
    %slice3A = vector.extract_strided_slice %get3A_3 {offsets = [0, 0], sizes = [2500, 4], strides = [1, 1]} : vector<2560x4xf32> to vector<2500x4xf32>
    %get3A_4 = arith.constant 1 : index
    %get3A_5 = arith.constant 0 : index
    %get3A_6 = arith.constant 0 : index
    %get3A_7 = vector.load %arg2[%get3A_4, %get3A_5, %get3A_6] : memref<2x2560x4xf32, #tpu.memory_space<vmem>>, vector<1x2560x4xf32>
    %get3A_8 = vector.shape_cast %get3A_7 : vector<1x2560x4xf32> to vector<2560x4xf32>
    %slice3A_9 = vector.extract_strided_slice %get3A_8 {offsets = [0, 0], sizes = [2500, 4], strides = [1, 1]} : vector<2560x4xf32> to vector<2500x4xf32>
    %add3A = arith.addf %slice3A, %slice3A_9 : vector<2500x4xf32>
    %add3A_10 = arith.constant 1.000000e+00 : f32
    %add3A_11 = vector.broadcast %add3A_10 : f32 to vector<2500x4xf32>
    %add3A_12 = arith.addf %add3A, %add3A_11 : vector<2500x4xf32>
    %rsqrt3A = math.rsqrt %add3A_12 : vector<2500x4xf32>
    %get3A_13 = arith.constant 0 : index
    %get3A_14 = arith.constant 0 : index
    %get3A_15 = vector.load %arg0[%get3A_13, %get3A_14] : memref<2500x128xf32, #tpu.memory_space<vmem>>, vector<2500x32xf32>
    %get3A_16 = arith.constant 0 : index
    %get3A_17 = arith.constant 0 : index
    %get3A_18 = arith.constant 0 : index
    %get3A_19 = vector.load %arg1[%get3A_16, %get3A_17, %get3A_18] : memref<2x2560x128xf32, #tpu.memory_space<vmem>>, vector<1x2560x128xf32>
    %get3A_20 = vector.shape_cast %get3A_19 : vector<1x2560x128xf32> to vector<2560x128xf32>
    %slice3A_21 = vector.extract_strided_slice %get3A_20 {offsets = [0, 0], sizes = [2500, 32], strides = [1, 1]} : vector<2560x128xf32> to vector<2500x32xf32>
    %add3A_22 = arith.addf %get3A_15, %slice3A_21 : vector<2500x32xf32>
    %get3A_23 = arith.constant 1 : index
    %get3A_24 = arith.constant 0 : index
    %get3A_25 = arith.constant 0 : index
    %get3A_26 = vector.load %arg1[%get3A_23, %get3A_24, %get3A_25] : memref<2x2560x128xf32, #tpu.memory_space<vmem>>, vector<1x2560x128xf32>
    %get3A_27 = vector.shape_cast %get3A_26 : vector<1x2560x128xf32> to vector<2560x128xf32>
    %slice3A_28 = vector.extract_strided_slice %get3A_27 {offsets = [0, 0], sizes = [2500, 32], strides = [1, 1]} : vector<2560x128xf32> to vector<2500x32xf32>
    %add3A_29 = arith.addf %add3A_22, %slice3A_28 : vector<2500x32xf32>
    %slice3A_30 = vector.extract_strided_slice %rsqrt3A {offsets = [0, 0], sizes = [2500, 1], strides = [1, 1]} : vector<2500x4xf32> to vector<2500x1xf32>
    %broadcast_in_dim3A = vector.shape_cast %slice3A_30 : vector<2500x1xf32> to vector<2500x1xf32>
    %broadcast_in_dim3A_31 = vector.broadcast %broadcast_in_dim3A : vector<2500x1xf32> to vector<2500x32xf32>
    %mul3A = arith.mulf %add3A_29, %broadcast_in_dim3A_31 : vector<2500x32xf32>
    %get3A_32 = arith.constant 0 : index
    %get3A_33 = arith.constant 0 : index
    %get3A_34 = vector.load %arg3[%get3A_32, %get3A_33] : memref<32x128xf32, #tpu.memory_space<vmem>>, vector<32x128xf32>
    %dot_general3A = arith.constant dense<0.000000e+00> : vector<2500x128xf32>
    %dot_general3A_35 = tpu.matmul %mul3A, %get3A_34, %dot_general3A {dimension_numbers = #tpu.dot_dimension_numbers<[1], [0], [0], [1], [0, 0, 1, 1], [], []>, transpose_lhs_hint = false} : vector<2500x32xf32>, vector<32x128xf32>, vector<2500x128xf32> -> vector<2500x128xf32>
    %get3A_36 = arith.constant 0 : index
    %get3A_37 = arith.constant 0 : index
    %get3A_38 = vector.load %arg4[%get3A_36, %get3A_37] : memref<1x128xf32, #tpu.memory_space<vmem>>, vector<1x128xf32>
    %add3A_39 = vector.broadcast %get3A_38 : vector<1x128xf32> to vector<2500x128xf32>
    %add3A_40 = arith.addf %dot_general3A_35, %add3A_39 : vector<2500x128xf32>
    %get3A_41 = arith.constant 0 : index
    %get3A_42 = arith.constant 32 : index
    %get3A_43 = vector.load %arg0[%get3A_41, %get3A_42] : memref<2500x128xf32, #tpu.memory_space<vmem>>, vector<2500x32xf32>
    %get3A_44 = arith.constant 0 : index
    %get3A_45 = arith.constant 0 : index
    %get3A_46 = arith.constant 0 : index
    %get3A_47 = vector.load %arg1[%get3A_44, %get3A_45, %get3A_46] : memref<2x2560x128xf32, #tpu.memory_space<vmem>>, vector<1x2560x128xf32>
    %get3A_48 = vector.shape_cast %get3A_47 : vector<1x2560x128xf32> to vector<2560x128xf32>
    %slice3A_49 = vector.extract_strided_slice %get3A_48 {offsets = [0, 32], sizes = [2500, 32], strides = [1, 1]} : vector<2560x128xf32> to vector<2500x32xf32>
    %add3A_50 = arith.addf %get3A_43, %slice3A_49 : vector<2500x32xf32>
    %get3A_51 = arith.constant 1 : index
    %get3A_52 = arith.constant 0 : index
    %get3A_53 = arith.constant 0 : index
    %get3A_54 = vector.load %arg1[%get3A_51, %get3A_52, %get3A_53] : memref<2x2560x128xf32, #tpu.memory_space<vmem>>, vector<1x2560x128xf32>
    %get3A_55 = vector.shape_cast %get3A_54 : vector<1x2560x128xf32> to vector<2560x128xf32>
    %slice3A_56 = vector.extract_strided_slice %get3A_55 {offsets = [0, 32], sizes = [2500, 32], strides = [1, 1]} : vector<2560x128xf32> to vector<2500x32xf32>
    %add3A_57 = arith.addf %add3A_50, %slice3A_56 : vector<2500x32xf32>
    %slice3A_58 = vector.extract_strided_slice %rsqrt3A {offsets = [0, 1], sizes = [2500, 1], strides = [1, 1]} : vector<2500x4xf32> to vector<2500x1xf32>
    %broadcast_in_dim3A_59 = vector.shape_cast %slice3A_58 : vector<2500x1xf32> to vector<2500x1xf32>
    %broadcast_in_dim3A_60 = vector.broadcast %broadcast_in_dim3A_59 : vector<2500x1xf32> to vector<2500x32xf32>
    %mul3A_61 = arith.mulf %add3A_57, %broadcast_in_dim3A_60 : vector<2500x32xf32>
    %get3A_62 = arith.constant 0 : index
    %get3A_63 = arith.constant 0 : index
    %get3A_64 = vector.load %arg3[%get3A_62, %get3A_63] : memref<32x128xf32, #tpu.memory_space<vmem>>, vector<32x128xf32>
    %dot_general3A_65 = arith.constant dense<0.000000e+00> : vector<2500x128xf32>
    %dot_general3A_66 = tpu.matmul %mul3A_61, %get3A_64, %dot_general3A_65 {dimension_numbers = #tpu.dot_dimension_numbers<[1], [0], [0], [1], [0, 0, 1, 1], [], []>, transpose_lhs_hint = false} : vector<2500x32xf32>, vector<32x128xf32>, vector<2500x128xf32> -> vector<2500x128xf32>
    %get3A_67 = arith.constant 0 : index
    %get3A_68 = arith.constant 0 : index
    %get3A_69 = vector.load %arg4[%get3A_67, %get3A_68] : memref<1x128xf32, #tpu.memory_space<vmem>>, vector<1x128xf32>
    %add3A_70 = vector.broadcast %get3A_69 : vector<1x128xf32> to vector<2500x128xf32>
    %add3A_71 = arith.addf %dot_general3A_66, %add3A_70 : vector<2500x128xf32>
    %get3A_72 = arith.constant 0 : index
    %get3A_73 = arith.constant 64 : index
    %get3A_74 = vector.load %arg0[%get3A_72, %get3A_73] : memref<2500x128xf32, #tpu.memory_space<vmem>>, vector<2500x32xf32>
    %get3A_75 = arith.constant 0 : index
    %get3A_76 = arith.constant 0 : index
    %get3A_77 = arith.constant 0 : index
    %get3A_78 = vector.load %arg1[%get3A_75, %get3A_76, %get3A_77] : memref<2x2560x128xf32, #tpu.memory_space<vmem>>, vector<1x2560x128xf32>
    %get3A_79 = vector.shape_cast %get3A_78 : vector<1x2560x128xf32> to vector<2560x128xf32>
    %slice3A_80 = vector.extract_strided_slice %get3A_79 {offsets = [0, 64], sizes = [2500, 32], strides = [1, 1]} : vector<2560x128xf32> to vector<2500x32xf32>
    %add3A_81 = arith.addf %get3A_74, %slice3A_80 : vector<2500x32xf32>
    %get3A_82 = arith.constant 1 : index
    %get3A_83 = arith.constant 0 : index
    %get3A_84 = arith.constant 0 : index
    %get3A_85 = vector.load %arg1[%get3A_82, %get3A_83, %get3A_84] : memref<2x2560x128xf32, #tpu.memory_space<vmem>>, vector<1x2560x128xf32>
    %get3A_86 = vector.shape_cast %get3A_85 : vector<1x2560x128xf32> to vector<2560x128xf32>
    %slice3A_87 = vector.extract_strided_slice %get3A_86 {offsets = [0, 64], sizes = [2500, 32], strides = [1, 1]} : vector<2560x128xf32> to vector<2500x32xf32>
    %add3A_88 = arith.addf %add3A_81, %slice3A_87 : vector<2500x32xf32>
    %slice3A_89 = vector.extract_strided_slice %rsqrt3A {offsets = [0, 2], sizes = [2500, 1], strides = [1, 1]} : vector<2500x4xf32> to vector<2500x1xf32>
    %broadcast_in_dim3A_90 = vector.shape_cast %slice3A_89 : vector<2500x1xf32> to vector<2500x1xf32>
    %broadcast_in_dim3A_91 = vector.broadcast %broadcast_in_dim3A_90 : vector<2500x1xf32> to vector<2500x32xf32>
    %mul3A_92 = arith.mulf %add3A_88, %broadcast_in_dim3A_91 : vector<2500x32xf32>
    %get3A_93 = arith.constant 0 : index
    %get3A_94 = arith.constant 0 : index
    %get3A_95 = vector.load %arg3[%get3A_93, %get3A_94] : memref<32x128xf32, #tpu.memory_space<vmem>>, vector<32x128xf32>
    %dot_general3A_96 = arith.constant dense<0.000000e+00> : vector<2500x128xf32>
    %dot_general3A_97 = tpu.matmul %mul3A_92, %get3A_95, %dot_general3A_96 {dimension_numbers = #tpu.dot_dimension_numbers<[1], [0], [0], [1], [0, 0, 1, 1], [], []>, transpose_lhs_hint = false} : vector<2500x32xf32>, vector<32x128xf32>, vector<2500x128xf32> -> vector<2500x128xf32>
    %get3A_98 = arith.constant 0 : index
    %get3A_99 = arith.constant 0 : index
    %get3A_100 = vector.load %arg4[%get3A_98, %get3A_99] : memref<1x128xf32, #tpu.memory_space<vmem>>, vector<1x128xf32>
    %add3A_101 = vector.broadcast %get3A_100 : vector<1x128xf32> to vector<2500x128xf32>
    %add3A_102 = arith.addf %dot_general3A_97, %add3A_101 : vector<2500x128xf32>
    %get3A_103 = arith.constant 0 : index
    %get3A_104 = arith.constant 96 : index
    %get3A_105 = vector.load %arg0[%get3A_103, %get3A_104] : memref<2500x128xf32, #tpu.memory_space<vmem>>, vector<2500x32xf32>
    %get3A_106 = arith.constant 0 : index
    %get3A_107 = arith.constant 0 : index
    %get3A_108 = arith.constant 0 : index
    %get3A_109 = vector.load %arg1[%get3A_106, %get3A_107, %get3A_108] : memref<2x2560x128xf32, #tpu.memory_space<vmem>>, vector<1x2560x128xf32>
    %get3A_110 = vector.shape_cast %get3A_109 : vector<1x2560x128xf32> to vector<2560x128xf32>
    %slice3A_111 = vector.extract_strided_slice %get3A_110 {offsets = [0, 96], sizes = [2500, 32], strides = [1, 1]} : vector<2560x128xf32> to vector<2500x32xf32>
    %add3A_112 = arith.addf %get3A_105, %slice3A_111 : vector<2500x32xf32>
    %get3A_113 = arith.constant 1 : index
    %get3A_114 = arith.constant 0 : index
    %get3A_115 = arith.constant 0 : index
    %get3A_116 = vector.load %arg1[%get3A_113, %get3A_114, %get3A_115] : memref<2x2560x128xf32, #tpu.memory_space<vmem>>, vector<1x2560x128xf32>
    %get3A_117 = vector.shape_cast %get3A_116 : vector<1x2560x128xf32> to vector<2560x128xf32>
    %slice3A_118 = vector.extract_strided_slice %get3A_117 {offsets = [0, 96], sizes = [2500, 32], strides = [1, 1]} : vector<2560x128xf32> to vector<2500x32xf32>
    %add3A_119 = arith.addf %add3A_112, %slice3A_118 : vector<2500x32xf32>
    %slice3A_120 = vector.extract_strided_slice %rsqrt3A {offsets = [0, 3], sizes = [2500, 1], strides = [1, 1]} : vector<2500x4xf32> to vector<2500x1xf32>
    %broadcast_in_dim3A_121 = vector.shape_cast %slice3A_120 : vector<2500x1xf32> to vector<2500x1xf32>
    %broadcast_in_dim3A_122 = vector.broadcast %broadcast_in_dim3A_121 : vector<2500x1xf32> to vector<2500x32xf32>
    %mul3A_123 = arith.mulf %add3A_119, %broadcast_in_dim3A_122 : vector<2500x32xf32>
    %get3A_124 = arith.constant 0 : index
    %get3A_125 = arith.constant 0 : index
    %get3A_126 = vector.load %arg3[%get3A_124, %get3A_125] : memref<32x128xf32, #tpu.memory_space<vmem>>, vector<32x128xf32>
    %dot_general3A_127 = arith.constant dense<0.000000e+00> : vector<2500x128xf32>
    %dot_general3A_128 = tpu.matmul %mul3A_123, %get3A_126, %dot_general3A_127 {dimension_numbers = #tpu.dot_dimension_numbers<[1], [0], [0], [1], [0, 0, 1, 1], [], []>, transpose_lhs_hint = false} : vector<2500x32xf32>, vector<32x128xf32>, vector<2500x128xf32> -> vector<2500x128xf32>
    %get3A_129 = arith.constant 0 : index
    %get3A_130 = arith.constant 0 : index
    %get3A_131 = vector.load %arg4[%get3A_129, %get3A_130] : memref<1x128xf32, #tpu.memory_space<vmem>>, vector<1x128xf32>
    %add3A_132 = vector.broadcast %get3A_131 : vector<1x128xf32> to vector<2500x128xf32>
    %add3A_133 = arith.addf %dot_general3A_128, %add3A_132 : vector<2500x128xf32>
    %concatenate3A = tpu.concatenate %add3A_40, %add3A_71, %add3A_102, %add3A_133 in 1 : vector<2500x128xf32>, vector<2500x128xf32>, vector<2500x128xf32>, vector<2500x128xf32> -> vector<2500x512xf32>
    %swap3A = arith.constant 0 : index
    %swap3A_134 = arith.constant 0 : index
    %swap3A_135 = vector.load %arg5[%swap3A, %swap3A_134] : memref<2500x512xf32, #tpu.memory_space<vmem>>, vector<2500x512xf32>
    tpu.vector_store %arg5[%swap3A, %swap3A_134], %concatenate3A {strides = array<i32>} : memref<2500x512xf32, #tpu.memory_space<vmem>>, vector<2500x512xf32>,
    return
  }
}

</mosaic_0001>

<sc_bundles>
// kernel: kernel.11.cloned.1.call-start
scs
__scs_entry_jumppad:
0x0: {  	(pc) =	sbr.rel $0x88, $3  }
0x1: {  	(tag) =	ssettag $0x0;
	lr =	simm.s32 $0x1  }
0x2: {  	[smem:$0x3F99] =	sst lr;
	_ =	strace $0xD0000000  }
0x3: {  	_ = 	snop  }
0x4: {  	_ = 	snop  }
0x5: {  	_ = 	snop  }
0x6: {  	_ = 	snop  }
0x7: {  	_ = 	snop  }
__scs_overlays_trampoline_lowered:
0x8: {  	[smem:$0x3FA8] =	sst s0  }
0x9: {  	[smem:$0x3FA9] =	sst s1  }
0xa: {  	[smem:$0x3FAA] =	sst s2  }
0xb: {  	[smem:$0x3FAB] =	sst s3  }
0xc: {  	[smem:$0x3FAC] =	sst s4  }
0xd: {  	[smem:$0x3FAD] =	sst s5  }
0xe: {  	[smem:$0x3FAE] =	sst s6  }
0xf: {  	[smem:$0x3FAF] =	sst s7  }
0x10: {  	[smem:$0x3FB0] =	sst s8  }
0x11: {  	[smem:$0x3FB1] =	sst s9;
	s0 =	simm.s32 @!p0 $0x0  }
0x12: {  	s1 =	sld [smem:$0x3F97];
	s0 =	simm.s32 @p0 $0x1  }
0x13: {  	[smem:$0x3FB2] =	sst s0;
	s0 =	simm.s32 @!p1 $0x0  }
0x14: {  	s2 =	sld [smem:$0x3F96];
	s0 =	simm.s32 @p1 $0x1  }
0x15: {  	[smem:$0x3FB3] =	sst s0;
	s0 =	simm.s32 @!p2 $0x0  }
0x16: {  	s3 =	sld [smem:$0x3FDB];
	s0 =	simm.s32 @p2 $0x1  }
0x17: {  	s4 =	simm.s32 $0x1BF5;
	[smem:$0x3FB5] =	sst s0  }
0x18: {  	s0 =	sld [smem:$0x3F98];
	_ =	swait.ge [sflag:s4], $0x0  }
0x19: {  	s7 =	sld [smem:$0x3F99]  }
0x1a: {  	s8 =	sadd.s32 $0xFFFFE003, lr  }
0x1b: {  	s9 =	sadd.s32 $0xFFFFFEF7, lr;
	s5 =	simm.s32 $0xFFFFFFFF;
	p2 =	slt.u32 s8, $0xFFFFF086  }
0x1c: {  	p1 =	slt.u32 s9, $0xF7A;
	s5 =	simm.s32 @!p2 $0x0  }
0x1d: {  	s5 =	simm.s32 @p1 $0x1;
	p0 =	seq.s32 s7, s2  }
0x1e: {  	s7 =	smul.u32 @!p0 $0xF7A, s2;
	p2 =	seq.s32 @!p0 s5, $0x0  }
0x1f: {  	s9 =	smul.u32 $0xF7A, s1;
	s8 =	simm.s32 @!p0 $0x1BF5;
	p2 =	por !p2, p0  }
0x20: {  	[sflag:s8] =	ssyncset.s32 @!p0 $0xFFFFF086;
	s6 =	sadd.s32 @!p0 s3, s7;
	s7 =	simm.s32 @!p0 $0x108  }
0x21: {  	s3 =	sadd.s32 s3, s9;
	s6 =	sadd.s32 @!p0 $0x88, s6;
	s7 =	simm.s32 @p2 $0x1082  }
0x22: {  	[simem:s7], [sflag:s8] =	dma.local @!p0 [hbm:s6], $0xF7A  }
0x23: {  	s9 =	sor.u32 $0xD0000000, s2;
	s6 =	simm.s32 $0x108;
	_ =	swait.ge @!p0 [sflag:s8], $0x0  }
0x24: {  	s3 =	sadd.s32 $0x88, s3;
	s6 =	simm.s32 @!p1 $0x1082;
	[sflag:s4] =	ssyncset.s32 $0xFFFFF086  }
0x25: {  	[simem:s6], [sflag:s4] =	dma.local [hbm:s3], $0xF7A  }
0x26: {  	[smem:$0x3F99] =	sst s1;
	(tag) =	ssettag s2;
	_ =	strace s9  }
0x27: {  	s1 =	sld [smem:$0x3FA9]  }
0x28: {  	s2 =	sld [smem:$0x3FAA]  }
0x29: {  	s4 =	sld [smem:$0x3FAC]  }
0x2a: {  	p0 =	seq.s32 s5, $0x0;
	s5 =	sld [smem:$0x3FAD]  }
0x2b: {  	s6 =	sld [smem:$0x3FAE]  }
0x2c: {  	s7 =	sld [smem:$0x3FAF]  }
0x2d: {  	s3 =	simm.s32 $0x108;
	s8 =	sld [smem:$0x3FB0]  }
0x2e: {  	s3 =	simm.s32 @!p0 $0x1082;
	s9 =	sld [smem:$0x3FB1]  }
0x2f: {  	lr =	sadd.s32 s0, s3;
	s0 =	sld [smem:$0x3FA8]  }
0x30: {  	s3 =	sld [smem:$0x3FAB]  }
0x31: {  	[smem:$0x3FB4] =	sst s10  }
0x32: {  	s10 =	sld [smem:$0x3FB2];
	_ =	sdelay $0x3  }
0x33: {  	p0 =	seq.s32 s10, $0x1;
	s10 =	sld [smem:$0x3FB4];
	_ =	sdelay $0x3  }
0x34: {  	[smem:$0x3FB4] =	sst s10  }
0x35: {  	s10 =	sld [smem:$0x3FB3];
	_ =	sdelay $0x3  }
0x36: {  	p1 =	seq.s32 s10, $0x1;
	s10 =	sld [smem:$0x3FB4];
	_ =	sdelay $0x3  }
0x37: {  	[smem:$0x3FB4] =	sst s10  }
0x38: {  	s10 =	sld [smem:$0x3FB5]  }
0x39: {  	_ = 	snop;
	(pc) =	sbr.ind lr, $3  }
0x3a: {  	_ = 	snop  }
0x3b: {  	_ = 	snop  }
0x3c: {  	p2 =	seq.s32 s10, $0x1;
	s10 =	sld [smem:$0x3FB4]  }
0x3d: {  	_ =	shalt  }
0x3e: {  	_ =	shalt  }
0x3f: {  	_ =	shalt  }
0x40: {  	_ =	shalt  }
0x41: {  	_ =	shalt  }
0x42: {  	_ =	shalt  }
0x43: {  	_ =	shalt  }
0x44: {  	_ =	shalt  }
0x45: {  	_ =	shalt  }
0x46: {  	_ =	shalt  }
0x47: {  	_ =	shalt  }
0x48: {  	_ =	shalt  }
0x49: {  	_ =	shalt  }
0x4a: {  	_ =	shalt  }
0x4b: {  	_ =	shalt  }
0x4c: {  	_ =	shalt  }
0x4d: {  	_ =	shalt  }
0x4e: {  	_ =	shalt  }
0x4f: {  	_ =	shalt  }
0x50: {  	_ =	shalt  }
0x51: {  	_ =	shalt  }
0x52: {  	_ =	shalt  }
0x53: {  	_ =	shalt  }
0x54: {  	_ =	shalt  }
0x55: {  	_ =	shalt  }
0x56: {  	_ =	shalt  }
0x57: {  	_ =	shalt  }
0x58: {  	_ =	shalt  }
0x59: {  	_ =	shalt  }
0x5a: {  	_ =	shalt  }
0x5b: {  	_ =	shalt  }
0x5c: {  	_ =	shalt  }
0x5d: {  	_ =	shalt  }
0x5e: {  	_ =	shalt  }
0x5f: {  	_ =	shalt  }
0x60: {  	_ =	shalt  }
0x61: {  	_ =	shalt  }
0x62: {  	_ =	shalt  }
0x63: {  	_ =	shalt  }
0x64: {  	_ =	shalt  }
0x65: {  	_ =	shalt  }
0x66: {  	_ =	shalt  }
0x67: {  	_ =	shalt  }
0x68: {  	_ =	shalt  }
0x69: {  	_ =	shalt  }
0x6a: {  	_ =	shalt  }
0x6b: {  	_ =	shalt  }
0x6c: {  	_ =	shalt  }
0x6d: {  	_ =	shalt  }
0x6e: {  	_ =	shalt  }
0x6f: {  	_ =	shalt  }
0x70: {  	_ =	shalt  }
0x71: {  	_ =	shalt  }
0x72: {  	_ =	shalt  }
0x73: {  	_ =	shalt  }
0x74: {  	_ =	shalt  }
0x75: {  	_ =	shalt  }
0x76: {  	_ =	shalt  }
0x77: {  	_ =	shalt  }
0x78: {  	_ =	shalt  }
0x79: {  	_ =	shalt  }
0x7a: {  	_ =	shalt  }
0x7b: {  	_ =	shalt  }
0x7c: {  	_ =	shalt  }
0x7d: {  	_ =	shalt  }
0x7e: {  	_ =	shalt  }
0x7f: {  	_ =	shalt  }
0x80: {  	_ =	shalt  }
0x81: {  	_ =	shalt  }
0x82: {  	_ =	shalt  }
0x83: {  	_ =	shalt  }
0x84: {  	_ =	shalt  }
0x85: {  	_ =	shalt  }
0x86: {  	_ =	shalt  }
0x87: {  	_ =	shalt  }
.Lfunc_end0:
.L_simem_size_0:
called_computation.1_lowered:
.L_overlay_start_0:
0x88: {  	s2 =	sld [smem:$0x3FD9]  }
0x89: {  	s3 =	sld [smem:$0x3FFE];
	_ =	sdelay $0x1  }
0x8a: {  	s1 =	srdreg.scid  }
0x8b: {  	s0 =	sand.u32 $0x1, s1  }
0x8c: {  	s17 =	sshll.u32 s0, $0xA;
	s2 =	sadd.s32 s3, s2  }
0x8d: {  	s2 =	sadd.s32 s2, s17  }
0x8e: {  	[smem:$0x3FC0] =	sst s2  }
0x8f: {  	_ = 	snop  }
0x90: {  	s2 =	sld [smem:$0x3FC8]  }
0x91: {  	s18 =	sld [smem:$0x3FD0];
	(tm) =	ssettm $0x1  }
0x92: {  	s4 =	sld [smem:$0x3FFB];
	_ =	sdelay $0x3  }
0x93: {  	_ =	strace s4  }
0x94: {  	s4 =	sld [smem:$0x3FFC];
	_ =	sdelay $0x3  }
0x95: {  	_ =	strace s4  }
0x96: {  	s4 =	sld [smem:$0x3FFD];
	_ =	sdelay $0x3  }
0x97: {  	_ =	strace s4  }
0x98: {  	_ =	strace $0x8FFFFFFF  }
0x99: {  	s19 =	sld [smem:$0x3FDB];
	_ =	sdelay $0x1  }
0x9a: {  	s5 =	simm.s32 $_scs_section_size  }
0x9b: {  	s6 =	simm.s32 $_size__tile_overlayer_lowered;
	s7 =	simm.s32 $_tile_overlayer_lowered  }
0x9c: {  	s22 =	simm.s32 $0x1BFF;
	s21 =	sshll.u32 s7, $0x1;
	s4 =	sadd.s32 s5, s19  }
0x9d: {  	s8 =	simm.s32 $0x0;
	s20 =	sshll.u32 s6, $0x1;
	s6 =	sadd.s32 s21, s4  }
0x9e: {  	[timem:s8], [sflag:s22] =	dma.local [hbm:s6], s20  }
0x9f: {  	_ =	swait.ge [sflag:s22], s20  }
0xa0: {  	s5 =	ssub.s32 $0x0, s20;
	[sflag:s22] =	ssyncset.done $0x0  }
0xa1: {  	[sflag:s22] =	ssyncadd.s32 s5;
	_ =	sdelay $0x1  }
0xa2: {  	s23 =	simm.s32 $0x1B8B  }
0xa3: {  	_ =	swait.ge [sflag:s23], $0x1  }
0xa4: {  	[sflag:s23] =	ssyncset.done $0x0  }
0xa5: {  	s25 =	simm.s32 $0x1B8E;
	s24 =	sld [smem:$0x3FFE];
	[sflag:s23] =	ssyncadd.s32 $0xFFFFFFFF  }
0xa6: {  	s26 =	simm.s32 $execute0_lowered;
	[smem:$0x3FD2] =	sst s25  }
0xa7: {  	s6 =	sshll.u32 s26, $0x1;
	_ =	strace $0x80000049;
	[dreg:$0x1] =	wrdreg $0xFFFFFFFF  }
0xa8: {  	s28 =	simm.s32 $_size_execute0_lowered;
	s4 =	sadd.s32 s4, s6;
	[dreg:$0x0] =	wrdreg $0x0  }
0xa9: {  	s6 =	sshll.u32 s28, $0x1;
	[dreg:$0x2] =	wrdreg s4  }
0xaa: {  	[dreg:$0x3] =	wrdreg s6  }
0xab: {  	[dreg:$0x4] =	wrdreg $0xC0  }
0xac: {  	_ =	task [dreg:s8], $0x5FFFF  }
0xad: {  	[dreg:$0x1] =	wrdreg $0xFFFFFFFF  }
0xae: {  	[dreg:$0x0] =	wrdreg $0x60  }
0xaf: {  	[dreg:$0x2] =	wrdreg s24  }
0xb0: {  	[dreg:$0x3] =	wrdreg s2  }
0xb1: {  	[dreg:$0x4] =	wrdreg s18  }
0xb2: {  	[dreg:$0x5] =	wrdreg $0x10F000  }
0xb3: {  	[dreg:$0x6] =	wrdreg $0x9  }
0xb4: {  	_ =	task.clear_ibuf [dreg:s8], $0x7FFFF;
	_ =	strace $0x90000049  }
0xb5: {  	s29 =	simm.s32 $0x9;
	_ =	strace $0x8000004B  }
0xb6: {  	_ =	swait.ge [sflag:s29], $0x1  }
0xb7: {  	[sflag:s29] =	ssyncadd.s32 $0xFFFFFFFF  }
0xb8: {  	_ =	strace $0x9000004B  }
0xb9: {  	_ =	sfence  }
0xba: {  	s30 =	sld [smem:$0x0];
	_ =	sdelay $0x2  }
0xbb: {  	s31 =	sshll.u32 s1, $0xD;
	s1 =	sshrl.u32 s1, $0x2  }
0xbc: {  	s3 =	sand.u32 $0x4000, s31;
	s1 =	sadd.s32 s1, s30  }
0xbd: {  	s0 =	sor.u32 s3, s0;
	s1 =	sshll.u32 s1, $0x11  }
0xbe: {  	s0 =	sor.u32 s1, s0  }
0xbf: {  	s0 =	sadd.s32 $0x8F2B, s0  }
0xc0: {  	[sflag:s0] =	ssyncadd.remote.s32 $0x1  }
0xc1: {  	_ =	sfence.sel $0xFFFF  }
0xc2: {  	[dreg:$0x0] =	wrdreg $0xFFFFFFFF;
	(pc) =	sbr.abs _section_cstart, $3  }
0xc3: {  	[dreg:$0x1] =	wrdreg $0xFFFFFFFF  }
0xc4: {  	_ =	task.clear_ibuf [dreg:s8], $0x2FFFF;
	_ =	strace $0x9FFFFFFF  }
0xc5: {  	(tm) =	ssettm $0x7FFFFFFF  }
tec
execute0_lowered:
.L_overlay_start_1:
0x0: {  	(tag) =	ssettag $0x1  }
0x1: {  	s0 =	rddreg [dreg:$0x0]  }
0x2: {  	s1 =	rddreg [dreg:$0x1]  }
0x3: {  	s9 =	rddreg [dreg:$0x2]  }
0x4: {  	s2 =	rddreg [dreg:$0x3];
	s3 =	simm.s32 $0x0  }
0x5: {  	s15 =	stileid.u32;
	s4 =	srdreg.scid;
	s16 =	simm.s32 $0x5F00  }
0x6: {  	s18 =	simm.s32 $0x6F00;
	s20 =	simm.s32 $0x7F00;
	s30 =	simm.s32 $0x2  }
0x7: {  	s31 =	simm.s32 $0x1;
	s17 =	simm.s32 $0x4B80;
	s19 =	simm.s32 $0x4C80  }
0x8: {  	s21 =	simm.s32 $0x4D80;
	[smem:$0x7FF] =	sst s3;
	s6 =	smul.u32 $0x5000, s15  }
0x9: {  	s5 =	sand.u32 $0x1, s4;
	s4 =	sadd.s32 $0x2600, s0;
	s28 =	sshll.u32 s15, $0x6  }
0xa: {  	_ =	strace $0x8000004A;
	s7 =	sshll.u32 s5, $0x4;
	s22 =	ssub.s32 $0x2, s5  }
0xb: {  	s13 =	smul.u32 $0x50000, s5;
	s8 =	sshrl.u32 s6, $0x3;
	s11 =	sor.u32 s15, s7  }
0xc: {  	s10 =	sshrl.u32 s22, $0x1;
	s14 =	sadd.s32 s6, s2;
	s7 =	sor.u32 $0x1C03, s28  }
0xd: {  	s0 =	sadd.s32 s8, s0;
	s23 =	smul.u32 $0x4E, s11;
	s12 =	smin.u32 s11, $0x4  }
0xe: {  	s10 =	ssub.s32 s22, s10;
	s26 =	sadd.s32 s6, s13;
	p0 =	sgt.u32 s11, $0x3  }
0xf: {  	s11 =	sshrl.u32 s14, $0x3;
	s13 =	simm.s32 $0x80;
	s14 =	simm.s32 $0x4F00  }
0x10: {  	s22 =	simm.s32 $0x8F00;
	s5 =	sadd.s32 $0xC400, s0;
	s24 =	sadd.s32 s12, s23  }
0x11: {  	s29 =	sshrl.u32 s26, $0x3;
	s10 =	smax.u32 s10, $0x1;
	s25 =	sshll.u32 s24, $0x5  }
0x12: {  	s9 =	sadd.s32 s9, s29;
	s12 =	simm.s32 $0x3;
	s6 =	sadd.s32 s1, s25  }
0x13: {  	s23 =	simm.s32 $0x0;
	s24 =	simm.s32 $0x9F00;
	s8 =	sadd.s32 $0x9C0, s6  }
.LBB2_1:
0x14: {  	[spmem:s11], [sflag:s7] =	dma.local [hbm:s5], $0xA00  }
0x15: {  	_ =	swait.ge [sflag:s12], $0xA00  }
0x16: {  	[sflag:s12] =	ssyncset.done $0x0  }
0x17: {  	[sflag:s12] =	ssyncadd.s32 $0xFFFFF600  }
0x18: {  	[tilespmem:s3], [sflag:$0x3] =	stream.linear.gather [hbm4b:s6+s3], $0x4E00, $0x38;
	[tilespmem:$0x15F00] =	vst v63  }
0x19: {  	_ =	swait.ge [sflag:s12], $0x4E00  }
0x1a: {  	[sflag:s12] =	ssyncset.done $0x0  }
0x1b: {  	s25 =	simm.s32 @!p0 $0x0;
	s26 =	simm.s32 @!p0 $0x4E00;
	[sflag:s12] =	ssyncadd.s32 $0xFFFFB200  }
0x1c: {  	[tilespmem:s26], [sflag:$0x3] =	stream.linear.gather @!p0 [hbm4b:s8+s25], $0x100, $0x38;
	[tilespmem:$0x15F00] =	vst v63  }
0x1d: {  	s25 =	simm.s32 @!p0 $0x3  }
0x1e: {  	_ =	swait.ge @!p0 [sflag:s25], $0x100  }
0x1f: {  	[sflag:s25] =	ssyncset.done @!p0 $0x0  }
0x20: {  	[sflag:s25] =	ssyncadd.s32 @!p0 $0xFFFFFF00  }
0x21: {  	[bflag:$0x0] =	sbarrier.arrive $0xFFFF  }
0x22: {  	[tilespmem:s14], [sflag:$0x1] =	stream.indirect.gather [hbm4b:s4+s13], $0x20, s3, s13, $0xb8;
	[tilespmem:$0x15F00] =	vst v63  }
0x23: {  	s0 =	simm.s32 $0x100  }
0x24: {  	[tilespmem:s16], [sflag:$0x1] =	stream.indirect.gather [hbm4b:s4+s13], $0x20, s0, s13, $0xb8;
	[tilespmem:$0x15F00] =	vst v63  }
0x25: {  	s26 =	simm.s32 $0x200  }
0x26: {  	[tilespmem:s18], [sflag:$0x1] =	stream.indirect.gather [hbm4b:s4+s13], $0x20, s26, s13, $0xb8;
	[tilespmem:$0x15F00] =	vst v63  }
0x27: {  	s1 =	simm.s32 $0x300  }
0x28: {  	[tilespmem:s20], [sflag:$0x1] =	stream.indirect.gather [hbm4b:s4+s13], $0x20, s1, s13, $0xb8;
	[tilespmem:$0x15F00] =	vst v63  }
0x29: {  	s15 =	simm.s32 $0x400  }
0x2a: {  	[tilespmem:s22], [sflag:$0x1] =	stream.indirect.gather [hbm4b:s4+s13], $0x20, s15, s13, $0xb8;
	[tilespmem:$0x15F00] =	vst v63  }
0x2b: {  	s25 =	simm.s32 $0x500  }
0x2c: {  	[tilespmem:s24], [sflag:$0x1] =	stream.indirect.gather [hbm4b:s4+s13], $0x20, s25, s13, $0xb8;
	[tilespmem:$0x15F00] =	vst v63  }
0x2d: {  	s26 =	simm.s32 $0x600;
	s1 =	simm.s32 $0xAF00  }
0x2e: {  	[tilespmem:s1], [sflag:$0x1] =	stream.indirect.gather [hbm4b:s4+s13], $0x20, s26, s13, $0xb8;
	[tilespmem:$0x15F00] =	vst v63  }
0x2f: {  	s15 =	simm.s32 $0xBF00;
	s1 =	simm.s32 $0x700  }
0x30: {  	[tilespmem:s15], [sflag:$0x1] =	stream.indirect.gather [hbm4b:s4+s13], $0x20, s1, s13, $0xb8;
	[tilespmem:$0x15F00] =	vst v63  }
0x31: {  	s25 =	simm.s32 $0x800;
	s26 =	simm.s32 $0xCF00  }
0x32: {  	[tilespmem:s26], [sflag:$0x1] =	stream.indirect.gather [hbm4b:s4+s13], $0x20, s25, s13, $0xb8;
	[tilespmem:$0x15F00] =	vst v63  }
0x33: {  	s1 =	simm.s32 $0x900;
	s15 =	simm.s32 $0xDF00  }
0x34: {  	[tilespmem:s15], [sflag:$0x1] =	stream.indirect.gather [hbm4b:s4+s13], $0x20, s1, s13, $0xb8;
	[tilespmem:$0x15F00] =	vst v63  }
0x35: {  	s25 =	simm.s32 $0xA00;
	s26 =	simm.s32 $0xEF00  }
0x36: {  	[tilespmem:s26], [sflag:$0x1] =	stream.indirect.gather [hbm4b:s4+s13], $0x20, s25, s13, $0xb8;
	[tilespmem:$0x15F00] =	vst v63  }
0x37: {  	s15 =	simm.s32 $0xB00;
	s25 =	simm.s32 $0xFF00  }
0x38: {  	[tilespmem:s25], [sflag:$0x1] =	stream.indirect.gather [hbm4b:s4+s13], $0x20, s15, s13, $0xb8;
	[tilespmem:$0x15F00] =	vst v63  }
0x39: {  	_ =	swait.ge [sflag:s31], $0x1000  }
0x3a: {  	[sflag:s31] =	ssyncset.done $0x0  }
0x3b: {  	[sflag:s31] =	ssyncadd.s32 $0xFFFFF000  }
0x3c: {  	[spmem:s2] =	stream.indirect.scatter.add.f32 [tilespmem:s14], [sflag:$0x2], $0x20, s13, s13, $0xb8;
	[tilespmem:$0x15F00] =	vst v63  }
0x3d: {  	_ =	swait.ge [sflag:s31], $0x1000  }
0x3e: {  	[sflag:s31] =	ssyncset.done $0x0  }
0x3f: {  	s26 =	simm.s32 $0x180;
	[sflag:s31] =	ssyncadd.s32 $0xFFFFF000  }
0x40: {  	[spmem:s2] =	stream.indirect.scatter.add.f32 [tilespmem:s16], [sflag:$0x2], $0x20, s26, s13, $0xb8;
	[tilespmem:$0x15F00] =	vst v63  }
0x41: {  	_ =	swait.ge [sflag:s31], $0x1000  }
0x42: {  	[sflag:s31] =	ssyncset.done $0x0  }
0x43: {  	s1 =	simm.s32 $0x280;
	[sflag:s31] =	ssyncadd.s32 $0xFFFFF000  }
0x44: {  	[spmem:s2] =	stream.indirect.scatter.add.f32 [tilespmem:s18], [sflag:$0x2], $0x20, s1, s13, $0xb8;
	[tilespmem:$0x15F00] =	vst v63  }
0x45: {  	_ =	swait.ge [sflag:s31], $0x1000  }
0x46: {  	[sflag:s31] =	ssyncset.done $0x0  }
0x47: {  	s15 =	simm.s32 $0x380;
	[sflag:s31] =	ssyncadd.s32 $0xFFFFF000  }
0x48: {  	[spmem:s2] =	stream.indirect.scatter.add.f32 [tilespmem:s20], [sflag:$0x2], $0x20, s15, s13, $0xb8;
	[tilespmem:$0x15F00] =	vst v63  }
0x49: {  	_ =	swait.ge [sflag:s31], $0x1000  }
0x4a: {  	[sflag:s31] =	ssyncset.done $0x0  }
0x4b: {  	s25 =	simm.s32 $0x480;
	[sflag:s31] =	ssyncadd.s32 $0xFFFFF000  }
0x4c: {  	[spmem:s2] =	stream.indirect.scatter.add.f32 [tilespmem:s22], [sflag:$0x2], $0x20, s25, s13, $0xb8;
	[tilespmem:$0x15F00] =	vst v63  }
0x4d: {  	_ =	swait.ge [sflag:s31], $0x1000  }
0x4e: {  	[sflag:s31] =	ssyncset.done $0x0  }
0x4f: {  	s26 =	simm.s32 $0x580;
	[sflag:s31] =	ssyncadd.s32 $0xFFFFF000  }
0x50: {  	[spmem:s2] =	stream.indirect.scatter.add.f32 [tilespmem:s24], [sflag:$0x2], $0x20, s26, s13, $0xb8;
	[tilespmem:$0x15F00] =	vst v63  }
0x51: {  	_ =	swait.ge [sflag:s30], $0x1000  }
0x52: {  	[sflag:s30] =	ssyncset.done $0x0  }
0x53: {  	[sflag:s30] =	ssyncadd.s32 $0xFFFFF000  }
0x54: {  	_ =	swait.ge [sflag:s30], $0x1000  }
0x55: {  	[sflag:s30] =	ssyncset.done $0x0  }
0x56: {  	[sflag:s30] =	ssyncadd.s32 $0xFFFFF000  }
0x57: {  	_ =	swait.ge [sflag:s30], $0x1000  }
0x58: {  	[sflag:s30] =	ssyncset.done $0x0  }
0x59: {  	[sflag:s30] =	ssyncadd.s32 $0xFFFFF000  }
0x5a: {  	_ =	swait.ge [sflag:s30], $0x1000  }
0x5b: {  	[sflag:s30] =	ssyncset.done $0x0  }
0x5c: {  	[sflag:s30] =	ssyncadd.s32 $0xFFFFF000  }
0x5d: {  	s0 =	sand.u32 $0x1, s31;
	_ =	swait.ge [sflag:s30], $0x1000  }
0x5e: {  	s1 =	sxor.u32 $0x1, s0;
	[sflag:s30] =	ssyncset.done $0x0  }
0x5f: {  	s26 =	smul.u32 $0x18000, s1;
	[sflag:s30] =	ssyncadd.s32 $0xFFFFF000  }
0x60: {  	_ =	swait.ge [sflag:s30], $0x1000  }
0x61: {  	s26 =	sshrl.u32 s26, $0x2;
	[sflag:s30] =	ssyncset.done $0x0  }
0x62: {  	s29 =	simm.s32 $0xC00;
	s28 =	sadd.s32 $0x4F00, s26;
	[sflag:s30] =	ssyncadd.s32 $0xFFFFF000  }
0x63: {  	[tilespmem:s28], [sflag:$0x1] =	stream.indirect.gather [hbm4b:s4+s13], $0x20, s29, s13, $0xb8;
	[tilespmem:$0x15F00] =	vst v63  }
0x64: {  	s28 =	sadd.s32 $0x5F00, s26;
	s29 =	simm.s32 $0xD00  }
0x65: {  	[tilespmem:s28], [sflag:$0x1] =	stream.indirect.gather [hbm4b:s4+s13], $0x20, s29, s13, $0xb8;
	[tilespmem:$0x15F00] =	vst v63  }
0x66: {  	s28 =	sadd.s32 $0x6F00, s26;
	s29 =	simm.s32 $0xE00  }
0x67: {  	[tilespmem:s28], [sflag:$0x1] =	stream.indirect.gather [hbm4b:s4+s13], $0x20, s29, s13, $0xb8;
	[tilespmem:$0x15F00] =	vst v63  }
0x68: {  	s28 =	sadd.s32 $0x7F00, s26;
	s29 =	simm.s32 $0xF00  }
0x69: {  	[tilespmem:s28], [sflag:$0x1] =	stream.indirect.gather [hbm4b:s4+s13], $0x20, s29, s13, $0xb8;
	[tilespmem:$0x15F00] =	vst v63  }
0x6a: {  	s28 =	sor.u32 $0x8F00, s26;
	s29 =	simm.s32 $0x1000  }
0x6b: {  	[tilespmem:s28], [sflag:$0x1] =	stream.indirect.gather [hbm4b:s4+s13], $0x20, s29, s13, $0xb8;
	[tilespmem:$0x15F00] =	vst v63  }
0x6c: {  	s25 =	smul.u32 $0x18000, s0;
	s26 =	sor.u32 $0x9F00, s26;
	s28 =	simm.s32 $0x1100  }
0x6d: {  	[tilespmem:s26], [sflag:$0x1] =	stream.indirect.gather [hbm4b:s4+s13], $0x20, s28, s13, $0xb8;
	[tilespmem:$0x15F00] =	vst v63  }
0x6e: {  	_ =	swait.ge [sflag:s31], $0x1000  }
0x6f: {  	s28 =	sshrl.u32 s25, $0x2;
	[sflag:s31] =	ssyncset.done $0x0  }
0x70: {  	s15 =	simm.s32 $0x680;
	s25 =	sadd.s32 $0x4F00, s28;
	[sflag:s31] =	ssyncadd.s32 $0xFFFFF000  }
0x71: {  	[spmem:s2] =	stream.indirect.scatter.add.f32 [tilespmem:s25], [sflag:$0x2], $0x20, s15, s13, $0xb8;
	[tilespmem:$0x15F00] =	vst v63  }
0x72: {  	_ =	swait.ge [sflag:s31], $0x1000  }
0x73: {  	[sflag:s31] =	ssyncset.done $0x0  }
0x74: {  	s0 =	simm.s32 $0x780;
	s26 =	sadd.s32 $0x5F00, s28;
	[sflag:s31] =	ssyncadd.s32 $0xFFFFF000  }
0x75: {  	[spmem:s2] =	stream.indirect.scatter.add.f32 [tilespmem:s26], [sflag:$0x2], $0x20, s0, s13, $0xb8;
	[tilespmem:$0x15F00] =	vst v63  }
0x76: {  	_ =	swait.ge [sflag:s31], $0x1000  }
0x77: {  	[sflag:s31] =	ssyncset.done $0x0  }
0x78: {  	s1 =	sadd.s32 $0x6F00, s28;
	s15 =	simm.s32 $0x880;
	[sflag:s31] =	ssyncadd.s32 $0xFFFFF000  }
0x79: {  	[spmem:s2] =	stream.indirect.scatter.add.f32 [tilespmem:s1], [sflag:$0x2], $0x20, s15, s13, $0xb8;
	[tilespmem:$0x15F00] =	vst v63  }
0x7a: {  	_ =	swait.ge [sflag:s31], $0x1000  }
0x7b: {  	[sflag:s31] =	ssyncset.done $0x0  }
0x7c: {  	s26 =	sadd.s32 $0x7F00, s28;
	s0 =	simm.s32 $0x980;
	[sflag:s31] =	ssyncadd.s32 $0xFFFFF000  }
0x7d: {  	[spmem:s2] =	stream.indirect.scatter.add.f32 [tilespmem:s26], [sflag:$0x2], $0x20, s0, s13, $0xb8;
	[tilespmem:$0x15F00] =	vst v63  }
0x7e: {  	_ =	swait.ge [sflag:s31], $0x1000  }
0x7f: {  	[sflag:s31] =	ssyncset.done $0x0  }
0x80: {  	s1 =	simm.s32 $0xA80;
	s15 =	sor.u32 $0x8F00, s28;
	[sflag:s31] =	ssyncadd.s32 $0xFFFFF000  }
0x81: {  	[spmem:s2] =	stream.indirect.scatter.add.f32 [tilespmem:s15], [sflag:$0x2], $0x20, s1, s13, $0xb8;
	[tilespmem:$0x15F00] =	vst v63  }
0x82: {  	_ =	swait.ge [sflag:s31], $0x1000  }
0x83: {  	s29 =	simm.s32 $0xB80;
	s25 =	simm.s32 $0x1800;
	[sflag:s31] =	ssyncset.done $0x0  }
0x84: {  	s28 =	sor.u32 $0x9F00, s28;
	s26 =	simm.s32 $0x2;
	[sflag:s31] =	ssyncadd.s32 $0xFFFFF000  }
.LBB2_2:
0x85: {  	[spmem:s2] =	stream.indirect.scatter.add.f32 [tilespmem:s28], [sflag:$0x2], $0x20, s29, s13, $0xb8;
	[tilespmem:$0x15F00] =	vst v63  }
0x86: {  	s29 =	smov.u32 s25  }
0x87: {  	p1 =	sne.s32 s25, $0xF000;
	s25 =	sadd.s32 $0x1800, s25;
	_ =	swait.ge [sflag:s30], $0x1000  }
0x88: {  	[sflag:s30] =	ssyncset.done $0x0  }
0x89: {  	[sflag:s30] =	ssyncadd.s32 $0xFFFFF000  }
0x8a: {  	_ =	swait.ge [sflag:s30], $0x1000  }
0x8b: {  	[sflag:s30] =	ssyncset.done $0x0  }
0x8c: {  	[sflag:s30] =	ssyncadd.s32 $0xFFFFF000  }
0x8d: {  	_ =	swait.ge [sflag:s30], $0x1000  }
0x8e: {  	[sflag:s30] =	ssyncset.done $0x0  }
0x8f: {  	[sflag:s30] =	ssyncadd.s32 $0xFFFFF000  }
0x90: {  	_ =	swait.ge [sflag:s30], $0x1000  }
0x91: {  	[sflag:s30] =	ssyncset.done $0x0  }
0x92: {  	[sflag:s30] =	ssyncadd.s32 $0xFFFFF000  }
0x93: {  	s28 =	sand.u32 $0x1, s26;
	_ =	swait.ge [sflag:s30], $0x1000  }
0x94: {  	s0 =	sxor.u32 $0x1, s28;
	s28 =	smul.u32 $0x18000, s28;
	[sflag:s30] =	ssyncset.done $0x0  }
0x95: {  	s0 =	smul.u32 $0x18000, s0;
	[sflag:s30] =	ssyncadd.s32 $0xFFFFF000  }
0x96: {  	s28 =	sshrl.u32 s28, $0x2;
	_ =	swait.ge [sflag:s30], $0x1000  }
0x97: {  	s29 =	sshra.s32 s29, $0x2;
	s0 =	sshrl.u32 s0, $0x2;
	[sflag:s30] =	ssyncset.done $0x0  }
0x98: {  	s15 =	sadd.s32 $0xC00, s29;
	s1 =	sadd.s32 $0x4F00, s0;
	[sflag:s30] =	ssyncadd.s32 $0xFFFFF000  }
0x99: {  	[tilespmem:s1], [sflag:$0x1] =	stream.indirect.gather [hbm4b:s4+s13], $0x20, s15, s13, $0xb8;
	[tilespmem:$0x15F00] =	vst v63  }
0x9a: {  	s1 =	sadd.s32 $0x5F00, s0;
	s15 =	sadd.s32 $0xD00, s29  }
0x9b: {  	[tilespmem:s1], [sflag:$0x1] =	stream.indirect.gather [hbm4b:s4+s13], $0x20, s15, s13, $0xb8;
	[tilespmem:$0x15F00] =	vst v63  }
0x9c: {  	s1 =	sadd.s32 $0x6F00, s0;
	s15 =	sadd.s32 $0xE00, s29  }
0x9d: {  	[tilespmem:s1], [sflag:$0x1] =	stream.indirect.gather [hbm4b:s4+s13], $0x20, s15, s13, $0xb8;
	[tilespmem:$0x15F00] =	vst v63  }
0x9e: {  	s1 =	sadd.s32 $0x7F00, s0;
	s15 =	sadd.s32 $0xF00, s29  }
0x9f: {  	[tilespmem:s1], [sflag:$0x1] =	stream.indirect.gather [hbm4b:s4+s13], $0x20, s15, s13, $0xb8;
	[tilespmem:$0x15F00] =	vst v63  }
0xa0: {  	s1 =	sor.u32 $0x8F00, s0;
	s15 =	sadd.s32 $0x1000, s29  }
0xa1: {  	[tilespmem:s1], [sflag:$0x1] =	stream.indirect.gather [hbm4b:s4+s13], $0x20, s15, s13, $0xb8;
	[tilespmem:$0x15F00] =	vst v63  }
0xa2: {  	s0 =	sor.u32 $0x9F00, s0;
	s1 =	sadd.s32 $0x1100, s29  }
0xa3: {  	[tilespmem:s0], [sflag:$0x1] =	stream.indirect.gather [hbm4b:s4+s13], $0x20, s1, s13, $0xb8;
	[tilespmem:$0x15F00] =	vst v63  }
0xa4: {  	_ =	swait.ge [sflag:s31], $0x1000  }
0xa5: {  	[sflag:s31] =	ssyncset.done $0x0  }
0xa6: {  	s0 =	sadd.s32 $0x4F00, s28;
	s1 =	sadd.s32 $0x680, s29;
	[sflag:s31] =	ssyncadd.s32 $0xFFFFF000  }
0xa7: {  	[spmem:s2] =	stream.indirect.scatter.add.f32 [tilespmem:s0], [sflag:$0x2], $0x20, s1, s13, $0xb8;
	[tilespmem:$0x15F00] =	vst v63  }
0xa8: {  	_ =	swait.ge [sflag:s31], $0x1000  }
0xa9: {  	[sflag:s31] =	ssyncset.done $0x0  }
0xaa: {  	s0 =	sadd.s32 $0x5F00, s28;
	s1 =	sadd.s32 $0x780, s29;
	[sflag:s31] =	ssyncadd.s32 $0xFFFFF000  }
0xab: {  	[spmem:s2] =	stream.indirect.scatter.add.f32 [tilespmem:s0], [sflag:$0x2], $0x20, s1, s13, $0xb8;
	[tilespmem:$0x15F00] =	vst v63  }
0xac: {  	_ =	swait.ge [sflag:s31], $0x1000  }
0xad: {  	[sflag:s31] =	ssyncset.done $0x0  }
0xae: {  	s0 =	sadd.s32 $0x6F00, s28;
	s1 =	sadd.s32 $0x880, s29;
	[sflag:s31] =	ssyncadd.s32 $0xFFFFF000  }
0xaf: {  	[spmem:s2] =	stream.indirect.scatter.add.f32 [tilespmem:s0], [sflag:$0x2], $0x20, s1, s13, $0xb8;
	[tilespmem:$0x15F00] =	vst v63  }
0xb0: {  	_ =	swait.ge [sflag:s31], $0x1000  }
0xb1: {  	[sflag:s31] =	ssyncset.done $0x0  }
0xb2: {  	s0 =	sadd.s32 $0x7F00, s28;
	s1 =	sadd.s32 $0x980, s29;
	[sflag:s31] =	ssyncadd.s32 $0xFFFFF000  }
0xb3: {  	[spmem:s2] =	stream.indirect.scatter.add.f32 [tilespmem:s0], [sflag:$0x2], $0x20, s1, s13, $0xb8;
	[tilespmem:$0x15F00] =	vst v63  }
0xb4: {  	_ =	swait.ge [sflag:s31], $0x1000  }
0xb5: {  	s0 =	sadd.s32 $0xA80, s29;
	[sflag:s31] =	ssyncset.done $0x0  }
.Ltmp0:
0xb6: {  	s1 =	sor.u32 $0x8F00, s28;
	[sflag:s31] =	ssyncadd.s32 $0xFFFFF000;
	(pc) =	sbr.rel @p1 .LBB2_2-.Ltmp0, $4  }
0xb7: {  	[spmem:s2] =	stream.indirect.scatter.add.f32 [tilespmem:s1], [sflag:$0x2], $0x20, s0, s13, $0xb8;
	[tilespmem:$0x15F00] =	vst v63  }
0xb8: {  	_ =	swait.ge [sflag:s31], $0x1000  }
0xb9: {  	s26 =	sadd.s32 $0x1, s26;
	[sflag:s31] =	ssyncset.done $0x0  }
0xba: {  	s28 =	sor.u32 $0x9F00, s28;
	s29 =	sadd.s32 $0xB80, s29;
	[sflag:s31] =	ssyncadd.s32 $0xFFFFF000  }
0xbb: {  	[spmem:s2] =	stream.indirect.scatter.add.f32 [tilespmem:s28], [sflag:$0x2], $0x20, s29, s13, $0xb8;
	[tilespmem:$0x15F00] =	vst v63  }
0xbc: {  	_ =	swait.ge [sflag:s30], $0x1000  }
0xbd: {  	[sflag:s30] =	ssyncset.done $0x0  }
0xbe: {  	[sflag:s30] =	ssyncadd.s32 $0xFFFFF000  }
0xbf: {  	_ =	swait.ge [sflag:s30], $0x1000  }
0xc0: {  	[sflag:s30] =	ssyncset.done $0x0  }
0xc1: {  	[sflag:s30] =	ssyncadd.s32 $0xFFFFF000  }
0xc2: {  	_ =	swait.ge [sflag:s30], $0x1000  }
0xc3: {  	[sflag:s30] =	ssyncset.done $0x0  }
0xc4: {  	[sflag:s30] =	ssyncadd.s32 $0xFFFFF000  }
0xc5: {  	_ =	swait.ge [sflag:s30], $0x1000  }
0xc6: {  	[sflag:s30] =	ssyncset.done $0x0  }
0xc7: {  	[sflag:s30] =	ssyncadd.s32 $0xFFFFF000  }
0xc8: {  	_ =	swait.ge [sflag:s30], $0x1000  }
0xc9: {  	[sflag:s30] =	ssyncset.done $0x0  }
0xca: {  	[sflag:s30] =	ssyncadd.s32 $0xFFFFF000  }
0xcb: {  	_ =	swait.ge [sflag:s30], $0x1000  }
0xcc: {  	[sflag:s30] =	ssyncset.done $0x0  }
0xcd: {  	[sflag:s30] =	ssyncadd.s32 $0xFFFFF000  }
0xce: {  	_ =	swait.ge [sflag:s31], $0x1000  }
0xcf: {  	[sflag:s31] =	ssyncset.done $0x0  }
0xd0: {  	s0 =	simm.s32 $0x4880;
	[sflag:s31] =	ssyncadd.s32 $0xFFFFF000  }
0xd1: {  	[spmem:s2] =	stream.indirect.scatter.add.f32 [tilespmem:s14], [sflag:$0x2], $0x20, s0, s13, $0xb8;
	[tilespmem:$0x15F00] =	vst v63  }
0xd2: {  	_ =	swait.ge [sflag:s31], $0x1000  }
0xd3: {  	[sflag:s31] =	ssyncset.done $0x0  }
0xd4: {  	s28 =	simm.s32 $0x4980;
	[sflag:s31] =	ssyncadd.s32 $0xFFFFF000  }
0xd5: {  	[spmem:s2] =	stream.indirect.scatter.add.f32 [tilespmem:s16], [sflag:$0x2], $0x20, s28, s13, $0xb8;
	[tilespmem:$0x15F00] =	vst v63  }
0xd6: {  	_ =	swait.ge [sflag:s31], $0x1000  }
0xd7: {  	[sflag:s31] =	ssyncset.done $0x0  }
0xd8: {  	s29 =	simm.s32 $0x4A80;
	[sflag:s31] =	ssyncadd.s32 $0xFFFFF000  }
0xd9: {  	[spmem:s2] =	stream.indirect.scatter.add.f32 [tilespmem:s18], [sflag:$0x2], $0x20, s29, s13, $0xb8;
	[tilespmem:$0x15F00] =	vst v63  }
0xda: {  	_ =	swait.ge [sflag:s31], $0x1000  }
0xdb: {  	[sflag:s31] =	ssyncset.done $0x0  }
0xdc: {  	[sflag:s31] =	ssyncadd.s32 $0xFFFFF000  }
0xdd: {  	[spmem:s2] =	stream.indirect.scatter.add.f32 [tilespmem:s20], [sflag:$0x2], $0x20, s17, s13, $0xb8;
	[tilespmem:$0x15F00] =	vst v63  }
0xde: {  	_ =	swait.ge [sflag:s31], $0x1000  }
0xdf: {  	[sflag:s31] =	ssyncset.done $0x0  }
0xe0: {  	[sflag:s31] =	ssyncadd.s32 $0xFFFFF000  }
0xe1: {  	[spmem:s2] =	stream.indirect.scatter.add.f32 [tilespmem:s22], [sflag:$0x2], $0x20, s19, s13, $0xb8;
	[tilespmem:$0x15F00] =	vst v63  }
0xe2: {  	_ =	swait.ge [sflag:s31], $0x1000  }
0xe3: {  	[sflag:s31] =	ssyncset.done $0x0  }
0xe4: {  	[sflag:s31] =	ssyncadd.s32 $0xFFFFF000  }
0xe5: {  	[spmem:s2] =	stream.indirect.scatter.add.f32 [tilespmem:s24], [sflag:$0x2], $0x20, s21, s13, $0xb8;
	[tilespmem:$0x15F00] =	vst v63  }
0xe6: {  	_ =	swait.ge [sflag:s30], $0x1000  }
0xe7: {  	[sflag:s30] =	ssyncset.done $0x0  }
0xe8: {  	[sflag:s30] =	ssyncadd.s32 $0xFFFFF000  }
0xe9: {  	_ =	swait.ge [sflag:s30], $0x1000  }
0xea: {  	[sflag:s30] =	ssyncset.done $0x0  }
0xeb: {  	[sflag:s30] =	ssyncadd.s32 $0xFFFFF000  }
0xec: {  	_ =	swait.ge [sflag:s30], $0x1000  }
0xed: {  	[sflag:s30] =	ssyncset.done $0x0  }
0xee: {  	[sflag:s30] =	ssyncadd.s32 $0xFFFFF000  }
0xef: {  	_ =	swait.ge [sflag:s30], $0x1000  }
0xf0: {  	[sflag:s30] =	ssyncset.done $0x0  }
0xf1: {  	[sflag:s30] =	ssyncadd.s32 $0xFFFFF000  }
0xf2: {  	_ =	swait.ge [sflag:s30], $0x1000  }
0xf3: {  	[sflag:s30] =	ssyncset.done $0x0  }
0xf4: {  	[sflag:s30] =	ssyncadd.s32 $0xFFFFF000  }
0xf5: {  	_ =	swait.ge [sflag:s30], $0x1000  }
0xf6: {  	s1 =	simm.s32 @!p0 $0x4E00;
	[sflag:s30] =	ssyncset.done $0x0  }
0xf7: {  	s15 =	simm.s32 @!p0 $0x4F00;
	s0 =	simm.s32 @!p0 $0x80;
	[sflag:s30] =	ssyncadd.s32 $0xFFFFF000  }
0xf8: {  	[tilespmem:s15], [sflag:$0x1] =	stream.indirect.gather @!p0 [hbm4b:s4+s0], $0x20, s1, s0, $0xb8;
	[tilespmem:$0x15F00] =	vst v63  }
0xf9: {  	s1 =	simm.s32 @!p0 $0x1  }
0xfa: {  	_ =	swait.ge @!p0 [sflag:s1], $0x1000  }
0xfb: {  	[sflag:s1] =	ssyncset.done @!p0 $0x0  }
0xfc: {  	[sflag:s1] =	ssyncadd.s32 @!p0 $0xFFFFF000;
	s1 =	simm.s32 @!p0 $0x4E80  }
0xfd: {  	[spmem:s2] =	stream.indirect.scatter.add.f32 @!p0 [tilespmem:s15], [sflag:$0x2], $0x20, s1, s0, $0xb8;
	[tilespmem:$0x15F00] =	vst v63  }
0xfe: {  	s0 =	simm.s32 @!p0 $0x2  }
0xff: {  	_ =	swait.ge @!p0 [sflag:s0], $0x1000  }
0x100: {  	s23 =	sadd.s32 $0x1, s23;
	[sflag:s0] =	ssyncset.done @!p0 $0x0  }
0x101: {  	p1 =	sne.s32 s23, s10;
	[sflag:s0] =	ssyncadd.s32 @!p0 $0xFFFFF000  }
.Ltmp1:
0x102: {  	[bflag:$0x0] =	sbarrier.arrive $0xFFFF;
	(pc) =	sbr.rel @p1 .LBB2_1-.Ltmp1, $4  }
0x103: {  	[hbm:s9], [sflag:s7] =	dma.local [spmem:s11], $0xA00  }
0x104: {  	_ =	swait.ge [sflag:s12], $0xA00  }
0x105: {  	[sflag:s12] =	ssyncset.done $0x0  }
0x106: {  	[sflag:s12] =	ssyncadd.s32 $0xFFFFF600  }
0x107: {  	_ =	sfence.sel $0x180000  }
0x108: {  	[bflag:$0x0] =	sbarrier.arrive $0xFFFF  }
0x109: {  	_ =	strace $0x9000004A  }
0x10a: {  	s0 =	stileid.u32;
	[bflag:$0x2] =	sbarrier.arrive $0xFFFF  }
0x10b: {  	p0 =	sne.s32 s0, $0x0;
	s0 =	rddreg [dreg:$0x4]  }
0x10c: {  	s0 =	sadd.s32 @!p0 $0x100000, s0  }
0x10d: {  	[sflag:s0] =	ssyncadd.tile.s32 @!p0 $0x1;
	_ =	shalt  }
.Lfunc_end2:
_tile_overlayer_lowered:
.L_overlay_start_2:
0x10e: {  	(tag) =	ssettag $0x2  }
0x10f: {  	s0 =	rddreg [dreg:$0x0];
	s2 =	stileid.u32  }
0x110: {  	s1 =	rddreg [dreg:$0x1];
	p0 =	sne.s32 s2, $0x0  }
0x111: {  	s3 =	rddreg [dreg:$0x2];
	[bflag:$0x3] =	sbarrier.arrive $0xFFFF;
	s2 =	simm.s32 @!p0 $0x1C03  }
0x112: {  	[timem:s3], [sflag:s2] =	dma.local @!p0 [hbm:s0], s1  }
0x113: {  	s0 =	simm.s32 @!p0 $0x3  }
0x114: {  	_ =	swait.ge @!p0 [sflag:s0], s1  }
0x115: {  	s1 =	ssub.s32 @!p0 $0x0, s1;
	[sflag:s0] =	ssyncset.done @!p0 $0x0  }
0x116: {  	[sflag:s0] =	ssyncadd.s32 @!p0 s1  }
0x117: {  	[bflag:$0x3] =	sbarrier.arrive $0xFFFF  }
0x118: {  	_ =	shalt  }

// kernel: kernel.14.cloned.1.call-start
scs
__scs_entry_jumppad:
0x0: {  	(pc) =	sbr.rel $0x88, $3  }
0x1: {  	(tag) =	ssettag $0x0;
	lr =	simm.s32 $0x1  }
0x2: {  	[smem:$0x3F99] =	sst lr;
	_ =	strace $0xD0000000  }
0x3: {  	_ = 	snop  }
0x4: {  	_ = 	snop  }
0x5: {  	_ = 	snop  }
0x6: {  	_ = 	snop  }
0x7: {  	_ = 	snop  }
__scs_overlays_trampoline_lowered:
0x8: {  	[smem:$0x3FA8] =	sst s0  }
0x9: {  	[smem:$0x3FA9] =	sst s1  }
0xa: {  	[smem:$0x3FAA] =	sst s2  }
0xb: {  	[smem:$0x3FAB] =	sst s3  }
0xc: {  	[smem:$0x3FAC] =	sst s4  }
0xd: {  	[smem:$0x3FAD] =	sst s5  }
0xe: {  	[smem:$0x3FAE] =	sst s6  }
0xf: {  	[smem:$0x3FAF] =	sst s7  }
0x10: {  	[smem:$0x3FB0] =	sst s8  }
0x11: {  	[smem:$0x3FB1] =	sst s9;
	s0 =	simm.s32 @!p0 $0x0  }
0x12: {  	s1 =	sld [smem:$0x3F97];
	s0 =	simm.s32 @p0 $0x1  }
0x13: {  	[smem:$0x3FB2] =	sst s0;
	s0 =	simm.s32 @!p1 $0x0  }
0x14: {  	s2 =	sld [smem:$0x3F96];
	s0 =	simm.s32 @p1 $0x1  }
0x15: {  	[smem:$0x3FB3] =	sst s0;
	s0 =	simm.s32 @!p2 $0x0  }
0x16: {  	s3 =	sld [smem:$0x3FDB];
	s0 =	simm.s32 @p2 $0x1  }
0x17: {  	s4 =	simm.s32 $0x1BF5;
	[smem:$0x3FB5] =	sst s0  }
0x18: {  	s0 =	sld [smem:$0x3F98];
	_ =	swait.ge [sflag:s4], $0x0  }
0x19: {  	s7 =	sld [smem:$0x3F99]  }
0x1a: {  	s8 =	sadd.s32 $0xFFFFE003, lr  }
0x1b: {  	s9 =	sadd.s32 $0xFFFFFEF7, lr;
	s5 =	simm.s32 $0xFFFFFFFF;
	p2 =	slt.u32 s8, $0xFFFFF086  }
0x1c: {  	p1 =	slt.u32 s9, $0xF7A;
	s5 =	simm.s32 @!p2 $0x0  }
0x1d: {  	s5 =	simm.s32 @p1 $0x1;
	p0 =	seq.s32 s7, s2  }
0x1e: {  	s7 =	smul.u32 @!p0 $0xF7A, s2;
	p2 =	seq.s32 @!p0 s5, $0x0  }
0x1f: {  	s9 =	smul.u32 $0xF7A, s1;
	s8 =	simm.s32 @!p0 $0x1BF5;
	p2 =	por !p2, p0  }
0x20: {  	[sflag:s8] =	ssyncset.s32 @!p0 $0xFFFFF086;
	s6 =	sadd.s32 @!p0 s3, s7;
	s7 =	simm.s32 @!p0 $0x108  }
0x21: {  	s3 =	sadd.s32 s3, s9;
	s6 =	sadd.s32 @!p0 $0x88, s6;
	s7 =	simm.s32 @p2 $0x1082  }
0x22: {  	[simem:s7], [sflag:s8] =	dma.local @!p0 [hbm:s6], $0xF7A  }
0x23: {  	s9 =	sor.u32 $0xD0000000, s2;
	s6 =	simm.s32 $0x108;
	_ =	swait.ge @!p0 [sflag:s8], $0x0  }
0x24: {  	s3 =	sadd.s32 $0x88, s3;
	s6 =	simm.s32 @!p1 $0x1082;
	[sflag:s4] =	ssyncset.s32 $0xFFFFF086  }
0x25: {  	[simem:s6], [sflag:s4] =	dma.local [hbm:s3], $0xF7A  }
0x26: {  	[smem:$0x3F99] =	sst s1;
	(tag) =	ssettag s2;
	_ =	strace s9  }
0x27: {  	s1 =	sld [smem:$0x3FA9]  }
0x28: {  	s2 =	sld [smem:$0x3FAA]  }
0x29: {  	s4 =	sld [smem:$0x3FAC]  }
0x2a: {  	p0 =	seq.s32 s5, $0x0;
	s5 =	sld [smem:$0x3FAD]  }
0x2b: {  	s6 =	sld [smem:$0x3FAE]  }
0x2c: {  	s7 =	sld [smem:$0x3FAF]  }
0x2d: {  	s3 =	simm.s32 $0x108;
	s8 =	sld [smem:$0x3FB0]  }
0x2e: {  	s3 =	simm.s32 @!p0 $0x1082;
	s9 =	sld [smem:$0x3FB1]  }
0x2f: {  	lr =	sadd.s32 s0, s3;
	s0 =	sld [smem:$0x3FA8]  }
0x30: {  	s3 =	sld [smem:$0x3FAB]  }
0x31: {  	[smem:$0x3FB4] =	sst s10  }
0x32: {  	s10 =	sld [smem:$0x3FB2];
	_ =	sdelay $0x3  }
0x33: {  	p0 =	seq.s32 s10, $0x1;
	s10 =	sld [smem:$0x3FB4];
	_ =	sdelay $0x3  }
0x34: {  	[smem:$0x3FB4] =	sst s10  }
0x35: {  	s10 =	sld [smem:$0x3FB3];
	_ =	sdelay $0x3  }
0x36: {  	p1 =	seq.s32 s10, $0x1;
	s10 =	sld [smem:$0x3FB4];
	_ =	sdelay $0x3  }
0x37: {  	[smem:$0x3FB4] =	sst s10  }
0x38: {  	s10 =	sld [smem:$0x3FB5]  }
0x39: {  	_ = 	snop;
	(pc) =	sbr.ind lr, $3  }
0x3a: {  	_ = 	snop  }
0x3b: {  	_ = 	snop  }
0x3c: {  	p2 =	seq.s32 s10, $0x1;
	s10 =	sld [smem:$0x3FB4]  }
0x3d: {  	_ =	shalt  }
0x3e: {  	_ =	shalt  }
0x3f: {  	_ =	shalt  }
0x40: {  	_ =	shalt  }
0x41: {  	_ =	shalt  }
0x42: {  	_ =	shalt  }
0x43: {  	_ =	shalt  }
0x44: {  	_ =	shalt  }
0x45: {  	_ =	shalt  }
0x46: {  	_ =	shalt  }
0x47: {  	_ =	shalt  }
0x48: {  	_ =	shalt  }
0x49: {  	_ =	shalt  }
0x4a: {  	_ =	shalt  }
0x4b: {  	_ =	shalt  }
0x4c: {  	_ =	shalt  }
0x4d: {  	_ =	shalt  }
0x4e: {  	_ =	shalt  }
0x4f: {  	_ =	shalt  }
0x50: {  	_ =	shalt  }
0x51: {  	_ =	shalt  }
0x52: {  	_ =	shalt  }
0x53: {  	_ =	shalt  }
0x54: {  	_ =	shalt  }
0x55: {  	_ =	shalt  }
0x56: {  	_ =	shalt  }
0x57: {  	_ =	shalt  }
0x58: {  	_ =	shalt  }
0x59: {  	_ =	shalt  }
0x5a: {  	_ =	shalt  }
0x5b: {  	_ =	shalt  }
0x5c: {  	_ =	shalt  }
0x5d: {  	_ =	shalt  }
0x5e: {  	_ =	shalt  }
0x5f: {  	_ =	shalt  }
0x60: {  	_ =	shalt  }
0x61: {  	_ =	shalt  }
0x62: {  	_ =	shalt  }
0x63: {  	_ =	shalt  }
0x64: {  	_ =	shalt  }
0x65: {  	_ =	shalt  }
0x66: {  	_ =	shalt  }
0x67: {  	_ =	shalt  }
0x68: {  	_ =	shalt  }
0x69: {  	_ =	shalt  }
0x6a: {  	_ =	shalt  }
0x6b: {  	_ =	shalt  }
0x6c: {  	_ =	shalt  }
0x6d: {  	_ =	shalt  }
0x6e: {  	_ =	shalt  }
0x6f: {  	_ =	shalt  }
0x70: {  	_ =	shalt  }
0x71: {  	_ =	shalt  }
0x72: {  	_ =	shalt  }
0x73: {  	_ =	shalt  }
0x74: {  	_ =	shalt  }
0x75: {  	_ =	shalt  }
0x76: {  	_ =	shalt  }
0x77: {  	_ =	shalt  }
0x78: {  	_ =	shalt  }
0x79: {  	_ =	shalt  }
0x7a: {  	_ =	shalt  }
0x7b: {  	_ =	shalt  }
0x7c: {  	_ =	shalt  }
0x7d: {  	_ =	shalt  }
0x7e: {  	_ =	shalt  }
0x7f: {  	_ =	shalt  }
0x80: {  	_ =	shalt  }
0x81: {  	_ =	shalt  }
0x82: {  	_ =	shalt  }
0x83: {  	_ =	shalt  }
0x84: {  	_ =	shalt  }
0x85: {  	_ =	shalt  }
0x86: {  	_ =	shalt  }
0x87: {  	_ =	shalt  }
.Lfunc_end0:
.L_simem_size_0:
called_computation.2_lowered:
.L_overlay_start_0:
0x88: {  	s2 =	sld [smem:$0x3FD9]  }
0x89: {  	s3 =	sld [smem:$0x3FFE];
	_ =	sdelay $0x1  }
0x8a: {  	s1 =	srdreg.scid  }
0x8b: {  	s0 =	sand.u32 $0x1, s1  }
0x8c: {  	s17 =	sshll.u32 s0, $0xA;
	s2 =	sadd.s32 s3, s2  }
0x8d: {  	s2 =	sadd.s32 s2, s17  }
0x8e: {  	[smem:$0x3FC0] =	sst s2  }
0x8f: {  	_ = 	snop  }
0x90: {  	s2 =	sld [smem:$0x3FC8]  }
0x91: {  	s18 =	sld [smem:$0x3FD0];
	(tm) =	ssettm $0x1  }
0x92: {  	s4 =	sld [smem:$0x3FFB];
	_ =	sdelay $0x3  }
0x93: {  	_ =	strace s4  }
0x94: {  	s4 =	sld [smem:$0x3FFC];
	_ =	sdelay $0x3  }
0x95: {  	_ =	strace s4  }
0x96: {  	s4 =	sld [smem:$0x3FFD];
	_ =	sdelay $0x3  }
0x97: {  	_ =	strace s4  }
0x98: {  	_ =	strace $0x8FFFFFFF  }
0x99: {  	s19 =	sld [smem:$0x3FDB];
	_ =	sdelay $0x1  }
0x9a: {  	s5 =	simm.s32 $_scs_section_size  }
0x9b: {  	s6 =	simm.s32 $_size__tile_overlayer_lowered;
	s7 =	simm.s32 $_tile_overlayer_lowered  }
0x9c: {  	s22 =	simm.s32 $0x1BFF;
	s21 =	sshll.u32 s7, $0x1;
	s4 =	sadd.s32 s5, s19  }
0x9d: {  	s8 =	simm.s32 $0x0;
	s20 =	sshll.u32 s6, $0x1;
	s6 =	sadd.s32 s21, s4  }
0x9e: {  	[timem:s8], [sflag:s22] =	dma.local [hbm:s6], s20  }
0x9f: {  	_ =	swait.ge [sflag:s22], s20  }
0xa0: {  	s5 =	ssub.s32 $0x0, s20;
	[sflag:s22] =	ssyncset.done $0x0  }
0xa1: {  	[sflag:s22] =	ssyncadd.s32 s5;
	_ =	sdelay $0x1  }
0xa2: {  	s23 =	simm.s32 $0x1B8B  }
0xa3: {  	_ =	swait.ge [sflag:s23], $0x1  }
0xa4: {  	[sflag:s23] =	ssyncset.done $0x0  }
0xa5: {  	s25 =	simm.s32 $0x1B8E;
	s24 =	sld [smem:$0x3FFE];
	[sflag:s23] =	ssyncadd.s32 $0xFFFFFFFF  }
0xa6: {  	s26 =	simm.s32 $execute0_lowered;
	[smem:$0x3FD2] =	sst s25  }
0xa7: {  	s6 =	sshll.u32 s26, $0x1;
	_ =	strace $0x8000004C;
	[dreg:$0x1] =	wrdreg $0xFFFFFFFF  }
0xa8: {  	s28 =	simm.s32 $_size_execute0_lowered;
	s4 =	sadd.s32 s4, s6;
	[dreg:$0x0] =	wrdreg $0x0  }
0xa9: {  	s6 =	sshll.u32 s28, $0x1;
	[dreg:$0x2] =	wrdreg s4  }
0xaa: {  	[dreg:$0x3] =	wrdreg s6  }
0xab: {  	[dreg:$0x4] =	wrdreg $0xC0  }
0xac: {  	_ =	task [dreg:s8], $0x5FFFF  }
0xad: {  	[dreg:$0x1] =	wrdreg $0xFFFFFFFF  }
0xae: {  	[dreg:$0x0] =	wrdreg $0x60  }
0xaf: {  	[dreg:$0x2] =	wrdreg s24  }
0xb0: {  	[dreg:$0x3] =	wrdreg s2  }
0xb1: {  	[dreg:$0x4] =	wrdreg s18  }
0xb2: {  	[dreg:$0x5] =	wrdreg $0x10F000  }
0xb3: {  	[dreg:$0x6] =	wrdreg $0x9  }
0xb4: {  	_ =	task.clear_ibuf [dreg:s8], $0x7FFFF;
	_ =	strace $0x9000004C  }
0xb5: {  	s29 =	simm.s32 $0x9;
	_ =	strace $0x8000004E  }
0xb6: {  	_ =	swait.ge [sflag:s29], $0x1  }
0xb7: {  	[sflag:s29] =	ssyncadd.s32 $0xFFFFFFFF  }
0xb8: {  	_ =	strace $0x9000004E  }
0xb9: {  	_ =	sfence  }
0xba: {  	s30 =	sld [smem:$0x0];
	_ =	sdelay $0x2  }
0xbb: {  	s31 =	sshll.u32 s1, $0xD;
	s1 =	sshrl.u32 s1, $0x2  }
0xbc: {  	s3 =	sand.u32 $0x4000, s31;
	s1 =	sadd.s32 s1, s30  }
0xbd: {  	s0 =	sor.u32 s3, s0;
	s1 =	sshll.u32 s1, $0x11  }
0xbe: {  	s0 =	sor.u32 s1, s0  }
0xbf: {  	s0 =	sadd.s32 $0x8F2B, s0  }
0xc0: {  	[sflag:s0] =	ssyncadd.remote.s32 $0x1  }
0xc1: {  	_ =	sfence.sel $0xFFFF  }
0xc2: {  	[dreg:$0x0] =	wrdreg $0xFFFFFFFF;
	(pc) =	sbr.abs _section_cstart, $3  }
0xc3: {  	[dreg:$0x1] =	wrdreg $0xFFFFFFFF  }
0xc4: {  	_ =	task.clear_ibuf [dreg:s8], $0x2FFFF;
	_ =	strace $0x9FFFFFFF  }
0xc5: {  	(tm) =	ssettm $0x7FFFFFFF  }
tec
execute0_lowered:
.L_overlay_start_1:
0x0: {  	(tag) =	ssettag $0x1  }
0x1: {  	s0 =	rddreg [dreg:$0x0]  }
0x2: {  	s1 =	rddreg [dreg:$0x1]  }
0x3: {  	s9 =	rddreg [dreg:$0x2]  }
0x4: {  	s2 =	rddreg [dreg:$0x3];
	s3 =	simm.s32 $0x0  }
0x5: {  	s15 =	stileid.u32;
	s4 =	srdreg.scid;
	s16 =	simm.s32 $0x5F00  }
0x6: {  	s18 =	simm.s32 $0x6F00;
	s20 =	simm.s32 $0x7F00;
	s30 =	simm.s32 $0x2  }
0x7: {  	s31 =	simm.s32 $0x1;
	s17 =	simm.s32 $0x4B80;
	s19 =	simm.s32 $0x4C80  }
0x8: {  	s21 =	simm.s32 $0x4D80;
	[smem:$0x7FF] =	sst s3;
	s6 =	smul.u32 $0x5000, s15  }
0x9: {  	s5 =	sand.u32 $0x1, s4;
	s4 =	sadd.s32 $0x2600, s0;
	s28 =	sshll.u32 s15, $0x6  }
0xa: {  	_ =	strace $0x8000004D;
	s7 =	sshll.u32 s5, $0x4;
	s22 =	ssub.s32 $0x2, s5  }
0xb: {  	s13 =	smul.u32 $0x50000, s5;
	s8 =	sshrl.u32 s6, $0x3;
	s11 =	sor.u32 s15, s7  }
0xc: {  	s10 =	sshrl.u32 s22, $0x1;
	s14 =	sadd.s32 s6, s2;
	s7 =	sor.u32 $0x1C03, s28  }
0xd: {  	s0 =	sadd.s32 s8, s0;
	s23 =	smul.u32 $0x4E, s11;
	s12 =	smin.u32 s11, $0x4  }
0xe: {  	s10 =	ssub.s32 s22, s10;
	s26 =	sadd.s32 s6, s13;
	p0 =	sgt.u32 s11, $0x3  }
0xf: {  	s11 =	sshrl.u32 s14, $0x3;
	s13 =	simm.s32 $0x80;
	s14 =	simm.s32 $0x4F00  }
0x10: {  	s22 =	simm.s32 $0x8F00;
	s5 =	sadd.s32 $0xC400, s0;
	s24 =	sadd.s32 s12, s23  }
0x11: {  	s29 =	sshrl.u32 s26, $0x3;
	s10 =	smax.u32 s10, $0x1;
	s25 =	sshll.u32 s24, $0x5  }
0x12: {  	s9 =	sadd.s32 s9, s29;
	s12 =	simm.s32 $0x3;
	s6 =	sadd.s32 s1, s25  }
0x13: {  	s23 =	simm.s32 $0x0;
	s24 =	simm.s32 $0x9F00;
	s8 =	sadd.s32 $0x9C0, s6  }
.LBB2_1:
0x14: {  	[spmem:s11], [sflag:s7] =	dma.local [hbm:s5], $0xA00  }
0x15: {  	_ =	swait.ge [sflag:s12], $0xA00  }
0x16: {  	[sflag:s12] =	ssyncset.done $0x0  }
0x17: {  	[sflag:s12] =	ssyncadd.s32 $0xFFFFF600  }
0x18: {  	[tilespmem:s3], [sflag:$0x3] =	stream.linear.gather [hbm4b:s6+s3], $0x4E00, $0x38;
	[tilespmem:$0x15F00] =	vst v63  }
0x19: {  	_ =	swait.ge [sflag:s12], $0x4E00  }
0x1a: {  	[sflag:s12] =	ssyncset.done $0x0  }
0x1b: {  	s25 =	simm.s32 @!p0 $0x0;
	s26 =	simm.s32 @!p0 $0x4E00;
	[sflag:s12] =	ssyncadd.s32 $0xFFFFB200  }
0x1c: {  	[tilespmem:s26], [sflag:$0x3] =	stream.linear.gather @!p0 [hbm4b:s8+s25], $0x100, $0x38;
	[tilespmem:$0x15F00] =	vst v63  }
0x1d: {  	s25 =	simm.s32 @!p0 $0x3  }
0x1e: {  	_ =	swait.ge @!p0 [sflag:s25], $0x100  }
0x1f: {  	[sflag:s25] =	ssyncset.done @!p0 $0x0  }
0x20: {  	[sflag:s25] =	ssyncadd.s32 @!p0 $0xFFFFFF00  }
0x21: {  	[bflag:$0x0] =	sbarrier.arrive $0xFFFF  }
0x22: {  	[tilespmem:s14], [sflag:$0x1] =	stream.indirect.gather [hbm4b:s4+s13], $0x20, s3, s13, $0xb8;
	[tilespmem:$0x15F00] =	vst v63  }
0x23: {  	s0 =	simm.s32 $0x100  }
0x24: {  	[tilespmem:s16], [sflag:$0x1] =	stream.indirect.gather [hbm4b:s4+s13], $0x20, s0, s13, $0xb8;
	[tilespmem:$0x15F00] =	vst v63  }
0x25: {  	s26 =	simm.s32 $0x200  }
0x26: {  	[tilespmem:s18], [sflag:$0x1] =	stream.indirect.gather [hbm4b:s4+s13], $0x20, s26, s13, $0xb8;
	[tilespmem:$0x15F00] =	vst v63  }
0x27: {  	s1 =	simm.s32 $0x300  }
0x28: {  	[tilespmem:s20], [sflag:$0x1] =	stream.indirect.gather [hbm4b:s4+s13], $0x20, s1, s13, $0xb8;
	[tilespmem:$0x15F00] =	vst v63  }
0x29: {  	s15 =	simm.s32 $0x400  }
0x2a: {  	[tilespmem:s22], [sflag:$0x1] =	stream.indirect.gather [hbm4b:s4+s13], $0x20, s15, s13, $0xb8;
	[tilespmem:$0x15F00] =	vst v63  }
0x2b: {  	s25 =	simm.s32 $0x500  }
0x2c: {  	[tilespmem:s24], [sflag:$0x1] =	stream.indirect.gather [hbm4b:s4+s13], $0x20, s25, s13, $0xb8;
	[tilespmem:$0x15F00] =	vst v63  }
0x2d: {  	s26 =	simm.s32 $0x600;
	s1 =	simm.s32 $0xAF00  }
0x2e: {  	[tilespmem:s1], [sflag:$0x1] =	stream.indirect.gather [hbm4b:s4+s13], $0x20, s26, s13, $0xb8;
	[tilespmem:$0x15F00] =	vst v63  }
0x2f: {  	s15 =	simm.s32 $0xBF00;
	s1 =	simm.s32 $0x700  }
0x30: {  	[tilespmem:s15], [sflag:$0x1] =	stream.indirect.gather [hbm4b:s4+s13], $0x20, s1, s13, $0xb8;
	[tilespmem:$0x15F00] =	vst v63  }
0x31: {  	s25 =	simm.s32 $0x800;
	s26 =	simm.s32 $0xCF00  }
0x32: {  	[tilespmem:s26], [sflag:$0x1] =	stream.indirect.gather [hbm4b:s4+s13], $0x20, s25, s13, $0xb8;
	[tilespmem:$0x15F00] =	vst v63  }
0x33: {  	s1 =	simm.s32 $0x900;
	s15 =	simm.s32 $0xDF00  }
0x34: {  	[tilespmem:s15], [sflag:$0x1] =	stream.indirect.gather [hbm4b:s4+s13], $0x20, s1, s13, $0xb8;
	[tilespmem:$0x15F00] =	vst v63  }
0x35: {  	s25 =	simm.s32 $0xA00;
	s26 =	simm.s32 $0xEF00  }
0x36: {  	[tilespmem:s26], [sflag:$0x1] =	stream.indirect.gather [hbm4b:s4+s13], $0x20, s25, s13, $0xb8;
	[tilespmem:$0x15F00] =	vst v63  }
0x37: {  	s15 =	simm.s32 $0xB00;
	s25 =	simm.s32 $0xFF00  }
0x38: {  	[tilespmem:s25], [sflag:$0x1] =	stream.indirect.gather [hbm4b:s4+s13], $0x20, s15, s13, $0xb8;
	[tilespmem:$0x15F00] =	vst v63  }
0x39: {  	_ =	swait.ge [sflag:s31], $0x1000  }
0x3a: {  	[sflag:s31] =	ssyncset.done $0x0  }
0x3b: {  	[sflag:s31] =	ssyncadd.s32 $0xFFFFF000  }
0x3c: {  	[spmem:s2] =	stream.indirect.scatter.add.f32 [tilespmem:s14], [sflag:$0x2], $0x20, s13, s13, $0xb8;
	[tilespmem:$0x15F00] =	vst v63  }
0x3d: {  	_ =	swait.ge [sflag:s31], $0x1000  }
0x3e: {  	[sflag:s31] =	ssyncset.done $0x0  }
0x3f: {  	s26 =	simm.s32 $0x180;
	[sflag:s31] =	ssyncadd.s32 $0xFFFFF000  }
0x40: {  	[spmem:s2] =	stream.indirect.scatter.add.f32 [tilespmem:s16], [sflag:$0x2], $0x20, s26, s13, $0xb8;
	[tilespmem:$0x15F00] =	vst v63  }
0x41: {  	_ =	swait.ge [sflag:s31], $0x1000  }
0x42: {  	[sflag:s31] =	ssyncset.done $0x0  }
0x43: {  	s1 =	simm.s32 $0x280;
	[sflag:s31] =	ssyncadd.s32 $0xFFFFF000  }
0x44: {  	[spmem:s2] =	stream.indirect.scatter.add.f32 [tilespmem:s18], [sflag:$0x2], $0x20, s1, s13, $0xb8;
	[tilespmem:$0x15F00] =	vst v63  }
0x45: {  	_ =	swait.ge [sflag:s31], $0x1000  }
0x46: {  	[sflag:s31] =	ssyncset.done $0x0  }
0x47: {  	s15 =	simm.s32 $0x380;
	[sflag:s31] =	ssyncadd.s32 $0xFFFFF000  }
0x48: {  	[spmem:s2] =	stream.indirect.scatter.add.f32 [tilespmem:s20], [sflag:$0x2], $0x20, s15, s13, $0xb8;
	[tilespmem:$0x15F00] =	vst v63  }
0x49: {  	_ =	swait.ge [sflag:s31], $0x1000  }
0x4a: {  	[sflag:s31] =	ssyncset.done $0x0  }
0x4b: {  	s25 =	simm.s32 $0x480;
	[sflag:s31] =	ssyncadd.s32 $0xFFFFF000  }
0x4c: {  	[spmem:s2] =	stream.indirect.scatter.add.f32 [tilespmem:s22], [sflag:$0x2], $0x20, s25, s13, $0xb8;
	[tilespmem:$0x15F00] =	vst v63  }
0x4d: {  	_ =	swait.ge [sflag:s31], $0x1000  }
0x4e: {  	[sflag:s31] =	ssyncset.done $0x0  }
0x4f: {  	s26 =	simm.s32 $0x580;
	[sflag:s31] =	ssyncadd.s32 $0xFFFFF000  }
0x50: {  	[spmem:s2] =	stream.indirect.scatter.add.f32 [tilespmem:s24], [sflag:$0x2], $0x20, s26, s13, $0xb8;
	[tilespmem:$0x15F00] =	vst v63  }
0x51: {  	_ =	swait.ge [sflag:s30], $0x1000  }
0x52: {  	[sflag:s30] =	ssyncset.done $0x0  }
0x53: {  	[sflag:s30] =	ssyncadd.s32 $0xFFFFF000  }
0x54: {  	_ =	swait.ge [sflag:s30], $0x1000  }
0x55: {  	[sflag:s30] =	ssyncset.done $0x0  }
0x56: {  	[sflag:s30] =	ssyncadd.s32 $0xFFFFF000  }
0x57: {  	_ =	swait.ge [sflag:s30], $0x1000  }
0x58: {  	[sflag:s30] =	ssyncset.done $0x0  }
0x59: {  	[sflag:s30] =	ssyncadd.s32 $0xFFFFF000  }
0x5a: {  	_ =	swait.ge [sflag:s30], $0x1000  }
0x5b: {  	[sflag:s30] =	ssyncset.done $0x0  }
0x5c: {  	[sflag:s30] =	ssyncadd.s32 $0xFFFFF000  }
0x5d: {  	s0 =	sand.u32 $0x1, s31;
	_ =	swait.ge [sflag:s30], $0x1000  }
0x5e: {  	s1 =	sxor.u32 $0x1, s0;
	[sflag:s30] =	ssyncset.done $0x0  }
0x5f: {  	s26 =	smul.u32 $0x18000, s1;
	[sflag:s30] =	ssyncadd.s32 $0xFFFFF000  }
0x60: {  	_ =	swait.ge [sflag:s30], $0x1000  }
0x61: {  	s26 =	sshrl.u32 s26, $0x2;
	[sflag:s30] =	ssyncset.done $0x0  }
0x62: {  	s29 =	simm.s32 $0xC00;
	s28 =	sadd.s32 $0x4F00, s26;
	[sflag:s30] =	ssyncadd.s32 $0xFFFFF000  }
0x63: {  	[tilespmem:s28], [sflag:$0x1] =	stream.indirect.gather [hbm4b:s4+s13], $0x20, s29, s13, $0xb8;
	[tilespmem:$0x15F00] =	vst v63  }
0x64: {  	s28 =	sadd.s32 $0x5F00, s26;
	s29 =	simm.s32 $0xD00  }
0x65: {  	[tilespmem:s28], [sflag:$0x1] =	stream.indirect.gather [hbm4b:s4+s13], $0x20, s29, s13, $0xb8;
	[tilespmem:$0x15F00] =	vst v63  }
0x66: {  	s28 =	sadd.s32 $0x6F00, s26;
	s29 =	simm.s32 $0xE00  }
0x67: {  	[tilespmem:s28], [sflag:$0x1] =	stream.indirect.gather [hbm4b:s4+s13], $0x20, s29, s13, $0xb8;
	[tilespmem:$0x15F00] =	vst v63  }
0x68: {  	s28 =	sadd.s32 $0x7F00, s26;
	s29 =	simm.s32 $0xF00  }
0x69: {  	[tilespmem:s28], [sflag:$0x1] =	stream.indirect.gather [hbm4b:s4+s13], $0x20, s29, s13, $0xb8;
	[tilespmem:$0x15F00] =	vst v63  }
0x6a: {  	s28 =	sor.u32 $0x8F00, s26;
	s29 =	simm.s32 $0x1000  }
0x6b: {  	[tilespmem:s28], [sflag:$0x1] =	stream.indirect.gather [hbm4b:s4+s13], $0x20, s29, s13, $0xb8;
	[tilespmem:$0x15F00] =	vst v63  }
0x6c: {  	s25 =	smul.u32 $0x18000, s0;
	s26 =	sor.u32 $0x9F00, s26;
	s28 =	simm.s32 $0x1100  }
0x6d: {  	[tilespmem:s26], [sflag:$0x1] =	stream.indirect.gather [hbm4b:s4+s13], $0x20, s28, s13, $0xb8;
	[tilespmem:$0x15F00] =	vst v63  }
0x6e: {  	_ =	swait.ge [sflag:s31], $0x1000  }
0x6f: {  	s28 =	sshrl.u32 s25, $0x2;
	[sflag:s31] =	ssyncset.done $0x0  }
0x70: {  	s15 =	simm.s32 $0x680;
	s25 =	sadd.s32 $0x4F00, s28;
	[sflag:s31] =	ssyncadd.s32 $0xFFFFF000  }
0x71: {  	[spmem:s2] =	stream.indirect.scatter.add.f32 [tilespmem:s25], [sflag:$0x2], $0x20, s15, s13, $0xb8;
	[tilespmem:$0x15F00] =	vst v63  }
0x72: {  	_ =	swait.ge [sflag:s31], $0x1000  }
0x73: {  	[sflag:s31] =	ssyncset.done $0x0  }
0x74: {  	s0 =	simm.s32 $0x780;
	s26 =	sadd.s32 $0x5F00, s28;
	[sflag:s31] =	ssyncadd.s32 $0xFFFFF000  }
0x75: {  	[spmem:s2] =	stream.indirect.scatter.add.f32 [tilespmem:s26], [sflag:$0x2], $0x20, s0, s13, $0xb8;
	[tilespmem:$0x15F00] =	vst v63  }
0x76: {  	_ =	swait.ge [sflag:s31], $0x1000  }
0x77: {  	[sflag:s31] =	ssyncset.done $0x0  }
0x78: {  	s1 =	sadd.s32 $0x6F00, s28;
	s15 =	simm.s32 $0x880;
	[sflag:s31] =	ssyncadd.s32 $0xFFFFF000  }
0x79: {  	[spmem:s2] =	stream.indirect.scatter.add.f32 [tilespmem:s1], [sflag:$0x2], $0x20, s15, s13, $0xb8;
	[tilespmem:$0x15F00] =	vst v63  }
0x7a: {  	_ =	swait.ge [sflag:s31], $0x1000  }
0x7b: {  	[sflag:s31] =	ssyncset.done $0x0  }
0x7c: {  	s26 =	sadd.s32 $0x7F00, s28;
	s0 =	simm.s32 $0x980;
	[sflag:s31] =	ssyncadd.s32 $0xFFFFF000  }
0x7d: {  	[spmem:s2] =	stream.indirect.scatter.add.f32 [tilespmem:s26], [sflag:$0x2], $0x20, s0, s13, $0xb8;
	[tilespmem:$0x15F00] =	vst v63  }
0x7e: {  	_ =	swait.ge [sflag:s31], $0x1000  }
0x7f: {  	[sflag:s31] =	ssyncset.done $0x0  }
0x80: {  	s1 =	simm.s32 $0xA80;
	s15 =	sor.u32 $0x8F00, s28;
	[sflag:s31] =	ssyncadd.s32 $0xFFFFF000  }
0x81: {  	[spmem:s2] =	stream.indirect.scatter.add.f32 [tilespmem:s15], [sflag:$0x2], $0x20, s1, s13, $0xb8;
	[tilespmem:$0x15F00] =	vst v63  }
0x82: {  	_ =	swait.ge [sflag:s31], $0x1000  }
0x83: {  	s29 =	simm.s32 $0xB80;
	s25 =	simm.s32 $0x1800;
	[sflag:s31] =	ssyncset.done $0x0  }
0x84: {  	s28 =	sor.u32 $0x9F00, s28;
	s26 =	simm.s32 $0x2;
	[sflag:s31] =	ssyncadd.s32 $0xFFFFF000  }
.LBB2_2:
0x85: {  	[spmem:s2] =	stream.indirect.scatter.add.f32 [tilespmem:s28], [sflag:$0x2], $0x20, s29, s13, $0xb8;
	[tilespmem:$0x15F00] =	vst v63  }
0x86: {  	s29 =	smov.u32 s25  }
0x87: {  	p1 =	sne.s32 s25, $0xF000;
	s25 =	sadd.s32 $0x1800, s25;
	_ =	swait.ge [sflag:s30], $0x1000  }
0x88: {  	[sflag:s30] =	ssyncset.done $0x0  }
0x89: {  	[sflag:s30] =	ssyncadd.s32 $0xFFFFF000  }
0x8a: {  	_ =	swait.ge [sflag:s30], $0x1000  }
0x8b: {  	[sflag:s30] =	ssyncset.done $0x0  }
0x8c: {  	[sflag:s30] =	ssyncadd.s32 $0xFFFFF000  }
0x8d: {  	_ =	swait.ge [sflag:s30], $0x1000  }
0x8e: {  	[sflag:s30] =	ssyncset.done $0x0  }
0x8f: {  	[sflag:s30] =	ssyncadd.s32 $0xFFFFF000  }
0x90: {  	_ =	swait.ge [sflag:s30], $0x1000  }
0x91: {  	[sflag:s30] =	ssyncset.done $0x0  }
0x92: {  	[sflag:s30] =	ssyncadd.s32 $0xFFFFF000  }
0x93: {  	s28 =	sand.u32 $0x1, s26;
	_ =	swait.ge [sflag:s30], $0x1000  }
0x94: {  	s0 =	sxor.u32 $0x1, s28;
	s28 =	smul.u32 $0x18000, s28;
	[sflag:s30] =	ssyncset.done $0x0  }
0x95: {  	s0 =	smul.u32 $0x18000, s0;
	[sflag:s30] =	ssyncadd.s32 $0xFFFFF000  }
0x96: {  	s28 =	sshrl.u32 s28, $0x2;
	_ =	swait.ge [sflag:s30], $0x1000  }
0x97: {  	s29 =	sshra.s32 s29, $0x2;
	s0 =	sshrl.u32 s0, $0x2;
	[sflag:s30] =	ssyncset.done $0x0  }
0x98: {  	s15 =	sadd.s32 $0xC00, s29;
	s1 =	sadd.s32 $0x4F00, s0;
	[sflag:s30] =	ssyncadd.s32 $0xFFFFF000  }
0x99: {  	[tilespmem:s1], [sflag:$0x1] =	stream.indirect.gather [hbm4b:s4+s13], $0x20, s15, s13, $0xb8;
	[tilespmem:$0x15F00] =	vst v63  }
0x9a: {  	s1 =	sadd.s32 $0x5F00, s0;
	s15 =	sadd.s32 $0xD00, s29  }
0x9b: {  	[tilespmem:s1], [sflag:$0x1] =	stream.indirect.gather [hbm4b:s4+s13], $0x20, s15, s13, $0xb8;
	[tilespmem:$0x15F00] =	vst v63  }
0x9c: {  	s1 =	sadd.s32 $0x6F00, s0;
	s15 =	sadd.s32 $0xE00, s29  }
0x9d: {  	[tilespmem:s1], [sflag:$0x1] =	stream.indirect.gather [hbm4b:s4+s13], $0x20, s15, s13, $0xb8;
	[tilespmem:$0x15F00] =	vst v63  }
0x9e: {  	s1 =	sadd.s32 $0x7F00, s0;
	s15 =	sadd.s32 $0xF00, s29  }
0x9f: {  	[tilespmem:s1], [sflag:$0x1] =	stream.indirect.gather [hbm4b:s4+s13], $0x20, s15, s13, $0xb8;
	[tilespmem:$0x15F00] =	vst v63  }
0xa0: {  	s1 =	sor.u32 $0x8F00, s0;
	s15 =	sadd.s32 $0x1000, s29  }
0xa1: {  	[tilespmem:s1], [sflag:$0x1] =	stream.indirect.gather [hbm4b:s4+s13], $0x20, s15, s13, $0xb8;
	[tilespmem:$0x15F00] =	vst v63  }
0xa2: {  	s0 =	sor.u32 $0x9F00, s0;
	s1 =	sadd.s32 $0x1100, s29  }
0xa3: {  	[tilespmem:s0], [sflag:$0x1] =	stream.indirect.gather [hbm4b:s4+s13], $0x20, s1, s13, $0xb8;
	[tilespmem:$0x15F00] =	vst v63  }
0xa4: {  	_ =	swait.ge [sflag:s31], $0x1000  }
0xa5: {  	[sflag:s31] =	ssyncset.done $0x0  }
0xa6: {  	s0 =	sadd.s32 $0x4F00, s28;
	s1 =	sadd.s32 $0x680, s29;
	[sflag:s31] =	ssyncadd.s32 $0xFFFFF000  }
0xa7: {  	[spmem:s2] =	stream.indirect.scatter.add.f32 [tilespmem:s0], [sflag:$0x2], $0x20, s1, s13, $0xb8;
	[tilespmem:$0x15F00] =	vst v63  }
0xa8: {  	_ =	swait.ge [sflag:s31], $0x1000  }
0xa9: {  	[sflag:s31] =	ssyncset.done $0x0  }
0xaa: {  	s0 =	sadd.s32 $0x5F00, s28;
	s1 =	sadd.s32 $0x780, s29;
	[sflag:s31] =	ssyncadd.s32 $0xFFFFF000  }
0xab: {  	[spmem:s2] =	stream.indirect.scatter.add.f32 [tilespmem:s0], [sflag:$0x2], $0x20, s1, s13, $0xb8;
	[tilespmem:$0x15F00] =	vst v63  }
0xac: {  	_ =	swait.ge [sflag:s31], $0x1000  }
0xad: {  	[sflag:s31] =	ssyncset.done $0x0  }
0xae: {  	s0 =	sadd.s32 $0x6F00, s28;
	s1 =	sadd.s32 $0x880, s29;
	[sflag:s31] =	ssyncadd.s32 $0xFFFFF000  }
0xaf: {  	[spmem:s2] =	stream.indirect.scatter.add.f32 [tilespmem:s0], [sflag:$0x2], $0x20, s1, s13, $0xb8;
	[tilespmem:$0x15F00] =	vst v63  }
0xb0: {  	_ =	swait.ge [sflag:s31], $0x1000  }
0xb1: {  	[sflag:s31] =	ssyncset.done $0x0  }
0xb2: {  	s0 =	sadd.s32 $0x7F00, s28;
	s1 =	sadd.s32 $0x980, s29;
	[sflag:s31] =	ssyncadd.s32 $0xFFFFF000  }
0xb3: {  	[spmem:s2] =	stream.indirect.scatter.add.f32 [tilespmem:s0], [sflag:$0x2], $0x20, s1, s13, $0xb8;
	[tilespmem:$0x15F00] =	vst v63  }
0xb4: {  	_ =	swait.ge [sflag:s31], $0x1000  }
0xb5: {  	s0 =	sadd.s32 $0xA80, s29;
	[sflag:s31] =	ssyncset.done $0x0  }
.Ltmp0:
0xb6: {  	s1 =	sor.u32 $0x8F00, s28;
	[sflag:s31] =	ssyncadd.s32 $0xFFFFF000;
	(pc) =	sbr.rel @p1 .LBB2_2-.Ltmp0, $4  }
0xb7: {  	[spmem:s2] =	stream.indirect.scatter.add.f32 [tilespmem:s1], [sflag:$0x2], $0x20, s0, s13, $0xb8;
	[tilespmem:$0x15F00] =	vst v63  }
0xb8: {  	_ =	swait.ge [sflag:s31], $0x1000  }
0xb9: {  	s26 =	sadd.s32 $0x1, s26;
	[sflag:s31] =	ssyncset.done $0x0  }
0xba: {  	s28 =	sor.u32 $0x9F00, s28;
	s29 =	sadd.s32 $0xB80, s29;
	[sflag:s31] =	ssyncadd.s32 $0xFFFFF000  }
0xbb: {  	[spmem:s2] =	stream.indirect.scatter.add.f32 [tilespmem:s28], [sflag:$0x2], $0x20, s29, s13, $0xb8;
	[tilespmem:$0x15F00] =	vst v63  }
0xbc: {  	_ =	swait.ge [sflag:s30], $0x1000  }
0xbd: {  	[sflag:s30] =	ssyncset.done $0x0  }
0xbe: {  	[sflag:s30] =	ssyncadd.s32 $0xFFFFF000  }
0xbf: {  	_ =	swait.ge [sflag:s30], $0x1000  }
0xc0: {  	[sflag:s30] =	ssyncset.done $0x0  }
0xc1: {  	[sflag:s30] =	ssyncadd.s32 $0xFFFFF000  }
0xc2: {  	_ =	swait.ge [sflag:s30], $0x1000  }
0xc3: {  	[sflag:s30] =	ssyncset.done $0x0  }
0xc4: {  	[sflag:s30] =	ssyncadd.s32 $0xFFFFF000  }
0xc5: {  	_ =	swait.ge [sflag:s30], $0x1000  }
0xc6: {  	[sflag:s30] =	ssyncset.done $0x0  }
0xc7: {  	[sflag:s30] =	ssyncadd.s32 $0xFFFFF000  }
0xc8: {  	_ =	swait.ge [sflag:s30], $0x1000  }
0xc9: {  	[sflag:s30] =	ssyncset.done $0x0  }
0xca: {  	[sflag:s30] =	ssyncadd.s32 $0xFFFFF000  }
0xcb: {  	_ =	swait.ge [sflag:s30], $0x1000  }
0xcc: {  	[sflag:s30] =	ssyncset.done $0x0  }
0xcd: {  	[sflag:s30] =	ssyncadd.s32 $0xFFFFF000  }
0xce: {  	_ =	swait.ge [sflag:s31], $0x1000  }
0xcf: {  	[sflag:s31] =	ssyncset.done $0x0  }
0xd0: {  	s0 =	simm.s32 $0x4880;
	[sflag:s31] =	ssyncadd.s32 $0xFFFFF000  }
0xd1: {  	[spmem:s2] =	stream.indirect.scatter.add.f32 [tilespmem:s14], [sflag:$0x2], $0x20, s0, s13, $0xb8;
	[tilespmem:$0x15F00] =	vst v63  }
0xd2: {  	_ =	swait.ge [sflag:s31], $0x1000  }
0xd3: {  	[sflag:s31] =	ssyncset.done $0x0  }
0xd4: {  	s28 =	simm.s32 $0x4980;
	[sflag:s31] =	ssyncadd.s32 $0xFFFFF000  }
0xd5: {  	[spmem:s2] =	stream.indirect.scatter.add.f32 [tilespmem:s16], [sflag:$0x2], $0x20, s28, s13, $0xb8;
	[tilespmem:$0x15F00] =	vst v63  }
0xd6: {  	_ =	swait.ge [sflag:s31], $0x1000  }
0xd7: {  	[sflag:s31] =	ssyncset.done $0x0  }
0xd8: {  	s29 =	simm.s32 $0x4A80;
	[sflag:s31] =	ssyncadd.s32 $0xFFFFF000  }
0xd9: {  	[spmem:s2] =	stream.indirect.scatter.add.f32 [tilespmem:s18], [sflag:$0x2], $0x20, s29, s13, $0xb8;
	[tilespmem:$0x15F00] =	vst v63  }
0xda: {  	_ =	swait.ge [sflag:s31], $0x1000  }
0xdb: {  	[sflag:s31] =	ssyncset.done $0x0  }
0xdc: {  	[sflag:s31] =	ssyncadd.s32 $0xFFFFF000  }
0xdd: {  	[spmem:s2] =	stream.indirect.scatter.add.f32 [tilespmem:s20], [sflag:$0x2], $0x20, s17, s13, $0xb8;
	[tilespmem:$0x15F00] =	vst v63  }
0xde: {  	_ =	swait.ge [sflag:s31], $0x1000  }
0xdf: {  	[sflag:s31] =	ssyncset.done $0x0  }
0xe0: {  	[sflag:s31] =	ssyncadd.s32 $0xFFFFF000  }
0xe1: {  	[spmem:s2] =	stream.indirect.scatter.add.f32 [tilespmem:s22], [sflag:$0x2], $0x20, s19, s13, $0xb8;
	[tilespmem:$0x15F00] =	vst v63  }
0xe2: {  	_ =	swait.ge [sflag:s31], $0x1000  }
0xe3: {  	[sflag:s31] =	ssyncset.done $0x0  }
0xe4: {  	[sflag:s31] =	ssyncadd.s32 $0xFFFFF000  }
0xe5: {  	[spmem:s2] =	stream.indirect.scatter.add.f32 [tilespmem:s24], [sflag:$0x2], $0x20, s21, s13, $0xb8;
	[tilespmem:$0x15F00] =	vst v63  }
0xe6: {  	_ =	swait.ge [sflag:s30], $0x1000  }
0xe7: {  	[sflag:s30] =	ssyncset.done $0x0  }
0xe8: {  	[sflag:s30] =	ssyncadd.s32 $0xFFFFF000  }
0xe9: {  	_ =	swait.ge [sflag:s30], $0x1000  }
0xea: {  	[sflag:s30] =	ssyncset.done $0x0  }
0xeb: {  	[sflag:s30] =	ssyncadd.s32 $0xFFFFF000  }
0xec: {  	_ =	swait.ge [sflag:s30], $0x1000  }
0xed: {  	[sflag:s30] =	ssyncset.done $0x0  }
0xee: {  	[sflag:s30] =	ssyncadd.s32 $0xFFFFF000  }
0xef: {  	_ =	swait.ge [sflag:s30], $0x1000  }
0xf0: {  	[sflag:s30] =	ssyncset.done $0x0  }
0xf1: {  	[sflag:s30] =	ssyncadd.s32 $0xFFFFF000  }
0xf2: {  	_ =	swait.ge [sflag:s30], $0x1000  }
0xf3: {  	[sflag:s30] =	ssyncset.done $0x0  }
0xf4: {  	[sflag:s30] =	ssyncadd.s32 $0xFFFFF000  }
0xf5: {  	_ =	swait.ge [sflag:s30], $0x1000  }
0xf6: {  	s1 =	simm.s32 @!p0 $0x4E00;
	[sflag:s30] =	ssyncset.done $0x0  }
0xf7: {  	s15 =	simm.s32 @!p0 $0x4F00;
	s0 =	simm.s32 @!p0 $0x80;
	[sflag:s30] =	ssyncadd.s32 $0xFFFFF000  }
0xf8: {  	[tilespmem:s15], [sflag:$0x1] =	stream.indirect.gather @!p0 [hbm4b:s4+s0], $0x20, s1, s0, $0xb8;
	[tilespmem:$0x15F00] =	vst v63  }
0xf9: {  	s1 =	simm.s32 @!p0 $0x1  }
0xfa: {  	_ =	swait.ge @!p0 [sflag:s1], $0x1000  }
0xfb: {  	[sflag:s1] =	ssyncset.done @!p0 $0x0  }
0xfc: {  	[sflag:s1] =	ssyncadd.s32 @!p0 $0xFFFFF000;
	s1 =	simm.s32 @!p0 $0x4E80  }
0xfd: {  	[spmem:s2] =	stream.indirect.scatter.add.f32 @!p0 [tilespmem:s15], [sflag:$0x2], $0x20, s1, s0, $0xb8;
	[tilespmem:$0x15F00] =	vst v63  }
0xfe: {  	s0 =	simm.s32 @!p0 $0x2  }
0xff: {  	_ =	swait.ge @!p0 [sflag:s0], $0x1000  }
0x100: {  	s23 =	sadd.s32 $0x1, s23;
	[sflag:s0] =	ssyncset.done @!p0 $0x0  }
0x101: {  	p1 =	sne.s32 s23, s10;
	[sflag:s0] =	ssyncadd.s32 @!p0 $0xFFFFF000  }
.Ltmp1:
0x102: {  	[bflag:$0x0] =	sbarrier.arrive $0xFFFF;
	(pc) =	sbr.rel @p1 .LBB2_1-.Ltmp1, $4  }
0x103: {  	[hbm:s9], [sflag:s7] =	dma.local [spmem:s11], $0xA00  }
0x104: {  	_ =	swait.ge [sflag:s12], $0xA00  }
0x105: {  	[sflag:s12] =	ssyncset.done $0x0  }
0x106: {  	[sflag:s12] =	ssyncadd.s32 $0xFFFFF600  }
0x107: {  	_ =	sfence.sel $0x180000  }
0x108: {  	[bflag:$0x0] =	sbarrier.arrive $0xFFFF  }
0x109: {  	_ =	strace $0x9000004D  }
0x10a: {  	s0 =	stileid.u32;
	[bflag:$0x2] =	sbarrier.arrive $0xFFFF  }
0x10b: {  	p0 =	sne.s32 s0, $0x0;
	s0 =	rddreg [dreg:$0x4]  }
0x10c: {  	s0 =	sadd.s32 @!p0 $0x100000, s0  }
0x10d: {  	[sflag:s0] =	ssyncadd.tile.s32 @!p0 $0x1;
	_ =	shalt  }
.Lfunc_end2:
_tile_overlayer_lowered:
.L_overlay_start_2:
0x10e: {  	(tag) =	ssettag $0x2  }
0x10f: {  	s0 =	rddreg [dreg:$0x0];
	s2 =	stileid.u32  }
0x110: {  	s1 =	rddreg [dreg:$0x1];
	p0 =	sne.s32 s2, $0x0  }
0x111: {  	s3 =	rddreg [dreg:$0x2];
	[bflag:$0x3] =	sbarrier.arrive $0xFFFF;
	s2 =	simm.s32 @!p0 $0x1C03  }
0x112: {  	[timem:s3], [sflag:s2] =	dma.local @!p0 [hbm:s0], s1  }
0x113: {  	s0 =	simm.s32 @!p0 $0x3  }
0x114: {  	_ =	swait.ge @!p0 [sflag:s0], s1  }
0x115: {  	s1 =	ssub.s32 @!p0 $0x0, s1;
	[sflag:s0] =	ssyncset.done @!p0 $0x0  }
0x116: {  	[sflag:s0] =	ssyncadd.s32 @!p0 s1  }
0x117: {  	[bflag:$0x3] =	sbarrier.arrive $0xFFFF  }
0x118: {  	_ =	shalt  }

// kernel: kernel.8.cloned.1.call-start
scs
__scs_entry_jumppad:
0x0: {  	(pc) =	sbr.rel $0x88, $3  }
0x1: {  	(tag) =	ssettag $0x0;
	lr =	simm.s32 $0x1  }
0x2: {  	[smem:$0x3F99] =	sst lr;
	_ =	strace $0xD0000000  }
0x3: {  	_ = 	snop  }
0x4: {  	_ = 	snop  }
0x5: {  	_ = 	snop  }
0x6: {  	_ = 	snop  }
0x7: {  	_ = 	snop  }
__scs_overlays_trampoline_lowered:
0x8: {  	[smem:$0x3FA8] =	sst s0  }
0x9: {  	[smem:$0x3FA9] =	sst s1  }
0xa: {  	[smem:$0x3FAA] =	sst s2  }
0xb: {  	[smem:$0x3FAB] =	sst s3  }
0xc: {  	[smem:$0x3FAC] =	sst s4  }
0xd: {  	[smem:$0x3FAD] =	sst s5  }
0xe: {  	[smem:$0x3FAE] =	sst s6  }
0xf: {  	[smem:$0x3FAF] =	sst s7  }
0x10: {  	[smem:$0x3FB0] =	sst s8  }
0x11: {  	[smem:$0x3FB1] =	sst s9;
	s0 =	simm.s32 @!p0 $0x0  }
0x12: {  	s1 =	sld [smem:$0x3F97];
	s0 =	simm.s32 @p0 $0x1  }
0x13: {  	[smem:$0x3FB2] =	sst s0;
	s0 =	simm.s32 @!p1 $0x0  }
0x14: {  	s2 =	sld [smem:$0x3F96];
	s0 =	simm.s32 @p1 $0x1  }
0x15: {  	[smem:$0x3FB3] =	sst s0;
	s0 =	simm.s32 @!p2 $0x0  }
0x16: {  	s3 =	sld [smem:$0x3FDB];
	s0 =	simm.s32 @p2 $0x1  }
0x17: {  	s4 =	simm.s32 $0x1BF5;
	[smem:$0x3FB5] =	sst s0  }
0x18: {  	s0 =	sld [smem:$0x3F98];
	_ =	swait.ge [sflag:s4], $0x0  }
0x19: {  	s7 =	sld [smem:$0x3F99]  }
0x1a: {  	s8 =	sadd.s32 $0xFFFFE003, lr  }
0x1b: {  	s9 =	sadd.s32 $0xFFFFFEF7, lr;
	s5 =	simm.s32 $0xFFFFFFFF;
	p2 =	slt.u32 s8, $0xFFFFF086  }
0x1c: {  	p1 =	slt.u32 s9, $0xF7A;
	s5 =	simm.s32 @!p2 $0x0  }
0x1d: {  	s5 =	simm.s32 @p1 $0x1;
	p0 =	seq.s32 s7, s2  }
0x1e: {  	s7 =	smul.u32 @!p0 $0xF7A, s2;
	p2 =	seq.s32 @!p0 s5, $0x0  }
0x1f: {  	s9 =	smul.u32 $0xF7A, s1;
	s8 =	simm.s32 @!p0 $0x1BF5;
	p2 =	por !p2, p0  }
0x20: {  	[sflag:s8] =	ssyncset.s32 @!p0 $0xFFFFF086;
	s6 =	sadd.s32 @!p0 s3, s7;
	s7 =	simm.s32 @!p0 $0x108  }
0x21: {  	s3 =	sadd.s32 s3, s9;
	s6 =	sadd.s32 @!p0 $0x88, s6;
	s7 =	simm.s32 @p2 $0x1082  }
0x22: {  	[simem:s7], [sflag:s8] =	dma.local @!p0 [hbm:s6], $0xF7A  }
0x23: {  	s9 =	sor.u32 $0xD0000000, s2;
	s6 =	simm.s32 $0x108;
	_ =	swait.ge @!p0 [sflag:s8], $0x0  }
0x24: {  	s3 =	sadd.s32 $0x88, s3;
	s6 =	simm.s32 @!p1 $0x1082;
	[sflag:s4] =	ssyncset.s32 $0xFFFFF086  }
0x25: {  	[simem:s6], [sflag:s4] =	dma.local [hbm:s3], $0xF7A  }
0x26: {  	[smem:$0x3F99] =	sst s1;
	(tag) =	ssettag s2;
	_ =	strace s9  }
0x27: {  	s1 =	sld [smem:$0x3FA9]  }
0x28: {  	s2 =	sld [smem:$0x3FAA]  }
0x29: {  	s4 =	sld [smem:$0x3FAC]  }
0x2a: {  	p0 =	seq.s32 s5, $0x0;
	s5 =	sld [smem:$0x3FAD]  }
0x2b: {  	s6 =	sld [smem:$0x3FAE]  }
0x2c: {  	s7 =	sld [smem:$0x3FAF]  }
0x2d: {  	s3 =	simm.s32 $0x108;
	s8 =	sld [smem:$0x3FB0]  }
0x2e: {  	s3 =	simm.s32 @!p0 $0x1082;
	s9 =	sld [smem:$0x3FB1]  }
0x2f: {  	lr =	sadd.s32 s0, s3;
	s0 =	sld [smem:$0x3FA8]  }
0x30: {  	s3 =	sld [smem:$0x3FAB]  }
0x31: {  	[smem:$0x3FB4] =	sst s10  }
0x32: {  	s10 =	sld [smem:$0x3FB2];
	_ =	sdelay $0x3  }
0x33: {  	p0 =	seq.s32 s10, $0x1;
	s10 =	sld [smem:$0x3FB4];
	_ =	sdelay $0x3  }
0x34: {  	[smem:$0x3FB4] =	sst s10  }
0x35: {  	s10 =	sld [smem:$0x3FB3];
	_ =	sdelay $0x3  }
0x36: {  	p1 =	seq.s32 s10, $0x1;
	s10 =	sld [smem:$0x3FB4];
	_ =	sdelay $0x3  }
0x37: {  	[smem:$0x3FB4] =	sst s10  }
0x38: {  	s10 =	sld [smem:$0x3FB5]  }
0x39: {  	_ = 	snop;
	(pc) =	sbr.ind lr, $3  }
0x3a: {  	_ = 	snop  }
0x3b: {  	_ = 	snop  }
0x3c: {  	p2 =	seq.s32 s10, $0x1;
	s10 =	sld [smem:$0x3FB4]  }
0x3d: {  	_ =	shalt  }
0x3e: {  	_ =	shalt  }
0x3f: {  	_ =	shalt  }
0x40: {  	_ =	shalt  }
0x41: {  	_ =	shalt  }
0x42: {  	_ =	shalt  }
0x43: {  	_ =	shalt  }
0x44: {  	_ =	shalt  }
0x45: {  	_ =	shalt  }
0x46: {  	_ =	shalt  }
0x47: {  	_ =	shalt  }
0x48: {  	_ =	shalt  }
0x49: {  	_ =	shalt  }
0x4a: {  	_ =	shalt  }
0x4b: {  	_ =	shalt  }
0x4c: {  	_ =	shalt  }
0x4d: {  	_ =	shalt  }
0x4e: {  	_ =	shalt  }
0x4f: {  	_ =	shalt  }
0x50: {  	_ =	shalt  }
0x51: {  	_ =	shalt  }
0x52: {  	_ =	shalt  }
0x53: {  	_ =	shalt  }
0x54: {  	_ =	shalt  }
0x55: {  	_ =	shalt  }
0x56: {  	_ =	shalt  }
0x57: {  	_ =	shalt  }
0x58: {  	_ =	shalt  }
0x59: {  	_ =	shalt  }
0x5a: {  	_ =	shalt  }
0x5b: {  	_ =	shalt  }
0x5c: {  	_ =	shalt  }
0x5d: {  	_ =	shalt  }
0x5e: {  	_ =	shalt  }
0x5f: {  	_ =	shalt  }
0x60: {  	_ =	shalt  }
0x61: {  	_ =	shalt  }
0x62: {  	_ =	shalt  }
0x63: {  	_ =	shalt  }
0x64: {  	_ =	shalt  }
0x65: {  	_ =	shalt  }
0x66: {  	_ =	shalt  }
0x67: {  	_ =	shalt  }
0x68: {  	_ =	shalt  }
0x69: {  	_ =	shalt  }
0x6a: {  	_ =	shalt  }
0x6b: {  	_ =	shalt  }
0x6c: {  	_ =	shalt  }
0x6d: {  	_ =	shalt  }
0x6e: {  	_ =	shalt  }
0x6f: {  	_ =	shalt  }
0x70: {  	_ =	shalt  }
0x71: {  	_ =	shalt  }
0x72: {  	_ =	shalt  }
0x73: {  	_ =	shalt  }
0x74: {  	_ =	shalt  }
0x75: {  	_ =	shalt  }
0x76: {  	_ =	shalt  }
0x77: {  	_ =	shalt  }
0x78: {  	_ =	shalt  }
0x79: {  	_ =	shalt  }
0x7a: {  	_ =	shalt  }
0x7b: {  	_ =	shalt  }
0x7c: {  	_ =	shalt  }
0x7d: {  	_ =	shalt  }
0x7e: {  	_ =	shalt  }
0x7f: {  	_ =	shalt  }
0x80: {  	_ =	shalt  }
0x81: {  	_ =	shalt  }
0x82: {  	_ =	shalt  }
0x83: {  	_ =	shalt  }
0x84: {  	_ =	shalt  }
0x85: {  	_ =	shalt  }
0x86: {  	_ =	shalt  }
0x87: {  	_ =	shalt  }
.Lfunc_end0:
.L_simem_size_0:
called_computation_lowered:
.L_overlay_start_0:
0x88: {  	s2 =	sld [smem:$0x3FD9]  }
0x89: {  	s3 =	sld [smem:$0x3FFE];
	_ =	sdelay $0x1  }
0x8a: {  	s1 =	srdreg.scid  }
0x8b: {  	s0 =	sand.u32 $0x1, s1  }
0x8c: {  	s17 =	sshll.u32 s0, $0xA;
	s2 =	sadd.s32 s3, s2  }
0x8d: {  	s2 =	sadd.s32 s2, s17  }
0x8e: {  	[smem:$0x3FC0] =	sst s2  }
0x8f: {  	_ = 	snop  }
0x90: {  	s2 =	sld [smem:$0x3FC8]  }
0x91: {  	s18 =	sld [smem:$0x3FD0];
	(tm) =	ssettm $0x1  }
0x92: {  	s4 =	sld [smem:$0x3FFB];
	_ =	sdelay $0x3  }
0x93: {  	_ =	strace s4  }
0x94: {  	s4 =	sld [smem:$0x3FFC];
	_ =	sdelay $0x3  }
0x95: {  	_ =	strace s4  }
0x96: {  	s4 =	sld [smem:$0x3FFD];
	_ =	sdelay $0x3  }
0x97: {  	_ =	strace s4  }
0x98: {  	_ =	strace $0x8FFFFFFF  }
0x99: {  	s19 =	sld [smem:$0x3FDB];
	_ =	sdelay $0x1  }
0x9a: {  	s5 =	simm.s32 $_scs_section_size  }
0x9b: {  	s6 =	simm.s32 $_size__tile_overlayer_lowered;
	s7 =	simm.s32 $_tile_overlayer_lowered  }
0x9c: {  	s22 =	simm.s32 $0x1BFF;
	s21 =	sshll.u32 s7, $0x1;
	s4 =	sadd.s32 s5, s19  }
0x9d: {  	s8 =	simm.s32 $0x0;
	s20 =	sshll.u32 s6, $0x1;
	s6 =	sadd.s32 s21, s4  }
0x9e: {  	[timem:s8], [sflag:s22] =	dma.local [hbm:s6], s20  }
0x9f: {  	_ =	swait.ge [sflag:s22], s20  }
0xa0: {  	s5 =	ssub.s32 $0x0, s20;
	[sflag:s22] =	ssyncset.done $0x0  }
0xa1: {  	[sflag:s22] =	ssyncadd.s32 s5;
	_ =	sdelay $0x1  }
0xa2: {  	s23 =	simm.s32 $0x1B8B  }
0xa3: {  	_ =	swait.ge [sflag:s23], $0x1  }
0xa4: {  	[sflag:s23] =	ssyncset.done $0x0  }
0xa5: {  	s25 =	simm.s32 $0x1B8E;
	s24 =	sld [smem:$0x3FFE];
	[sflag:s23] =	ssyncadd.s32 $0xFFFFFFFF  }
0xa6: {  	s26 =	simm.s32 $execute0_lowered;
	[smem:$0x3FD2] =	sst s25  }
0xa7: {  	s6 =	sshll.u32 s26, $0x1;
	_ =	strace $0x80000046;
	[dreg:$0x1] =	wrdreg $0xFFFFFFFF  }
0xa8: {  	s28 =	simm.s32 $_size_execute0_lowered;
	s4 =	sadd.s32 s4, s6;
	[dreg:$0x0] =	wrdreg $0x0  }
0xa9: {  	s6 =	sshll.u32 s28, $0x1;
	[dreg:$0x2] =	wrdreg s4  }
0xaa: {  	[dreg:$0x3] =	wrdreg s6  }
0xab: {  	[dreg:$0x4] =	wrdreg $0xC0  }
0xac: {  	_ =	task [dreg:s8], $0x5FFFF  }
0xad: {  	[dreg:$0x1] =	wrdreg $0xFFFFFFFF  }
0xae: {  	[dreg:$0x0] =	wrdreg $0x60  }
0xaf: {  	[dreg:$0x2] =	wrdreg s2  }
0xb0: {  	[dreg:$0x3] =	wrdreg s24  }
0xb1: {  	[dreg:$0x4] =	wrdreg s18  }
0xb2: {  	[dreg:$0x5] =	wrdreg $0x4F800  }
0xb3: {  	[dreg:$0x6] =	wrdreg $0x9  }
0xb4: {  	_ =	task.clear_ibuf [dreg:s8], $0x7FFFF;
	_ =	strace $0x90000046  }
0xb5: {  	s29 =	simm.s32 $0x9;
	_ =	strace $0x80000048  }
0xb6: {  	_ =	swait.ge [sflag:s29], $0x1  }
0xb7: {  	[sflag:s29] =	ssyncadd.s32 $0xFFFFFFFF  }
0xb8: {  	_ =	strace $0x90000048  }
0xb9: {  	_ =	sfence  }
0xba: {  	s30 =	sld [smem:$0x0];
	_ =	sdelay $0x2  }
0xbb: {  	s31 =	sshll.u32 s1, $0xD;
	s1 =	sshrl.u32 s1, $0x2  }
0xbc: {  	s3 =	sand.u32 $0x4000, s31;
	s1 =	sadd.s32 s1, s30  }
0xbd: {  	s0 =	sor.u32 s3, s0;
	s1 =	sshll.u32 s1, $0x11  }
0xbe: {  	s0 =	sor.u32 s1, s0  }
0xbf: {  	s0 =	sadd.s32 $0x8F2B, s0  }
0xc0: {  	[sflag:s0] =	ssyncadd.remote.s32 $0x1  }
0xc1: {  	_ =	sfence.sel $0xFFFF  }
0xc2: {  	[dreg:$0x0] =	wrdreg $0xFFFFFFFF;
	(pc) =	sbr.abs _section_cstart, $3  }
0xc3: {  	[dreg:$0x1] =	wrdreg $0xFFFFFFFF  }
0xc4: {  	_ =	task.clear_ibuf [dreg:s8], $0x2FFFF;
	_ =	strace $0x9FFFFFFF  }
0xc5: {  	(tm) =	ssettm $0x7FFFFFFF  }
tec
execute0_lowered:
.L_overlay_start_1:
0x0: {  	(tag) =	ssettag $0x1  }
0x1: {  	s5 =	rddreg [dreg:$0x0]  }
0x2: {  	s4 =	rddreg [dreg:$0x1]  }
0x3: {  	s8 =	rddreg [dreg:$0x2]  }
0x4: {  	s2 =	rddreg [dreg:$0x3]  }
0x5: {  	s0 =	rddreg [dreg:$0x4]  }
0x6: {  	s6 =	srdreg.scid;
	s3 =	simm.s32 $0x0;
	s1 =	stileid.u32  }
0x7: {  	s14 =	simm.s32 $0x1;
	s15 =	simm.s32 $0x0;
	s6 =	sand.u32 $0x1, s6  }
0x8: {  	[smem:$0x7FF] =	sst s3;
	s7 =	smul.u32 $0x280, s1;
	s30 =	sshll.u32 s1, $0x6  }
0x9: {  	s9 =	sshll.u32 s6, $0x4;
	_ =	strace $0x80000047;
	s11 =	ssub.s32 $0x2, s6  }
0xa: {  	s6 =	smul.u32 $0x2800, s6;
	s10 =	sor.u32 s1, s9;
	s25 =	sshrl.u32 s7, $0x3  }
0xb: {  	s26 =	sshrl.u32 s11, $0x1;
	s29 =	sadd.s32 s7, s2;
	s12 =	smul.u32 $0x4E, s10  }
0xc: {  	s4 =	sadd.s32 s25, s4;
	s13 =	smin.u32 s10, $0x4;
	s9 =	ssub.s32 s11, s26  }
0xd: {  	s31 =	sadd.s32 s7, s6;
	s6 =	sor.u32 $0x1C02, s30;
	p0 =	sgt.u32 s10, $0x3  }
0xe: {  	s10 =	sshrl.u32 s29, $0x3;
	s4 =	sadd.s32 $0x2600, s4;
	s28 =	sadd.s32 s13, s12  }
0xf: {  	s9 =	smax.u32 s9, $0x1;
	s12 =	simm.s32 $0x80;
	s11 =	sshll.u32 s28, $0x5  }
0x10: {  	s13 =	simm.s32 $0x4F00;
	s5 =	sadd.s32 s5, s11;
	s11 =	sshrl.u32 s31, $0x3  }
0x11: {  	v0 =	vimm.f32 $1.000000000e+00;
	s7 =	sadd.s32 $0x9C0, s5;
	s8 =	sadd.s32 s8, s11;
	s11 =	simm.s32 $0x2  }
.LBB2_1:
0x12: {  	[tilespmem:$0x4F00] =	vst v0  }
0x13: {  	[tilespmem:$0x4F10] =	vst v0  }
0x14: {  	[tilespmem:$0x4F20] =	vst v0  }
0x15: {  	[tilespmem:$0x4F30] =	vst v0  }
0x16: {  	[tilespmem:$0x4F40] =	vst v0  }
0x17: {  	[tilespmem:$0x4F50] =	vst v0  }
0x18: {  	[tilespmem:$0x4F60] =	vst v0  }
0x19: {  	[tilespmem:$0x4F70] =	vst v0  }
0x1a: {  	[spmem:s10], [sflag:s6] =	dma.local [hbm:s4], $0x50  }
0x1b: {  	_ =	swait.ge [sflag:s11], $0x50  }
0x1c: {  	[sflag:s11] =	ssyncset.done $0x0  }
0x1d: {  	[sflag:s11] =	ssyncadd.s32 $0xFFFFFFB0  }
0x1e: {  	[tilespmem:s3], [sflag:$0x2] =	stream.linear.gather [hbm4b:s5+s3], $0x4E00, $0x38;
	[tilespmem:$0x5200] =	vst v63  }
0x1f: {  	_ =	swait.ge [sflag:s11], $0x4E00  }
0x20: {  	[sflag:s11] =	ssyncset.done $0x0  }
0x21: {  	s16 =	simm.s32 @!p0 $0x0;
	s17 =	simm.s32 @!p0 $0x4E00;
	[sflag:s11] =	ssyncadd.s32 $0xFFFFB200  }
0x22: {  	[tilespmem:s17], [sflag:$0x2] =	stream.linear.gather @!p0 [hbm4b:s7+s16], $0x100, $0x38;
	[tilespmem:$0x5200] =	vst v63  }
0x23: {  	s16 =	simm.s32 @!p0 $0x2  }
0x24: {  	_ =	swait.ge @!p0 [sflag:s16], $0x100  }
0x25: {  	[sflag:s16] =	ssyncset.done @!p0 $0x0  }
0x26: {  	[sflag:s16] =	ssyncadd.s32 @!p0 $0xFFFFFF00  }
0x27: {  	s25 =	simm.s32 $0x80;
	[bflag:$0x0] =	sbarrier.arrive $0xFFFF  }
0x28: {  	[spmem:s2] =	stream.indirect.scatter.add.f32 [tilespmem:s13], [sflag:$0x1], $0x1, s25, s12, $0xb8;
	[tilespmem:$0x5200] =	vst v63  }
0x29: {  	s26 =	simm.s32 $0x180  }
0x2a: {  	[spmem:s2] =	stream.indirect.scatter.add.f32 [tilespmem:s13], [sflag:$0x1], $0x1, s26, s12, $0xb8;
	[tilespmem:$0x5200] =	vst v63  }
0x2b: {  	s28 =	simm.s32 $0x280  }
0x2c: {  	[spmem:s2] =	stream.indirect.scatter.add.f32 [tilespmem:s13], [sflag:$0x1], $0x1, s28, s12, $0xb8;
	[tilespmem:$0x5200] =	vst v63  }
0x2d: {  	s29 =	simm.s32 $0x380  }
0x2e: {  	[spmem:s2] =	stream.indirect.scatter.add.f32 [tilespmem:s13], [sflag:$0x1], $0x1, s29, s12, $0xb8;
	[tilespmem:$0x5200] =	vst v63  }
0x2f: {  	s30 =	simm.s32 $0x480  }
0x30: {  	[spmem:s2] =	stream.indirect.scatter.add.f32 [tilespmem:s13], [sflag:$0x1], $0x1, s30, s12, $0xb8;
	[tilespmem:$0x5200] =	vst v63  }
0x31: {  	s31 =	simm.s32 $0x580  }
0x32: {  	[spmem:s2] =	stream.indirect.scatter.add.f32 [tilespmem:s13], [sflag:$0x1], $0x1, s31, s12, $0xb8;
	[tilespmem:$0x5200] =	vst v63  }
0x33: {  	_ =	swait.ge [sflag:s14], $0x80  }
0x34: {  	[sflag:s14] =	ssyncset.done $0x0  }
0x35: {  	[sflag:s14] =	ssyncadd.s32 $0xFFFFFF80  }
0x36: {  	_ =	swait.ge [sflag:s14], $0x80  }
0x37: {  	[sflag:s14] =	ssyncset.done $0x0  }
0x38: {  	[sflag:s14] =	ssyncadd.s32 $0xFFFFFF80  }
0x39: {  	_ =	swait.ge [sflag:s14], $0x80  }
0x3a: {  	[sflag:s14] =	ssyncset.done $0x0  }
0x3b: {  	[sflag:s14] =	ssyncadd.s32 $0xFFFFFF80  }
0x3c: {  	_ =	swait.ge [sflag:s14], $0x80  }
0x3d: {  	[sflag:s14] =	ssyncset.done $0x0  }
0x3e: {  	[sflag:s14] =	ssyncadd.s32 $0xFFFFFF80  }
0x3f: {  	_ =	swait.ge [sflag:s14], $0x80  }
0x40: {  	[sflag:s14] =	ssyncset.done $0x0  }
0x41: {  	[sflag:s14] =	ssyncadd.s32 $0xFFFFFF80  }
0x42: {  	_ =	swait.ge [sflag:s14], $0x80  }
0x43: {  	s17 =	simm.s32 $0x3000;
	s16 =	simm.s32 $0x600;
	[sflag:s14] =	ssyncset.done $0x0  }
.LBB2_2:
0x44: {  	s18 =	sadd.s32 $0x80, s16  }
0x45: {  	[sflag:s14] =	ssyncadd.s32 $0xFFFFFF80;
	s19 =	smov.u32 s17;
	s20 =	sadd.s32 $0x1800, s17  }
0x46: {  	[spmem:s2] =	stream.indirect.scatter.add.f32 [tilespmem:s13], [sflag:$0x1], $0x1, s18, s12, $0xb8;
	[tilespmem:$0x5200] =	vst v63  }
0x47: {  	p1 =	sne.s32 s17, $0x12000;
	s17 =	sadd.s32 $0x180, s16  }
0x48: {  	[spmem:s2] =	stream.indirect.scatter.add.f32 [tilespmem:s13], [sflag:$0x1], $0x1, s17, s12, $0xb8;
	[tilespmem:$0x5200] =	vst v63  }
0x49: {  	s17 =	sadd.s32 $0x280, s16  }
0x4a: {  	[spmem:s2] =	stream.indirect.scatter.add.f32 [tilespmem:s13], [sflag:$0x1], $0x1, s17, s12, $0xb8;
	[tilespmem:$0x5200] =	vst v63  }
0x4b: {  	s17 =	sadd.s32 $0x380, s16  }
0x4c: {  	[spmem:s2] =	stream.indirect.scatter.add.f32 [tilespmem:s13], [sflag:$0x1], $0x1, s17, s12, $0xb8;
	[tilespmem:$0x5200] =	vst v63  }
0x4d: {  	s17 =	sadd.s32 $0x480, s16  }
0x4e: {  	[spmem:s2] =	stream.indirect.scatter.add.f32 [tilespmem:s13], [sflag:$0x1], $0x1, s17, s12, $0xb8;
	[tilespmem:$0x5200] =	vst v63  }
0x4f: {  	s16 =	sadd.s32 $0x580, s16  }
0x50: {  	[spmem:s2] =	stream.indirect.scatter.add.f32 [tilespmem:s13], [sflag:$0x1], $0x1, s16, s12, $0xb8;
	[tilespmem:$0x5200] =	vst v63  }
0x51: {  	_ =	swait.ge [sflag:s14], $0x80  }
0x52: {  	[sflag:s14] =	ssyncset.done $0x0  }
0x53: {  	[sflag:s14] =	ssyncadd.s32 $0xFFFFFF80  }
0x54: {  	_ =	swait.ge [sflag:s14], $0x80  }
0x55: {  	[sflag:s14] =	ssyncset.done $0x0  }
0x56: {  	[sflag:s14] =	ssyncadd.s32 $0xFFFFFF80  }
0x57: {  	_ =	swait.ge [sflag:s14], $0x80  }
0x58: {  	[sflag:s14] =	ssyncset.done $0x0  }
0x59: {  	[sflag:s14] =	ssyncadd.s32 $0xFFFFFF80  }
0x5a: {  	_ =	swait.ge [sflag:s14], $0x80  }
0x5b: {  	[sflag:s14] =	ssyncset.done $0x0  }
0x5c: {  	[sflag:s14] =	ssyncadd.s32 $0xFFFFFF80  }
.Ltmp0:
0x5d: {  	_ =	swait.ge [sflag:s14], $0x80;
	(pc) =	sbr.rel @p1 .LBB2_2-.Ltmp0, $4  }
0x5e: {  	[sflag:s14] =	ssyncset.done $0x0  }
0x5f: {  	[sflag:s14] =	ssyncadd.s32 $0xFFFFFF80  }
0x60: {  	_ =	swait.ge [sflag:s14], $0x80  }
0x61: {  	s17 =	smov.u32 s20;
	s16 =	sshra.s32 s19, $0x2;
	[sflag:s14] =	ssyncset.done $0x0  }
0x62: {  	s17 =	sadd.s32 $0x80, s16;
	[sflag:s14] =	ssyncadd.s32 $0xFFFFFF80  }
0x63: {  	[spmem:s2] =	stream.indirect.scatter.add.f32 [tilespmem:s13], [sflag:$0x1], $0x1, s17, s12, $0xb8;
	[tilespmem:$0x5200] =	vst v63  }
0x64: {  	s26 =	sadd.s32 $0x180, s16  }
0x65: {  	[spmem:s2] =	stream.indirect.scatter.add.f32 [tilespmem:s13], [sflag:$0x1], $0x1, s26, s12, $0xb8;
	[tilespmem:$0x5200] =	vst v63  }
0x66: {  	s28 =	sadd.s32 $0x280, s16  }
0x67: {  	[spmem:s2] =	stream.indirect.scatter.add.f32 [tilespmem:s13], [sflag:$0x1], $0x1, s28, s12, $0xb8;
	[tilespmem:$0x5200] =	vst v63  }
0x68: {  	s29 =	sadd.s32 $0x380, s16  }
0x69: {  	[spmem:s2] =	stream.indirect.scatter.add.f32 [tilespmem:s13], [sflag:$0x1], $0x1, s29, s12, $0xb8;
	[tilespmem:$0x5200] =	vst v63  }
0x6a: {  	s30 =	sadd.s32 $0x480, s16  }
0x6b: {  	[spmem:s2] =	stream.indirect.scatter.add.f32 [tilespmem:s13], [sflag:$0x1], $0x1, s30, s12, $0xb8;
	[tilespmem:$0x5200] =	vst v63  }
0x6c: {  	s31 =	sadd.s32 $0x580, s16  }
0x6d: {  	[spmem:s2] =	stream.indirect.scatter.add.f32 [tilespmem:s13], [sflag:$0x1], $0x1, s31, s12, $0xb8;
	[tilespmem:$0x5200] =	vst v63  }
0x6e: {  	_ =	swait.ge [sflag:s14], $0x80  }
0x6f: {  	[sflag:s14] =	ssyncset.done $0x0  }
0x70: {  	[sflag:s14] =	ssyncadd.s32 $0xFFFFFF80  }
0x71: {  	_ =	swait.ge [sflag:s14], $0x80  }
0x72: {  	[sflag:s14] =	ssyncset.done $0x0  }
0x73: {  	[sflag:s14] =	ssyncadd.s32 $0xFFFFFF80  }
0x74: {  	_ =	swait.ge [sflag:s14], $0x80  }
0x75: {  	[sflag:s14] =	ssyncset.done $0x0  }
0x76: {  	[sflag:s14] =	ssyncadd.s32 $0xFFFFFF80  }
0x77: {  	_ =	swait.ge [sflag:s14], $0x80  }
0x78: {  	[sflag:s14] =	ssyncset.done $0x0  }
0x79: {  	[sflag:s14] =	ssyncadd.s32 $0xFFFFFF80  }
0x7a: {  	_ =	swait.ge [sflag:s14], $0x80  }
0x7b: {  	[sflag:s14] =	ssyncset.done $0x0  }
0x7c: {  	[sflag:s14] =	ssyncadd.s32 $0xFFFFFF80  }
0x7d: {  	_ =	swait.ge [sflag:s14], $0x80  }
0x7e: {  	s16 =	simm.s32 @!p0 $0x80;
	[sflag:s14] =	ssyncset.done $0x0  }
0x7f: {  	s18 =	simm.s32 @!p0 $0x4F00;
	s17 =	simm.s32 @!p0 $0x4E80;
	[sflag:s14] =	ssyncadd.s32 $0xFFFFFF80  }
0x80: {  	[spmem:s2] =	stream.indirect.scatter.add.f32 @!p0 [tilespmem:s18], [sflag:$0x1], $0x1, s17, s16, $0xb8;
	[tilespmem:$0x5200] =	vst v63  }
0x81: {  	s16 =	simm.s32 @!p0 $0x1  }
0x82: {  	_ =	swait.ge @!p0 [sflag:s16], $0x80  }
0x83: {  	s15 =	sadd.s32 $0x1, s15;
	[sflag:s16] =	ssyncset.done @!p0 $0x0  }
0x84: {  	p1 =	sne.s32 s15, s9;
	[sflag:s16] =	ssyncadd.s32 @!p0 $0xFFFFFF80  }
.Ltmp1:
0x85: {  	[bflag:$0x0] =	sbarrier.arrive $0xFFFF;
	(pc) =	sbr.rel @p1 .LBB2_1-.Ltmp1, $4  }
0x86: {  	[hbm:s8], [sflag:s6] =	dma.local [spmem:s10], $0x50  }
0x87: {  	_ =	swait.ge [sflag:s11], $0x50  }
0x88: {  	[sflag:s11] =	ssyncset.done $0x0  }
0x89: {  	[sflag:s11] =	ssyncadd.s32 $0xFFFFFFB0  }
0x8a: {  	_ =	sfence.sel $0x180000  }
0x8b: {  	[bflag:$0x0] =	sbarrier.arrive $0xFFFF  }
0x8c: {  	p0 =	sne.s32 s1, $0x0;
	_ =	strace $0x90000047  }
0x8d: {  	s0 =	sadd.s32 @!p0 $0x100000, s0;
	[bflag:$0x2] =	sbarrier.arrive $0xFFFF  }
0x8e: {  	[sflag:s0] =	ssyncadd.tile.s32 @!p0 $0x1;
	_ =	shalt  }
.Lfunc_end2:
_tile_overlayer_lowered:
.L_overlay_start_2:
0x8f: {  	(tag) =	ssettag $0x2  }
0x90: {  	s0 =	rddreg [dreg:$0x0];
	s2 =	stileid.u32  }
0x91: {  	s1 =	rddreg [dreg:$0x1];
	p0 =	sne.s32 s2, $0x0  }
0x92: {  	s3 =	rddreg [dreg:$0x2];
	[bflag:$0x3] =	sbarrier.arrive $0xFFFF;
	s2 =	simm.s32 @!p0 $0x1C02  }
0x93: {  	[timem:s3], [sflag:s2] =	dma.local @!p0 [hbm:s0], s1  }
0x94: {  	s0 =	simm.s32 @!p0 $0x2  }
0x95: {  	_ =	swait.ge @!p0 [sflag:s0], s1  }
0x96: {  	s1 =	ssub.s32 @!p0 $0x0, s1;
	[sflag:s0] =	ssyncset.done @!p0 $0x0  }
0x97: {  	[sflag:s0] =	ssyncadd.s32 @!p0 s1  }
0x98: {  	[bflag:$0x3] =	sbarrier.arrive $0xFFFF  }
0x99: {  	_ =	shalt  }

</sc_bundles>
